<compile_context>
chip_gen: v7x
topology: tpu7x:2x2x1
jax: 0.10.2.dev20260603
libtpu: 0.0.44.dev20260713+nightly
codegen_flags: <defaults>
</compile_context>

<pallas_src>
import functools

import jax
import jax.numpy as jnp
from jax import lax
from jax.experimental import pallas as pl
from jax.experimental.pallas import tpu as pltpu
from jax.experimental.pallas import tpu_sc as plsc

N = 16384
D = 512
CP = 1024
NC, NS, L = 2, 16, 16
NW = NC * NS
RPW = N // NW
W = 128
GPR = D // W
SEGS = N * GPR
SPW = RPW * GPR
BLK = 128
NBLK = SPW // BLK
TROWS = CP * GPR
TSL = TROWS // NS

_mesh = plsc.VectorSubcoreMesh(core_axis_name="c", subcore_axis_name="s")


@functools.partial(
    pl.kernel,
    out_type=(
        jax.ShapeDtypeStruct((NC * TROWS, W), jnp.float32),
        jax.ShapeDtypeStruct((NW * L,), jnp.float32),
    ),
    mesh=_mesh,
    compiler_params=pltpu.CompilerParams(needs_layout_passes=False),
    scratch_types=[
        pltpu.VMEM_SHARED((TROWS, W), jnp.float32),
        [pltpu.VMEM((BLK, W), jnp.float32) for _ in range(5)],
        [pltpu.VMEM((BLK,), jnp.int32) for _ in range(5)],
        pltpu.VMEM((RPW,), jnp.int32),
        pltpu.VMEM((L,), jnp.float32),
        [pltpu.SemaphoreType.DMA for _ in range(5)],
        [pltpu.SemaphoreType.DMA for _ in range(5)],
    ],
)
def _sc_part(w_hbm, y_hbm, sums_out, sq_out,
             sums_sh, bufs, idxs, y_v, sq_v, lsems, ssems):
    cid = lax.axis_index("c")
    sid = lax.axis_index("s")
    wid = cid * NS + sid

    buf0 = bufs[0]

    def _zrow(r, _):
        def _zcol(c2, _):
            buf0[r, pl.ds(c2 * L, L)] = jnp.zeros((L,), jnp.float32)
            return 0
        return lax.fori_loop(0, W // L, _zcol, 0)
    lax.fori_loop(0, BLK, _zrow, 0)

    pltpu.sync_copy(buf0, sums_sh.at[pl.ds(sid * TSL, BLK)])
    pltpu.sync_copy(buf0, sums_sh.at[pl.ds(sid * TSL + BLK, BLK)])

    pltpu.sync_copy(y_hbm.at[pl.ds(wid * RPW, RPW)], y_v)

    RPB = BLK // GPR
    row0 = wid * RPW
    NB = 5

    def _start_load(s):
        return [
            pltpu.async_copy(
                w_hbm.at[pl.ds(row0 + s * RPB, RPB), pl.ds(g * W, W)],
                bufs[s % NB].at[pl.ds(g * RPB, RPB)], lsems[s % NB])
            for g in range(GPR)
        ]

    load_descs = [None] * NB
    for s0 in range(3):
        load_descs[s0] = _start_load(s0)
    scat_descs = [None] * NBLK

    plsc.subcore_barrier()

    accs = [jnp.zeros((L,), jnp.float32) for _ in range(W // L)]
    for s in range(NBLK):
        p = s % NB
        buf, idx = bufs[p], idxs[p]
        for dsc in load_descs[p]:
            dsc.wait()

        for v in range(BLK // L):
            yv = y_v[pl.ds(s * RPB + (v & 1) * L, L)]
            idx[pl.ds(v * L, L)] = yv * GPR + (v >> 1)

        scat_descs[s] = pltpu.async_copy(
            buf, sums_sh.at[idx], ssems[p], add=True)

        def _row(r, a):
            new = []
            for j in range(W // L):
                x = buf[r, pl.ds(j * L, L)]
                new.append(a[j] + x * x)
            return tuple(new)
        accs = list(lax.fori_loop(0, BLK, _row, tuple(accs)))

        if s + 3 < NBLK:
            if s >= 2:
                scat_descs[s - 2].wait()
            load_descs[(s + 3) % NB] = _start_load(s + 3)

    for t in range(NBLK - 5, NBLK):
        scat_descs[t].wait()

    acc = accs[0]
    for j in range(1, W // L):
        acc = acc + accs[j]
    sq_v[...] = acc
    pltpu.sync_copy(sq_v, sq_out.at[pl.ds(wid * L, L)])

    plsc.subcore_barrier()
    pltpu.sync_copy(sums_sh.at[pl.ds(sid * TSL, TSL)],
                    sums_out.at[pl.ds(cid * TROWS + sid * TSL, TSL)])


def _hist_body(y_ref, cnt_ref):
    ids = lax.broadcasted_iota(jnp.int32, (CP, 1), 0)

    def _blk(nb, acc):
        m = (ids == y_ref[pl.ds(nb, 1)][0]).astype(jnp.float32)
        return acc + jnp.sum(m, axis=1, keepdims=True)

    cnt_ref[...] = lax.fori_loop(
        0, N // CP, _blk, jnp.zeros((CP, 1), jnp.float32))


_hist = pl.pallas_call(
    _hist_body,
    out_shape=jax.ShapeDtypeStruct((CP, 1), jnp.float32),
)


def _combine_body(ps_ref, cnt_ref, sq_ref, out_ref):
    s = ps_ref[0:TROWS, :] + ps_ref[TROWS:2 * TROWS, :]
    sq = jnp.sum(jnp.reshape(s * s, (CP, GPR * W)), axis=1, keepdims=True)
    cnt = cnt_ref[...]
    tot = jnp.sum(sq_ref[...])
    val = (tot - jnp.sum(sq / jnp.maximum(cnt, 1.0))) / N
    out_ref[...] = jnp.reshape(val, (1, 1))


_combine = pl.pallas_call(
    _combine_body,
    out_shape=jax.ShapeDtypeStruct((1, 1), jnp.float32),
)


def kernel(w1, Y):
    psums, psq = _sc_part(w1, Y)
    cnt = _hist(Y.reshape(N // CP, 1, CP))
    out = _combine(psums, cnt, psq.reshape(4, 128))
    return out[0, 0]

# --- scband reference (transcript-rebuilt; emitter-appended) ---
"""Pipeline reference for scband-distribution-loss-6940667150680 (READ-ONLY COPY).

The authoritative reference and input builder live on the scoring server;
editing this copy changes nothing except your own understanding.
"""

import jax, jax.numpy as jnp
import numpy as np

NUM_CLASSES = 1000

def setup_inputs(seed: int = 0) -> dict:
    key = jax.random.key(seed)
    k1, k2 = jax.random.split(key)
    w1 = jax.random.normal(k1, (16384, 512), dtype=jnp.float32)
    Y = jax.random.randint(k2, (16384,), 0, NUM_CLASSES, dtype=jnp.int32)
    return {"w1": w1, "Y": Y}

def reference(w1, Y):
    # Faithful translation of the per-class loop:
    #   L2 = sum_cat sum_{i: Y_i=cat} ||w1_i - mean_cat||^2,  return L2 / N
    # Equivalent single pass: subtract each row's class mean and sum squared norms.
    N = w1.shape[0]
    counts = jnp.zeros((NUM_CLASSES,), dtype=w1.dtype).at[Y].add(1.0)
    sums = jnp.zeros((NUM_CLASSES, w1.shape[1]), dtype=w1.dtype).at[Y].add(w1)
    means = sums / jnp.clip(counts, 1.0, None)[:, None]  # empty classes contribute nothing
    diff = w1 - jnp.take(means, Y, axis=0)
    L2 = jnp.sum(jnp.sum(diff * diff, axis=-1))
    return L2 / N

if __name__ == "__main__":
    import jax
    _d = setup_inputs()
    print(jax.jit(kernel)(*tuple(_d.values())))

</pallas_src>

<mosaic_0001>
#map = affine_map<(d0, d1) -> (0, 0)>
#map1 = affine_map<(d0, d1) -> (0)>
module attributes {stable_mosaic.version = 14 : i64} {
  func.func @_sc_part(%arg0: i32, %arg1: i32, %arg2: memref<16384x512xf32, #tpu.memory_space<hbm>>, %arg3: memref<16384xi32, #tpu.memory_space<hbm>>, %arg4: memref<8192x128xf32, #tpu.memory_space<hbm>>, %arg5: memref<512xf32, #tpu.memory_space<hbm>>, %arg6: memref<4096x128xf32, #tpu.memory_space<vmem_shared>>, %arg7: memref<128x128xf32, #tpu.memory_space<vmem>>, %arg8: memref<128x128xf32, #tpu.memory_space<vmem>>, %arg9: memref<128x128xf32, #tpu.memory_space<vmem>>, %arg10: memref<128x128xf32, #tpu.memory_space<vmem>>, %arg11: memref<128x128xf32, #tpu.memory_space<vmem>>, %arg12: memref<128xi32, #tpu.memory_space<vmem>>, %arg13: memref<128xi32, #tpu.memory_space<vmem>>, %arg14: memref<128xi32, #tpu.memory_space<vmem>>, %arg15: memref<128xi32, #tpu.memory_space<vmem>>, %arg16: memref<128xi32, #tpu.memory_space<vmem>>, %arg17: memref<512xi32, #tpu.memory_space<vmem>>, %arg18: memref<16xf32, #tpu.memory_space<vmem>>, %arg19: memref<!tpu.dma_semaphore, #tpu.memory_space<semaphore_mem>>, %arg20: memref<!tpu.dma_semaphore, #tpu.memory_space<semaphore_mem>>, %arg21: memref<!tpu.dma_semaphore, #tpu.memory_space<semaphore_mem>>, %arg22: memref<!tpu.dma_semaphore, #tpu.memory_space<semaphore_mem>>, %arg23: memref<!tpu.dma_semaphore, #tpu.memory_space<semaphore_mem>>, %arg24: memref<!tpu.dma_semaphore, #tpu.memory_space<semaphore_mem>>, %arg25: memref<!tpu.dma_semaphore, #tpu.memory_space<semaphore_mem>>, %arg26: memref<!tpu.dma_semaphore, #tpu.memory_space<semaphore_mem>>, %arg27: memref<!tpu.dma_semaphore, #tpu.memory_space<semaphore_mem>>, %arg28: memref<!tpu.dma_semaphore, #tpu.memory_space<semaphore_mem>>) attributes {dimension_semantics = [#tpu.dimension_semantics<core_parallel>, #tpu.dimension_semantics<subcore_parallel>], iteration_bounds = array<i64: 2, 16>, scalar_prefetch = 0 : i64, scratch_operands = 23 : i64, tpu.core_type = #tpu.core_type<sc_vector_subcore>, window_params = [{transform_indices = #map}, {transform_indices = #map1}, {transform_indices = #map}, {transform_indices = #map1}]} {
    %mul3A = arith.constant 16 : i32
    %mul3A_0 = arith.muli %arg0, %mul3A : i32
    %add3A = arith.addi %mul3A_0, %arg1 : i32
    %scan3A = arith.constant 0 : i32
    %scan3A_1 = arith.constant 0 : i32
    %scan3A_2 = arith.constant 128 : i32
    %scan3A_3 = arith.addi %scan3A_1, %scan3A_2 : i32
    %scan3A_4 = arith.constant 1 : i32
    %scan3A_5 = scf.for %scan3A_2927 = %scan3A_1 to %scan3A_3 step %scan3A_4 iter_args(%scan3A_2928 = %scan3A) -> (i32)  : i32 {
      %scan3A_2929 = arith.constant 0 : i32
      %scan3A_2930 = arith.constant 0 : i32
      %scan3A_2931 = arith.constant 8 : i32
      %scan3A_2932 = arith.addi %scan3A_2930, %scan3A_2931 : i32
      %scan3A_2933 = arith.constant 1 : i32
      %scan3A_2934 = scf.for %scan3A_2936 = %scan3A_2930 to %scan3A_2932 step %scan3A_2933 iter_args(%scan3A_2937 = %scan3A_2929) -> (i32)  : i32 {
        %broadcast_in_dim3A_2938 = arith.constant 0.000000e+00 : f32
        %broadcast_in_dim3A_2939 = vector.broadcast %broadcast_in_dim3A_2938 : f32 to vector<16xf32>
        %mul3A_2940 = arith.constant 16 : i32
        %mul3A_2941 = arith.muli %scan3A_2936, %mul3A_2940 : i32
        %swap3A_2942 = arith.index_cast %scan3A_2927 : i32 to index
        %swap3A_2943 = arith.index_cast %mul3A_2941 : i32 to index
        %swap3A_2944 = tpu.vector_load %arg7[%swap3A_2942, %swap3A_2943] {strides = array<i32>} : memref<128x128xf32, #tpu.memory_space<vmem>>, vector<16xf32>,
        tpu.vector_store %arg7[%swap3A_2942, %swap3A_2943], %broadcast_in_dim3A_2939 {strides = array<i32>} : memref<128x128xf32, #tpu.memory_space<vmem>>, vector<16xf32>,
        %scan3A_2945 = arith.constant 0 : i32
        scf.yield %scan3A_2945 : i32
      }
      %scan3A_2935 = arith.constant 8 : i32
      scf.yield %scan3A_2934 : i32
    }
    %scan3A_6 = arith.constant 128 : i32
    %mul3A_7 = arith.constant 256 : i32
    %mul3A_8 = arith.muli %arg1, %mul3A_7 : i32
    "tpu.region"() ({
      %run_scoped3A = tpu.sem_alloc : memref<!tpu.dma_semaphore, #tpu.memory_space<semaphore_mem>>
      %dma_start3A_2927 = arith.constant 0 : i32
      %dma_start3A_2928 = tpu.memref_slice %arg6[%mul3A_8, %dma_start3A_2927] : memref<4096x128xf32, #tpu.memory_space<vmem_shared>> -> memref<128x128xf32, #tpu.memory_space<vmem_shared>>
      %dma_start3A_2929 = arith.constant 0 : i32
      %dma_start3A_2930 = tpu.memref_slice %arg6[%mul3A_8, %dma_start3A_2929] : memref<4096x128xf32, #tpu.memory_space<vmem_shared>> -> memref<128x128xf32, #tpu.memory_space<vmem_shared>>
      tpu.enqueue_dma source(%arg7 : memref<128x128xf32, #tpu.memory_space<vmem>>) target(%dma_start3A_2930 : memref<128x128xf32, #tpu.memory_space<vmem_shared>>) target_semaphore(%run_scoped3A : memref<!tpu.dma_semaphore, #tpu.memory_space<semaphore_mem>>)
      %dma_wait3A_2931 = arith.constant 0 : i32
      %dma_wait3A_2932 = tpu.memref_slice %arg6[%mul3A_8, %dma_wait3A_2931] : memref<4096x128xf32, #tpu.memory_space<vmem_shared>> -> memref<128x128xf32, #tpu.memory_space<vmem_shared>>
      %dma_wait3A_2933 = arith.constant 0 : i32
      %dma_wait3A_2934 = tpu.memref_slice %arg6[%mul3A_8, %dma_wait3A_2933] : memref<4096x128xf32, #tpu.memory_space<vmem_shared>> -> memref<128x128xf32, #tpu.memory_space<vmem_shared>>
      tpu.wait_dma2 semaphore(%run_scoped3A : memref<!tpu.dma_semaphore, #tpu.memory_space<semaphore_mem>>) src(%arg7 : memref<128x128xf32, #tpu.memory_space<vmem>>) dst(%dma_wait3A_2934 : memref<128x128xf32, #tpu.memory_space<vmem_shared>>)
      tpu.yield
    }) : () -> ()
    %mul3A_9 = arith.constant 256 : i32
    %mul3A_10 = arith.muli %arg1, %mul3A_9 : i32
    %add3A_11 = arith.constant 128 : i32
    %add3A_12 = arith.addi %mul3A_10, %add3A_11 : i32
    "tpu.region"() ({
      %run_scoped3A = tpu.sem_alloc : memref<!tpu.dma_semaphore, #tpu.memory_space<semaphore_mem>>
      %dma_start3A_2927 = arith.constant 0 : i32
      %dma_start3A_2928 = tpu.memref_slice %arg6[%add3A_12, %dma_start3A_2927] : memref<4096x128xf32, #tpu.memory_space<vmem_shared>> -> memref<128x128xf32, #tpu.memory_space<vmem_shared>>
      %dma_start3A_2929 = arith.constant 0 : i32
      %dma_start3A_2930 = tpu.memref_slice %arg6[%add3A_12, %dma_start3A_2929] : memref<4096x128xf32, #tpu.memory_space<vmem_shared>> -> memref<128x128xf32, #tpu.memory_space<vmem_shared>>
      tpu.enqueue_dma source(%arg7 : memref<128x128xf32, #tpu.memory_space<vmem>>) target(%dma_start3A_2930 : memref<128x128xf32, #tpu.memory_space<vmem_shared>>) target_semaphore(%run_scoped3A : memref<!tpu.dma_semaphore, #tpu.memory_space<semaphore_mem>>)
      %dma_wait3A_2931 = arith.constant 0 : i32
      %dma_wait3A_2932 = tpu.memref_slice %arg6[%add3A_12, %dma_wait3A_2931] : memref<4096x128xf32, #tpu.memory_space<vmem_shared>> -> memref<128x128xf32, #tpu.memory_space<vmem_shared>>
      %dma_wait3A_2933 = arith.constant 0 : i32
      %dma_wait3A_2934 = tpu.memref_slice %arg6[%add3A_12, %dma_wait3A_2933] : memref<4096x128xf32, #tpu.memory_space<vmem_shared>> -> memref<128x128xf32, #tpu.memory_space<vmem_shared>>
      tpu.wait_dma2 semaphore(%run_scoped3A : memref<!tpu.dma_semaphore, #tpu.memory_space<semaphore_mem>>) src(%arg7 : memref<128x128xf32, #tpu.memory_space<vmem>>) dst(%dma_wait3A_2934 : memref<128x128xf32, #tpu.memory_space<vmem_shared>>)
      tpu.yield
    }) : () -> ()
    %mul3A_13 = arith.constant 512 : i32
    %mul3A_14 = arith.muli %add3A, %mul3A_13 : i32
    "tpu.region"() ({
      %run_scoped3A = tpu.sem_alloc : memref<!tpu.dma_semaphore, #tpu.memory_space<semaphore_mem>>
      %dma_start3A_2927 = tpu.memref_slice %arg3[%mul3A_14] : memref<16384xi32, #tpu.memory_space<hbm>> -> memref<512xi32, #tpu.memory_space<hbm>>
      %dma_start3A_2928 = tpu.memref_slice %arg3[%mul3A_14] : memref<16384xi32, #tpu.memory_space<hbm>> -> memref<512xi32, #tpu.memory_space<hbm>>
      tpu.enqueue_dma source(%dma_start3A_2928 : memref<512xi32, #tpu.memory_space<hbm>>) target(%arg17 : memref<512xi32, #tpu.memory_space<vmem>>) target_semaphore(%run_scoped3A : memref<!tpu.dma_semaphore, #tpu.memory_space<semaphore_mem>>)
      %dma_wait3A_2929 = tpu.memref_slice %arg3[%mul3A_14] : memref<16384xi32, #tpu.memory_space<hbm>> -> memref<512xi32, #tpu.memory_space<hbm>>
      %dma_wait3A_2930 = tpu.memref_slice %arg3[%mul3A_14] : memref<16384xi32, #tpu.memory_space<hbm>> -> memref<512xi32, #tpu.memory_space<hbm>>
      tpu.wait_dma2 semaphore(%run_scoped3A : memref<!tpu.dma_semaphore, #tpu.memory_space<semaphore_mem>>) src(%dma_wait3A_2930 : memref<512xi32, #tpu.memory_space<hbm>>) dst(%arg17 : memref<512xi32, #tpu.memory_space<vmem>>)
      tpu.yield
    }) : () -> ()
    %mul3A_15 = arith.constant 512 : i32
    %mul3A_16 = arith.muli %add3A, %mul3A_15 : i32
    %add3A_17 = arith.constant 0 : i32
    %add3A_18 = arith.addi %mul3A_16, %add3A_17 : i32
    %dma_start3A = arith.constant 0 : i32
    %dma_start3A_19 = arith.constant 0 : i32
    %dma_start3A_20 = tpu.memref_slice %arg7[%dma_start3A, %dma_start3A_19] : memref<128x128xf32, #tpu.memory_space<vmem>> -> memref<32x128xf32, #tpu.memory_space<vmem>>
    %dma_start3A_21 = arith.constant 0 : i32
    %dma_start3A_22 = tpu.memref_slice %arg2[%add3A_18, %dma_start3A_21] : memref<16384x512xf32, #tpu.memory_space<hbm>> -> memref<32x128xf32, #tpu.memory_space<hbm>>
    %dma_start3A_23 = arith.constant 0 : i32
    %dma_start3A_24 = arith.constant 0 : i32
    %dma_start3A_25 = tpu.memref_slice %arg7[%dma_start3A_23, %dma_start3A_24] : memref<128x128xf32, #tpu.memory_space<vmem>> -> memref<32x128xf32, #tpu.memory_space<vmem>>
    %dma_start3A_26 = arith.constant 0 : i32
    %dma_start3A_27 = tpu.memref_slice %arg2[%add3A_18, %dma_start3A_26] : memref<16384x512xf32, #tpu.memory_space<hbm>> -> memref<32x128xf32, #tpu.memory_space<hbm>>
    tpu.enqueue_dma source(%dma_start3A_27 : memref<32x128xf32, #tpu.memory_space<hbm>>) target(%dma_start3A_25 : memref<32x128xf32, #tpu.memory_space<vmem>>) target_semaphore(%arg19 : memref<!tpu.dma_semaphore, #tpu.memory_space<semaphore_mem>>)
    %add3A_28 = arith.constant 0 : i32
    %add3A_29 = arith.addi %mul3A_16, %add3A_28 : i32
    %dma_start3A_30 = arith.constant 32 : i32
    %dma_start3A_31 = arith.constant 0 : i32
    %dma_start3A_32 = tpu.memref_slice %arg7[%dma_start3A_30, %dma_start3A_31] : memref<128x128xf32, #tpu.memory_space<vmem>> -> memref<32x128xf32, #tpu.memory_space<vmem>>
    %dma_start3A_33 = arith.constant 128 : i32
    %dma_start3A_34 = tpu.memref_slice %arg2[%add3A_29, %dma_start3A_33] : memref<16384x512xf32, #tpu.memory_space<hbm>> -> memref<32x128xf32, #tpu.memory_space<hbm>>
    %dma_start3A_35 = arith.constant 32 : i32
    %dma_start3A_36 = arith.constant 0 : i32
    %dma_start3A_37 = tpu.memref_slice %arg7[%dma_start3A_35, %dma_start3A_36] : memref<128x128xf32, #tpu.memory_space<vmem>> -> memref<32x128xf32, #tpu.memory_space<vmem>>
    %dma_start3A_38 = arith.constant 128 : i32
    %dma_start3A_39 = tpu.memref_slice %arg2[%add3A_29, %dma_start3A_38] : memref<16384x512xf32, #tpu.memory_space<hbm>> -> memref<32x128xf32, #tpu.memory_space<hbm>>
    tpu.enqueue_dma source(%dma_start3A_39 : memref<32x128xf32, #tpu.memory_space<hbm>>) target(%dma_start3A_37 : memref<32x128xf32, #tpu.memory_space<vmem>>) target_semaphore(%arg19 : memref<!tpu.dma_semaphore, #tpu.memory_space<semaphore_mem>>)
    %add3A_40 = arith.constant 0 : i32
    %add3A_41 = arith.addi %mul3A_16, %add3A_40 : i32
    %dma_start3A_42 = arith.constant 64 : i32
    %dma_start3A_43 = arith.constant 0 : i32
    %dma_start3A_44 = tpu.memref_slice %arg7[%dma_start3A_42, %dma_start3A_43] : memref<128x128xf32, #tpu.memory_space<vmem>> -> memref<32x128xf32, #tpu.memory_space<vmem>>
    %dma_start3A_45 = arith.constant 256 : i32
    %dma_start3A_46 = tpu.memref_slice %arg2[%add3A_41, %dma_start3A_45] : memref<16384x512xf32, #tpu.memory_space<hbm>> -> memref<32x128xf32, #tpu.memory_space<hbm>>
    %dma_start3A_47 = arith.constant 64 : i32
    %dma_start3A_48 = arith.constant 0 : i32
    %dma_start3A_49 = tpu.memref_slice %arg7[%dma_start3A_47, %dma_start3A_48] : memref<128x128xf32, #tpu.memory_space<vmem>> -> memref<32x128xf32, #tpu.memory_space<vmem>>
    %dma_start3A_50 = arith.constant 256 : i32
    %dma_start3A_51 = tpu.memref_slice %arg2[%add3A_41, %dma_start3A_50] : memref<16384x512xf32, #tpu.memory_space<hbm>> -> memref<32x128xf32, #tpu.memory_space<hbm>>
    tpu.enqueue_dma source(%dma_start3A_51 : memref<32x128xf32, #tpu.memory_space<hbm>>) target(%dma_start3A_49 : memref<32x128xf32, #tpu.memory_space<vmem>>) target_semaphore(%arg19 : memref<!tpu.dma_semaphore, #tpu.memory_space<semaphore_mem>>)
    %add3A_52 = arith.constant 0 : i32
    %add3A_53 = arith.addi %mul3A_16, %add3A_52 : i32
    %dma_start3A_54 = arith.constant 96 : i32
    %dma_start3A_55 = arith.constant 0 : i32
    %dma_start3A_56 = tpu.memref_slice %arg7[%dma_start3A_54, %dma_start3A_55] : memref<128x128xf32, #tpu.memory_space<vmem>> -> memref<32x128xf32, #tpu.memory_space<vmem>>
    %dma_start3A_57 = arith.constant 384 : i32
    %dma_start3A_58 = tpu.memref_slice %arg2[%add3A_53, %dma_start3A_57] : memref<16384x512xf32, #tpu.memory_space<hbm>> -> memref<32x128xf32, #tpu.memory_space<hbm>>
    %dma_start3A_59 = arith.constant 96 : i32
    %dma_start3A_60 = arith.constant 0 : i32
    %dma_start3A_61 = tpu.memref_slice %arg7[%dma_start3A_59, %dma_start3A_60] : memref<128x128xf32, #tpu.memory_space<vmem>> -> memref<32x128xf32, #tpu.memory_space<vmem>>
    %dma_start3A_62 = arith.constant 384 : i32
    %dma_start3A_63 = tpu.memref_slice %arg2[%add3A_53, %dma_start3A_62] : memref<16384x512xf32, #tpu.memory_space<hbm>> -> memref<32x128xf32, #tpu.memory_space<hbm>>
    tpu.enqueue_dma source(%dma_start3A_63 : memref<32x128xf32, #tpu.memory_space<hbm>>) target(%dma_start3A_61 : memref<32x128xf32, #tpu.memory_space<vmem>>) target_semaphore(%arg19 : memref<!tpu.dma_semaphore, #tpu.memory_space<semaphore_mem>>)
    %add3A_64 = arith.constant 32 : i32
    %add3A_65 = arith.addi %mul3A_16, %add3A_64 : i32
    %dma_start3A_66 = arith.constant 0 : i32
    %dma_start3A_67 = arith.constant 0 : i32
    %dma_start3A_68 = tpu.memref_slice %arg8[%dma_start3A_66, %dma_start3A_67] : memref<128x128xf32, #tpu.memory_space<vmem>> -> memref<32x128xf32, #tpu.memory_space<vmem>>
    %dma_start3A_69 = arith.constant 0 : i32
    %dma_start3A_70 = tpu.memref_slice %arg2[%add3A_65, %dma_start3A_69] : memref<16384x512xf32, #tpu.memory_space<hbm>> -> memref<32x128xf32, #tpu.memory_space<hbm>>
    %dma_start3A_71 = arith.constant 0 : i32
    %dma_start3A_72 = arith.constant 0 : i32
    %dma_start3A_73 = tpu.memref_slice %arg8[%dma_start3A_71, %dma_start3A_72] : memref<128x128xf32, #tpu.memory_space<vmem>> -> memref<32x128xf32, #tpu.memory_space<vmem>>
    %dma_start3A_74 = arith.constant 0 : i32
    %dma_start3A_75 = tpu.memref_slice %arg2[%add3A_65, %dma_start3A_74] : memref<16384x512xf32, #tpu.memory_space<hbm>> -> memref<32x128xf32, #tpu.memory_space<hbm>>
    tpu.enqueue_dma source(%dma_start3A_75 : memref<32x128xf32, #tpu.memory_space<hbm>>) target(%dma_start3A_73 : memref<32x128xf32, #tpu.memory_space<vmem>>) target_semaphore(%arg20 : memref<!tpu.dma_semaphore, #tpu.memory_space<semaphore_mem>>)
    %add3A_76 = arith.constant 32 : i32
    %add3A_77 = arith.addi %mul3A_16, %add3A_76 : i32
    %dma_start3A_78 = arith.constant 32 : i32
    %dma_start3A_79 = arith.constant 0 : i32
    %dma_start3A_80 = tpu.memref_slice %arg8[%dma_start3A_78, %dma_start3A_79] : memref<128x128xf32, #tpu.memory_space<vmem>> -> memref<32x128xf32, #tpu.memory_space<vmem>>
    %dma_start3A_81 = arith.constant 128 : i32
    %dma_start3A_82 = tpu.memref_slice %arg2[%add3A_77, %dma_start3A_81] : memref<16384x512xf32, #tpu.memory_space<hbm>> -> memref<32x128xf32, #tpu.memory_space<hbm>>
    %dma_start3A_83 = arith.constant 32 : i32
    %dma_start3A_84 = arith.constant 0 : i32
    %dma_start3A_85 = tpu.memref_slice %arg8[%dma_start3A_83, %dma_start3A_84] : memref<128x128xf32, #tpu.memory_space<vmem>> -> memref<32x128xf32, #tpu.memory_space<vmem>>
    %dma_start3A_86 = arith.constant 128 : i32
    %dma_start3A_87 = tpu.memref_slice %arg2[%add3A_77, %dma_start3A_86] : memref<16384x512xf32, #tpu.memory_space<hbm>> -> memref<32x128xf32, #tpu.memory_space<hbm>>
    tpu.enqueue_dma source(%dma_start3A_87 : memref<32x128xf32, #tpu.memory_space<hbm>>) target(%dma_start3A_85 : memref<32x128xf32, #tpu.memory_space<vmem>>) target_semaphore(%arg20 : memref<!tpu.dma_semaphore, #tpu.memory_space<semaphore_mem>>)
    %add3A_88 = arith.constant 32 : i32
    %add3A_89 = arith.addi %mul3A_16, %add3A_88 : i32
    %dma_start3A_90 = arith.constant 64 : i32
    %dma_start3A_91 = arith.constant 0 : i32
    %dma_start3A_92 = tpu.memref_slice %arg8[%dma_start3A_90, %dma_start3A_91] : memref<128x128xf32, #tpu.memory_space<vmem>> -> memref<32x128xf32, #tpu.memory_space<vmem>>
    %dma_start3A_93 = arith.constant 256 : i32
    %dma_start3A_94 = tpu.memref_slice %arg2[%add3A_89, %dma_start3A_93] : memref<16384x512xf32, #tpu.memory_space<hbm>> -> memref<32x128xf32, #tpu.memory_space<hbm>>
    %dma_start3A_95 = arith.constant 64 : i32
    %dma_start3A_96 = arith.constant 0 : i32
    %dma_start3A_97 = tpu.memref_slice %arg8[%dma_start3A_95, %dma_start3A_96] : memref<128x128xf32, #tpu.memory_space<vmem>> -> memref<32x128xf32, #tpu.memory_space<vmem>>
    %dma_start3A_98 = arith.constant 256 : i32
    %dma_start3A_99 = tpu.memref_slice %arg2[%add3A_89, %dma_start3A_98] : memref<16384x512xf32, #tpu.memory_space<hbm>> -> memref<32x128xf32, #tpu.memory_space<hbm>>
    tpu.enqueue_dma source(%dma_start3A_99 : memref<32x128xf32, #tpu.memory_space<hbm>>) target(%dma_start3A_97 : memref<32x128xf32, #tpu.memory_space<vmem>>) target_semaphore(%arg20 : memref<!tpu.dma_semaphore, #tpu.memory_space<semaphore_mem>>)
    %add3A_100 = arith.constant 32 : i32
    %add3A_101 = arith.addi %mul3A_16, %add3A_100 : i32
    %dma_start3A_102 = arith.constant 96 : i32
    %dma_start3A_103 = arith.constant 0 : i32
    %dma_start3A_104 = tpu.memref_slice %arg8[%dma_start3A_102, %dma_start3A_103] : memref<128x128xf32, #tpu.memory_space<vmem>> -> memref<32x128xf32, #tpu.memory_space<vmem>>
    %dma_start3A_105 = arith.constant 384 : i32
    %dma_start3A_106 = tpu.memref_slice %arg2[%add3A_101, %dma_start3A_105] : memref<16384x512xf32, #tpu.memory_space<hbm>> -> memref<32x128xf32, #tpu.memory_space<hbm>>
    %dma_start3A_107 = arith.constant 96 : i32
    %dma_start3A_108 = arith.constant 0 : i32
    %dma_start3A_109 = tpu.memref_slice %arg8[%dma_start3A_107, %dma_start3A_108] : memref<128x128xf32, #tpu.memory_space<vmem>> -> memref<32x128xf32, #tpu.memory_space<vmem>>
    %dma_start3A_110 = arith.constant 384 : i32
    %dma_start3A_111 = tpu.memref_slice %arg2[%add3A_101, %dma_start3A_110] : memref<16384x512xf32, #tpu.memory_space<hbm>> -> memref<32x128xf32, #tpu.memory_space<hbm>>
    tpu.enqueue_dma source(%dma_start3A_111 : memref<32x128xf32, #tpu.memory_space<hbm>>) target(%dma_start3A_109 : memref<32x128xf32, #tpu.memory_space<vmem>>) target_semaphore(%arg20 : memref<!tpu.dma_semaphore, #tpu.memory_space<semaphore_mem>>)
    %add3A_112 = arith.constant 64 : i32
    %add3A_113 = arith.addi %mul3A_16, %add3A_112 : i32
    %dma_start3A_114 = arith.constant 0 : i32
    %dma_start3A_115 = arith.constant 0 : i32
    %dma_start3A_116 = tpu.memref_slice %arg9[%dma_start3A_114, %dma_start3A_115] : memref<128x128xf32, #tpu.memory_space<vmem>> -> memref<32x128xf32, #tpu.memory_space<vmem>>
    %dma_start3A_117 = arith.constant 0 : i32
    %dma_start3A_118 = tpu.memref_slice %arg2[%add3A_113, %dma_start3A_117] : memref<16384x512xf32, #tpu.memory_space<hbm>> -> memref<32x128xf32, #tpu.memory_space<hbm>>
    %dma_start3A_119 = arith.constant 0 : i32
    %dma_start3A_120 = arith.constant 0 : i32
    %dma_start3A_121 = tpu.memref_slice %arg9[%dma_start3A_119, %dma_start3A_120] : memref<128x128xf32, #tpu.memory_space<vmem>> -> memref<32x128xf32, #tpu.memory_space<vmem>>
    %dma_start3A_122 = arith.constant 0 : i32
    %dma_start3A_123 = tpu.memref_slice %arg2[%add3A_113, %dma_start3A_122] : memref<16384x512xf32, #tpu.memory_space<hbm>> -> memref<32x128xf32, #tpu.memory_space<hbm>>
    tpu.enqueue_dma source(%dma_start3A_123 : memref<32x128xf32, #tpu.memory_space<hbm>>) target(%dma_start3A_121 : memref<32x128xf32, #tpu.memory_space<vmem>>) target_semaphore(%arg21 : memref<!tpu.dma_semaphore, #tpu.memory_space<semaphore_mem>>)
    %add3A_124 = arith.constant 64 : i32
    %add3A_125 = arith.addi %mul3A_16, %add3A_124 : i32
    %dma_start3A_126 = arith.constant 32 : i32
    %dma_start3A_127 = arith.constant 0 : i32
    %dma_start3A_128 = tpu.memref_slice %arg9[%dma_start3A_126, %dma_start3A_127] : memref<128x128xf32, #tpu.memory_space<vmem>> -> memref<32x128xf32, #tpu.memory_space<vmem>>
    %dma_start3A_129 = arith.constant 128 : i32
    %dma_start3A_130 = tpu.memref_slice %arg2[%add3A_125, %dma_start3A_129] : memref<16384x512xf32, #tpu.memory_space<hbm>> -> memref<32x128xf32, #tpu.memory_space<hbm>>
    %dma_start3A_131 = arith.constant 32 : i32
    %dma_start3A_132 = arith.constant 0 : i32
    %dma_start3A_133 = tpu.memref_slice %arg9[%dma_start3A_131, %dma_start3A_132] : memref<128x128xf32, #tpu.memory_space<vmem>> -> memref<32x128xf32, #tpu.memory_space<vmem>>
    %dma_start3A_134 = arith.constant 128 : i32
    %dma_start3A_135 = tpu.memref_slice %arg2[%add3A_125, %dma_start3A_134] : memref<16384x512xf32, #tpu.memory_space<hbm>> -> memref<32x128xf32, #tpu.memory_space<hbm>>
    tpu.enqueue_dma source(%dma_start3A_135 : memref<32x128xf32, #tpu.memory_space<hbm>>) target(%dma_start3A_133 : memref<32x128xf32, #tpu.memory_space<vmem>>) target_semaphore(%arg21 : memref<!tpu.dma_semaphore, #tpu.memory_space<semaphore_mem>>)
    %add3A_136 = arith.constant 64 : i32
    %add3A_137 = arith.addi %mul3A_16, %add3A_136 : i32
    %dma_start3A_138 = arith.constant 64 : i32
    %dma_start3A_139 = arith.constant 0 : i32
    %dma_start3A_140 = tpu.memref_slice %arg9[%dma_start3A_138, %dma_start3A_139] : memref<128x128xf32, #tpu.memory_space<vmem>> -> memref<32x128xf32, #tpu.memory_space<vmem>>
    %dma_start3A_141 = arith.constant 256 : i32
    %dma_start3A_142 = tpu.memref_slice %arg2[%add3A_137, %dma_start3A_141] : memref<16384x512xf32, #tpu.memory_space<hbm>> -> memref<32x128xf32, #tpu.memory_space<hbm>>
    %dma_start3A_143 = arith.constant 64 : i32
    %dma_start3A_144 = arith.constant 0 : i32
    %dma_start3A_145 = tpu.memref_slice %arg9[%dma_start3A_143, %dma_start3A_144] : memref<128x128xf32, #tpu.memory_space<vmem>> -> memref<32x128xf32, #tpu.memory_space<vmem>>
    %dma_start3A_146 = arith.constant 256 : i32
    %dma_start3A_147 = tpu.memref_slice %arg2[%add3A_137, %dma_start3A_146] : memref<16384x512xf32, #tpu.memory_space<hbm>> -> memref<32x128xf32, #tpu.memory_space<hbm>>
    tpu.enqueue_dma source(%dma_start3A_147 : memref<32x128xf32, #tpu.memory_space<hbm>>) target(%dma_start3A_145 : memref<32x128xf32, #tpu.memory_space<vmem>>) target_semaphore(%arg21 : memref<!tpu.dma_semaphore, #tpu.memory_space<semaphore_mem>>)
    %add3A_148 = arith.constant 64 : i32
    %add3A_149 = arith.addi %mul3A_16, %add3A_148 : i32
    %dma_start3A_150 = arith.constant 96 : i32
    %dma_start3A_151 = arith.constant 0 : i32
    %dma_start3A_152 = tpu.memref_slice %arg9[%dma_start3A_150, %dma_start3A_151] : memref<128x128xf32, #tpu.memory_space<vmem>> -> memref<32x128xf32, #tpu.memory_space<vmem>>
    %dma_start3A_153 = arith.constant 384 : i32
    %dma_start3A_154 = tpu.memref_slice %arg2[%add3A_149, %dma_start3A_153] : memref<16384x512xf32, #tpu.memory_space<hbm>> -> memref<32x128xf32, #tpu.memory_space<hbm>>
    %dma_start3A_155 = arith.constant 96 : i32
    %dma_start3A_156 = arith.constant 0 : i32
    %dma_start3A_157 = tpu.memref_slice %arg9[%dma_start3A_155, %dma_start3A_156] : memref<128x128xf32, #tpu.memory_space<vmem>> -> memref<32x128xf32, #tpu.memory_space<vmem>>
    %dma_start3A_158 = arith.constant 384 : i32
    %dma_start3A_159 = tpu.memref_slice %arg2[%add3A_149, %dma_start3A_158] : memref<16384x512xf32, #tpu.memory_space<hbm>> -> memref<32x128xf32, #tpu.memory_space<hbm>>
    tpu.enqueue_dma source(%dma_start3A_159 : memref<32x128xf32, #tpu.memory_space<hbm>>) target(%dma_start3A_157 : memref<32x128xf32, #tpu.memory_space<vmem>>) target_semaphore(%arg21 : memref<!tpu.dma_semaphore, #tpu.memory_space<semaphore_mem>>)
    %barrier3A = arith.constant 0 : index
    tpu.barrier barrier_id(%barrier3A)
    %broadcast_in_dim3A = arith.constant 0.000000e+00 : f32
    %broadcast_in_dim3A_160 = vector.broadcast %broadcast_in_dim3A : f32 to vector<16xf32>
    %broadcast_in_dim3A_161 = arith.constant 0.000000e+00 : f32
    %broadcast_in_dim3A_162 = vector.broadcast %broadcast_in_dim3A_161 : f32 to vector<16xf32>
    %broadcast_in_dim3A_163 = arith.constant 0.000000e+00 : f32
    %broadcast_in_dim3A_164 = vector.broadcast %broadcast_in_dim3A_163 : f32 to vector<16xf32>
    %broadcast_in_dim3A_165 = arith.constant 0.000000e+00 : f32
    %broadcast_in_dim3A_166 = vector.broadcast %broadcast_in_dim3A_165 : f32 to vector<16xf32>
    %broadcast_in_dim3A_167 = arith.constant 0.000000e+00 : f32
    %broadcast_in_dim3A_168 = vector.broadcast %broadcast_in_dim3A_167 : f32 to vector<16xf32>
    %broadcast_in_dim3A_169 = arith.constant 0.000000e+00 : f32
    %broadcast_in_dim3A_170 = vector.broadcast %broadcast_in_dim3A_169 : f32 to vector<16xf32>
    %broadcast_in_dim3A_171 = arith.constant 0.000000e+00 : f32
    %broadcast_in_dim3A_172 = vector.broadcast %broadcast_in_dim3A_171 : f32 to vector<16xf32>
    %broadcast_in_dim3A_173 = arith.constant 0.000000e+00 : f32
    %broadcast_in_dim3A_174 = vector.broadcast %broadcast_in_dim3A_173 : f32 to vector<16xf32>
    %dma_wait3A = arith.constant 0 : i32
    %dma_wait3A_175 = arith.constant 0 : i32
    %dma_wait3A_176 = tpu.memref_slice %arg7[%dma_wait3A, %dma_wait3A_175] : memref<128x128xf32, #tpu.memory_space<vmem>> -> memref<32x128xf32, #tpu.memory_space<vmem>>
    %dma_wait3A_177 = arith.constant 0 : i32
    %dma_wait3A_178 = tpu.memref_slice %arg2[%add3A_18, %dma_wait3A_177] : memref<16384x512xf32, #tpu.memory_space<hbm>> -> memref<32x128xf32, #tpu.memory_space<hbm>>
    %dma_wait3A_179 = arith.constant 0 : i32
    %dma_wait3A_180 = arith.constant 0 : i32
    %dma_wait3A_181 = tpu.memref_slice %arg7[%dma_wait3A_179, %dma_wait3A_180] : memref<128x128xf32, #tpu.memory_space<vmem>> -> memref<32x128xf32, #tpu.memory_space<vmem>>
    %dma_wait3A_182 = arith.constant 0 : i32
    %dma_wait3A_183 = tpu.memref_slice %arg2[%add3A_18, %dma_wait3A_182] : memref<16384x512xf32, #tpu.memory_space<hbm>> -> memref<32x128xf32, #tpu.memory_space<hbm>>
    tpu.wait_dma2 semaphore(%arg19 : memref<!tpu.dma_semaphore, #tpu.memory_space<semaphore_mem>>) src(%dma_wait3A_183 : memref<32x128xf32, #tpu.memory_space<hbm>>) dst(%dma_wait3A_181 : memref<32x128xf32, #tpu.memory_space<vmem>>)
    %dma_wait3A_184 = arith.constant 32 : i32
    %dma_wait3A_185 = arith.constant 0 : i32
    %dma_wait3A_186 = tpu.memref_slice %arg7[%dma_wait3A_184, %dma_wait3A_185] : memref<128x128xf32, #tpu.memory_space<vmem>> -> memref<32x128xf32, #tpu.memory_space<vmem>>
    %dma_wait3A_187 = arith.constant 128 : i32
    %dma_wait3A_188 = tpu.memref_slice %arg2[%add3A_29, %dma_wait3A_187] : memref<16384x512xf32, #tpu.memory_space<hbm>> -> memref<32x128xf32, #tpu.memory_space<hbm>>
    %dma_wait3A_189 = arith.constant 32 : i32
    %dma_wait3A_190 = arith.constant 0 : i32
    %dma_wait3A_191 = tpu.memref_slice %arg7[%dma_wait3A_189, %dma_wait3A_190] : memref<128x128xf32, #tpu.memory_space<vmem>> -> memref<32x128xf32, #tpu.memory_space<vmem>>
    %dma_wait3A_192 = arith.constant 128 : i32
    %dma_wait3A_193 = tpu.memref_slice %arg2[%add3A_29, %dma_wait3A_192] : memref<16384x512xf32, #tpu.memory_space<hbm>> -> memref<32x128xf32, #tpu.memory_space<hbm>>
    tpu.wait_dma2 semaphore(%arg19 : memref<!tpu.dma_semaphore, #tpu.memory_space<semaphore_mem>>) src(%dma_wait3A_193 : memref<32x128xf32, #tpu.memory_space<hbm>>) dst(%dma_wait3A_191 : memref<32x128xf32, #tpu.memory_space<vmem>>)
    %dma_wait3A_194 = arith.constant 64 : i32
    %dma_wait3A_195 = arith.constant 0 : i32
    %dma_wait3A_196 = tpu.memref_slice %arg7[%dma_wait3A_194, %dma_wait3A_195] : memref<128x128xf32, #tpu.memory_space<vmem>> -> memref<32x128xf32, #tpu.memory_space<vmem>>
    %dma_wait3A_197 = arith.constant 256 : i32
    %dma_wait3A_198 = tpu.memref_slice %arg2[%add3A_41, %dma_wait3A_197] : memref<16384x512xf32, #tpu.memory_space<hbm>> -> memref<32x128xf32, #tpu.memory_space<hbm>>
    %dma_wait3A_199 = arith.constant 64 : i32
    %dma_wait3A_200 = arith.constant 0 : i32
    %dma_wait3A_201 = tpu.memref_slice %arg7[%dma_wait3A_199, %dma_wait3A_200] : memref<128x128xf32, #tpu.memory_space<vmem>> -> memref<32x128xf32, #tpu.memory_space<vmem>>
    %dma_wait3A_202 = arith.constant 256 : i32
    %dma_wait3A_203 = tpu.memref_slice %arg2[%add3A_41, %dma_wait3A_202] : memref<16384x512xf32, #tpu.memory_space<hbm>> -> memref<32x128xf32, #tpu.memory_space<hbm>>
    tpu.wait_dma2 semaphore(%arg19 : memref<!tpu.dma_semaphore, #tpu.memory_space<semaphore_mem>>) src(%dma_wait3A_203 : memref<32x128xf32, #tpu.memory_space<hbm>>) dst(%dma_wait3A_201 : memref<32x128xf32, #tpu.memory_space<vmem>>)
    %dma_wait3A_204 = arith.constant 96 : i32
    %dma_wait3A_205 = arith.constant 0 : i32
    %dma_wait3A_206 = tpu.memref_slice %arg7[%dma_wait3A_204, %dma_wait3A_205] : memref<128x128xf32, #tpu.memory_space<vmem>> -> memref<32x128xf32, #tpu.memory_space<vmem>>
    %dma_wait3A_207 = arith.constant 384 : i32
    %dma_wait3A_208 = tpu.memref_slice %arg2[%add3A_53, %dma_wait3A_207] : memref<16384x512xf32, #tpu.memory_space<hbm>> -> memref<32x128xf32, #tpu.memory_space<hbm>>
    %dma_wait3A_209 = arith.constant 96 : i32
    %dma_wait3A_210 = arith.constant 0 : i32
    %dma_wait3A_211 = tpu.memref_slice %arg7[%dma_wait3A_209, %dma_wait3A_210] : memref<128x128xf32, #tpu.memory_space<vmem>> -> memref<32x128xf32, #tpu.memory_space<vmem>>
    %dma_wait3A_212 = arith.constant 384 : i32
    %dma_wait3A_213 = tpu.memref_slice %arg2[%add3A_53, %dma_wait3A_212] : memref<16384x512xf32, #tpu.memory_space<hbm>> -> memref<32x128xf32, #tpu.memory_space<hbm>>
    tpu.wait_dma2 semaphore(%arg19 : memref<!tpu.dma_semaphore, #tpu.memory_space<semaphore_mem>>) src(%dma_wait3A_213 : memref<32x128xf32, #tpu.memory_space<hbm>>) dst(%dma_wait3A_211 : memref<32x128xf32, #tpu.memory_space<vmem>>)
    %get3A = arith.constant 0 : index
    %get3A_214 = tpu.vector_load %arg17[%get3A] {strides = array<i32>} : memref<512xi32, #tpu.memory_space<vmem>>, vector<16xi32>,
    %mul3A_215 = arith.constant 4 : i32
    %mul3A_216 = vector.broadcast %mul3A_215 : i32 to vector<16xi32>
    %mul3A_217 = arith.muli %get3A_214, %mul3A_216 : vector<16xi32>
    %add3A_218 = arith.constant 0 : i32
    %add3A_219 = vector.broadcast %add3A_218 : i32 to vector<16xi32>
    %add3A_220 = arith.addi %mul3A_217, %add3A_219 : vector<16xi32>
    %swap3A = arith.constant 0 : index
    %swap3A_221 = tpu.vector_load %arg12[%swap3A] {strides = array<i32>} : memref<128xi32, #tpu.memory_space<vmem>>, vector<16xi32>,
    tpu.vector_store %arg12[%swap3A], %add3A_220 {strides = array<i32>} : memref<128xi32, #tpu.memory_space<vmem>>, vector<16xi32>,
    %get3A_222 = arith.constant 16 : index
    %get3A_223 = tpu.vector_load %arg17[%get3A_222] {strides = array<i32>} : memref<512xi32, #tpu.memory_space<vmem>>, vector<16xi32>,
    %mul3A_224 = arith.constant 4 : i32
    %mul3A_225 = vector.broadcast %mul3A_224 : i32 to vector<16xi32>
    %mul3A_226 = arith.muli %get3A_223, %mul3A_225 : vector<16xi32>
    %add3A_227 = arith.constant 0 : i32
    %add3A_228 = vector.broadcast %add3A_227 : i32 to vector<16xi32>
    %add3A_229 = arith.addi %mul3A_226, %add3A_228 : vector<16xi32>
    %swap3A_230 = arith.constant 16 : index
    %swap3A_231 = tpu.vector_load %arg12[%swap3A_230] {strides = array<i32>} : memref<128xi32, #tpu.memory_space<vmem>>, vector<16xi32>,
    tpu.vector_store %arg12[%swap3A_230], %add3A_229 {strides = array<i32>} : memref<128xi32, #tpu.memory_space<vmem>>, vector<16xi32>,
    %get3A_232 = arith.constant 0 : index
    %get3A_233 = tpu.vector_load %arg17[%get3A_232] {strides = array<i32>} : memref<512xi32, #tpu.memory_space<vmem>>, vector<16xi32>,
    %mul3A_234 = arith.constant 4 : i32
    %mul3A_235 = vector.broadcast %mul3A_234 : i32 to vector<16xi32>
    %mul3A_236 = arith.muli %get3A_233, %mul3A_235 : vector<16xi32>
    %add3A_237 = arith.constant 1 : i32
    %add3A_238 = vector.broadcast %add3A_237 : i32 to vector<16xi32>
    %add3A_239 = arith.addi %mul3A_236, %add3A_238 : vector<16xi32>
    %swap3A_240 = arith.constant 32 : index
    %swap3A_241 = tpu.vector_load %arg12[%swap3A_240] {strides = array<i32>} : memref<128xi32, #tpu.memory_space<vmem>>, vector<16xi32>,
    tpu.vector_store %arg12[%swap3A_240], %add3A_239 {strides = array<i32>} : memref<128xi32, #tpu.memory_space<vmem>>, vector<16xi32>,
    %get3A_242 = arith.constant 16 : index
    %get3A_243 = tpu.vector_load %arg17[%get3A_242] {strides = array<i32>} : memref<512xi32, #tpu.memory_space<vmem>>, vector<16xi32>,
    %mul3A_244 = arith.constant 4 : i32
    %mul3A_245 = vector.broadcast %mul3A_244 : i32 to vector<16xi32>
    %mul3A_246 = arith.muli %get3A_243, %mul3A_245 : vector<16xi32>
    %add3A_247 = arith.constant 1 : i32
    %add3A_248 = vector.broadcast %add3A_247 : i32 to vector<16xi32>
    %add3A_249 = arith.addi %mul3A_246, %add3A_248 : vector<16xi32>
    %swap3A_250 = arith.constant 48 : index
    %swap3A_251 = tpu.vector_load %arg12[%swap3A_250] {strides = array<i32>} : memref<128xi32, #tpu.memory_space<vmem>>, vector<16xi32>,
    tpu.vector_store %arg12[%swap3A_250], %add3A_249 {strides = array<i32>} : memref<128xi32, #tpu.memory_space<vmem>>, vector<16xi32>,
    %get3A_252 = arith.constant 0 : index
    %get3A_253 = tpu.vector_load %arg17[%get3A_252] {strides = array<i32>} : memref<512xi32, #tpu.memory_space<vmem>>, vector<16xi32>,
    %mul3A_254 = arith.constant 4 : i32
    %mul3A_255 = vector.broadcast %mul3A_254 : i32 to vector<16xi32>
    %mul3A_256 = arith.muli %get3A_253, %mul3A_255 : vector<16xi32>
    %add3A_257 = arith.constant 2 : i32
    %add3A_258 = vector.broadcast %add3A_257 : i32 to vector<16xi32>
    %add3A_259 = arith.addi %mul3A_256, %add3A_258 : vector<16xi32>
    %swap3A_260 = arith.constant 64 : index
    %swap3A_261 = tpu.vector_load %arg12[%swap3A_260] {strides = array<i32>} : memref<128xi32, #tpu.memory_space<vmem>>, vector<16xi32>,
    tpu.vector_store %arg12[%swap3A_260], %add3A_259 {strides = array<i32>} : memref<128xi32, #tpu.memory_space<vmem>>, vector<16xi32>,
    %get3A_262 = arith.constant 16 : index
    %get3A_263 = tpu.vector_load %arg17[%get3A_262] {strides = array<i32>} : memref<512xi32, #tpu.memory_space<vmem>>, vector<16xi32>,
    %mul3A_264 = arith.constant 4 : i32
    %mul3A_265 = vector.broadcast %mul3A_264 : i32 to vector<16xi32>
    %mul3A_266 = arith.muli %get3A_263, %mul3A_265 : vector<16xi32>
    %add3A_267 = arith.constant 2 : i32
    %add3A_268 = vector.broadcast %add3A_267 : i32 to vector<16xi32>
    %add3A_269 = arith.addi %mul3A_266, %add3A_268 : vector<16xi32>
    %swap3A_270 = arith.constant 80 : index
    %swap3A_271 = tpu.vector_load %arg12[%swap3A_270] {strides = array<i32>} : memref<128xi32, #tpu.memory_space<vmem>>, vector<16xi32>,
    tpu.vector_store %arg12[%swap3A_270], %add3A_269 {strides = array<i32>} : memref<128xi32, #tpu.memory_space<vmem>>, vector<16xi32>,
    %get3A_272 = arith.constant 0 : index
    %get3A_273 = tpu.vector_load %arg17[%get3A_272] {strides = array<i32>} : memref<512xi32, #tpu.memory_space<vmem>>, vector<16xi32>,
    %mul3A_274 = arith.constant 4 : i32
    %mul3A_275 = vector.broadcast %mul3A_274 : i32 to vector<16xi32>
    %mul3A_276 = arith.muli %get3A_273, %mul3A_275 : vector<16xi32>
    %add3A_277 = arith.constant 3 : i32
    %add3A_278 = vector.broadcast %add3A_277 : i32 to vector<16xi32>
    %add3A_279 = arith.addi %mul3A_276, %add3A_278 : vector<16xi32>
    %swap3A_280 = arith.constant 96 : index
    %swap3A_281 = tpu.vector_load %arg12[%swap3A_280] {strides = array<i32>} : memref<128xi32, #tpu.memory_space<vmem>>, vector<16xi32>,
    tpu.vector_store %arg12[%swap3A_280], %add3A_279 {strides = array<i32>} : memref<128xi32, #tpu.memory_space<vmem>>, vector<16xi32>,
    %get3A_282 = arith.constant 16 : index
    %get3A_283 = tpu.vector_load %arg17[%get3A_282] {strides = array<i32>} : memref<512xi32, #tpu.memory_space<vmem>>, vector<16xi32>,
    %mul3A_284 = arith.constant 4 : i32
    %mul3A_285 = vector.broadcast %mul3A_284 : i32 to vector<16xi32>
    %mul3A_286 = arith.muli %get3A_283, %mul3A_285 : vector<16xi32>
    %add3A_287 = arith.constant 3 : i32
    %add3A_288 = vector.broadcast %add3A_287 : i32 to vector<16xi32>
    %add3A_289 = arith.addi %mul3A_286, %add3A_288 : vector<16xi32>
    %swap3A_290 = arith.constant 112 : index
    %swap3A_291 = tpu.vector_load %arg12[%swap3A_290] {strides = array<i32>} : memref<128xi32, #tpu.memory_space<vmem>>, vector<16xi32>,
    tpu.vector_store %arg12[%swap3A_290], %add3A_289 {strides = array<i32>} : memref<128xi32, #tpu.memory_space<vmem>>, vector<16xi32>,
    %dma_start3A_292 = arith.constant 0 : i32
    %dma_start3A_293 = arith.constant 0 : i32
    %dma_start3A_294 = tpu.memref_slice %arg6[%dma_start3A_292, %dma_start3A_293] : memref<4096x128xf32, #tpu.memory_space<vmem_shared>> -> memref<4096x128xf32, #tpu.memory_space<vmem_shared>>
    tpu.enqueue_indirect_dma source(%arg7 : memref<128x128xf32, #tpu.memory_space<vmem>>) target(%dma_start3A_294 : memref<4096x128xf32, #tpu.memory_space<vmem_shared>>) offsets(%arg12 : memref<128xi32, #tpu.memory_space<vmem>>) semaphore(%arg24 : memref<!tpu.dma_semaphore, #tpu.memory_space<semaphore_mem>>) {add = true}
    %scan3A_295 = arith.constant 0 : i32
    %scan3A_296 = arith.constant 128 : i32
    %scan3A_297 = arith.addi %scan3A_295, %scan3A_296 : i32
    %scan3A_298 = arith.constant 1 : i32
    %scan3A_299:8 = scf.for %scan3A_2927 = %scan3A_295 to %scan3A_297 step %scan3A_298 iter_args(%scan3A_2928 = %broadcast_in_dim3A_160, %scan3A_2929 = %broadcast_in_dim3A_162, %scan3A_2930 = %broadcast_in_dim3A_164, %scan3A_2931 = %broadcast_in_dim3A_166, %scan3A_2932 = %broadcast_in_dim3A_168, %scan3A_2933 = %broadcast_in_dim3A_170, %scan3A_2934 = %broadcast_in_dim3A_172, %scan3A_2935 = %broadcast_in_dim3A_174) -> (vector<16xf32>, vector<16xf32>, vector<16xf32>, vector<16xf32>, vector<16xf32>, vector<16xf32>, vector<16xf32>, vector<16xf32>)  : i32 {
      %get3A_2936 = arith.index_cast %scan3A_2927 : i32 to index
      %get3A_2937 = arith.constant 0 : index
      %get3A_2938 = tpu.vector_load %arg7[%get3A_2936, %get3A_2937] {strides = array<i32>} : memref<128x128xf32, #tpu.memory_space<vmem>>, vector<16xf32>,
      %mul3A_2939 = arith.mulf %get3A_2938, %get3A_2938 : vector<16xf32>
      %add3A_2940 = arith.addf %scan3A_2928, %mul3A_2939 : vector<16xf32>
      %get3A_2941 = arith.index_cast %scan3A_2927 : i32 to index
      %get3A_2942 = arith.constant 16 : index
      %get3A_2943 = tpu.vector_load %arg7[%get3A_2941, %get3A_2942] {strides = array<i32>} : memref<128x128xf32, #tpu.memory_space<vmem>>, vector<16xf32>,
      %mul3A_2944 = arith.mulf %get3A_2943, %get3A_2943 : vector<16xf32>
      %add3A_2945 = arith.addf %scan3A_2929, %mul3A_2944 : vector<16xf32>
      %get3A_2946 = arith.index_cast %scan3A_2927 : i32 to index
      %get3A_2947 = arith.constant 32 : index
      %get3A_2948 = tpu.vector_load %arg7[%get3A_2946, %get3A_2947] {strides = array<i32>} : memref<128x128xf32, #tpu.memory_space<vmem>>, vector<16xf32>,
      %mul3A_2949 = arith.mulf %get3A_2948, %get3A_2948 : vector<16xf32>
      %add3A_2950 = arith.addf %scan3A_2930, %mul3A_2949 : vector<16xf32>
      %get3A_2951 = arith.index_cast %scan3A_2927 : i32 to index
      %get3A_2952 = arith.constant 48 : index
      %get3A_2953 = tpu.vector_load %arg7[%get3A_2951, %get3A_2952] {strides = array<i32>} : memref<128x128xf32, #tpu.memory_space<vmem>>, vector<16xf32>,
      %mul3A_2954 = arith.mulf %get3A_2953, %get3A_2953 : vector<16xf32>
      %add3A_2955 = arith.addf %scan3A_2931, %mul3A_2954 : vector<16xf32>
      %get3A_2956 = arith.index_cast %scan3A_2927 : i32 to index
      %get3A_2957 = arith.constant 64 : index
      %get3A_2958 = tpu.vector_load %arg7[%get3A_2956, %get3A_2957] {strides = array<i32>} : memref<128x128xf32, #tpu.memory_space<vmem>>, vector<16xf32>,
      %mul3A_2959 = arith.mulf %get3A_2958, %get3A_2958 : vector<16xf32>
      %add3A_2960 = arith.addf %scan3A_2932, %mul3A_2959 : vector<16xf32>
      %get3A_2961 = arith.index_cast %scan3A_2927 : i32 to index
      %get3A_2962 = arith.constant 80 : index
      %get3A_2963 = tpu.vector_load %arg7[%get3A_2961, %get3A_2962] {strides = array<i32>} : memref<128x128xf32, #tpu.memory_space<vmem>>, vector<16xf32>,
      %mul3A_2964 = arith.mulf %get3A_2963, %get3A_2963 : vector<16xf32>
      %add3A_2965 = arith.addf %scan3A_2933, %mul3A_2964 : vector<16xf32>
      %get3A_2966 = arith.index_cast %scan3A_2927 : i32 to index
      %get3A_2967 = arith.constant 96 : index
      %get3A_2968 = tpu.vector_load %arg7[%get3A_2966, %get3A_2967] {strides = array<i32>} : memref<128x128xf32, #tpu.memory_space<vmem>>, vector<16xf32>,
      %mul3A_2969 = arith.mulf %get3A_2968, %get3A_2968 : vector<16xf32>
      %add3A_2970 = arith.addf %scan3A_2934, %mul3A_2969 : vector<16xf32>
      %get3A_2971 = arith.index_cast %scan3A_2927 : i32 to index
      %get3A_2972 = arith.constant 112 : index
      %get3A_2973 = tpu.vector_load %arg7[%get3A_2971, %get3A_2972] {strides = array<i32>} : memref<128x128xf32, #tpu.memory_space<vmem>>, vector<16xf32>,
      %mul3A_2974 = arith.mulf %get3A_2973, %get3A_2973 : vector<16xf32>
      %add3A_2975 = arith.addf %scan3A_2935, %mul3A_2974 : vector<16xf32>
      scf.yield %add3A_2940, %add3A_2945, %add3A_2950, %add3A_2955, %add3A_2960, %add3A_2965, %add3A_2970, %add3A_2975 : vector<16xf32>, vector<16xf32>, vector<16xf32>, vector<16xf32>, vector<16xf32>, vector<16xf32>, vector<16xf32>, vector<16xf32>
    }
    %scan3A_300 = arith.constant 128 : i32
    %add3A_301 = arith.constant 96 : i32
    %add3A_302 = arith.addi %mul3A_16, %add3A_301 : i32
    %dma_start3A_303 = arith.constant 0 : i32
    %dma_start3A_304 = arith.constant 0 : i32
    %dma_start3A_305 = tpu.memref_slice %arg10[%dma_start3A_303, %dma_start3A_304] : memref<128x128xf32, #tpu.memory_space<vmem>> -> memref<32x128xf32, #tpu.memory_space<vmem>>
    %dma_start3A_306 = arith.constant 0 : i32
    %dma_start3A_307 = tpu.memref_slice %arg2[%add3A_302, %dma_start3A_306] : memref<16384x512xf32, #tpu.memory_space<hbm>> -> memref<32x128xf32, #tpu.memory_space<hbm>>
    %dma_start3A_308 = arith.constant 0 : i32
    %dma_start3A_309 = arith.constant 0 : i32
    %dma_start3A_310 = tpu.memref_slice %arg10[%dma_start3A_308, %dma_start3A_309] : memref<128x128xf32, #tpu.memory_space<vmem>> -> memref<32x128xf32, #tpu.memory_space<vmem>>
    %dma_start3A_311 = arith.constant 0 : i32
    %dma_start3A_312 = tpu.memref_slice %arg2[%add3A_302, %dma_start3A_311] : memref<16384x512xf32, #tpu.memory_space<hbm>> -> memref<32x128xf32, #tpu.memory_space<hbm>>
    tpu.enqueue_dma source(%dma_start3A_312 : memref<32x128xf32, #tpu.memory_space<hbm>>) target(%dma_start3A_310 : memref<32x128xf32, #tpu.memory_space<vmem>>) target_semaphore(%arg22 : memref<!tpu.dma_semaphore, #tpu.memory_space<semaphore_mem>>)
    %add3A_313 = arith.constant 96 : i32
    %add3A_314 = arith.addi %mul3A_16, %add3A_313 : i32
    %dma_start3A_315 = arith.constant 32 : i32
    %dma_start3A_316 = arith.constant 0 : i32
    %dma_start3A_317 = tpu.memref_slice %arg10[%dma_start3A_315, %dma_start3A_316] : memref<128x128xf32, #tpu.memory_space<vmem>> -> memref<32x128xf32, #tpu.memory_space<vmem>>
    %dma_start3A_318 = arith.constant 128 : i32
    %dma_start3A_319 = tpu.memref_slice %arg2[%add3A_314, %dma_start3A_318] : memref<16384x512xf32, #tpu.memory_space<hbm>> -> memref<32x128xf32, #tpu.memory_space<hbm>>
    %dma_start3A_320 = arith.constant 32 : i32
    %dma_start3A_321 = arith.constant 0 : i32
    %dma_start3A_322 = tpu.memref_slice %arg10[%dma_start3A_320, %dma_start3A_321] : memref<128x128xf32, #tpu.memory_space<vmem>> -> memref<32x128xf32, #tpu.memory_space<vmem>>
    %dma_start3A_323 = arith.constant 128 : i32
    %dma_start3A_324 = tpu.memref_slice %arg2[%add3A_314, %dma_start3A_323] : memref<16384x512xf32, #tpu.memory_space<hbm>> -> memref<32x128xf32, #tpu.memory_space<hbm>>
    tpu.enqueue_dma source(%dma_start3A_324 : memref<32x128xf32, #tpu.memory_space<hbm>>) target(%dma_start3A_322 : memref<32x128xf32, #tpu.memory_space<vmem>>) target_semaphore(%arg22 : memref<!tpu.dma_semaphore, #tpu.memory_space<semaphore_mem>>)
    %add3A_325 = arith.constant 96 : i32
    %add3A_326 = arith.addi %mul3A_16, %add3A_325 : i32
    %dma_start3A_327 = arith.constant 64 : i32
    %dma_start3A_328 = arith.constant 0 : i32
    %dma_start3A_329 = tpu.memref_slice %arg10[%dma_start3A_327, %dma_start3A_328] : memref<128x128xf32, #tpu.memory_space<vmem>> -> memref<32x128xf32, #tpu.memory_space<vmem>>
    %dma_start3A_330 = arith.constant 256 : i32
    %dma_start3A_331 = tpu.memref_slice %arg2[%add3A_326, %dma_start3A_330] : memref<16384x512xf32, #tpu.memory_space<hbm>> -> memref<32x128xf32, #tpu.memory_space<hbm>>
    %dma_start3A_332 = arith.constant 64 : i32
    %dma_start3A_333 = arith.constant 0 : i32
    %dma_start3A_334 = tpu.memref_slice %arg10[%dma_start3A_332, %dma_start3A_333] : memref<128x128xf32, #tpu.memory_space<vmem>> -> memref<32x128xf32, #tpu.memory_space<vmem>>
    %dma_start3A_335 = arith.constant 256 : i32
    %dma_start3A_336 = tpu.memref_slice %arg2[%add3A_326, %dma_start3A_335] : memref<16384x512xf32, #tpu.memory_space<hbm>> -> memref<32x128xf32, #tpu.memory_space<hbm>>
    tpu.enqueue_dma source(%dma_start3A_336 : memref<32x128xf32, #tpu.memory_space<hbm>>) target(%dma_start3A_334 : memref<32x128xf32, #tpu.memory_space<vmem>>) target_semaphore(%arg22 : memref<!tpu.dma_semaphore, #tpu.memory_space<semaphore_mem>>)
    %add3A_337 = arith.constant 96 : i32
    %add3A_338 = arith.addi %mul3A_16, %add3A_337 : i32
    %dma_start3A_339 = arith.constant 96 : i32
    %dma_start3A_340 = arith.constant 0 : i32
    %dma_start3A_341 = tpu.memref_slice %arg10[%dma_start3A_339, %dma_start3A_340] : memref<128x128xf32, #tpu.memory_space<vmem>> -> memref<32x128xf32, #tpu.memory_space<vmem>>
    %dma_start3A_342 = arith.constant 384 : i32
    %dma_start3A_343 = tpu.memref_slice %arg2[%add3A_338, %dma_start3A_342] : memref<16384x512xf32, #tpu.memory_space<hbm>> -> memref<32x128xf32, #tpu.memory_space<hbm>>
    %dma_start3A_344 = arith.constant 96 : i32
    %dma_start3A_345 = arith.constant 0 : i32
    %dma_start3A_346 = tpu.memref_slice %arg10[%dma_start3A_344, %dma_start3A_345] : memref<128x128xf32, #tpu.memory_space<vmem>> -> memref<32x128xf32, #tpu.memory_space<vmem>>
    %dma_start3A_347 = arith.constant 384 : i32
    %dma_start3A_348 = tpu.memref_slice %arg2[%add3A_338, %dma_start3A_347] : memref<16384x512xf32, #tpu.memory_space<hbm>> -> memref<32x128xf32, #tpu.memory_space<hbm>>
    tpu.enqueue_dma source(%dma_start3A_348 : memref<32x128xf32, #tpu.memory_space<hbm>>) target(%dma_start3A_346 : memref<32x128xf32, #tpu.memory_space<vmem>>) target_semaphore(%arg22 : memref<!tpu.dma_semaphore, #tpu.memory_space<semaphore_mem>>)
    %dma_wait3A_349 = arith.constant 0 : i32
    %dma_wait3A_350 = arith.constant 0 : i32
    %dma_wait3A_351 = tpu.memref_slice %arg8[%dma_wait3A_349, %dma_wait3A_350] : memref<128x128xf32, #tpu.memory_space<vmem>> -> memref<32x128xf32, #tpu.memory_space<vmem>>
    %dma_wait3A_352 = arith.constant 0 : i32
    %dma_wait3A_353 = tpu.memref_slice %arg2[%add3A_65, %dma_wait3A_352] : memref<16384x512xf32, #tpu.memory_space<hbm>> -> memref<32x128xf32, #tpu.memory_space<hbm>>
    %dma_wait3A_354 = arith.constant 0 : i32
    %dma_wait3A_355 = arith.constant 0 : i32
    %dma_wait3A_356 = tpu.memref_slice %arg8[%dma_wait3A_354, %dma_wait3A_355] : memref<128x128xf32, #tpu.memory_space<vmem>> -> memref<32x128xf32, #tpu.memory_space<vmem>>
    %dma_wait3A_357 = arith.constant 0 : i32
    %dma_wait3A_358 = tpu.memref_slice %arg2[%add3A_65, %dma_wait3A_357] : memref<16384x512xf32, #tpu.memory_space<hbm>> -> memref<32x128xf32, #tpu.memory_space<hbm>>
    tpu.wait_dma2 semaphore(%arg20 : memref<!tpu.dma_semaphore, #tpu.memory_space<semaphore_mem>>) src(%dma_wait3A_358 : memref<32x128xf32, #tpu.memory_space<hbm>>) dst(%dma_wait3A_356 : memref<32x128xf32, #tpu.memory_space<vmem>>)
    %dma_wait3A_359 = arith.constant 32 : i32
    %dma_wait3A_360 = arith.constant 0 : i32
    %dma_wait3A_361 = tpu.memref_slice %arg8[%dma_wait3A_359, %dma_wait3A_360] : memref<128x128xf32, #tpu.memory_space<vmem>> -> memref<32x128xf32, #tpu.memory_space<vmem>>
    %dma_wait3A_362 = arith.constant 128 : i32
    %dma_wait3A_363 = tpu.memref_slice %arg2[%add3A_77, %dma_wait3A_362] : memref<16384x512xf32, #tpu.memory_space<hbm>> -> memref<32x128xf32, #tpu.memory_space<hbm>>
    %dma_wait3A_364 = arith.constant 32 : i32
    %dma_wait3A_365 = arith.constant 0 : i32
    %dma_wait3A_366 = tpu.memref_slice %arg8[%dma_wait3A_364, %dma_wait3A_365] : memref<128x128xf32, #tpu.memory_space<vmem>> -> memref<32x128xf32, #tpu.memory_space<vmem>>
    %dma_wait3A_367 = arith.constant 128 : i32
    %dma_wait3A_368 = tpu.memref_slice %arg2[%add3A_77, %dma_wait3A_367] : memref<16384x512xf32, #tpu.memory_space<hbm>> -> memref<32x128xf32, #tpu.memory_space<hbm>>
    tpu.wait_dma2 semaphore(%arg20 : memref<!tpu.dma_semaphore, #tpu.memory_space<semaphore_mem>>) src(%dma_wait3A_368 : memref<32x128xf32, #tpu.memory_space<hbm>>) dst(%dma_wait3A_366 : memref<32x128xf32, #tpu.memory_space<vmem>>)
    %dma_wait3A_369 = arith.constant 64 : i32
    %dma_wait3A_370 = arith.constant 0 : i32
    %dma_wait3A_371 = tpu.memref_slice %arg8[%dma_wait3A_369, %dma_wait3A_370] : memref<128x128xf32, #tpu.memory_space<vmem>> -> memref<32x128xf32, #tpu.memory_space<vmem>>
    %dma_wait3A_372 = arith.constant 256 : i32
    %dma_wait3A_373 = tpu.memref_slice %arg2[%add3A_89, %dma_wait3A_372] : memref<16384x512xf32, #tpu.memory_space<hbm>> -> memref<32x128xf32, #tpu.memory_space<hbm>>
    %dma_wait3A_374 = arith.constant 64 : i32
    %dma_wait3A_375 = arith.constant 0 : i32
    %dma_wait3A_376 = tpu.memref_slice %arg8[%dma_wait3A_374, %dma_wait3A_375] : memref<128x128xf32, #tpu.memory_space<vmem>> -> memref<32x128xf32, #tpu.memory_space<vmem>>
    %dma_wait3A_377 = arith.constant 256 : i32
    %dma_wait3A_378 = tpu.memref_slice %arg2[%add3A_89, %dma_wait3A_377] : memref<16384x512xf32, #tpu.memory_space<hbm>> -> memref<32x128xf32, #tpu.memory_space<hbm>>
    tpu.wait_dma2 semaphore(%arg20 : memref<!tpu.dma_semaphore, #tpu.memory_space<semaphore_mem>>) src(%dma_wait3A_378 : memref<32x128xf32, #tpu.memory_space<hbm>>) dst(%dma_wait3A_376 : memref<32x128xf32, #tpu.memory_space<vmem>>)
    %dma_wait3A_379 = arith.constant 96 : i32
    %dma_wait3A_380 = arith.constant 0 : i32
    %dma_wait3A_381 = tpu.memref_slice %arg8[%dma_wait3A_379, %dma_wait3A_380] : memref<128x128xf32, #tpu.memory_space<vmem>> -> memref<32x128xf32, #tpu.memory_space<vmem>>
    %dma_wait3A_382 = arith.constant 384 : i32
    %dma_wait3A_383 = tpu.memref_slice %arg2[%add3A_101, %dma_wait3A_382] : memref<16384x512xf32, #tpu.memory_space<hbm>> -> memref<32x128xf32, #tpu.memory_space<hbm>>
    %dma_wait3A_384 = arith.constant 96 : i32
    %dma_wait3A_385 = arith.constant 0 : i32
    %dma_wait3A_386 = tpu.memref_slice %arg8[%dma_wait3A_384, %dma_wait3A_385] : memref<128x128xf32, #tpu.memory_space<vmem>> -> memref<32x128xf32, #tpu.memory_space<vmem>>
    %dma_wait3A_387 = arith.constant 384 : i32
    %dma_wait3A_388 = tpu.memref_slice %arg2[%add3A_101, %dma_wait3A_387] : memref<16384x512xf32, #tpu.memory_space<hbm>> -> memref<32x128xf32, #tpu.memory_space<hbm>>
    tpu.wait_dma2 semaphore(%arg20 : memref<!tpu.dma_semaphore, #tpu.memory_space<semaphore_mem>>) src(%dma_wait3A_388 : memref<32x128xf32, #tpu.memory_space<hbm>>) dst(%dma_wait3A_386 : memref<32x128xf32, #tpu.memory_space<vmem>>)
    %get3A_389 = arith.constant 32 : index
    %get3A_390 = tpu.vector_load %arg17[%get3A_389] {strides = array<i32>} : memref<512xi32, #tpu.memory_space<vmem>>, vector<16xi32>,
    %mul3A_391 = arith.constant 4 : i32
    %mul3A_392 = vector.broadcast %mul3A_391 : i32 to vector<16xi32>
    %mul3A_393 = arith.muli %get3A_390, %mul3A_392 : vector<16xi32>
    %add3A_394 = arith.constant 0 : i32
    %add3A_395 = vector.broadcast %add3A_394 : i32 to vector<16xi32>
    %add3A_396 = arith.addi %mul3A_393, %add3A_395 : vector<16xi32>
    %swap3A_397 = arith.constant 0 : index
    %swap3A_398 = tpu.vector_load %arg13[%swap3A_397] {strides = array<i32>} : memref<128xi32, #tpu.memory_space<vmem>>, vector<16xi32>,
    tpu.vector_store %arg13[%swap3A_397], %add3A_396 {strides = array<i32>} : memref<128xi32, #tpu.memory_space<vmem>>, vector<16xi32>,
    %get3A_399 = arith.constant 48 : index
    %get3A_400 = tpu.vector_load %arg17[%get3A_399] {strides = array<i32>} : memref<512xi32, #tpu.memory_space<vmem>>, vector<16xi32>,
    %mul3A_401 = arith.constant 4 : i32
    %mul3A_402 = vector.broadcast %mul3A_401 : i32 to vector<16xi32>
    %mul3A_403 = arith.muli %get3A_400, %mul3A_402 : vector<16xi32>
    %add3A_404 = arith.constant 0 : i32
    %add3A_405 = vector.broadcast %add3A_404 : i32 to vector<16xi32>
    %add3A_406 = arith.addi %mul3A_403, %add3A_405 : vector<16xi32>
    %swap3A_407 = arith.constant 16 : index
    %swap3A_408 = tpu.vector_load %arg13[%swap3A_407] {strides = array<i32>} : memref<128xi32, #tpu.memory_space<vmem>>, vector<16xi32>,
    tpu.vector_store %arg13[%swap3A_407], %add3A_406 {strides = array<i32>} : memref<128xi32, #tpu.memory_space<vmem>>, vector<16xi32>,
    %get3A_409 = arith.constant 32 : index
    %get3A_410 = tpu.vector_load %arg17[%get3A_409] {strides = array<i32>} : memref<512xi32, #tpu.memory_space<vmem>>, vector<16xi32>,
    %mul3A_411 = arith.constant 4 : i32
    %mul3A_412 = vector.broadcast %mul3A_411 : i32 to vector<16xi32>
    %mul3A_413 = arith.muli %get3A_410, %mul3A_412 : vector<16xi32>
    %add3A_414 = arith.constant 1 : i32
    %add3A_415 = vector.broadcast %add3A_414 : i32 to vector<16xi32>
    %add3A_416 = arith.addi %mul3A_413, %add3A_415 : vector<16xi32>
    %swap3A_417 = arith.constant 32 : index
    %swap3A_418 = tpu.vector_load %arg13[%swap3A_417] {strides = array<i32>} : memref<128xi32, #tpu.memory_space<vmem>>, vector<16xi32>,
    tpu.vector_store %arg13[%swap3A_417], %add3A_416 {strides = array<i32>} : memref<128xi32, #tpu.memory_space<vmem>>, vector<16xi32>,
    %get3A_419 = arith.constant 48 : index
    %get3A_420 = tpu.vector_load %arg17[%get3A_419] {strides = array<i32>} : memref<512xi32, #tpu.memory_space<vmem>>, vector<16xi32>,
    %mul3A_421 = arith.constant 4 : i32
    %mul3A_422 = vector.broadcast %mul3A_421 : i32 to vector<16xi32>
    %mul3A_423 = arith.muli %get3A_420, %mul3A_422 : vector<16xi32>
    %add3A_424 = arith.constant 1 : i32
    %add3A_425 = vector.broadcast %add3A_424 : i32 to vector<16xi32>
    %add3A_426 = arith.addi %mul3A_423, %add3A_425 : vector<16xi32>
    %swap3A_427 = arith.constant 48 : index
    %swap3A_428 = tpu.vector_load %arg13[%swap3A_427] {strides = array<i32>} : memref<128xi32, #tpu.memory_space<vmem>>, vector<16xi32>,
    tpu.vector_store %arg13[%swap3A_427], %add3A_426 {strides = array<i32>} : memref<128xi32, #tpu.memory_space<vmem>>, vector<16xi32>,
    %get3A_429 = arith.constant 32 : index
    %get3A_430 = tpu.vector_load %arg17[%get3A_429] {strides = array<i32>} : memref<512xi32, #tpu.memory_space<vmem>>, vector<16xi32>,
    %mul3A_431 = arith.constant 4 : i32
    %mul3A_432 = vector.broadcast %mul3A_431 : i32 to vector<16xi32>
    %mul3A_433 = arith.muli %get3A_430, %mul3A_432 : vector<16xi32>
    %add3A_434 = arith.constant 2 : i32
    %add3A_435 = vector.broadcast %add3A_434 : i32 to vector<16xi32>
    %add3A_436 = arith.addi %mul3A_433, %add3A_435 : vector<16xi32>
    %swap3A_437 = arith.constant 64 : index
    %swap3A_438 = tpu.vector_load %arg13[%swap3A_437] {strides = array<i32>} : memref<128xi32, #tpu.memory_space<vmem>>, vector<16xi32>,
    tpu.vector_store %arg13[%swap3A_437], %add3A_436 {strides = array<i32>} : memref<128xi32, #tpu.memory_space<vmem>>, vector<16xi32>,
    %get3A_439 = arith.constant 48 : index
    %get3A_440 = tpu.vector_load %arg17[%get3A_439] {strides = array<i32>} : memref<512xi32, #tpu.memory_space<vmem>>, vector<16xi32>,
    %mul3A_441 = arith.constant 4 : i32
    %mul3A_442 = vector.broadcast %mul3A_441 : i32 to vector<16xi32>
    %mul3A_443 = arith.muli %get3A_440, %mul3A_442 : vector<16xi32>
    %add3A_444 = arith.constant 2 : i32
    %add3A_445 = vector.broadcast %add3A_444 : i32 to vector<16xi32>
    %add3A_446 = arith.addi %mul3A_443, %add3A_445 : vector<16xi32>
    %swap3A_447 = arith.constant 80 : index
    %swap3A_448 = tpu.vector_load %arg13[%swap3A_447] {strides = array<i32>} : memref<128xi32, #tpu.memory_space<vmem>>, vector<16xi32>,
    tpu.vector_store %arg13[%swap3A_447], %add3A_446 {strides = array<i32>} : memref<128xi32, #tpu.memory_space<vmem>>, vector<16xi32>,
    %get3A_449 = arith.constant 32 : index
    %get3A_450 = tpu.vector_load %arg17[%get3A_449] {strides = array<i32>} : memref<512xi32, #tpu.memory_space<vmem>>, vector<16xi32>,
    %mul3A_451 = arith.constant 4 : i32
    %mul3A_452 = vector.broadcast %mul3A_451 : i32 to vector<16xi32>
    %mul3A_453 = arith.muli %get3A_450, %mul3A_452 : vector<16xi32>
    %add3A_454 = arith.constant 3 : i32
    %add3A_455 = vector.broadcast %add3A_454 : i32 to vector<16xi32>
    %add3A_456 = arith.addi %mul3A_453, %add3A_455 : vector<16xi32>
    %swap3A_457 = arith.constant 96 : index
    %swap3A_458 = tpu.vector_load %arg13[%swap3A_457] {strides = array<i32>} : memref<128xi32, #tpu.memory_space<vmem>>, vector<16xi32>,
    tpu.vector_store %arg13[%swap3A_457], %add3A_456 {strides = array<i32>} : memref<128xi32, #tpu.memory_space<vmem>>, vector<16xi32>,
    %get3A_459 = arith.constant 48 : index
    %get3A_460 = tpu.vector_load %arg17[%get3A_459] {strides = array<i32>} : memref<512xi32, #tpu.memory_space<vmem>>, vector<16xi32>,
    %mul3A_461 = arith.constant 4 : i32
    %mul3A_462 = vector.broadcast %mul3A_461 : i32 to vector<16xi32>
    %mul3A_463 = arith.muli %get3A_460, %mul3A_462 : vector<16xi32>
    %add3A_464 = arith.constant 3 : i32
    %add3A_465 = vector.broadcast %add3A_464 : i32 to vector<16xi32>
    %add3A_466 = arith.addi %mul3A_463, %add3A_465 : vector<16xi32>
    %swap3A_467 = arith.constant 112 : index
    %swap3A_468 = tpu.vector_load %arg13[%swap3A_467] {strides = array<i32>} : memref<128xi32, #tpu.memory_space<vmem>>, vector<16xi32>,
    tpu.vector_store %arg13[%swap3A_467], %add3A_466 {strides = array<i32>} : memref<128xi32, #tpu.memory_space<vmem>>, vector<16xi32>,
    %dma_start3A_469 = arith.constant 0 : i32
    %dma_start3A_470 = arith.constant 0 : i32
    %dma_start3A_471 = tpu.memref_slice %arg6[%dma_start3A_469, %dma_start3A_470] : memref<4096x128xf32, #tpu.memory_space<vmem_shared>> -> memref<4096x128xf32, #tpu.memory_space<vmem_shared>>
    tpu.enqueue_indirect_dma source(%arg8 : memref<128x128xf32, #tpu.memory_space<vmem>>) target(%dma_start3A_471 : memref<4096x128xf32, #tpu.memory_space<vmem_shared>>) offsets(%arg13 : memref<128xi32, #tpu.memory_space<vmem>>) semaphore(%arg25 : memref<!tpu.dma_semaphore, #tpu.memory_space<semaphore_mem>>) {add = true}
    %scan3A_472 = arith.constant 0 : i32
    %scan3A_473 = arith.constant 128 : i32
    %scan3A_474 = arith.addi %scan3A_472, %scan3A_473 : i32
    %scan3A_475 = arith.constant 1 : i32
    %scan3A_476:8 = scf.for %scan3A_2927 = %scan3A_472 to %scan3A_474 step %scan3A_475 iter_args(%scan3A_2928 = %scan3A_299#0, %scan3A_2929 = %scan3A_299#1, %scan3A_2930 = %scan3A_299#2, %scan3A_2931 = %scan3A_299#3, %scan3A_2932 = %scan3A_299#4, %scan3A_2933 = %scan3A_299#5, %scan3A_2934 = %scan3A_299#6, %scan3A_2935 = %scan3A_299#7) -> (vector<16xf32>, vector<16xf32>, vector<16xf32>, vector<16xf32>, vector<16xf32>, vector<16xf32>, vector<16xf32>, vector<16xf32>)  : i32 {
      %get3A_2936 = arith.index_cast %scan3A_2927 : i32 to index
      %get3A_2937 = arith.constant 0 : index
      %get3A_2938 = tpu.vector_load %arg8[%get3A_2936, %get3A_2937] {strides = array<i32>} : memref<128x128xf32, #tpu.memory_space<vmem>>, vector<16xf32>,
      %mul3A_2939 = arith.mulf %get3A_2938, %get3A_2938 : vector<16xf32>
      %add3A_2940 = arith.addf %scan3A_2928, %mul3A_2939 : vector<16xf32>
      %get3A_2941 = arith.index_cast %scan3A_2927 : i32 to index
      %get3A_2942 = arith.constant 16 : index
      %get3A_2943 = tpu.vector_load %arg8[%get3A_2941, %get3A_2942] {strides = array<i32>} : memref<128x128xf32, #tpu.memory_space<vmem>>, vector<16xf32>,
      %mul3A_2944 = arith.mulf %get3A_2943, %get3A_2943 : vector<16xf32>
      %add3A_2945 = arith.addf %scan3A_2929, %mul3A_2944 : vector<16xf32>
      %get3A_2946 = arith.index_cast %scan3A_2927 : i32 to index
      %get3A_2947 = arith.constant 32 : index
      %get3A_2948 = tpu.vector_load %arg8[%get3A_2946, %get3A_2947] {strides = array<i32>} : memref<128x128xf32, #tpu.memory_space<vmem>>, vector<16xf32>,
      %mul3A_2949 = arith.mulf %get3A_2948, %get3A_2948 : vector<16xf32>
      %add3A_2950 = arith.addf %scan3A_2930, %mul3A_2949 : vector<16xf32>
      %get3A_2951 = arith.index_cast %scan3A_2927 : i32 to index
      %get3A_2952 = arith.constant 48 : index
      %get3A_2953 = tpu.vector_load %arg8[%get3A_2951, %get3A_2952] {strides = array<i32>} : memref<128x128xf32, #tpu.memory_space<vmem>>, vector<16xf32>,
      %mul3A_2954 = arith.mulf %get3A_2953, %get3A_2953 : vector<16xf32>
      %add3A_2955 = arith.addf %scan3A_2931, %mul3A_2954 : vector<16xf32>
      %get3A_2956 = arith.index_cast %scan3A_2927 : i32 to index
      %get3A_2957 = arith.constant 64 : index
      %get3A_2958 = tpu.vector_load %arg8[%get3A_2956, %get3A_2957] {strides = array<i32>} : memref<128x128xf32, #tpu.memory_space<vmem>>, vector<16xf32>,
      %mul3A_2959 = arith.mulf %get3A_2958, %get3A_2958 : vector<16xf32>
      %add3A_2960 = arith.addf %scan3A_2932, %mul3A_2959 : vector<16xf32>
      %get3A_2961 = arith.index_cast %scan3A_2927 : i32 to index
      %get3A_2962 = arith.constant 80 : index
      %get3A_2963 = tpu.vector_load %arg8[%get3A_2961, %get3A_2962] {strides = array<i32>} : memref<128x128xf32, #tpu.memory_space<vmem>>, vector<16xf32>,
      %mul3A_2964 = arith.mulf %get3A_2963, %get3A_2963 : vector<16xf32>
      %add3A_2965 = arith.addf %scan3A_2933, %mul3A_2964 : vector<16xf32>
      %get3A_2966 = arith.index_cast %scan3A_2927 : i32 to index
      %get3A_2967 = arith.constant 96 : index
      %get3A_2968 = tpu.vector_load %arg8[%get3A_2966, %get3A_2967] {strides = array<i32>} : memref<128x128xf32, #tpu.memory_space<vmem>>, vector<16xf32>,
      %mul3A_2969 = arith.mulf %get3A_2968, %get3A_2968 : vector<16xf32>
      %add3A_2970 = arith.addf %scan3A_2934, %mul3A_2969 : vector<16xf32>
      %get3A_2971 = arith.index_cast %scan3A_2927 : i32 to index
      %get3A_2972 = arith.constant 112 : index
      %get3A_2973 = tpu.vector_load %arg8[%get3A_2971, %get3A_2972] {strides = array<i32>} : memref<128x128xf32, #tpu.memory_space<vmem>>, vector<16xf32>,
      %mul3A_2974 = arith.mulf %get3A_2973, %get3A_2973 : vector<16xf32>
      %add3A_2975 = arith.addf %scan3A_2935, %mul3A_2974 : vector<16xf32>
      scf.yield %add3A_2940, %add3A_2945, %add3A_2950, %add3A_2955, %add3A_2960, %add3A_2965, %add3A_2970, %add3A_2975 : vector<16xf32>, vector<16xf32>, vector<16xf32>, vector<16xf32>, vector<16xf32>, vector<16xf32>, vector<16xf32>, vector<16xf32>
    }
    %scan3A_477 = arith.constant 128 : i32
    %add3A_478 = arith.constant 128 : i32
    %add3A_479 = arith.addi %mul3A_16, %add3A_478 : i32
    %dma_start3A_480 = arith.constant 0 : i32
    %dma_start3A_481 = arith.constant 0 : i32
    %dma_start3A_482 = tpu.memref_slice %arg11[%dma_start3A_480, %dma_start3A_481] : memref<128x128xf32, #tpu.memory_space<vmem>> -> memref<32x128xf32, #tpu.memory_space<vmem>>
    %dma_start3A_483 = arith.constant 0 : i32
    %dma_start3A_484 = tpu.memref_slice %arg2[%add3A_479, %dma_start3A_483] : memref<16384x512xf32, #tpu.memory_space<hbm>> -> memref<32x128xf32, #tpu.memory_space<hbm>>
    %dma_start3A_485 = arith.constant 0 : i32
    %dma_start3A_486 = arith.constant 0 : i32
    %dma_start3A_487 = tpu.memref_slice %arg11[%dma_start3A_485, %dma_start3A_486] : memref<128x128xf32, #tpu.memory_space<vmem>> -> memref<32x128xf32, #tpu.memory_space<vmem>>
    %dma_start3A_488 = arith.constant 0 : i32
    %dma_start3A_489 = tpu.memref_slice %arg2[%add3A_479, %dma_start3A_488] : memref<16384x512xf32, #tpu.memory_space<hbm>> -> memref<32x128xf32, #tpu.memory_space<hbm>>
    tpu.enqueue_dma source(%dma_start3A_489 : memref<32x128xf32, #tpu.memory_space<hbm>>) target(%dma_start3A_487 : memref<32x128xf32, #tpu.memory_space<vmem>>) target_semaphore(%arg23 : memref<!tpu.dma_semaphore, #tpu.memory_space<semaphore_mem>>)
    %add3A_490 = arith.constant 128 : i32
    %add3A_491 = arith.addi %mul3A_16, %add3A_490 : i32
    %dma_start3A_492 = arith.constant 32 : i32
    %dma_start3A_493 = arith.constant 0 : i32
    %dma_start3A_494 = tpu.memref_slice %arg11[%dma_start3A_492, %dma_start3A_493] : memref<128x128xf32, #tpu.memory_space<vmem>> -> memref<32x128xf32, #tpu.memory_space<vmem>>
    %dma_start3A_495 = arith.constant 128 : i32
    %dma_start3A_496 = tpu.memref_slice %arg2[%add3A_491, %dma_start3A_495] : memref<16384x512xf32, #tpu.memory_space<hbm>> -> memref<32x128xf32, #tpu.memory_space<hbm>>
    %dma_start3A_497 = arith.constant 32 : i32
    %dma_start3A_498 = arith.constant 0 : i32
    %dma_start3A_499 = tpu.memref_slice %arg11[%dma_start3A_497, %dma_start3A_498] : memref<128x128xf32, #tpu.memory_space<vmem>> -> memref<32x128xf32, #tpu.memory_space<vmem>>
    %dma_start3A_500 = arith.constant 128 : i32
    %dma_start3A_501 = tpu.memref_slice %arg2[%add3A_491, %dma_start3A_500] : memref<16384x512xf32, #tpu.memory_space<hbm>> -> memref<32x128xf32, #tpu.memory_space<hbm>>
    tpu.enqueue_dma source(%dma_start3A_501 : memref<32x128xf32, #tpu.memory_space<hbm>>) target(%dma_start3A_499 : memref<32x128xf32, #tpu.memory_space<vmem>>) target_semaphore(%arg23 : memref<!tpu.dma_semaphore, #tpu.memory_space<semaphore_mem>>)
    %add3A_502 = arith.constant 128 : i32
    %add3A_503 = arith.addi %mul3A_16, %add3A_502 : i32
    %dma_start3A_504 = arith.constant 64 : i32
    %dma_start3A_505 = arith.constant 0 : i32
    %dma_start3A_506 = tpu.memref_slice %arg11[%dma_start3A_504, %dma_start3A_505] : memref<128x128xf32, #tpu.memory_space<vmem>> -> memref<32x128xf32, #tpu.memory_space<vmem>>
    %dma_start3A_507 = arith.constant 256 : i32
    %dma_start3A_508 = tpu.memref_slice %arg2[%add3A_503, %dma_start3A_507] : memref<16384x512xf32, #tpu.memory_space<hbm>> -> memref<32x128xf32, #tpu.memory_space<hbm>>
    %dma_start3A_509 = arith.constant 64 : i32
    %dma_start3A_510 = arith.constant 0 : i32
    %dma_start3A_511 = tpu.memref_slice %arg11[%dma_start3A_509, %dma_start3A_510] : memref<128x128xf32, #tpu.memory_space<vmem>> -> memref<32x128xf32, #tpu.memory_space<vmem>>
    %dma_start3A_512 = arith.constant 256 : i32
    %dma_start3A_513 = tpu.memref_slice %arg2[%add3A_503, %dma_start3A_512] : memref<16384x512xf32, #tpu.memory_space<hbm>> -> memref<32x128xf32, #tpu.memory_space<hbm>>
    tpu.enqueue_dma source(%dma_start3A_513 : memref<32x128xf32, #tpu.memory_space<hbm>>) target(%dma_start3A_511 : memref<32x128xf32, #tpu.memory_space<vmem>>) target_semaphore(%arg23 : memref<!tpu.dma_semaphore, #tpu.memory_space<semaphore_mem>>)
    %add3A_514 = arith.constant 128 : i32
    %add3A_515 = arith.addi %mul3A_16, %add3A_514 : i32
    %dma_start3A_516 = arith.constant 96 : i32
    %dma_start3A_517 = arith.constant 0 : i32
    %dma_start3A_518 = tpu.memref_slice %arg11[%dma_start3A_516, %dma_start3A_517] : memref<128x128xf32, #tpu.memory_space<vmem>> -> memref<32x128xf32, #tpu.memory_space<vmem>>
    %dma_start3A_519 = arith.constant 384 : i32
    %dma_start3A_520 = tpu.memref_slice %arg2[%add3A_515, %dma_start3A_519] : memref<16384x512xf32, #tpu.memory_space<hbm>> -> memref<32x128xf32, #tpu.memory_space<hbm>>
    %dma_start3A_521 = arith.constant 96 : i32
    %dma_start3A_522 = arith.constant 0 : i32
    %dma_start3A_523 = tpu.memref_slice %arg11[%dma_start3A_521, %dma_start3A_522] : memref<128x128xf32, #tpu.memory_space<vmem>> -> memref<32x128xf32, #tpu.memory_space<vmem>>
    %dma_start3A_524 = arith.constant 384 : i32
    %dma_start3A_525 = tpu.memref_slice %arg2[%add3A_515, %dma_start3A_524] : memref<16384x512xf32, #tpu.memory_space<hbm>> -> memref<32x128xf32, #tpu.memory_space<hbm>>
    tpu.enqueue_dma source(%dma_start3A_525 : memref<32x128xf32, #tpu.memory_space<hbm>>) target(%dma_start3A_523 : memref<32x128xf32, #tpu.memory_space<vmem>>) target_semaphore(%arg23 : memref<!tpu.dma_semaphore, #tpu.memory_space<semaphore_mem>>)
    %dma_wait3A_526 = arith.constant 0 : i32
    %dma_wait3A_527 = arith.constant 0 : i32
    %dma_wait3A_528 = tpu.memref_slice %arg9[%dma_wait3A_526, %dma_wait3A_527] : memref<128x128xf32, #tpu.memory_space<vmem>> -> memref<32x128xf32, #tpu.memory_space<vmem>>
    %dma_wait3A_529 = arith.constant 0 : i32
    %dma_wait3A_530 = tpu.memref_slice %arg2[%add3A_113, %dma_wait3A_529] : memref<16384x512xf32, #tpu.memory_space<hbm>> -> memref<32x128xf32, #tpu.memory_space<hbm>>
    %dma_wait3A_531 = arith.constant 0 : i32
    %dma_wait3A_532 = arith.constant 0 : i32
    %dma_wait3A_533 = tpu.memref_slice %arg9[%dma_wait3A_531, %dma_wait3A_532] : memref<128x128xf32, #tpu.memory_space<vmem>> -> memref<32x128xf32, #tpu.memory_space<vmem>>
    %dma_wait3A_534 = arith.constant 0 : i32
    %dma_wait3A_535 = tpu.memref_slice %arg2[%add3A_113, %dma_wait3A_534] : memref<16384x512xf32, #tpu.memory_space<hbm>> -> memref<32x128xf32, #tpu.memory_space<hbm>>
    tpu.wait_dma2 semaphore(%arg21 : memref<!tpu.dma_semaphore, #tpu.memory_space<semaphore_mem>>) src(%dma_wait3A_535 : memref<32x128xf32, #tpu.memory_space<hbm>>) dst(%dma_wait3A_533 : memref<32x128xf32, #tpu.memory_space<vmem>>)
    %dma_wait3A_536 = arith.constant 32 : i32
    %dma_wait3A_537 = arith.constant 0 : i32
    %dma_wait3A_538 = tpu.memref_slice %arg9[%dma_wait3A_536, %dma_wait3A_537] : memref<128x128xf32, #tpu.memory_space<vmem>> -> memref<32x128xf32, #tpu.memory_space<vmem>>
    %dma_wait3A_539 = arith.constant 128 : i32
    %dma_wait3A_540 = tpu.memref_slice %arg2[%add3A_125, %dma_wait3A_539] : memref<16384x512xf32, #tpu.memory_space<hbm>> -> memref<32x128xf32, #tpu.memory_space<hbm>>
    %dma_wait3A_541 = arith.constant 32 : i32
    %dma_wait3A_542 = arith.constant 0 : i32
    %dma_wait3A_543 = tpu.memref_slice %arg9[%dma_wait3A_541, %dma_wait3A_542] : memref<128x128xf32, #tpu.memory_space<vmem>> -> memref<32x128xf32, #tpu.memory_space<vmem>>
    %dma_wait3A_544 = arith.constant 128 : i32
    %dma_wait3A_545 = tpu.memref_slice %arg2[%add3A_125, %dma_wait3A_544] : memref<16384x512xf32, #tpu.memory_space<hbm>> -> memref<32x128xf32, #tpu.memory_space<hbm>>
    tpu.wait_dma2 semaphore(%arg21 : memref<!tpu.dma_semaphore, #tpu.memory_space<semaphore_mem>>) src(%dma_wait3A_545 : memref<32x128xf32, #tpu.memory_space<hbm>>) dst(%dma_wait3A_543 : memref<32x128xf32, #tpu.memory_space<vmem>>)
    %dma_wait3A_546 = arith.constant 64 : i32
    %dma_wait3A_547 = arith.constant 0 : i32
    %dma_wait3A_548 = tpu.memref_slice %arg9[%dma_wait3A_546, %dma_wait3A_547] : memref<128x128xf32, #tpu.memory_space<vmem>> -> memref<32x128xf32, #tpu.memory_space<vmem>>
    %dma_wait3A_549 = arith.constant 256 : i32
    %dma_wait3A_550 = tpu.memref_slice %arg2[%add3A_137, %dma_wait3A_549] : memref<16384x512xf32, #tpu.memory_space<hbm>> -> memref<32x128xf32, #tpu.memory_space<hbm>>
    %dma_wait3A_551 = arith.constant 64 : i32
    %dma_wait3A_552 = arith.constant 0 : i32
    %dma_wait3A_553 = tpu.memref_slice %arg9[%dma_wait3A_551, %dma_wait3A_552] : memref<128x128xf32, #tpu.memory_space<vmem>> -> memref<32x128xf32, #tpu.memory_space<vmem>>
    %dma_wait3A_554 = arith.constant 256 : i32
    %dma_wait3A_555 = tpu.memref_slice %arg2[%add3A_137, %dma_wait3A_554] : memref<16384x512xf32, #tpu.memory_space<hbm>> -> memref<32x128xf32, #tpu.memory_space<hbm>>
    tpu.wait_dma2 semaphore(%arg21 : memref<!tpu.dma_semaphore, #tpu.memory_space<semaphore_mem>>) src(%dma_wait3A_555 : memref<32x128xf32, #tpu.memory_space<hbm>>) dst(%dma_wait3A_553 : memref<32x128xf32, #tpu.memory_space<vmem>>)
    %dma_wait3A_556 = arith.constant 96 : i32
    %dma_wait3A_557 = arith.constant 0 : i32
    %dma_wait3A_558 = tpu.memref_slice %arg9[%dma_wait3A_556, %dma_wait3A_557] : memref<128x128xf32, #tpu.memory_space<vmem>> -> memref<32x128xf32, #tpu.memory_space<vmem>>
    %dma_wait3A_559 = arith.constant 384 : i32
    %dma_wait3A_560 = tpu.memref_slice %arg2[%add3A_149, %dma_wait3A_559] : memref<16384x512xf32, #tpu.memory_space<hbm>> -> memref<32x128xf32, #tpu.memory_space<hbm>>
    %dma_wait3A_561 = arith.constant 96 : i32
    %dma_wait3A_562 = arith.constant 0 : i32
    %dma_wait3A_563 = tpu.memref_slice %arg9[%dma_wait3A_561, %dma_wait3A_562] : memref<128x128xf32, #tpu.memory_space<vmem>> -> memref<32x128xf32, #tpu.memory_space<vmem>>
    %dma_wait3A_564 = arith.constant 384 : i32
    %dma_wait3A_565 = tpu.memref_slice %arg2[%add3A_149, %dma_wait3A_564] : memref<16384x512xf32, #tpu.memory_space<hbm>> -> memref<32x128xf32, #tpu.memory_space<hbm>>
    tpu.wait_dma2 semaphore(%arg21 : memref<!tpu.dma_semaphore, #tpu.memory_space<semaphore_mem>>) src(%dma_wait3A_565 : memref<32x128xf32, #tpu.memory_space<hbm>>) dst(%dma_wait3A_563 : memref<32x128xf32, #tpu.memory_space<vmem>>)
    %get3A_566 = arith.constant 64 : index
    %get3A_567 = tpu.vector_load %arg17[%get3A_566] {strides = array<i32>} : memref<512xi32, #tpu.memory_space<vmem>>, vector<16xi32>,
    %mul3A_568 = arith.constant 4 : i32
    %mul3A_569 = vector.broadcast %mul3A_568 : i32 to vector<16xi32>
    %mul3A_570 = arith.muli %get3A_567, %mul3A_569 : vector<16xi32>
    %add3A_571 = arith.constant 0 : i32
    %add3A_572 = vector.broadcast %add3A_571 : i32 to vector<16xi32>
    %add3A_573 = arith.addi %mul3A_570, %add3A_572 : vector<16xi32>
    %swap3A_574 = arith.constant 0 : index
    %swap3A_575 = tpu.vector_load %arg14[%swap3A_574] {strides = array<i32>} : memref<128xi32, #tpu.memory_space<vmem>>, vector<16xi32>,
    tpu.vector_store %arg14[%swap3A_574], %add3A_573 {strides = array<i32>} : memref<128xi32, #tpu.memory_space<vmem>>, vector<16xi32>,
    %get3A_576 = arith.constant 80 : index
    %get3A_577 = tpu.vector_load %arg17[%get3A_576] {strides = array<i32>} : memref<512xi32, #tpu.memory_space<vmem>>, vector<16xi32>,
    %mul3A_578 = arith.constant 4 : i32
    %mul3A_579 = vector.broadcast %mul3A_578 : i32 to vector<16xi32>
    %mul3A_580 = arith.muli %get3A_577, %mul3A_579 : vector<16xi32>
    %add3A_581 = arith.constant 0 : i32
    %add3A_582 = vector.broadcast %add3A_581 : i32 to vector<16xi32>
    %add3A_583 = arith.addi %mul3A_580, %add3A_582 : vector<16xi32>
    %swap3A_584 = arith.constant 16 : index
    %swap3A_585 = tpu.vector_load %arg14[%swap3A_584] {strides = array<i32>} : memref<128xi32, #tpu.memory_space<vmem>>, vector<16xi32>,
    tpu.vector_store %arg14[%swap3A_584], %add3A_583 {strides = array<i32>} : memref<128xi32, #tpu.memory_space<vmem>>, vector<16xi32>,
    %get3A_586 = arith.constant 64 : index
    %get3A_587 = tpu.vector_load %arg17[%get3A_586] {strides = array<i32>} : memref<512xi32, #tpu.memory_space<vmem>>, vector<16xi32>,
    %mul3A_588 = arith.constant 4 : i32
    %mul3A_589 = vector.broadcast %mul3A_588 : i32 to vector<16xi32>
    %mul3A_590 = arith.muli %get3A_587, %mul3A_589 : vector<16xi32>
    %add3A_591 = arith.constant 1 : i32
    %add3A_592 = vector.broadcast %add3A_591 : i32 to vector<16xi32>
    %add3A_593 = arith.addi %mul3A_590, %add3A_592 : vector<16xi32>
    %swap3A_594 = arith.constant 32 : index
    %swap3A_595 = tpu.vector_load %arg14[%swap3A_594] {strides = array<i32>} : memref<128xi32, #tpu.memory_space<vmem>>, vector<16xi32>,
    tpu.vector_store %arg14[%swap3A_594], %add3A_593 {strides = array<i32>} : memref<128xi32, #tpu.memory_space<vmem>>, vector<16xi32>,
    %get3A_596 = arith.constant 80 : index
    %get3A_597 = tpu.vector_load %arg17[%get3A_596] {strides = array<i32>} : memref<512xi32, #tpu.memory_space<vmem>>, vector<16xi32>,
    %mul3A_598 = arith.constant 4 : i32
    %mul3A_599 = vector.broadcast %mul3A_598 : i32 to vector<16xi32>
    %mul3A_600 = arith.muli %get3A_597, %mul3A_599 : vector<16xi32>
    %add3A_601 = arith.constant 1 : i32
    %add3A_602 = vector.broadcast %add3A_601 : i32 to vector<16xi32>
    %add3A_603 = arith.addi %mul3A_600, %add3A_602 : vector<16xi32>
    %swap3A_604 = arith.constant 48 : index
    %swap3A_605 = tpu.vector_load %arg14[%swap3A_604] {strides = array<i32>} : memref<128xi32, #tpu.memory_space<vmem>>, vector<16xi32>,
    tpu.vector_store %arg14[%swap3A_604], %add3A_603 {strides = array<i32>} : memref<128xi32, #tpu.memory_space<vmem>>, vector<16xi32>,
    %get3A_606 = arith.constant 64 : index
    %get3A_607 = tpu.vector_load %arg17[%get3A_606] {strides = array<i32>} : memref<512xi32, #tpu.memory_space<vmem>>, vector<16xi32>,
    %mul3A_608 = arith.constant 4 : i32
    %mul3A_609 = vector.broadcast %mul3A_608 : i32 to vector<16xi32>
    %mul3A_610 = arith.muli %get3A_607, %mul3A_609 : vector<16xi32>
    %add3A_611 = arith.constant 2 : i32
    %add3A_612 = vector.broadcast %add3A_611 : i32 to vector<16xi32>
    %add3A_613 = arith.addi %mul3A_610, %add3A_612 : vector<16xi32>
    %swap3A_614 = arith.constant 64 : index
    %swap3A_615 = tpu.vector_load %arg14[%swap3A_614] {strides = array<i32>} : memref<128xi32, #tpu.memory_space<vmem>>, vector<16xi32>,
    tpu.vector_store %arg14[%swap3A_614], %add3A_613 {strides = array<i32>} : memref<128xi32, #tpu.memory_space<vmem>>, vector<16xi32>,
    %get3A_616 = arith.constant 80 : index
    %get3A_617 = tpu.vector_load %arg17[%get3A_616] {strides = array<i32>} : memref<512xi32, #tpu.memory_space<vmem>>, vector<16xi32>,
    %mul3A_618 = arith.constant 4 : i32
    %mul3A_619 = vector.broadcast %mul3A_618 : i32 to vector<16xi32>
    %mul3A_620 = arith.muli %get3A_617, %mul3A_619 : vector<16xi32>
    %add3A_621 = arith.constant 2 : i32
    %add3A_622 = vector.broadcast %add3A_621 : i32 to vector<16xi32>
    %add3A_623 = arith.addi %mul3A_620, %add3A_622 : vector<16xi32>
    %swap3A_624 = arith.constant 80 : index
    %swap3A_625 = tpu.vector_load %arg14[%swap3A_624] {strides = array<i32>} : memref<128xi32, #tpu.memory_space<vmem>>, vector<16xi32>,
    tpu.vector_store %arg14[%swap3A_624], %add3A_623 {strides = array<i32>} : memref<128xi32, #tpu.memory_space<vmem>>, vector<16xi32>,
    %get3A_626 = arith.constant 64 : index
    %get3A_627 = tpu.vector_load %arg17[%get3A_626] {strides = array<i32>} : memref<512xi32, #tpu.memory_space<vmem>>, vector<16xi32>,
    %mul3A_628 = arith.constant 4 : i32
    %mul3A_629 = vector.broadcast %mul3A_628 : i32 to vector<16xi32>
    %mul3A_630 = arith.muli %get3A_627, %mul3A_629 : vector<16xi32>
    %add3A_631 = arith.constant 3 : i32
    %add3A_632 = vector.broadcast %add3A_631 : i32 to vector<16xi32>
    %add3A_633 = arith.addi %mul3A_630, %add3A_632 : vector<16xi32>
    %swap3A_634 = arith.constant 96 : index
    %swap3A_635 = tpu.vector_load %arg14[%swap3A_634] {strides = array<i32>} : memref<128xi32, #tpu.memory_space<vmem>>, vector<16xi32>,
    tpu.vector_store %arg14[%swap3A_634], %add3A_633 {strides = array<i32>} : memref<128xi32, #tpu.memory_space<vmem>>, vector<16xi32>,
    %get3A_636 = arith.constant 80 : index
    %get3A_637 = tpu.vector_load %arg17[%get3A_636] {strides = array<i32>} : memref<512xi32, #tpu.memory_space<vmem>>, vector<16xi32>,
    %mul3A_638 = arith.constant 4 : i32
    %mul3A_639 = vector.broadcast %mul3A_638 : i32 to vector<16xi32>
    %mul3A_640 = arith.muli %get3A_637, %mul3A_639 : vector<16xi32>
    %add3A_641 = arith.constant 3 : i32
    %add3A_642 = vector.broadcast %add3A_641 : i32 to vector<16xi32>
    %add3A_643 = arith.addi %mul3A_640, %add3A_642 : vector<16xi32>
    %swap3A_644 = arith.constant 112 : index
    %swap3A_645 = tpu.vector_load %arg14[%swap3A_644] {strides = array<i32>} : memref<128xi32, #tpu.memory_space<vmem>>, vector<16xi32>,
    tpu.vector_store %arg14[%swap3A_644], %add3A_643 {strides = array<i32>} : memref<128xi32, #tpu.memory_space<vmem>>, vector<16xi32>,
    %dma_start3A_646 = arith.constant 0 : i32
    %dma_start3A_647 = arith.constant 0 : i32
    %dma_start3A_648 = tpu.memref_slice %arg6[%dma_start3A_646, %dma_start3A_647] : memref<4096x128xf32, #tpu.memory_space<vmem_shared>> -> memref<4096x128xf32, #tpu.memory_space<vmem_shared>>
    tpu.enqueue_indirect_dma source(%arg9 : memref<128x128xf32, #tpu.memory_space<vmem>>) target(%dma_start3A_648 : memref<4096x128xf32, #tpu.memory_space<vmem_shared>>) offsets(%arg14 : memref<128xi32, #tpu.memory_space<vmem>>) semaphore(%arg26 : memref<!tpu.dma_semaphore, #tpu.memory_space<semaphore_mem>>) {add = true}
    %scan3A_649 = arith.constant 0 : i32
    %scan3A_650 = arith.constant 128 : i32
    %scan3A_651 = arith.addi %scan3A_649, %scan3A_650 : i32
    %scan3A_652 = arith.constant 1 : i32
    %scan3A_653:8 = scf.for %scan3A_2927 = %scan3A_649 to %scan3A_651 step %scan3A_652 iter_args(%scan3A_2928 = %scan3A_476#0, %scan3A_2929 = %scan3A_476#1, %scan3A_2930 = %scan3A_476#2, %scan3A_2931 = %scan3A_476#3, %scan3A_2932 = %scan3A_476#4, %scan3A_2933 = %scan3A_476#5, %scan3A_2934 = %scan3A_476#6, %scan3A_2935 = %scan3A_476#7) -> (vector<16xf32>, vector<16xf32>, vector<16xf32>, vector<16xf32>, vector<16xf32>, vector<16xf32>, vector<16xf32>, vector<16xf32>)  : i32 {
      %get3A_2936 = arith.index_cast %scan3A_2927 : i32 to index
      %get3A_2937 = arith.constant 0 : index
      %get3A_2938 = tpu.vector_load %arg9[%get3A_2936, %get3A_2937] {strides = array<i32>} : memref<128x128xf32, #tpu.memory_space<vmem>>, vector<16xf32>,
      %mul3A_2939 = arith.mulf %get3A_2938, %get3A_2938 : vector<16xf32>
      %add3A_2940 = arith.addf %scan3A_2928, %mul3A_2939 : vector<16xf32>
      %get3A_2941 = arith.index_cast %scan3A_2927 : i32 to index
      %get3A_2942 = arith.constant 16 : index
      %get3A_2943 = tpu.vector_load %arg9[%get3A_2941, %get3A_2942] {strides = array<i32>} : memref<128x128xf32, #tpu.memory_space<vmem>>, vector<16xf32>,
      %mul3A_2944 = arith.mulf %get3A_2943, %get3A_2943 : vector<16xf32>
      %add3A_2945 = arith.addf %scan3A_2929, %mul3A_2944 : vector<16xf32>
      %get3A_2946 = arith.index_cast %scan3A_2927 : i32 to index
      %get3A_2947 = arith.constant 32 : index
      %get3A_2948 = tpu.vector_load %arg9[%get3A_2946, %get3A_2947] {strides = array<i32>} : memref<128x128xf32, #tpu.memory_space<vmem>>, vector<16xf32>,
      %mul3A_2949 = arith.mulf %get3A_2948, %get3A_2948 : vector<16xf32>
      %add3A_2950 = arith.addf %scan3A_2930, %mul3A_2949 : vector<16xf32>
      %get3A_2951 = arith.index_cast %scan3A_2927 : i32 to index
      %get3A_2952 = arith.constant 48 : index
      %get3A_2953 = tpu.vector_load %arg9[%get3A_2951, %get3A_2952] {strides = array<i32>} : memref<128x128xf32, #tpu.memory_space<vmem>>, vector<16xf32>,
      %mul3A_2954 = arith.mulf %get3A_2953, %get3A_2953 : vector<16xf32>
      %add3A_2955 = arith.addf %scan3A_2931, %mul3A_2954 : vector<16xf32>
      %get3A_2956 = arith.index_cast %scan3A_2927 : i32 to index
      %get3A_2957 = arith.constant 64 : index
      %get3A_2958 = tpu.vector_load %arg9[%get3A_2956, %get3A_2957] {strides = array<i32>} : memref<128x128xf32, #tpu.memory_space<vmem>>, vector<16xf32>,
      %mul3A_2959 = arith.mulf %get3A_2958, %get3A_2958 : vector<16xf32>
      %add3A_2960 = arith.addf %scan3A_2932, %mul3A_2959 : vector<16xf32>
      %get3A_2961 = arith.index_cast %scan3A_2927 : i32 to index
      %get3A_2962 = arith.constant 80 : index
      %get3A_2963 = tpu.vector_load %arg9[%get3A_2961, %get3A_2962] {strides = array<i32>} : memref<128x128xf32, #tpu.memory_space<vmem>>, vector<16xf32>,
      %mul3A_2964 = arith.mulf %get3A_2963, %get3A_2963 : vector<16xf32>
      %add3A_2965 = arith.addf %scan3A_2933, %mul3A_2964 : vector<16xf32>
      %get3A_2966 = arith.index_cast %scan3A_2927 : i32 to index
      %get3A_2967 = arith.constant 96 : index
      %get3A_2968 = tpu.vector_load %arg9[%get3A_2966, %get3A_2967] {strides = array<i32>} : memref<128x128xf32, #tpu.memory_space<vmem>>, vector<16xf32>,
      %mul3A_2969 = arith.mulf %get3A_2968, %get3A_2968 : vector<16xf32>
      %add3A_2970 = arith.addf %scan3A_2934, %mul3A_2969 : vector<16xf32>
      %get3A_2971 = arith.index_cast %scan3A_2927 : i32 to index
      %get3A_2972 = arith.constant 112 : index
      %get3A_2973 = tpu.vector_load %arg9[%get3A_2971, %get3A_2972] {strides = array<i32>} : memref<128x128xf32, #tpu.memory_space<vmem>>, vector<16xf32>,
      %mul3A_2974 = arith.mulf %get3A_2973, %get3A_2973 : vector<16xf32>
      %add3A_2975 = arith.addf %scan3A_2935, %mul3A_2974 : vector<16xf32>
      scf.yield %add3A_2940, %add3A_2945, %add3A_2950, %add3A_2955, %add3A_2960, %add3A_2965, %add3A_2970, %add3A_2975 : vector<16xf32>, vector<16xf32>, vector<16xf32>, vector<16xf32>, vector<16xf32>, vector<16xf32>, vector<16xf32>, vector<16xf32>
    }
    %scan3A_654 = arith.constant 128 : i32
    %dma_wait3A_655 = arith.constant 0 : i32
    %dma_wait3A_656 = arith.constant 0 : i32
    %dma_wait3A_657 = tpu.memref_slice %arg6[%dma_wait3A_655, %dma_wait3A_656] : memref<4096x128xf32, #tpu.memory_space<vmem_shared>> -> memref<4096x128xf32, #tpu.memory_space<vmem_shared>>
    tpu.wait_indirect_dma semaphore(%arg24 : memref<!tpu.dma_semaphore, #tpu.memory_space<semaphore_mem>>) src(%arg7 : memref<128x128xf32, #tpu.memory_space<vmem>>) dst(%dma_wait3A_657 : memref<4096x128xf32, #tpu.memory_space<vmem_shared>>)
    %add3A_658 = arith.constant 160 : i32
    %add3A_659 = arith.addi %mul3A_16, %add3A_658 : i32
    %dma_start3A_660 = arith.constant 0 : i32
    %dma_start3A_661 = arith.constant 0 : i32
    %dma_start3A_662 = tpu.memref_slice %arg7[%dma_start3A_660, %dma_start3A_661] : memref<128x128xf32, #tpu.memory_space<vmem>> -> memref<32x128xf32, #tpu.memory_space<vmem>>
    %dma_start3A_663 = arith.constant 0 : i32
    %dma_start3A_664 = tpu.memref_slice %arg2[%add3A_659, %dma_start3A_663] : memref<16384x512xf32, #tpu.memory_space<hbm>> -> memref<32x128xf32, #tpu.memory_space<hbm>>
    %dma_start3A_665 = arith.constant 0 : i32
    %dma_start3A_666 = arith.constant 0 : i32
    %dma_start3A_667 = tpu.memref_slice %arg7[%dma_start3A_665, %dma_start3A_666] : memref<128x128xf32, #tpu.memory_space<vmem>> -> memref<32x128xf32, #tpu.memory_space<vmem>>
    %dma_start3A_668 = arith.constant 0 : i32
    %dma_start3A_669 = tpu.memref_slice %arg2[%add3A_659, %dma_start3A_668] : memref<16384x512xf32, #tpu.memory_space<hbm>> -> memref<32x128xf32, #tpu.memory_space<hbm>>
    tpu.enqueue_dma source(%dma_start3A_669 : memref<32x128xf32, #tpu.memory_space<hbm>>) target(%dma_start3A_667 : memref<32x128xf32, #tpu.memory_space<vmem>>) target_semaphore(%arg19 : memref<!tpu.dma_semaphore, #tpu.memory_space<semaphore_mem>>)
    %add3A_670 = arith.constant 160 : i32
    %add3A_671 = arith.addi %mul3A_16, %add3A_670 : i32
    %dma_start3A_672 = arith.constant 32 : i32
    %dma_start3A_673 = arith.constant 0 : i32
    %dma_start3A_674 = tpu.memref_slice %arg7[%dma_start3A_672, %dma_start3A_673] : memref<128x128xf32, #tpu.memory_space<vmem>> -> memref<32x128xf32, #tpu.memory_space<vmem>>
    %dma_start3A_675 = arith.constant 128 : i32
    %dma_start3A_676 = tpu.memref_slice %arg2[%add3A_671, %dma_start3A_675] : memref<16384x512xf32, #tpu.memory_space<hbm>> -> memref<32x128xf32, #tpu.memory_space<hbm>>
    %dma_start3A_677 = arith.constant 32 : i32
    %dma_start3A_678 = arith.constant 0 : i32
    %dma_start3A_679 = tpu.memref_slice %arg7[%dma_start3A_677, %dma_start3A_678] : memref<128x128xf32, #tpu.memory_space<vmem>> -> memref<32x128xf32, #tpu.memory_space<vmem>>
    %dma_start3A_680 = arith.constant 128 : i32
    %dma_start3A_681 = tpu.memref_slice %arg2[%add3A_671, %dma_start3A_680] : memref<16384x512xf32, #tpu.memory_space<hbm>> -> memref<32x128xf32, #tpu.memory_space<hbm>>
    tpu.enqueue_dma source(%dma_start3A_681 : memref<32x128xf32, #tpu.memory_space<hbm>>) target(%dma_start3A_679 : memref<32x128xf32, #tpu.memory_space<vmem>>) target_semaphore(%arg19 : memref<!tpu.dma_semaphore, #tpu.memory_space<semaphore_mem>>)
    %add3A_682 = arith.constant 160 : i32
    %add3A_683 = arith.addi %mul3A_16, %add3A_682 : i32
    %dma_start3A_684 = arith.constant 64 : i32
    %dma_start3A_685 = arith.constant 0 : i32
    %dma_start3A_686 = tpu.memref_slice %arg7[%dma_start3A_684, %dma_start3A_685] : memref<128x128xf32, #tpu.memory_space<vmem>> -> memref<32x128xf32, #tpu.memory_space<vmem>>
    %dma_start3A_687 = arith.constant 256 : i32
    %dma_start3A_688 = tpu.memref_slice %arg2[%add3A_683, %dma_start3A_687] : memref<16384x512xf32, #tpu.memory_space<hbm>> -> memref<32x128xf32, #tpu.memory_space<hbm>>
    %dma_start3A_689 = arith.constant 64 : i32
    %dma_start3A_690 = arith.constant 0 : i32
    %dma_start3A_691 = tpu.memref_slice %arg7[%dma_start3A_689, %dma_start3A_690] : memref<128x128xf32, #tpu.memory_space<vmem>> -> memref<32x128xf32, #tpu.memory_space<vmem>>
    %dma_start3A_692 = arith.constant 256 : i32
    %dma_start3A_693 = tpu.memref_slice %arg2[%add3A_683, %dma_start3A_692] : memref<16384x512xf32, #tpu.memory_space<hbm>> -> memref<32x128xf32, #tpu.memory_space<hbm>>
    tpu.enqueue_dma source(%dma_start3A_693 : memref<32x128xf32, #tpu.memory_space<hbm>>) target(%dma_start3A_691 : memref<32x128xf32, #tpu.memory_space<vmem>>) target_semaphore(%arg19 : memref<!tpu.dma_semaphore, #tpu.memory_space<semaphore_mem>>)
    %add3A_694 = arith.constant 160 : i32
    %add3A_695 = arith.addi %mul3A_16, %add3A_694 : i32
    %dma_start3A_696 = arith.constant 96 : i32
    %dma_start3A_697 = arith.constant 0 : i32
    %dma_start3A_698 = tpu.memref_slice %arg7[%dma_start3A_696, %dma_start3A_697] : memref<128x128xf32, #tpu.memory_space<vmem>> -> memref<32x128xf32, #tpu.memory_space<vmem>>
    %dma_start3A_699 = arith.constant 384 : i32
    %dma_start3A_700 = tpu.memref_slice %arg2[%add3A_695, %dma_start3A_699] : memref<16384x512xf32, #tpu.memory_space<hbm>> -> memref<32x128xf32, #tpu.memory_space<hbm>>
    %dma_start3A_701 = arith.constant 96 : i32
    %dma_start3A_702 = arith.constant 0 : i32
    %dma_start3A_703 = tpu.memref_slice %arg7[%dma_start3A_701, %dma_start3A_702] : memref<128x128xf32, #tpu.memory_space<vmem>> -> memref<32x128xf32, #tpu.memory_space<vmem>>
    %dma_start3A_704 = arith.constant 384 : i32
    %dma_start3A_705 = tpu.memref_slice %arg2[%add3A_695, %dma_start3A_704] : memref<16384x512xf32, #tpu.memory_space<hbm>> -> memref<32x128xf32, #tpu.memory_space<hbm>>
    tpu.enqueue_dma source(%dma_start3A_705 : memref<32x128xf32, #tpu.memory_space<hbm>>) target(%dma_start3A_703 : memref<32x128xf32, #tpu.memory_space<vmem>>) target_semaphore(%arg19 : memref<!tpu.dma_semaphore, #tpu.memory_space<semaphore_mem>>)
    %dma_wait3A_706 = arith.constant 0 : i32
    %dma_wait3A_707 = arith.constant 0 : i32
    %dma_wait3A_708 = tpu.memref_slice %arg10[%dma_wait3A_706, %dma_wait3A_707] : memref<128x128xf32, #tpu.memory_space<vmem>> -> memref<32x128xf32, #tpu.memory_space<vmem>>
    %dma_wait3A_709 = arith.constant 0 : i32
    %dma_wait3A_710 = tpu.memref_slice %arg2[%add3A_302, %dma_wait3A_709] : memref<16384x512xf32, #tpu.memory_space<hbm>> -> memref<32x128xf32, #tpu.memory_space<hbm>>
    %dma_wait3A_711 = arith.constant 0 : i32
    %dma_wait3A_712 = arith.constant 0 : i32
    %dma_wait3A_713 = tpu.memref_slice %arg10[%dma_wait3A_711, %dma_wait3A_712] : memref<128x128xf32, #tpu.memory_space<vmem>> -> memref<32x128xf32, #tpu.memory_space<vmem>>
    %dma_wait3A_714 = arith.constant 0 : i32
    %dma_wait3A_715 = tpu.memref_slice %arg2[%add3A_302, %dma_wait3A_714] : memref<16384x512xf32, #tpu.memory_space<hbm>> -> memref<32x128xf32, #tpu.memory_space<hbm>>
    tpu.wait_dma2 semaphore(%arg22 : memref<!tpu.dma_semaphore, #tpu.memory_space<semaphore_mem>>) src(%dma_wait3A_715 : memref<32x128xf32, #tpu.memory_space<hbm>>) dst(%dma_wait3A_713 : memref<32x128xf32, #tpu.memory_space<vmem>>)
    %dma_wait3A_716 = arith.constant 32 : i32
    %dma_wait3A_717 = arith.constant 0 : i32
    %dma_wait3A_718 = tpu.memref_slice %arg10[%dma_wait3A_716, %dma_wait3A_717] : memref<128x128xf32, #tpu.memory_space<vmem>> -> memref<32x128xf32, #tpu.memory_space<vmem>>
    %dma_wait3A_719 = arith.constant 128 : i32
    %dma_wait3A_720 = tpu.memref_slice %arg2[%add3A_314, %dma_wait3A_719] : memref<16384x512xf32, #tpu.memory_space<hbm>> -> memref<32x128xf32, #tpu.memory_space<hbm>>
    %dma_wait3A_721 = arith.constant 32 : i32
    %dma_wait3A_722 = arith.constant 0 : i32
    %dma_wait3A_723 = tpu.memref_slice %arg10[%dma_wait3A_721, %dma_wait3A_722] : memref<128x128xf32, #tpu.memory_space<vmem>> -> memref<32x128xf32, #tpu.memory_space<vmem>>
    %dma_wait3A_724 = arith.constant 128 : i32
    %dma_wait3A_725 = tpu.memref_slice %arg2[%add3A_314, %dma_wait3A_724] : memref<16384x512xf32, #tpu.memory_space<hbm>> -> memref<32x128xf32, #tpu.memory_space<hbm>>
    tpu.wait_dma2 semaphore(%arg22 : memref<!tpu.dma_semaphore, #tpu.memory_space<semaphore_mem>>) src(%dma_wait3A_725 : memref<32x128xf32, #tpu.memory_space<hbm>>) dst(%dma_wait3A_723 : memref<32x128xf32, #tpu.memory_space<vmem>>)
    %dma_wait3A_726 = arith.constant 64 : i32
    %dma_wait3A_727 = arith.constant 0 : i32
    %dma_wait3A_728 = tpu.memref_slice %arg10[%dma_wait3A_726, %dma_wait3A_727] : memref<128x128xf32, #tpu.memory_space<vmem>> -> memref<32x128xf32, #tpu.memory_space<vmem>>
    %dma_wait3A_729 = arith.constant 256 : i32
    %dma_wait3A_730 = tpu.memref_slice %arg2[%add3A_326, %dma_wait3A_729] : memref<16384x512xf32, #tpu.memory_space<hbm>> -> memref<32x128xf32, #tpu.memory_space<hbm>>
    %dma_wait3A_731 = arith.constant 64 : i32
    %dma_wait3A_732 = arith.constant 0 : i32
    %dma_wait3A_733 = tpu.memref_slice %arg10[%dma_wait3A_731, %dma_wait3A_732] : memref<128x128xf32, #tpu.memory_space<vmem>> -> memref<32x128xf32, #tpu.memory_space<vmem>>
    %dma_wait3A_734 = arith.constant 256 : i32
    %dma_wait3A_735 = tpu.memref_slice %arg2[%add3A_326, %dma_wait3A_734] : memref<16384x512xf32, #tpu.memory_space<hbm>> -> memref<32x128xf32, #tpu.memory_space<hbm>>
    tpu.wait_dma2 semaphore(%arg22 : memref<!tpu.dma_semaphore, #tpu.memory_space<semaphore_mem>>) src(%dma_wait3A_735 : memref<32x128xf32, #tpu.memory_space<hbm>>) dst(%dma_wait3A_733 : memref<32x128xf32, #tpu.memory_space<vmem>>)
    %dma_wait3A_736 = arith.constant 96 : i32
    %dma_wait3A_737 = arith.constant 0 : i32
    %dma_wait3A_738 = tpu.memref_slice %arg10[%dma_wait3A_736, %dma_wait3A_737] : memref<128x128xf32, #tpu.memory_space<vmem>> -> memref<32x128xf32, #tpu.memory_space<vmem>>
    %dma_wait3A_739 = arith.constant 384 : i32
    %dma_wait3A_740 = tpu.memref_slice %arg2[%add3A_338, %dma_wait3A_739] : memref<16384x512xf32, #tpu.memory_space<hbm>> -> memref<32x128xf32, #tpu.memory_space<hbm>>
    %dma_wait3A_741 = arith.constant 96 : i32
    %dma_wait3A_742 = arith.constant 0 : i32
    %dma_wait3A_743 = tpu.memref_slice %arg10[%dma_wait3A_741, %dma_wait3A_742] : memref<128x128xf32, #tpu.memory_space<vmem>> -> memref<32x128xf32, #tpu.memory_space<vmem>>
    %dma_wait3A_744 = arith.constant 384 : i32
    %dma_wait3A_745 = tpu.memref_slice %arg2[%add3A_338, %dma_wait3A_744] : memref<16384x512xf32, #tpu.memory_space<hbm>> -> memref<32x128xf32, #tpu.memory_space<hbm>>
    tpu.wait_dma2 semaphore(%arg22 : memref<!tpu.dma_semaphore, #tpu.memory_space<semaphore_mem>>) src(%dma_wait3A_745 : memref<32x128xf32, #tpu.memory_space<hbm>>) dst(%dma_wait3A_743 : memref<32x128xf32, #tpu.memory_space<vmem>>)
    %get3A_746 = arith.constant 96 : index
    %get3A_747 = tpu.vector_load %arg17[%get3A_746] {strides = array<i32>} : memref<512xi32, #tpu.memory_space<vmem>>, vector<16xi32>,
    %mul3A_748 = arith.constant 4 : i32
    %mul3A_749 = vector.broadcast %mul3A_748 : i32 to vector<16xi32>
    %mul3A_750 = arith.muli %get3A_747, %mul3A_749 : vector<16xi32>
    %add3A_751 = arith.constant 0 : i32
    %add3A_752 = vector.broadcast %add3A_751 : i32 to vector<16xi32>
    %add3A_753 = arith.addi %mul3A_750, %add3A_752 : vector<16xi32>
    %swap3A_754 = arith.constant 0 : index
    %swap3A_755 = tpu.vector_load %arg15[%swap3A_754] {strides = array<i32>} : memref<128xi32, #tpu.memory_space<vmem>>, vector<16xi32>,
    tpu.vector_store %arg15[%swap3A_754], %add3A_753 {strides = array<i32>} : memref<128xi32, #tpu.memory_space<vmem>>, vector<16xi32>,
    %get3A_756 = arith.constant 112 : index
    %get3A_757 = tpu.vector_load %arg17[%get3A_756] {strides = array<i32>} : memref<512xi32, #tpu.memory_space<vmem>>, vector<16xi32>,
    %mul3A_758 = arith.constant 4 : i32
    %mul3A_759 = vector.broadcast %mul3A_758 : i32 to vector<16xi32>
    %mul3A_760 = arith.muli %get3A_757, %mul3A_759 : vector<16xi32>
    %add3A_761 = arith.constant 0 : i32
    %add3A_762 = vector.broadcast %add3A_761 : i32 to vector<16xi32>
    %add3A_763 = arith.addi %mul3A_760, %add3A_762 : vector<16xi32>
    %swap3A_764 = arith.constant 16 : index
    %swap3A_765 = tpu.vector_load %arg15[%swap3A_764] {strides = array<i32>} : memref<128xi32, #tpu.memory_space<vmem>>, vector<16xi32>,
    tpu.vector_store %arg15[%swap3A_764], %add3A_763 {strides = array<i32>} : memref<128xi32, #tpu.memory_space<vmem>>, vector<16xi32>,
    %get3A_766 = arith.constant 96 : index
    %get3A_767 = tpu.vector_load %arg17[%get3A_766] {strides = array<i32>} : memref<512xi32, #tpu.memory_space<vmem>>, vector<16xi32>,
    %mul3A_768 = arith.constant 4 : i32
    %mul3A_769 = vector.broadcast %mul3A_768 : i32 to vector<16xi32>
    %mul3A_770 = arith.muli %get3A_767, %mul3A_769 : vector<16xi32>
    %add3A_771 = arith.constant 1 : i32
    %add3A_772 = vector.broadcast %add3A_771 : i32 to vector<16xi32>
    %add3A_773 = arith.addi %mul3A_770, %add3A_772 : vector<16xi32>
    %swap3A_774 = arith.constant 32 : index
    %swap3A_775 = tpu.vector_load %arg15[%swap3A_774] {strides = array<i32>} : memref<128xi32, #tpu.memory_space<vmem>>, vector<16xi32>,
    tpu.vector_store %arg15[%swap3A_774], %add3A_773 {strides = array<i32>} : memref<128xi32, #tpu.memory_space<vmem>>, vector<16xi32>,
    %get3A_776 = arith.constant 112 : index
    %get3A_777 = tpu.vector_load %arg17[%get3A_776] {strides = array<i32>} : memref<512xi32, #tpu.memory_space<vmem>>, vector<16xi32>,
    %mul3A_778 = arith.constant 4 : i32
    %mul3A_779 = vector.broadcast %mul3A_778 : i32 to vector<16xi32>
    %mul3A_780 = arith.muli %get3A_777, %mul3A_779 : vector<16xi32>
    %add3A_781 = arith.constant 1 : i32
    %add3A_782 = vector.broadcast %add3A_781 : i32 to vector<16xi32>
    %add3A_783 = arith.addi %mul3A_780, %add3A_782 : vector<16xi32>
    %swap3A_784 = arith.constant 48 : index
    %swap3A_785 = tpu.vector_load %arg15[%swap3A_784] {strides = array<i32>} : memref<128xi32, #tpu.memory_space<vmem>>, vector<16xi32>,
    tpu.vector_store %arg15[%swap3A_784], %add3A_783 {strides = array<i32>} : memref<128xi32, #tpu.memory_space<vmem>>, vector<16xi32>,
    %get3A_786 = arith.constant 96 : index
    %get3A_787 = tpu.vector_load %arg17[%get3A_786] {strides = array<i32>} : memref<512xi32, #tpu.memory_space<vmem>>, vector<16xi32>,
    %mul3A_788 = arith.constant 4 : i32
    %mul3A_789 = vector.broadcast %mul3A_788 : i32 to vector<16xi32>
    %mul3A_790 = arith.muli %get3A_787, %mul3A_789 : vector<16xi32>
    %add3A_791 = arith.constant 2 : i32
    %add3A_792 = vector.broadcast %add3A_791 : i32 to vector<16xi32>
    %add3A_793 = arith.addi %mul3A_790, %add3A_792 : vector<16xi32>
    %swap3A_794 = arith.constant 64 : index
    %swap3A_795 = tpu.vector_load %arg15[%swap3A_794] {strides = array<i32>} : memref<128xi32, #tpu.memory_space<vmem>>, vector<16xi32>,
    tpu.vector_store %arg15[%swap3A_794], %add3A_793 {strides = array<i32>} : memref<128xi32, #tpu.memory_space<vmem>>, vector<16xi32>,
    %get3A_796 = arith.constant 112 : index
    %get3A_797 = tpu.vector_load %arg17[%get3A_796] {strides = array<i32>} : memref<512xi32, #tpu.memory_space<vmem>>, vector<16xi32>,
    %mul3A_798 = arith.constant 4 : i32
    %mul3A_799 = vector.broadcast %mul3A_798 : i32 to vector<16xi32>
    %mul3A_800 = arith.muli %get3A_797, %mul3A_799 : vector<16xi32>
    %add3A_801 = arith.constant 2 : i32
    %add3A_802 = vector.broadcast %add3A_801 : i32 to vector<16xi32>
    %add3A_803 = arith.addi %mul3A_800, %add3A_802 : vector<16xi32>
    %swap3A_804 = arith.constant 80 : index
    %swap3A_805 = tpu.vector_load %arg15[%swap3A_804] {strides = array<i32>} : memref<128xi32, #tpu.memory_space<vmem>>, vector<16xi32>,
    tpu.vector_store %arg15[%swap3A_804], %add3A_803 {strides = array<i32>} : memref<128xi32, #tpu.memory_space<vmem>>, vector<16xi32>,
    %get3A_806 = arith.constant 96 : index
    %get3A_807 = tpu.vector_load %arg17[%get3A_806] {strides = array<i32>} : memref<512xi32, #tpu.memory_space<vmem>>, vector<16xi32>,
    %mul3A_808 = arith.constant 4 : i32
    %mul3A_809 = vector.broadcast %mul3A_808 : i32 to vector<16xi32>
    %mul3A_810 = arith.muli %get3A_807, %mul3A_809 : vector<16xi32>
    %add3A_811 = arith.constant 3 : i32
    %add3A_812 = vector.broadcast %add3A_811 : i32 to vector<16xi32>
    %add3A_813 = arith.addi %mul3A_810, %add3A_812 : vector<16xi32>
    %swap3A_814 = arith.constant 96 : index
    %swap3A_815 = tpu.vector_load %arg15[%swap3A_814] {strides = array<i32>} : memref<128xi32, #tpu.memory_space<vmem>>, vector<16xi32>,
    tpu.vector_store %arg15[%swap3A_814], %add3A_813 {strides = array<i32>} : memref<128xi32, #tpu.memory_space<vmem>>, vector<16xi32>,
    %get3A_816 = arith.constant 112 : index
    %get3A_817 = tpu.vector_load %arg17[%get3A_816] {strides = array<i32>} : memref<512xi32, #tpu.memory_space<vmem>>, vector<16xi32>,
    %mul3A_818 = arith.constant 4 : i32
    %mul3A_819 = vector.broadcast %mul3A_818 : i32 to vector<16xi32>
    %mul3A_820 = arith.muli %get3A_817, %mul3A_819 : vector<16xi32>
    %add3A_821 = arith.constant 3 : i32
    %add3A_822 = vector.broadcast %add3A_821 : i32 to vector<16xi32>
    %add3A_823 = arith.addi %mul3A_820, %add3A_822 : vector<16xi32>
    %swap3A_824 = arith.constant 112 : index
    %swap3A_825 = tpu.vector_load %arg15[%swap3A_824] {strides = array<i32>} : memref<128xi32, #tpu.memory_space<vmem>>, vector<16xi32>,
    tpu.vector_store %arg15[%swap3A_824], %add3A_823 {strides = array<i32>} : memref<128xi32, #tpu.memory_space<vmem>>, vector<16xi32>,
    %dma_start3A_826 = arith.constant 0 : i32
    %dma_start3A_827 = arith.constant 0 : i32
    %dma_start3A_828 = tpu.memref_slice %arg6[%dma_start3A_826, %dma_start3A_827] : memref<4096x128xf32, #tpu.memory_space<vmem_shared>> -> memref<4096x128xf32, #tpu.memory_space<vmem_shared>>
    tpu.enqueue_indirect_dma source(%arg10 : memref<128x128xf32, #tpu.memory_space<vmem>>) target(%dma_start3A_828 : memref<4096x128xf32, #tpu.memory_space<vmem_shared>>) offsets(%arg15 : memref<128xi32, #tpu.memory_space<vmem>>) semaphore(%arg27 : memref<!tpu.dma_semaphore, #tpu.memory_space<semaphore_mem>>) {add = true}
    %scan3A_829 = arith.constant 0 : i32
    %scan3A_830 = arith.constant 128 : i32
    %scan3A_831 = arith.addi %scan3A_829, %scan3A_830 : i32
    %scan3A_832 = arith.constant 1 : i32
    %scan3A_833:8 = scf.for %scan3A_2927 = %scan3A_829 to %scan3A_831 step %scan3A_832 iter_args(%scan3A_2928 = %scan3A_653#0, %scan3A_2929 = %scan3A_653#1, %scan3A_2930 = %scan3A_653#2, %scan3A_2931 = %scan3A_653#3, %scan3A_2932 = %scan3A_653#4, %scan3A_2933 = %scan3A_653#5, %scan3A_2934 = %scan3A_653#6, %scan3A_2935 = %scan3A_653#7) -> (vector<16xf32>, vector<16xf32>, vector<16xf32>, vector<16xf32>, vector<16xf32>, vector<16xf32>, vector<16xf32>, vector<16xf32>)  : i32 {
      %get3A_2936 = arith.index_cast %scan3A_2927 : i32 to index
      %get3A_2937 = arith.constant 0 : index
      %get3A_2938 = tpu.vector_load %arg10[%get3A_2936, %get3A_2937] {strides = array<i32>} : memref<128x128xf32, #tpu.memory_space<vmem>>, vector<16xf32>,
      %mul3A_2939 = arith.mulf %get3A_2938, %get3A_2938 : vector<16xf32>
      %add3A_2940 = arith.addf %scan3A_2928, %mul3A_2939 : vector<16xf32>
      %get3A_2941 = arith.index_cast %scan3A_2927 : i32 to index
      %get3A_2942 = arith.constant 16 : index
      %get3A_2943 = tpu.vector_load %arg10[%get3A_2941, %get3A_2942] {strides = array<i32>} : memref<128x128xf32, #tpu.memory_space<vmem>>, vector<16xf32>,
      %mul3A_2944 = arith.mulf %get3A_2943, %get3A_2943 : vector<16xf32>
      %add3A_2945 = arith.addf %scan3A_2929, %mul3A_2944 : vector<16xf32>
      %get3A_2946 = arith.index_cast %scan3A_2927 : i32 to index
      %get3A_2947 = arith.constant 32 : index
      %get3A_2948 = tpu.vector_load %arg10[%get3A_2946, %get3A_2947] {strides = array<i32>} : memref<128x128xf32, #tpu.memory_space<vmem>>, vector<16xf32>,
      %mul3A_2949 = arith.mulf %get3A_2948, %get3A_2948 : vector<16xf32>
      %add3A_2950 = arith.addf %scan3A_2930, %mul3A_2949 : vector<16xf32>
      %get3A_2951 = arith.index_cast %scan3A_2927 : i32 to index
      %get3A_2952 = arith.constant 48 : index
      %get3A_2953 = tpu.vector_load %arg10[%get3A_2951, %get3A_2952] {strides = array<i32>} : memref<128x128xf32, #tpu.memory_space<vmem>>, vector<16xf32>,
      %mul3A_2954 = arith.mulf %get3A_2953, %get3A_2953 : vector<16xf32>
      %add3A_2955 = arith.addf %scan3A_2931, %mul3A_2954 : vector<16xf32>
      %get3A_2956 = arith.index_cast %scan3A_2927 : i32 to index
      %get3A_2957 = arith.constant 64 : index
      %get3A_2958 = tpu.vector_load %arg10[%get3A_2956, %get3A_2957] {strides = array<i32>} : memref<128x128xf32, #tpu.memory_space<vmem>>, vector<16xf32>,
      %mul3A_2959 = arith.mulf %get3A_2958, %get3A_2958 : vector<16xf32>
      %add3A_2960 = arith.addf %scan3A_2932, %mul3A_2959 : vector<16xf32>
      %get3A_2961 = arith.index_cast %scan3A_2927 : i32 to index
      %get3A_2962 = arith.constant 80 : index
      %get3A_2963 = tpu.vector_load %arg10[%get3A_2961, %get3A_2962] {strides = array<i32>} : memref<128x128xf32, #tpu.memory_space<vmem>>, vector<16xf32>,
      %mul3A_2964 = arith.mulf %get3A_2963, %get3A_2963 : vector<16xf32>
      %add3A_2965 = arith.addf %scan3A_2933, %mul3A_2964 : vector<16xf32>
      %get3A_2966 = arith.index_cast %scan3A_2927 : i32 to index
      %get3A_2967 = arith.constant 96 : index
      %get3A_2968 = tpu.vector_load %arg10[%get3A_2966, %get3A_2967] {strides = array<i32>} : memref<128x128xf32, #tpu.memory_space<vmem>>, vector<16xf32>,
      %mul3A_2969 = arith.mulf %get3A_2968, %get3A_2968 : vector<16xf32>
      %add3A_2970 = arith.addf %scan3A_2934, %mul3A_2969 : vector<16xf32>
      %get3A_2971 = arith.index_cast %scan3A_2927 : i32 to index
      %get3A_2972 = arith.constant 112 : index
      %get3A_2973 = tpu.vector_load %arg10[%get3A_2971, %get3A_2972] {strides = array<i32>} : memref<128x128xf32, #tpu.memory_space<vmem>>, vector<16xf32>,
      %mul3A_2974 = arith.mulf %get3A_2973, %get3A_2973 : vector<16xf32>
      %add3A_2975 = arith.addf %scan3A_2935, %mul3A_2974 : vector<16xf32>
      scf.yield %add3A_2940, %add3A_2945, %add3A_2950, %add3A_2955, %add3A_2960, %add3A_2965, %add3A_2970, %add3A_2975 : vector<16xf32>, vector<16xf32>, vector<16xf32>, vector<16xf32>, vector<16xf32>, vector<16xf32>, vector<16xf32>, vector<16xf32>
    }
    %scan3A_834 = arith.constant 128 : i32
    %dma_wait3A_835 = arith.constant 0 : i32
    %dma_wait3A_836 = arith.constant 0 : i32
    %dma_wait3A_837 = tpu.memref_slice %arg6[%dma_wait3A_835, %dma_wait3A_836] : memref<4096x128xf32, #tpu.memory_space<vmem_shared>> -> memref<4096x128xf32, #tpu.memory_space<vmem_shared>>
    tpu.wait_indirect_dma semaphore(%arg25 : memref<!tpu.dma_semaphore, #tpu.memory_space<semaphore_mem>>) src(%arg8 : memref<128x128xf32, #tpu.memory_space<vmem>>) dst(%dma_wait3A_837 : memref<4096x128xf32, #tpu.memory_space<vmem_shared>>)
    %add3A_838 = arith.constant 192 : i32
    %add3A_839 = arith.addi %mul3A_16, %add3A_838 : i32
    %dma_start3A_840 = arith.constant 0 : i32
    %dma_start3A_841 = arith.constant 0 : i32
    %dma_start3A_842 = tpu.memref_slice %arg8[%dma_start3A_840, %dma_start3A_841] : memref<128x128xf32, #tpu.memory_space<vmem>> -> memref<32x128xf32, #tpu.memory_space<vmem>>
    %dma_start3A_843 = arith.constant 0 : i32
    %dma_start3A_844 = tpu.memref_slice %arg2[%add3A_839, %dma_start3A_843] : memref<16384x512xf32, #tpu.memory_space<hbm>> -> memref<32x128xf32, #tpu.memory_space<hbm>>
    %dma_start3A_845 = arith.constant 0 : i32
    %dma_start3A_846 = arith.constant 0 : i32
    %dma_start3A_847 = tpu.memref_slice %arg8[%dma_start3A_845, %dma_start3A_846] : memref<128x128xf32, #tpu.memory_space<vmem>> -> memref<32x128xf32, #tpu.memory_space<vmem>>
    %dma_start3A_848 = arith.constant 0 : i32
    %dma_start3A_849 = tpu.memref_slice %arg2[%add3A_839, %dma_start3A_848] : memref<16384x512xf32, #tpu.memory_space<hbm>> -> memref<32x128xf32, #tpu.memory_space<hbm>>
    tpu.enqueue_dma source(%dma_start3A_849 : memref<32x128xf32, #tpu.memory_space<hbm>>) target(%dma_start3A_847 : memref<32x128xf32, #tpu.memory_space<vmem>>) target_semaphore(%arg20 : memref<!tpu.dma_semaphore, #tpu.memory_space<semaphore_mem>>)
    %add3A_850 = arith.constant 192 : i32
    %add3A_851 = arith.addi %mul3A_16, %add3A_850 : i32
    %dma_start3A_852 = arith.constant 32 : i32
    %dma_start3A_853 = arith.constant 0 : i32
    %dma_start3A_854 = tpu.memref_slice %arg8[%dma_start3A_852, %dma_start3A_853] : memref<128x128xf32, #tpu.memory_space<vmem>> -> memref<32x128xf32, #tpu.memory_space<vmem>>
    %dma_start3A_855 = arith.constant 128 : i32
    %dma_start3A_856 = tpu.memref_slice %arg2[%add3A_851, %dma_start3A_855] : memref<16384x512xf32, #tpu.memory_space<hbm>> -> memref<32x128xf32, #tpu.memory_space<hbm>>
    %dma_start3A_857 = arith.constant 32 : i32
    %dma_start3A_858 = arith.constant 0 : i32
    %dma_start3A_859 = tpu.memref_slice %arg8[%dma_start3A_857, %dma_start3A_858] : memref<128x128xf32, #tpu.memory_space<vmem>> -> memref<32x128xf32, #tpu.memory_space<vmem>>
    %dma_start3A_860 = arith.constant 128 : i32
    %dma_start3A_861 = tpu.memref_slice %arg2[%add3A_851, %dma_start3A_860] : memref<16384x512xf32, #tpu.memory_space<hbm>> -> memref<32x128xf32, #tpu.memory_space<hbm>>
    tpu.enqueue_dma source(%dma_start3A_861 : memref<32x128xf32, #tpu.memory_space<hbm>>) target(%dma_start3A_859 : memref<32x128xf32, #tpu.memory_space<vmem>>) target_semaphore(%arg20 : memref<!tpu.dma_semaphore, #tpu.memory_space<semaphore_mem>>)
    %add3A_862 = arith.constant 192 : i32
    %add3A_863 = arith.addi %mul3A_16, %add3A_862 : i32
    %dma_start3A_864 = arith.constant 64 : i32
    %dma_start3A_865 = arith.constant 0 : i32
    %dma_start3A_866 = tpu.memref_slice %arg8[%dma_start3A_864, %dma_start3A_865] : memref<128x128xf32, #tpu.memory_space<vmem>> -> memref<32x128xf32, #tpu.memory_space<vmem>>
    %dma_start3A_867 = arith.constant 256 : i32
    %dma_start3A_868 = tpu.memref_slice %arg2[%add3A_863, %dma_start3A_867] : memref<16384x512xf32, #tpu.memory_space<hbm>> -> memref<32x128xf32, #tpu.memory_space<hbm>>
    %dma_start3A_869 = arith.constant 64 : i32
    %dma_start3A_870 = arith.constant 0 : i32
    %dma_start3A_871 = tpu.memref_slice %arg8[%dma_start3A_869, %dma_start3A_870] : memref<128x128xf32, #tpu.memory_space<vmem>> -> memref<32x128xf32, #tpu.memory_space<vmem>>
    %dma_start3A_872 = arith.constant 256 : i32
    %dma_start3A_873 = tpu.memref_slice %arg2[%add3A_863, %dma_start3A_872] : memref<16384x512xf32, #tpu.memory_space<hbm>> -> memref<32x128xf32, #tpu.memory_space<hbm>>
    tpu.enqueue_dma source(%dma_start3A_873 : memref<32x128xf32, #tpu.memory_space<hbm>>) target(%dma_start3A_871 : memref<32x128xf32, #tpu.memory_space<vmem>>) target_semaphore(%arg20 : memref<!tpu.dma_semaphore, #tpu.memory_space<semaphore_mem>>)
    %add3A_874 = arith.constant 192 : i32
    %add3A_875 = arith.addi %mul3A_16, %add3A_874 : i32
    %dma_start3A_876 = arith.constant 96 : i32
    %dma_start3A_877 = arith.constant 0 : i32
    %dma_start3A_878 = tpu.memref_slice %arg8[%dma_start3A_876, %dma_start3A_877] : memref<128x128xf32, #tpu.memory_space<vmem>> -> memref<32x128xf32, #tpu.memory_space<vmem>>
    %dma_start3A_879 = arith.constant 384 : i32
    %dma_start3A_880 = tpu.memref_slice %arg2[%add3A_875, %dma_start3A_879] : memref<16384x512xf32, #tpu.memory_space<hbm>> -> memref<32x128xf32, #tpu.memory_space<hbm>>
    %dma_start3A_881 = arith.constant 96 : i32
    %dma_start3A_882 = arith.constant 0 : i32
    %dma_start3A_883 = tpu.memref_slice %arg8[%dma_start3A_881, %dma_start3A_882] : memref<128x128xf32, #tpu.memory_space<vmem>> -> memref<32x128xf32, #tpu.memory_space<vmem>>
    %dma_start3A_884 = arith.constant 384 : i32
    %dma_start3A_885 = tpu.memref_slice %arg2[%add3A_875, %dma_start3A_884] : memref<16384x512xf32, #tpu.memory_space<hbm>> -> memref<32x128xf32, #tpu.memory_space<hbm>>
    tpu.enqueue_dma source(%dma_start3A_885 : memref<32x128xf32, #tpu.memory_space<hbm>>) target(%dma_start3A_883 : memref<32x128xf32, #tpu.memory_space<vmem>>) target_semaphore(%arg20 : memref<!tpu.dma_semaphore, #tpu.memory_space<semaphore_mem>>)
    %dma_wait3A_886 = arith.constant 0 : i32
    %dma_wait3A_887 = arith.constant 0 : i32
    %dma_wait3A_888 = tpu.memref_slice %arg11[%dma_wait3A_886, %dma_wait3A_887] : memref<128x128xf32, #tpu.memory_space<vmem>> -> memref<32x128xf32, #tpu.memory_space<vmem>>
    %dma_wait3A_889 = arith.constant 0 : i32
    %dma_wait3A_890 = tpu.memref_slice %arg2[%add3A_479, %dma_wait3A_889] : memref<16384x512xf32, #tpu.memory_space<hbm>> -> memref<32x128xf32, #tpu.memory_space<hbm>>
    %dma_wait3A_891 = arith.constant 0 : i32
    %dma_wait3A_892 = arith.constant 0 : i32
    %dma_wait3A_893 = tpu.memref_slice %arg11[%dma_wait3A_891, %dma_wait3A_892] : memref<128x128xf32, #tpu.memory_space<vmem>> -> memref<32x128xf32, #tpu.memory_space<vmem>>
    %dma_wait3A_894 = arith.constant 0 : i32
    %dma_wait3A_895 = tpu.memref_slice %arg2[%add3A_479, %dma_wait3A_894] : memref<16384x512xf32, #tpu.memory_space<hbm>> -> memref<32x128xf32, #tpu.memory_space<hbm>>
    tpu.wait_dma2 semaphore(%arg23 : memref<!tpu.dma_semaphore, #tpu.memory_space<semaphore_mem>>) src(%dma_wait3A_895 : memref<32x128xf32, #tpu.memory_space<hbm>>) dst(%dma_wait3A_893 : memref<32x128xf32, #tpu.memory_space<vmem>>)
    %dma_wait3A_896 = arith.constant 32 : i32
    %dma_wait3A_897 = arith.constant 0 : i32
    %dma_wait3A_898 = tpu.memref_slice %arg11[%dma_wait3A_896, %dma_wait3A_897] : memref<128x128xf32, #tpu.memory_space<vmem>> -> memref<32x128xf32, #tpu.memory_space<vmem>>
    %dma_wait3A_899 = arith.constant 128 : i32
    %dma_wait3A_900 = tpu.memref_slice %arg2[%add3A_491, %dma_wait3A_899] : memref<16384x512xf32, #tpu.memory_space<hbm>> -> memref<32x128xf32, #tpu.memory_space<hbm>>
    %dma_wait3A_901 = arith.constant 32 : i32
    %dma_wait3A_902 = arith.constant 0 : i32
    %dma_wait3A_903 = tpu.memref_slice %arg11[%dma_wait3A_901, %dma_wait3A_902] : memref<128x128xf32, #tpu.memory_space<vmem>> -> memref<32x128xf32, #tpu.memory_space<vmem>>
    %dma_wait3A_904 = arith.constant 128 : i32
    %dma_wait3A_905 = tpu.memref_slice %arg2[%add3A_491, %dma_wait3A_904] : memref<16384x512xf32, #tpu.memory_space<hbm>> -> memref<32x128xf32, #tpu.memory_space<hbm>>
    tpu.wait_dma2 semaphore(%arg23 : memref<!tpu.dma_semaphore, #tpu.memory_space<semaphore_mem>>) src(%dma_wait3A_905 : memref<32x128xf32, #tpu.memory_space<hbm>>) dst(%dma_wait3A_903 : memref<32x128xf32, #tpu.memory_space<vmem>>)
    %dma_wait3A_906 = arith.constant 64 : i32
    %dma_wait3A_907 = arith.constant 0 : i32
    %dma_wait3A_908 = tpu.memref_slice %arg11[%dma_wait3A_906, %dma_wait3A_907] : memref<128x128xf32, #tpu.memory_space<vmem>> -> memref<32x128xf32, #tpu.memory_space<vmem>>
    %dma_wait3A_909 = arith.constant 256 : i32
    %dma_wait3A_910 = tpu.memref_slice %arg2[%add3A_503, %dma_wait3A_909] : memref<16384x512xf32, #tpu.memory_space<hbm>> -> memref<32x128xf32, #tpu.memory_space<hbm>>
    %dma_wait3A_911 = arith.constant 64 : i32
    %dma_wait3A_912 = arith.constant 0 : i32
    %dma_wait3A_913 = tpu.memref_slice %arg11[%dma_wait3A_911, %dma_wait3A_912] : memref<128x128xf32, #tpu.memory_space<vmem>> -> memref<32x128xf32, #tpu.memory_space<vmem>>
    %dma_wait3A_914 = arith.constant 256 : i32
    %dma_wait3A_915 = tpu.memref_slice %arg2[%add3A_503, %dma_wait3A_914] : memref<16384x512xf32, #tpu.memory_space<hbm>> -> memref<32x128xf32, #tpu.memory_space<hbm>>
    tpu.wait_dma2 semaphore(%arg23 : memref<!tpu.dma_semaphore, #tpu.memory_space<semaphore_mem>>) src(%dma_wait3A_915 : memref<32x128xf32, #tpu.memory_space<hbm>>) dst(%dma_wait3A_913 : memref<32x128xf32, #tpu.memory_space<vmem>>)
    %dma_wait3A_916 = arith.constant 96 : i32
    %dma_wait3A_917 = arith.constant 0 : i32
    %dma_wait3A_918 = tpu.memref_slice %arg11[%dma_wait3A_916, %dma_wait3A_917] : memref<128x128xf32, #tpu.memory_space<vmem>> -> memref<32x128xf32, #tpu.memory_space<vmem>>
    %dma_wait3A_919 = arith.constant 384 : i32
    %dma_wait3A_920 = tpu.memref_slice %arg2[%add3A_515, %dma_wait3A_919] : memref<16384x512xf32, #tpu.memory_space<hbm>> -> memref<32x128xf32, #tpu.memory_space<hbm>>
    %dma_wait3A_921 = arith.constant 96 : i32
    %dma_wait3A_922 = arith.constant 0 : i32
    %dma_wait3A_923 = tpu.memref_slice %arg11[%dma_wait3A_921, %dma_wait3A_922] : memref<128x128xf32, #tpu.memory_space<vmem>> -> memref<32x128xf32, #tpu.memory_space<vmem>>
    %dma_wait3A_924 = arith.constant 384 : i32
    %dma_wait3A_925 = tpu.memref_slice %arg2[%add3A_515, %dma_wait3A_924] : memref<16384x512xf32, #tpu.memory_space<hbm>> -> memref<32x128xf32, #tpu.memory_space<hbm>>
    tpu.wait_dma2 semaphore(%arg23 : memref<!tpu.dma_semaphore, #tpu.memory_space<semaphore_mem>>) src(%dma_wait3A_925 : memref<32x128xf32, #tpu.memory_space<hbm>>) dst(%dma_wait3A_923 : memref<32x128xf32, #tpu.memory_space<vmem>>)
    %get3A_926 = arith.constant 128 : index
    %get3A_927 = tpu.vector_load %arg17[%get3A_926] {strides = array<i32>} : memref<512xi32, #tpu.memory_space<vmem>>, vector<16xi32>,
    %mul3A_928 = arith.constant 4 : i32
    %mul3A_929 = vector.broadcast %mul3A_928 : i32 to vector<16xi32>
    %mul3A_930 = arith.muli %get3A_927, %mul3A_929 : vector<16xi32>
    %add3A_931 = arith.constant 0 : i32
    %add3A_932 = vector.broadcast %add3A_931 : i32 to vector<16xi32>
    %add3A_933 = arith.addi %mul3A_930, %add3A_932 : vector<16xi32>
    %swap3A_934 = arith.constant 0 : index
    %swap3A_935 = tpu.vector_load %arg16[%swap3A_934] {strides = array<i32>} : memref<128xi32, #tpu.memory_space<vmem>>, vector<16xi32>,
    tpu.vector_store %arg16[%swap3A_934], %add3A_933 {strides = array<i32>} : memref<128xi32, #tpu.memory_space<vmem>>, vector<16xi32>,
    %get3A_936 = arith.constant 144 : index
    %get3A_937 = tpu.vector_load %arg17[%get3A_936] {strides = array<i32>} : memref<512xi32, #tpu.memory_space<vmem>>, vector<16xi32>,
    %mul3A_938 = arith.constant 4 : i32
    %mul3A_939 = vector.broadcast %mul3A_938 : i32 to vector<16xi32>
    %mul3A_940 = arith.muli %get3A_937, %mul3A_939 : vector<16xi32>
    %add3A_941 = arith.constant 0 : i32
    %add3A_942 = vector.broadcast %add3A_941 : i32 to vector<16xi32>
    %add3A_943 = arith.addi %mul3A_940, %add3A_942 : vector<16xi32>
    %swap3A_944 = arith.constant 16 : index
    %swap3A_945 = tpu.vector_load %arg16[%swap3A_944] {strides = array<i32>} : memref<128xi32, #tpu.memory_space<vmem>>, vector<16xi32>,
    tpu.vector_store %arg16[%swap3A_944], %add3A_943 {strides = array<i32>} : memref<128xi32, #tpu.memory_space<vmem>>, vector<16xi32>,
    %get3A_946 = arith.constant 128 : index
    %get3A_947 = tpu.vector_load %arg17[%get3A_946] {strides = array<i32>} : memref<512xi32, #tpu.memory_space<vmem>>, vector<16xi32>,
    %mul3A_948 = arith.constant 4 : i32
    %mul3A_949 = vector.broadcast %mul3A_948 : i32 to vector<16xi32>
    %mul3A_950 = arith.muli %get3A_947, %mul3A_949 : vector<16xi32>
    %add3A_951 = arith.constant 1 : i32
    %add3A_952 = vector.broadcast %add3A_951 : i32 to vector<16xi32>
    %add3A_953 = arith.addi %mul3A_950, %add3A_952 : vector<16xi32>
    %swap3A_954 = arith.constant 32 : index
    %swap3A_955 = tpu.vector_load %arg16[%swap3A_954] {strides = array<i32>} : memref<128xi32, #tpu.memory_space<vmem>>, vector<16xi32>,
    tpu.vector_store %arg16[%swap3A_954], %add3A_953 {strides = array<i32>} : memref<128xi32, #tpu.memory_space<vmem>>, vector<16xi32>,
    %get3A_956 = arith.constant 144 : index
    %get3A_957 = tpu.vector_load %arg17[%get3A_956] {strides = array<i32>} : memref<512xi32, #tpu.memory_space<vmem>>, vector<16xi32>,
    %mul3A_958 = arith.constant 4 : i32
    %mul3A_959 = vector.broadcast %mul3A_958 : i32 to vector<16xi32>
    %mul3A_960 = arith.muli %get3A_957, %mul3A_959 : vector<16xi32>
    %add3A_961 = arith.constant 1 : i32
    %add3A_962 = vector.broadcast %add3A_961 : i32 to vector<16xi32>
    %add3A_963 = arith.addi %mul3A_960, %add3A_962 : vector<16xi32>
    %swap3A_964 = arith.constant 48 : index
    %swap3A_965 = tpu.vector_load %arg16[%swap3A_964] {strides = array<i32>} : memref<128xi32, #tpu.memory_space<vmem>>, vector<16xi32>,
    tpu.vector_store %arg16[%swap3A_964], %add3A_963 {strides = array<i32>} : memref<128xi32, #tpu.memory_space<vmem>>, vector<16xi32>,
    %get3A_966 = arith.constant 128 : index
    %get3A_967 = tpu.vector_load %arg17[%get3A_966] {strides = array<i32>} : memref<512xi32, #tpu.memory_space<vmem>>, vector<16xi32>,
    %mul3A_968 = arith.constant 4 : i32
    %mul3A_969 = vector.broadcast %mul3A_968 : i32 to vector<16xi32>
    %mul3A_970 = arith.muli %get3A_967, %mul3A_969 : vector<16xi32>
    %add3A_971 = arith.constant 2 : i32
    %add3A_972 = vector.broadcast %add3A_971 : i32 to vector<16xi32>
    %add3A_973 = arith.addi %mul3A_970, %add3A_972 : vector<16xi32>
    %swap3A_974 = arith.constant 64 : index
    %swap3A_975 = tpu.vector_load %arg16[%swap3A_974] {strides = array<i32>} : memref<128xi32, #tpu.memory_space<vmem>>, vector<16xi32>,
    tpu.vector_store %arg16[%swap3A_974], %add3A_973 {strides = array<i32>} : memref<128xi32, #tpu.memory_space<vmem>>, vector<16xi32>,
    %get3A_976 = arith.constant 144 : index
    %get3A_977 = tpu.vector_load %arg17[%get3A_976] {strides = array<i32>} : memref<512xi32, #tpu.memory_space<vmem>>, vector<16xi32>,
    %mul3A_978 = arith.constant 4 : i32
    %mul3A_979 = vector.broadcast %mul3A_978 : i32 to vector<16xi32>
    %mul3A_980 = arith.muli %get3A_977, %mul3A_979 : vector<16xi32>
    %add3A_981 = arith.constant 2 : i32
    %add3A_982 = vector.broadcast %add3A_981 : i32 to vector<16xi32>
    %add3A_983 = arith.addi %mul3A_980, %add3A_982 : vector<16xi32>
    %swap3A_984 = arith.constant 80 : index
    %swap3A_985 = tpu.vector_load %arg16[%swap3A_984] {strides = array<i32>} : memref<128xi32, #tpu.memory_space<vmem>>, vector<16xi32>,
    tpu.vector_store %arg16[%swap3A_984], %add3A_983 {strides = array<i32>} : memref<128xi32, #tpu.memory_space<vmem>>, vector<16xi32>,
    %get3A_986 = arith.constant 128 : index
    %get3A_987 = tpu.vector_load %arg17[%get3A_986] {strides = array<i32>} : memref<512xi32, #tpu.memory_space<vmem>>, vector<16xi32>,
    %mul3A_988 = arith.constant 4 : i32
    %mul3A_989 = vector.broadcast %mul3A_988 : i32 to vector<16xi32>
    %mul3A_990 = arith.muli %get3A_987, %mul3A_989 : vector<16xi32>
    %add3A_991 = arith.constant 3 : i32
    %add3A_992 = vector.broadcast %add3A_991 : i32 to vector<16xi32>
    %add3A_993 = arith.addi %mul3A_990, %add3A_992 : vector<16xi32>
    %swap3A_994 = arith.constant 96 : index
    %swap3A_995 = tpu.vector_load %arg16[%swap3A_994] {strides = array<i32>} : memref<128xi32, #tpu.memory_space<vmem>>, vector<16xi32>,
    tpu.vector_store %arg16[%swap3A_994], %add3A_993 {strides = array<i32>} : memref<128xi32, #tpu.memory_space<vmem>>, vector<16xi32>,
    %get3A_996 = arith.constant 144 : index
    %get3A_997 = tpu.vector_load %arg17[%get3A_996] {strides = array<i32>} : memref<512xi32, #tpu.memory_space<vmem>>, vector<16xi32>,
    %mul3A_998 = arith.constant 4 : i32
    %mul3A_999 = vector.broadcast %mul3A_998 : i32 to vector<16xi32>
    %mul3A_1000 = arith.muli %get3A_997, %mul3A_999 : vector<16xi32>
    %add3A_1001 = arith.constant 3 : i32
    %add3A_1002 = vector.broadcast %add3A_1001 : i32 to vector<16xi32>
    %add3A_1003 = arith.addi %mul3A_1000, %add3A_1002 : vector<16xi32>
    %swap3A_1004 = arith.constant 112 : index
    %swap3A_1005 = tpu.vector_load %arg16[%swap3A_1004] {strides = array<i32>} : memref<128xi32, #tpu.memory_space<vmem>>, vector<16xi32>,
    tpu.vector_store %arg16[%swap3A_1004], %add3A_1003 {strides = array<i32>} : memref<128xi32, #tpu.memory_space<vmem>>, vector<16xi32>,
    %dma_start3A_1006 = arith.constant 0 : i32
    %dma_start3A_1007 = arith.constant 0 : i32
    %dma_start3A_1008 = tpu.memref_slice %arg6[%dma_start3A_1006, %dma_start3A_1007] : memref<4096x128xf32, #tpu.memory_space<vmem_shared>> -> memref<4096x128xf32, #tpu.memory_space<vmem_shared>>
    tpu.enqueue_indirect_dma source(%arg11 : memref<128x128xf32, #tpu.memory_space<vmem>>) target(%dma_start3A_1008 : memref<4096x128xf32, #tpu.memory_space<vmem_shared>>) offsets(%arg16 : memref<128xi32, #tpu.memory_space<vmem>>) semaphore(%arg28 : memref<!tpu.dma_semaphore, #tpu.memory_space<semaphore_mem>>) {add = true}
    %scan3A_1009 = arith.constant 0 : i32
    %scan3A_1010 = arith.constant 128 : i32
    %scan3A_1011 = arith.addi %scan3A_1009, %scan3A_1010 : i32
    %scan3A_1012 = arith.constant 1 : i32
    %scan3A_1013:8 = scf.for %scan3A_2927 = %scan3A_1009 to %scan3A_1011 step %scan3A_1012 iter_args(%scan3A_2928 = %scan3A_833#0, %scan3A_2929 = %scan3A_833#1, %scan3A_2930 = %scan3A_833#2, %scan3A_2931 = %scan3A_833#3, %scan3A_2932 = %scan3A_833#4, %scan3A_2933 = %scan3A_833#5, %scan3A_2934 = %scan3A_833#6, %scan3A_2935 = %scan3A_833#7) -> (vector<16xf32>, vector<16xf32>, vector<16xf32>, vector<16xf32>, vector<16xf32>, vector<16xf32>, vector<16xf32>, vector<16xf32>)  : i32 {
      %get3A_2936 = arith.index_cast %scan3A_2927 : i32 to index
      %get3A_2937 = arith.constant 0 : index
      %get3A_2938 = tpu.vector_load %arg11[%get3A_2936, %get3A_2937] {strides = array<i32>} : memref<128x128xf32, #tpu.memory_space<vmem>>, vector<16xf32>,
      %mul3A_2939 = arith.mulf %get3A_2938, %get3A_2938 : vector<16xf32>
      %add3A_2940 = arith.addf %scan3A_2928, %mul3A_2939 : vector<16xf32>
      %get3A_2941 = arith.index_cast %scan3A_2927 : i32 to index
      %get3A_2942 = arith.constant 16 : index
      %get3A_2943 = tpu.vector_load %arg11[%get3A_2941, %get3A_2942] {strides = array<i32>} : memref<128x128xf32, #tpu.memory_space<vmem>>, vector<16xf32>,
      %mul3A_2944 = arith.mulf %get3A_2943, %get3A_2943 : vector<16xf32>
      %add3A_2945 = arith.addf %scan3A_2929, %mul3A_2944 : vector<16xf32>
      %get3A_2946 = arith.index_cast %scan3A_2927 : i32 to index
      %get3A_2947 = arith.constant 32 : index
      %get3A_2948 = tpu.vector_load %arg11[%get3A_2946, %get3A_2947] {strides = array<i32>} : memref<128x128xf32, #tpu.memory_space<vmem>>, vector<16xf32>,
      %mul3A_2949 = arith.mulf %get3A_2948, %get3A_2948 : vector<16xf32>
      %add3A_2950 = arith.addf %scan3A_2930, %mul3A_2949 : vector<16xf32>
      %get3A_2951 = arith.index_cast %scan3A_2927 : i32 to index
      %get3A_2952 = arith.constant 48 : index
      %get3A_2953 = tpu.vector_load %arg11[%get3A_2951, %get3A_2952] {strides = array<i32>} : memref<128x128xf32, #tpu.memory_space<vmem>>, vector<16xf32>,
      %mul3A_2954 = arith.mulf %get3A_2953, %get3A_2953 : vector<16xf32>
      %add3A_2955 = arith.addf %scan3A_2931, %mul3A_2954 : vector<16xf32>
      %get3A_2956 = arith.index_cast %scan3A_2927 : i32 to index
      %get3A_2957 = arith.constant 64 : index
      %get3A_2958 = tpu.vector_load %arg11[%get3A_2956, %get3A_2957] {strides = array<i32>} : memref<128x128xf32, #tpu.memory_space<vmem>>, vector<16xf32>,
      %mul3A_2959 = arith.mulf %get3A_2958, %get3A_2958 : vector<16xf32>
      %add3A_2960 = arith.addf %scan3A_2932, %mul3A_2959 : vector<16xf32>
      %get3A_2961 = arith.index_cast %scan3A_2927 : i32 to index
      %get3A_2962 = arith.constant 80 : index
      %get3A_2963 = tpu.vector_load %arg11[%get3A_2961, %get3A_2962] {strides = array<i32>} : memref<128x128xf32, #tpu.memory_space<vmem>>, vector<16xf32>,
      %mul3A_2964 = arith.mulf %get3A_2963, %get3A_2963 : vector<16xf32>
      %add3A_2965 = arith.addf %scan3A_2933, %mul3A_2964 : vector<16xf32>
      %get3A_2966 = arith.index_cast %scan3A_2927 : i32 to index
      %get3A_2967 = arith.constant 96 : index
      %get3A_2968 = tpu.vector_load %arg11[%get3A_2966, %get3A_2967] {strides = array<i32>} : memref<128x128xf32, #tpu.memory_space<vmem>>, vector<16xf32>,
      %mul3A_2969 = arith.mulf %get3A_2968, %get3A_2968 : vector<16xf32>
      %add3A_2970 = arith.addf %scan3A_2934, %mul3A_2969 : vector<16xf32>
      %get3A_2971 = arith.index_cast %scan3A_2927 : i32 to index
      %get3A_2972 = arith.constant 112 : index
      %get3A_2973 = tpu.vector_load %arg11[%get3A_2971, %get3A_2972] {strides = array<i32>} : memref<128x128xf32, #tpu.memory_space<vmem>>, vector<16xf32>,
      %mul3A_2974 = arith.mulf %get3A_2973, %get3A_2973 : vector<16xf32>
      %add3A_2975 = arith.addf %scan3A_2935, %mul3A_2974 : vector<16xf32>
      scf.yield %add3A_2940, %add3A_2945, %add3A_2950, %add3A_2955, %add3A_2960, %add3A_2965, %add3A_2970, %add3A_2975 : vector<16xf32>, vector<16xf32>, vector<16xf32>, vector<16xf32>, vector<16xf32>, vector<16xf32>, vector<16xf32>, vector<16xf32>
    }
    %scan3A_1014 = arith.constant 128 : i32
    %dma_wait3A_1015 = arith.constant 0 : i32
    %dma_wait3A_1016 = arith.constant 0 : i32
    %dma_wait3A_1017 = tpu.memref_slice %arg6[%dma_wait3A_1015, %dma_wait3A_1016] : memref<4096x128xf32, #tpu.memory_space<vmem_shared>> -> memref<4096x128xf32, #tpu.memory_space<vmem_shared>>
    tpu.wait_indirect_dma semaphore(%arg26 : memref<!tpu.dma_semaphore, #tpu.memory_space<semaphore_mem>>) src(%arg9 : memref<128x128xf32, #tpu.memory_space<vmem>>) dst(%dma_wait3A_1017 : memref<4096x128xf32, #tpu.memory_space<vmem_shared>>)
    %add3A_1018 = arith.constant 224 : i32
    %add3A_1019 = arith.addi %mul3A_16, %add3A_1018 : i32
    %dma_start3A_1020 = arith.constant 0 : i32
    %dma_start3A_1021 = arith.constant 0 : i32
    %dma_start3A_1022 = tpu.memref_slice %arg9[%dma_start3A_1020, %dma_start3A_1021] : memref<128x128xf32, #tpu.memory_space<vmem>> -> memref<32x128xf32, #tpu.memory_space<vmem>>
    %dma_start3A_1023 = arith.constant 0 : i32
    %dma_start3A_1024 = tpu.memref_slice %arg2[%add3A_1019, %dma_start3A_1023] : memref<16384x512xf32, #tpu.memory_space<hbm>> -> memref<32x128xf32, #tpu.memory_space<hbm>>
    %dma_start3A_1025 = arith.constant 0 : i32
    %dma_start3A_1026 = arith.constant 0 : i32
    %dma_start3A_1027 = tpu.memref_slice %arg9[%dma_start3A_1025, %dma_start3A_1026] : memref<128x128xf32, #tpu.memory_space<vmem>> -> memref<32x128xf32, #tpu.memory_space<vmem>>
    %dma_start3A_1028 = arith.constant 0 : i32
    %dma_start3A_1029 = tpu.memref_slice %arg2[%add3A_1019, %dma_start3A_1028] : memref<16384x512xf32, #tpu.memory_space<hbm>> -> memref<32x128xf32, #tpu.memory_space<hbm>>
    tpu.enqueue_dma source(%dma_start3A_1029 : memref<32x128xf32, #tpu.memory_space<hbm>>) target(%dma_start3A_1027 : memref<32x128xf32, #tpu.memory_space<vmem>>) target_semaphore(%arg21 : memref<!tpu.dma_semaphore, #tpu.memory_space<semaphore_mem>>)
    %add3A_1030 = arith.constant 224 : i32
    %add3A_1031 = arith.addi %mul3A_16, %add3A_1030 : i32
    %dma_start3A_1032 = arith.constant 32 : i32
    %dma_start3A_1033 = arith.constant 0 : i32
    %dma_start3A_1034 = tpu.memref_slice %arg9[%dma_start3A_1032, %dma_start3A_1033] : memref<128x128xf32, #tpu.memory_space<vmem>> -> memref<32x128xf32, #tpu.memory_space<vmem>>
    %dma_start3A_1035 = arith.constant 128 : i32
    %dma_start3A_1036 = tpu.memref_slice %arg2[%add3A_1031, %dma_start3A_1035] : memref<16384x512xf32, #tpu.memory_space<hbm>> -> memref<32x128xf32, #tpu.memory_space<hbm>>
    %dma_start3A_1037 = arith.constant 32 : i32
    %dma_start3A_1038 = arith.constant 0 : i32
    %dma_start3A_1039 = tpu.memref_slice %arg9[%dma_start3A_1037, %dma_start3A_1038] : memref<128x128xf32, #tpu.memory_space<vmem>> -> memref<32x128xf32, #tpu.memory_space<vmem>>
    %dma_start3A_1040 = arith.constant 128 : i32
    %dma_start3A_1041 = tpu.memref_slice %arg2[%add3A_1031, %dma_start3A_1040] : memref<16384x512xf32, #tpu.memory_space<hbm>> -> memref<32x128xf32, #tpu.memory_space<hbm>>
    tpu.enqueue_dma source(%dma_start3A_1041 : memref<32x128xf32, #tpu.memory_space<hbm>>) target(%dma_start3A_1039 : memref<32x128xf32, #tpu.memory_space<vmem>>) target_semaphore(%arg21 : memref<!tpu.dma_semaphore, #tpu.memory_space<semaphore_mem>>)
    %add3A_1042 = arith.constant 224 : i32
    %add3A_1043 = arith.addi %mul3A_16, %add3A_1042 : i32
    %dma_start3A_1044 = arith.constant 64 : i32
    %dma_start3A_1045 = arith.constant 0 : i32
    %dma_start3A_1046 = tpu.memref_slice %arg9[%dma_start3A_1044, %dma_start3A_1045] : memref<128x128xf32, #tpu.memory_space<vmem>> -> memref<32x128xf32, #tpu.memory_space<vmem>>
    %dma_start3A_1047 = arith.constant 256 : i32
    %dma_start3A_1048 = tpu.memref_slice %arg2[%add3A_1043, %dma_start3A_1047] : memref<16384x512xf32, #tpu.memory_space<hbm>> -> memref<32x128xf32, #tpu.memory_space<hbm>>
    %dma_start3A_1049 = arith.constant 64 : i32
    %dma_start3A_1050 = arith.constant 0 : i32
    %dma_start3A_1051 = tpu.memref_slice %arg9[%dma_start3A_1049, %dma_start3A_1050] : memref<128x128xf32, #tpu.memory_space<vmem>> -> memref<32x128xf32, #tpu.memory_space<vmem>>
    %dma_start3A_1052 = arith.constant 256 : i32
    %dma_start3A_1053 = tpu.memref_slice %arg2[%add3A_1043, %dma_start3A_1052] : memref<16384x512xf32, #tpu.memory_space<hbm>> -> memref<32x128xf32, #tpu.memory_space<hbm>>
    tpu.enqueue_dma source(%dma_start3A_1053 : memref<32x128xf32, #tpu.memory_space<hbm>>) target(%dma_start3A_1051 : memref<32x128xf32, #tpu.memory_space<vmem>>) target_semaphore(%arg21 : memref<!tpu.dma_semaphore, #tpu.memory_space<semaphore_mem>>)
    %add3A_1054 = arith.constant 224 : i32
    %add3A_1055 = arith.addi %mul3A_16, %add3A_1054 : i32
    %dma_start3A_1056 = arith.constant 96 : i32
    %dma_start3A_1057 = arith.constant 0 : i32
    %dma_start3A_1058 = tpu.memref_slice %arg9[%dma_start3A_1056, %dma_start3A_1057] : memref<128x128xf32, #tpu.memory_space<vmem>> -> memref<32x128xf32, #tpu.memory_space<vmem>>
    %dma_start3A_1059 = arith.constant 384 : i32
    %dma_start3A_1060 = tpu.memref_slice %arg2[%add3A_1055, %dma_start3A_1059] : memref<16384x512xf32, #tpu.memory_space<hbm>> -> memref<32x128xf32, #tpu.memory_space<hbm>>
    %dma_start3A_1061 = arith.constant 96 : i32
    %dma_start3A_1062 = arith.constant 0 : i32
    %dma_start3A_1063 = tpu.memref_slice %arg9[%dma_start3A_1061, %dma_start3A_1062] : memref<128x128xf32, #tpu.memory_space<vmem>> -> memref<32x128xf32, #tpu.memory_space<vmem>>
    %dma_start3A_1064 = arith.constant 384 : i32
    %dma_start3A_1065 = tpu.memref_slice %arg2[%add3A_1055, %dma_start3A_1064] : memref<16384x512xf32, #tpu.memory_space<hbm>> -> memref<32x128xf32, #tpu.memory_space<hbm>>
    tpu.enqueue_dma source(%dma_start3A_1065 : memref<32x128xf32, #tpu.memory_space<hbm>>) target(%dma_start3A_1063 : memref<32x128xf32, #tpu.memory_space<vmem>>) target_semaphore(%arg21 : memref<!tpu.dma_semaphore, #tpu.memory_space<semaphore_mem>>)
    %dma_wait3A_1066 = arith.constant 0 : i32
    %dma_wait3A_1067 = arith.constant 0 : i32
    %dma_wait3A_1068 = tpu.memref_slice %arg7[%dma_wait3A_1066, %dma_wait3A_1067] : memref<128x128xf32, #tpu.memory_space<vmem>> -> memref<32x128xf32, #tpu.memory_space<vmem>>
    %dma_wait3A_1069 = arith.constant 0 : i32
    %dma_wait3A_1070 = tpu.memref_slice %arg2[%add3A_659, %dma_wait3A_1069] : memref<16384x512xf32, #tpu.memory_space<hbm>> -> memref<32x128xf32, #tpu.memory_space<hbm>>
    %dma_wait3A_1071 = arith.constant 0 : i32
    %dma_wait3A_1072 = arith.constant 0 : i32
    %dma_wait3A_1073 = tpu.memref_slice %arg7[%dma_wait3A_1071, %dma_wait3A_1072] : memref<128x128xf32, #tpu.memory_space<vmem>> -> memref<32x128xf32, #tpu.memory_space<vmem>>
    %dma_wait3A_1074 = arith.constant 0 : i32
    %dma_wait3A_1075 = tpu.memref_slice %arg2[%add3A_659, %dma_wait3A_1074] : memref<16384x512xf32, #tpu.memory_space<hbm>> -> memref<32x128xf32, #tpu.memory_space<hbm>>
    tpu.wait_dma2 semaphore(%arg19 : memref<!tpu.dma_semaphore, #tpu.memory_space<semaphore_mem>>) src(%dma_wait3A_1075 : memref<32x128xf32, #tpu.memory_space<hbm>>) dst(%dma_wait3A_1073 : memref<32x128xf32, #tpu.memory_space<vmem>>)
    %dma_wait3A_1076 = arith.constant 32 : i32
    %dma_wait3A_1077 = arith.constant 0 : i32
    %dma_wait3A_1078 = tpu.memref_slice %arg7[%dma_wait3A_1076, %dma_wait3A_1077] : memref<128x128xf32, #tpu.memory_space<vmem>> -> memref<32x128xf32, #tpu.memory_space<vmem>>
    %dma_wait3A_1079 = arith.constant 128 : i32
    %dma_wait3A_1080 = tpu.memref_slice %arg2[%add3A_671, %dma_wait3A_1079] : memref<16384x512xf32, #tpu.memory_space<hbm>> -> memref<32x128xf32, #tpu.memory_space<hbm>>
    %dma_wait3A_1081 = arith.constant 32 : i32
    %dma_wait3A_1082 = arith.constant 0 : i32
    %dma_wait3A_1083 = tpu.memref_slice %arg7[%dma_wait3A_1081, %dma_wait3A_1082] : memref<128x128xf32, #tpu.memory_space<vmem>> -> memref<32x128xf32, #tpu.memory_space<vmem>>
    %dma_wait3A_1084 = arith.constant 128 : i32
    %dma_wait3A_1085 = tpu.memref_slice %arg2[%add3A_671, %dma_wait3A_1084] : memref<16384x512xf32, #tpu.memory_space<hbm>> -> memref<32x128xf32, #tpu.memory_space<hbm>>
    tpu.wait_dma2 semaphore(%arg19 : memref<!tpu.dma_semaphore, #tpu.memory_space<semaphore_mem>>) src(%dma_wait3A_1085 : memref<32x128xf32, #tpu.memory_space<hbm>>) dst(%dma_wait3A_1083 : memref<32x128xf32, #tpu.memory_space<vmem>>)
    %dma_wait3A_1086 = arith.constant 64 : i32
    %dma_wait3A_1087 = arith.constant 0 : i32
    %dma_wait3A_1088 = tpu.memref_slice %arg7[%dma_wait3A_1086, %dma_wait3A_1087] : memref<128x128xf32, #tpu.memory_space<vmem>> -> memref<32x128xf32, #tpu.memory_space<vmem>>
    %dma_wait3A_1089 = arith.constant 256 : i32
    %dma_wait3A_1090 = tpu.memref_slice %arg2[%add3A_683, %dma_wait3A_1089] : memref<16384x512xf32, #tpu.memory_space<hbm>> -> memref<32x128xf32, #tpu.memory_space<hbm>>
    %dma_wait3A_1091 = arith.constant 64 : i32
    %dma_wait3A_1092 = arith.constant 0 : i32
    %dma_wait3A_1093 = tpu.memref_slice %arg7[%dma_wait3A_1091, %dma_wait3A_1092] : memref<128x128xf32, #tpu.memory_space<vmem>> -> memref<32x128xf32, #tpu.memory_space<vmem>>
    %dma_wait3A_1094 = arith.constant 256 : i32
    %dma_wait3A_1095 = tpu.memref_slice %arg2[%add3A_683, %dma_wait3A_1094] : memref<16384x512xf32, #tpu.memory_space<hbm>> -> memref<32x128xf32, #tpu.memory_space<hbm>>
    tpu.wait_dma2 semaphore(%arg19 : memref<!tpu.dma_semaphore, #tpu.memory_space<semaphore_mem>>) src(%dma_wait3A_1095 : memref<32x128xf32, #tpu.memory_space<hbm>>) dst(%dma_wait3A_1093 : memref<32x128xf32, #tpu.memory_space<vmem>>)
    %dma_wait3A_1096 = arith.constant 96 : i32
    %dma_wait3A_1097 = arith.constant 0 : i32
    %dma_wait3A_1098 = tpu.memref_slice %arg7[%dma_wait3A_1096, %dma_wait3A_1097] : memref<128x128xf32, #tpu.memory_space<vmem>> -> memref<32x128xf32, #tpu.memory_space<vmem>>
    %dma_wait3A_1099 = arith.constant 384 : i32
    %dma_wait3A_1100 = tpu.memref_slice %arg2[%add3A_695, %dma_wait3A_1099] : memref<16384x512xf32, #tpu.memory_space<hbm>> -> memref<32x128xf32, #tpu.memory_space<hbm>>
    %dma_wait3A_1101 = arith.constant 96 : i32
    %dma_wait3A_1102 = arith.constant 0 : i32
    %dma_wait3A_1103 = tpu.memref_slice %arg7[%dma_wait3A_1101, %dma_wait3A_1102] : memref<128x128xf32, #tpu.memory_space<vmem>> -> memref<32x128xf32, #tpu.memory_space<vmem>>
    %dma_wait3A_1104 = arith.constant 384 : i32
    %dma_wait3A_1105 = tpu.memref_slice %arg2[%add3A_695, %dma_wait3A_1104] : memref<16384x512xf32, #tpu.memory_space<hbm>> -> memref<32x128xf32, #tpu.memory_space<hbm>>
    tpu.wait_dma2 semaphore(%arg19 : memref<!tpu.dma_semaphore, #tpu.memory_space<semaphore_mem>>) src(%dma_wait3A_1105 : memref<32x128xf32, #tpu.memory_space<hbm>>) dst(%dma_wait3A_1103 : memref<32x128xf32, #tpu.memory_space<vmem>>)
    %get3A_1106 = arith.constant 160 : index
    %get3A_1107 = tpu.vector_load %arg17[%get3A_1106] {strides = array<i32>} : memref<512xi32, #tpu.memory_space<vmem>>, vector<16xi32>,
    %mul3A_1108 = arith.constant 4 : i32
    %mul3A_1109 = vector.broadcast %mul3A_1108 : i32 to vector<16xi32>
    %mul3A_1110 = arith.muli %get3A_1107, %mul3A_1109 : vector<16xi32>
    %add3A_1111 = arith.constant 0 : i32
    %add3A_1112 = vector.broadcast %add3A_1111 : i32 to vector<16xi32>
    %add3A_1113 = arith.addi %mul3A_1110, %add3A_1112 : vector<16xi32>
    %swap3A_1114 = arith.constant 0 : index
    %swap3A_1115 = tpu.vector_load %arg12[%swap3A_1114] {strides = array<i32>} : memref<128xi32, #tpu.memory_space<vmem>>, vector<16xi32>,
    tpu.vector_store %arg12[%swap3A_1114], %add3A_1113 {strides = array<i32>} : memref<128xi32, #tpu.memory_space<vmem>>, vector<16xi32>,
    %get3A_1116 = arith.constant 176 : index
    %get3A_1117 = tpu.vector_load %arg17[%get3A_1116] {strides = array<i32>} : memref<512xi32, #tpu.memory_space<vmem>>, vector<16xi32>,
    %mul3A_1118 = arith.constant 4 : i32
    %mul3A_1119 = vector.broadcast %mul3A_1118 : i32 to vector<16xi32>
    %mul3A_1120 = arith.muli %get3A_1117, %mul3A_1119 : vector<16xi32>
    %add3A_1121 = arith.constant 0 : i32
    %add3A_1122 = vector.broadcast %add3A_1121 : i32 to vector<16xi32>
    %add3A_1123 = arith.addi %mul3A_1120, %add3A_1122 : vector<16xi32>
    %swap3A_1124 = arith.constant 16 : index
    %swap3A_1125 = tpu.vector_load %arg12[%swap3A_1124] {strides = array<i32>} : memref<128xi32, #tpu.memory_space<vmem>>, vector<16xi32>,
    tpu.vector_store %arg12[%swap3A_1124], %add3A_1123 {strides = array<i32>} : memref<128xi32, #tpu.memory_space<vmem>>, vector<16xi32>,
    %get3A_1126 = arith.constant 160 : index
    %get3A_1127 = tpu.vector_load %arg17[%get3A_1126] {strides = array<i32>} : memref<512xi32, #tpu.memory_space<vmem>>, vector<16xi32>,
    %mul3A_1128 = arith.constant 4 : i32
    %mul3A_1129 = vector.broadcast %mul3A_1128 : i32 to vector<16xi32>
    %mul3A_1130 = arith.muli %get3A_1127, %mul3A_1129 : vector<16xi32>
    %add3A_1131 = arith.constant 1 : i32
    %add3A_1132 = vector.broadcast %add3A_1131 : i32 to vector<16xi32>
    %add3A_1133 = arith.addi %mul3A_1130, %add3A_1132 : vector<16xi32>
    %swap3A_1134 = arith.constant 32 : index
    %swap3A_1135 = tpu.vector_load %arg12[%swap3A_1134] {strides = array<i32>} : memref<128xi32, #tpu.memory_space<vmem>>, vector<16xi32>,
    tpu.vector_store %arg12[%swap3A_1134], %add3A_1133 {strides = array<i32>} : memref<128xi32, #tpu.memory_space<vmem>>, vector<16xi32>,
    %get3A_1136 = arith.constant 176 : index
    %get3A_1137 = tpu.vector_load %arg17[%get3A_1136] {strides = array<i32>} : memref<512xi32, #tpu.memory_space<vmem>>, vector<16xi32>,
    %mul3A_1138 = arith.constant 4 : i32
    %mul3A_1139 = vector.broadcast %mul3A_1138 : i32 to vector<16xi32>
    %mul3A_1140 = arith.muli %get3A_1137, %mul3A_1139 : vector<16xi32>
    %add3A_1141 = arith.constant 1 : i32
    %add3A_1142 = vector.broadcast %add3A_1141 : i32 to vector<16xi32>
    %add3A_1143 = arith.addi %mul3A_1140, %add3A_1142 : vector<16xi32>
    %swap3A_1144 = arith.constant 48 : index
    %swap3A_1145 = tpu.vector_load %arg12[%swap3A_1144] {strides = array<i32>} : memref<128xi32, #tpu.memory_space<vmem>>, vector<16xi32>,
    tpu.vector_store %arg12[%swap3A_1144], %add3A_1143 {strides = array<i32>} : memref<128xi32, #tpu.memory_space<vmem>>, vector<16xi32>,
    %get3A_1146 = arith.constant 160 : index
    %get3A_1147 = tpu.vector_load %arg17[%get3A_1146] {strides = array<i32>} : memref<512xi32, #tpu.memory_space<vmem>>, vector<16xi32>,
    %mul3A_1148 = arith.constant 4 : i32
    %mul3A_1149 = vector.broadcast %mul3A_1148 : i32 to vector<16xi32>
    %mul3A_1150 = arith.muli %get3A_1147, %mul3A_1149 : vector<16xi32>
    %add3A_1151 = arith.constant 2 : i32
    %add3A_1152 = vector.broadcast %add3A_1151 : i32 to vector<16xi32>
    %add3A_1153 = arith.addi %mul3A_1150, %add3A_1152 : vector<16xi32>
    %swap3A_1154 = arith.constant 64 : index
    %swap3A_1155 = tpu.vector_load %arg12[%swap3A_1154] {strides = array<i32>} : memref<128xi32, #tpu.memory_space<vmem>>, vector<16xi32>,
    tpu.vector_store %arg12[%swap3A_1154], %add3A_1153 {strides = array<i32>} : memref<128xi32, #tpu.memory_space<vmem>>, vector<16xi32>,
    %get3A_1156 = arith.constant 176 : index
    %get3A_1157 = tpu.vector_load %arg17[%get3A_1156] {strides = array<i32>} : memref<512xi32, #tpu.memory_space<vmem>>, vector<16xi32>,
    %mul3A_1158 = arith.constant 4 : i32
    %mul3A_1159 = vector.broadcast %mul3A_1158 : i32 to vector<16xi32>
    %mul3A_1160 = arith.muli %get3A_1157, %mul3A_1159 : vector<16xi32>
    %add3A_1161 = arith.constant 2 : i32
    %add3A_1162 = vector.broadcast %add3A_1161 : i32 to vector<16xi32>
    %add3A_1163 = arith.addi %mul3A_1160, %add3A_1162 : vector<16xi32>
    %swap3A_1164 = arith.constant 80 : index
    %swap3A_1165 = tpu.vector_load %arg12[%swap3A_1164] {strides = array<i32>} : memref<128xi32, #tpu.memory_space<vmem>>, vector<16xi32>,
    tpu.vector_store %arg12[%swap3A_1164], %add3A_1163 {strides = array<i32>} : memref<128xi32, #tpu.memory_space<vmem>>, vector<16xi32>,
    %get3A_1166 = arith.constant 160 : index
    %get3A_1167 = tpu.vector_load %arg17[%get3A_1166] {strides = array<i32>} : memref<512xi32, #tpu.memory_space<vmem>>, vector<16xi32>,
    %mul3A_1168 = arith.constant 4 : i32
    %mul3A_1169 = vector.broadcast %mul3A_1168 : i32 to vector<16xi32>
    %mul3A_1170 = arith.muli %get3A_1167, %mul3A_1169 : vector<16xi32>
    %add3A_1171 = arith.constant 3 : i32
    %add3A_1172 = vector.broadcast %add3A_1171 : i32 to vector<16xi32>
    %add3A_1173 = arith.addi %mul3A_1170, %add3A_1172 : vector<16xi32>
    %swap3A_1174 = arith.constant 96 : index
    %swap3A_1175 = tpu.vector_load %arg12[%swap3A_1174] {strides = array<i32>} : memref<128xi32, #tpu.memory_space<vmem>>, vector<16xi32>,
    tpu.vector_store %arg12[%swap3A_1174], %add3A_1173 {strides = array<i32>} : memref<128xi32, #tpu.memory_space<vmem>>, vector<16xi32>,
    %get3A_1176 = arith.constant 176 : index
    %get3A_1177 = tpu.vector_load %arg17[%get3A_1176] {strides = array<i32>} : memref<512xi32, #tpu.memory_space<vmem>>, vector<16xi32>,
    %mul3A_1178 = arith.constant 4 : i32
    %mul3A_1179 = vector.broadcast %mul3A_1178 : i32 to vector<16xi32>
    %mul3A_1180 = arith.muli %get3A_1177, %mul3A_1179 : vector<16xi32>
    %add3A_1181 = arith.constant 3 : i32
    %add3A_1182 = vector.broadcast %add3A_1181 : i32 to vector<16xi32>
    %add3A_1183 = arith.addi %mul3A_1180, %add3A_1182 : vector<16xi32>
    %swap3A_1184 = arith.constant 112 : index
    %swap3A_1185 = tpu.vector_load %arg12[%swap3A_1184] {strides = array<i32>} : memref<128xi32, #tpu.memory_space<vmem>>, vector<16xi32>,
    tpu.vector_store %arg12[%swap3A_1184], %add3A_1183 {strides = array<i32>} : memref<128xi32, #tpu.memory_space<vmem>>, vector<16xi32>,
    %dma_start3A_1186 = arith.constant 0 : i32
    %dma_start3A_1187 = arith.constant 0 : i32
    %dma_start3A_1188 = tpu.memref_slice %arg6[%dma_start3A_1186, %dma_start3A_1187] : memref<4096x128xf32, #tpu.memory_space<vmem_shared>> -> memref<4096x128xf32, #tpu.memory_space<vmem_shared>>
    tpu.enqueue_indirect_dma source(%arg7 : memref<128x128xf32, #tpu.memory_space<vmem>>) target(%dma_start3A_1188 : memref<4096x128xf32, #tpu.memory_space<vmem_shared>>) offsets(%arg12 : memref<128xi32, #tpu.memory_space<vmem>>) semaphore(%arg24 : memref<!tpu.dma_semaphore, #tpu.memory_space<semaphore_mem>>) {add = true}
    %scan3A_1189 = arith.constant 0 : i32
    %scan3A_1190 = arith.constant 128 : i32
    %scan3A_1191 = arith.addi %scan3A_1189, %scan3A_1190 : i32
    %scan3A_1192 = arith.constant 1 : i32
    %scan3A_1193:8 = scf.for %scan3A_2927 = %scan3A_1189 to %scan3A_1191 step %scan3A_1192 iter_args(%scan3A_2928 = %scan3A_1013#0, %scan3A_2929 = %scan3A_1013#1, %scan3A_2930 = %scan3A_1013#2, %scan3A_2931 = %scan3A_1013#3, %scan3A_2932 = %scan3A_1013#4, %scan3A_2933 = %scan3A_1013#5, %scan3A_2934 = %scan3A_1013#6, %scan3A_2935 = %scan3A_1013#7) -> (vector<16xf32>, vector<16xf32>, vector<16xf32>, vector<16xf32>, vector<16xf32>, vector<16xf32>, vector<16xf32>, vector<16xf32>)  : i32 {
      %get3A_2936 = arith.index_cast %scan3A_2927 : i32 to index
      %get3A_2937 = arith.constant 0 : index
      %get3A_2938 = tpu.vector_load %arg7[%get3A_2936, %get3A_2937] {strides = array<i32>} : memref<128x128xf32, #tpu.memory_space<vmem>>, vector<16xf32>,
      %mul3A_2939 = arith.mulf %get3A_2938, %get3A_2938 : vector<16xf32>
      %add3A_2940 = arith.addf %scan3A_2928, %mul3A_2939 : vector<16xf32>
      %get3A_2941 = arith.index_cast %scan3A_2927 : i32 to index
      %get3A_2942 = arith.constant 16 : index
      %get3A_2943 = tpu.vector_load %arg7[%get3A_2941, %get3A_2942] {strides = array<i32>} : memref<128x128xf32, #tpu.memory_space<vmem>>, vector<16xf32>,
      %mul3A_2944 = arith.mulf %get3A_2943, %get3A_2943 : vector<16xf32>
      %add3A_2945 = arith.addf %scan3A_2929, %mul3A_2944 : vector<16xf32>
      %get3A_2946 = arith.index_cast %scan3A_2927 : i32 to index
      %get3A_2947 = arith.constant 32 : index
      %get3A_2948 = tpu.vector_load %arg7[%get3A_2946, %get3A_2947] {strides = array<i32>} : memref<128x128xf32, #tpu.memory_space<vmem>>, vector<16xf32>,
      %mul3A_2949 = arith.mulf %get3A_2948, %get3A_2948 : vector<16xf32>
      %add3A_2950 = arith.addf %scan3A_2930, %mul3A_2949 : vector<16xf32>
      %get3A_2951 = arith.index_cast %scan3A_2927 : i32 to index
      %get3A_2952 = arith.constant 48 : index
      %get3A_2953 = tpu.vector_load %arg7[%get3A_2951, %get3A_2952] {strides = array<i32>} : memref<128x128xf32, #tpu.memory_space<vmem>>, vector<16xf32>,
      %mul3A_2954 = arith.mulf %get3A_2953, %get3A_2953 : vector<16xf32>
      %add3A_2955 = arith.addf %scan3A_2931, %mul3A_2954 : vector<16xf32>
      %get3A_2956 = arith.index_cast %scan3A_2927 : i32 to index
      %get3A_2957 = arith.constant 64 : index
      %get3A_2958 = tpu.vector_load %arg7[%get3A_2956, %get3A_2957] {strides = array<i32>} : memref<128x128xf32, #tpu.memory_space<vmem>>, vector<16xf32>,
      %mul3A_2959 = arith.mulf %get3A_2958, %get3A_2958 : vector<16xf32>
      %add3A_2960 = arith.addf %scan3A_2932, %mul3A_2959 : vector<16xf32>
      %get3A_2961 = arith.index_cast %scan3A_2927 : i32 to index
      %get3A_2962 = arith.constant 80 : index
      %get3A_2963 = tpu.vector_load %arg7[%get3A_2961, %get3A_2962] {strides = array<i32>} : memref<128x128xf32, #tpu.memory_space<vmem>>, vector<16xf32>,
      %mul3A_2964 = arith.mulf %get3A_2963, %get3A_2963 : vector<16xf32>
      %add3A_2965 = arith.addf %scan3A_2933, %mul3A_2964 : vector<16xf32>
      %get3A_2966 = arith.index_cast %scan3A_2927 : i32 to index
      %get3A_2967 = arith.constant 96 : index
      %get3A_2968 = tpu.vector_load %arg7[%get3A_2966, %get3A_2967] {strides = array<i32>} : memref<128x128xf32, #tpu.memory_space<vmem>>, vector<16xf32>,
      %mul3A_2969 = arith.mulf %get3A_2968, %get3A_2968 : vector<16xf32>
      %add3A_2970 = arith.addf %scan3A_2934, %mul3A_2969 : vector<16xf32>
      %get3A_2971 = arith.index_cast %scan3A_2927 : i32 to index
      %get3A_2972 = arith.constant 112 : index
      %get3A_2973 = tpu.vector_load %arg7[%get3A_2971, %get3A_2972] {strides = array<i32>} : memref<128x128xf32, #tpu.memory_space<vmem>>, vector<16xf32>,
      %mul3A_2974 = arith.mulf %get3A_2973, %get3A_2973 : vector<16xf32>
      %add3A_2975 = arith.addf %scan3A_2935, %mul3A_2974 : vector<16xf32>
      scf.yield %add3A_2940, %add3A_2945, %add3A_2950, %add3A_2955, %add3A_2960, %add3A_2965, %add3A_2970, %add3A_2975 : vector<16xf32>, vector<16xf32>, vector<16xf32>, vector<16xf32>, vector<16xf32>, vector<16xf32>, vector<16xf32>, vector<16xf32>
    }
    %scan3A_1194 = arith.constant 128 : i32
    %dma_wait3A_1195 = arith.constant 0 : i32
    %dma_wait3A_1196 = arith.constant 0 : i32
    %dma_wait3A_1197 = tpu.memref_slice %arg6[%dma_wait3A_1195, %dma_wait3A_1196] : memref<4096x128xf32, #tpu.memory_space<vmem_shared>> -> memref<4096x128xf32, #tpu.memory_space<vmem_shared>>
    tpu.wait_indirect_dma semaphore(%arg27 : memref<!tpu.dma_semaphore, #tpu.memory_space<semaphore_mem>>) src(%arg10 : memref<128x128xf32, #tpu.memory_space<vmem>>) dst(%dma_wait3A_1197 : memref<4096x128xf32, #tpu.memory_space<vmem_shared>>)
    %add3A_1198 = arith.constant 256 : i32
    %add3A_1199 = arith.addi %mul3A_16, %add3A_1198 : i32
    %dma_start3A_1200 = arith.constant 0 : i32
    %dma_start3A_1201 = arith.constant 0 : i32
    %dma_start3A_1202 = tpu.memref_slice %arg10[%dma_start3A_1200, %dma_start3A_1201] : memref<128x128xf32, #tpu.memory_space<vmem>> -> memref<32x128xf32, #tpu.memory_space<vmem>>
    %dma_start3A_1203 = arith.constant 0 : i32
    %dma_start3A_1204 = tpu.memref_slice %arg2[%add3A_1199, %dma_start3A_1203] : memref<16384x512xf32, #tpu.memory_space<hbm>> -> memref<32x128xf32, #tpu.memory_space<hbm>>
    %dma_start3A_1205 = arith.constant 0 : i32
    %dma_start3A_1206 = arith.constant 0 : i32
    %dma_start3A_1207 = tpu.memref_slice %arg10[%dma_start3A_1205, %dma_start3A_1206] : memref<128x128xf32, #tpu.memory_space<vmem>> -> memref<32x128xf32, #tpu.memory_space<vmem>>
    %dma_start3A_1208 = arith.constant 0 : i32
    %dma_start3A_1209 = tpu.memref_slice %arg2[%add3A_1199, %dma_start3A_1208] : memref<16384x512xf32, #tpu.memory_space<hbm>> -> memref<32x128xf32, #tpu.memory_space<hbm>>
    tpu.enqueue_dma source(%dma_start3A_1209 : memref<32x128xf32, #tpu.memory_space<hbm>>) target(%dma_start3A_1207 : memref<32x128xf32, #tpu.memory_space<vmem>>) target_semaphore(%arg22 : memref<!tpu.dma_semaphore, #tpu.memory_space<semaphore_mem>>)
    %add3A_1210 = arith.constant 256 : i32
    %add3A_1211 = arith.addi %mul3A_16, %add3A_1210 : i32
    %dma_start3A_1212 = arith.constant 32 : i32
    %dma_start3A_1213 = arith.constant 0 : i32
    %dma_start3A_1214 = tpu.memref_slice %arg10[%dma_start3A_1212, %dma_start3A_1213] : memref<128x128xf32, #tpu.memory_space<vmem>> -> memref<32x128xf32, #tpu.memory_space<vmem>>
    %dma_start3A_1215 = arith.constant 128 : i32
    %dma_start3A_1216 = tpu.memref_slice %arg2[%add3A_1211, %dma_start3A_1215] : memref<16384x512xf32, #tpu.memory_space<hbm>> -> memref<32x128xf32, #tpu.memory_space<hbm>>
    %dma_start3A_1217 = arith.constant 32 : i32
    %dma_start3A_1218 = arith.constant 0 : i32
    %dma_start3A_1219 = tpu.memref_slice %arg10[%dma_start3A_1217, %dma_start3A_1218] : memref<128x128xf32, #tpu.memory_space<vmem>> -> memref<32x128xf32, #tpu.memory_space<vmem>>
    %dma_start3A_1220 = arith.constant 128 : i32
    %dma_start3A_1221 = tpu.memref_slice %arg2[%add3A_1211, %dma_start3A_1220] : memref<16384x512xf32, #tpu.memory_space<hbm>> -> memref<32x128xf32, #tpu.memory_space<hbm>>
    tpu.enqueue_dma source(%dma_start3A_1221 : memref<32x128xf32, #tpu.memory_space<hbm>>) target(%dma_start3A_1219 : memref<32x128xf32, #tpu.memory_space<vmem>>) target_semaphore(%arg22 : memref<!tpu.dma_semaphore, #tpu.memory_space<semaphore_mem>>)
    %add3A_1222 = arith.constant 256 : i32
    %add3A_1223 = arith.addi %mul3A_16, %add3A_1222 : i32
    %dma_start3A_1224 = arith.constant 64 : i32
    %dma_start3A_1225 = arith.constant 0 : i32
    %dma_start3A_1226 = tpu.memref_slice %arg10[%dma_start3A_1224, %dma_start3A_1225] : memref<128x128xf32, #tpu.memory_space<vmem>> -> memref<32x128xf32, #tpu.memory_space<vmem>>
    %dma_start3A_1227 = arith.constant 256 : i32
    %dma_start3A_1228 = tpu.memref_slice %arg2[%add3A_1223, %dma_start3A_1227] : memref<16384x512xf32, #tpu.memory_space<hbm>> -> memref<32x128xf32, #tpu.memory_space<hbm>>
    %dma_start3A_1229 = arith.constant 64 : i32
    %dma_start3A_1230 = arith.constant 0 : i32
    %dma_start3A_1231 = tpu.memref_slice %arg10[%dma_start3A_1229, %dma_start3A_1230] : memref<128x128xf32, #tpu.memory_space<vmem>> -> memref<32x128xf32, #tpu.memory_space<vmem>>
    %dma_start3A_1232 = arith.constant 256 : i32
    %dma_start3A_1233 = tpu.memref_slice %arg2[%add3A_1223, %dma_start3A_1232] : memref<16384x512xf32, #tpu.memory_space<hbm>> -> memref<32x128xf32, #tpu.memory_space<hbm>>
    tpu.enqueue_dma source(%dma_start3A_1233 : memref<32x128xf32, #tpu.memory_space<hbm>>) target(%dma_start3A_1231 : memref<32x128xf32, #tpu.memory_space<vmem>>) target_semaphore(%arg22 : memref<!tpu.dma_semaphore, #tpu.memory_space<semaphore_mem>>)
    %add3A_1234 = arith.constant 256 : i32
    %add3A_1235 = arith.addi %mul3A_16, %add3A_1234 : i32
    %dma_start3A_1236 = arith.constant 96 : i32
    %dma_start3A_1237 = arith.constant 0 : i32
    %dma_start3A_1238 = tpu.memref_slice %arg10[%dma_start3A_1236, %dma_start3A_1237] : memref<128x128xf32, #tpu.memory_space<vmem>> -> memref<32x128xf32, #tpu.memory_space<vmem>>
    %dma_start3A_1239 = arith.constant 384 : i32
    %dma_start3A_1240 = tpu.memref_slice %arg2[%add3A_1235, %dma_start3A_1239] : memref<16384x512xf32, #tpu.memory_space<hbm>> -> memref<32x128xf32, #tpu.memory_space<hbm>>
    %dma_start3A_1241 = arith.constant 96 : i32
    %dma_start3A_1242 = arith.constant 0 : i32
    %dma_start3A_1243 = tpu.memref_slice %arg10[%dma_start3A_1241, %dma_start3A_1242] : memref<128x128xf32, #tpu.memory_space<vmem>> -> memref<32x128xf32, #tpu.memory_space<vmem>>
    %dma_start3A_1244 = arith.constant 384 : i32
    %dma_start3A_1245 = tpu.memref_slice %arg2[%add3A_1235, %dma_start3A_1244] : memref<16384x512xf32, #tpu.memory_space<hbm>> -> memref<32x128xf32, #tpu.memory_space<hbm>>
    tpu.enqueue_dma source(%dma_start3A_1245 : memref<32x128xf32, #tpu.memory_space<hbm>>) target(%dma_start3A_1243 : memref<32x128xf32, #tpu.memory_space<vmem>>) target_semaphore(%arg22 : memref<!tpu.dma_semaphore, #tpu.memory_space<semaphore_mem>>)
    %dma_wait3A_1246 = arith.constant 0 : i32
    %dma_wait3A_1247 = arith.constant 0 : i32
    %dma_wait3A_1248 = tpu.memref_slice %arg8[%dma_wait3A_1246, %dma_wait3A_1247] : memref<128x128xf32, #tpu.memory_space<vmem>> -> memref<32x128xf32, #tpu.memory_space<vmem>>
    %dma_wait3A_1249 = arith.constant 0 : i32
    %dma_wait3A_1250 = tpu.memref_slice %arg2[%add3A_839, %dma_wait3A_1249] : memref<16384x512xf32, #tpu.memory_space<hbm>> -> memref<32x128xf32, #tpu.memory_space<hbm>>
    %dma_wait3A_1251 = arith.constant 0 : i32
    %dma_wait3A_1252 = arith.constant 0 : i32
    %dma_wait3A_1253 = tpu.memref_slice %arg8[%dma_wait3A_1251, %dma_wait3A_1252] : memref<128x128xf32, #tpu.memory_space<vmem>> -> memref<32x128xf32, #tpu.memory_space<vmem>>
    %dma_wait3A_1254 = arith.constant 0 : i32
    %dma_wait3A_1255 = tpu.memref_slice %arg2[%add3A_839, %dma_wait3A_1254] : memref<16384x512xf32, #tpu.memory_space<hbm>> -> memref<32x128xf32, #tpu.memory_space<hbm>>
    tpu.wait_dma2 semaphore(%arg20 : memref<!tpu.dma_semaphore, #tpu.memory_space<semaphore_mem>>) src(%dma_wait3A_1255 : memref<32x128xf32, #tpu.memory_space<hbm>>) dst(%dma_wait3A_1253 : memref<32x128xf32, #tpu.memory_space<vmem>>)
    %dma_wait3A_1256 = arith.constant 32 : i32
    %dma_wait3A_1257 = arith.constant 0 : i32
    %dma_wait3A_1258 = tpu.memref_slice %arg8[%dma_wait3A_1256, %dma_wait3A_1257] : memref<128x128xf32, #tpu.memory_space<vmem>> -> memref<32x128xf32, #tpu.memory_space<vmem>>
    %dma_wait3A_1259 = arith.constant 128 : i32
    %dma_wait3A_1260 = tpu.memref_slice %arg2[%add3A_851, %dma_wait3A_1259] : memref<16384x512xf32, #tpu.memory_space<hbm>> -> memref<32x128xf32, #tpu.memory_space<hbm>>
    %dma_wait3A_1261 = arith.constant 32 : i32
    %dma_wait3A_1262 = arith.constant 0 : i32
    %dma_wait3A_1263 = tpu.memref_slice %arg8[%dma_wait3A_1261, %dma_wait3A_1262] : memref<128x128xf32, #tpu.memory_space<vmem>> -> memref<32x128xf32, #tpu.memory_space<vmem>>
    %dma_wait3A_1264 = arith.constant 128 : i32
    %dma_wait3A_1265 = tpu.memref_slice %arg2[%add3A_851, %dma_wait3A_1264] : memref<16384x512xf32, #tpu.memory_space<hbm>> -> memref<32x128xf32, #tpu.memory_space<hbm>>
    tpu.wait_dma2 semaphore(%arg20 : memref<!tpu.dma_semaphore, #tpu.memory_space<semaphore_mem>>) src(%dma_wait3A_1265 : memref<32x128xf32, #tpu.memory_space<hbm>>) dst(%dma_wait3A_1263 : memref<32x128xf32, #tpu.memory_space<vmem>>)
    %dma_wait3A_1266 = arith.constant 64 : i32
    %dma_wait3A_1267 = arith.constant 0 : i32
    %dma_wait3A_1268 = tpu.memref_slice %arg8[%dma_wait3A_1266, %dma_wait3A_1267] : memref<128x128xf32, #tpu.memory_space<vmem>> -> memref<32x128xf32, #tpu.memory_space<vmem>>
    %dma_wait3A_1269 = arith.constant 256 : i32
    %dma_wait3A_1270 = tpu.memref_slice %arg2[%add3A_863, %dma_wait3A_1269] : memref<16384x512xf32, #tpu.memory_space<hbm>> -> memref<32x128xf32, #tpu.memory_space<hbm>>
    %dma_wait3A_1271 = arith.constant 64 : i32
    %dma_wait3A_1272 = arith.constant 0 : i32
    %dma_wait3A_1273 = tpu.memref_slice %arg8[%dma_wait3A_1271, %dma_wait3A_1272] : memref<128x128xf32, #tpu.memory_space<vmem>> -> memref<32x128xf32, #tpu.memory_space<vmem>>
    %dma_wait3A_1274 = arith.constant 256 : i32
    %dma_wait3A_1275 = tpu.memref_slice %arg2[%add3A_863, %dma_wait3A_1274] : memref<16384x512xf32, #tpu.memory_space<hbm>> -> memref<32x128xf32, #tpu.memory_space<hbm>>
    tpu.wait_dma2 semaphore(%arg20 : memref<!tpu.dma_semaphore, #tpu.memory_space<semaphore_mem>>) src(%dma_wait3A_1275 : memref<32x128xf32, #tpu.memory_space<hbm>>) dst(%dma_wait3A_1273 : memref<32x128xf32, #tpu.memory_space<vmem>>)
    %dma_wait3A_1276 = arith.constant 96 : i32
    %dma_wait3A_1277 = arith.constant 0 : i32
    %dma_wait3A_1278 = tpu.memref_slice %arg8[%dma_wait3A_1276, %dma_wait3A_1277] : memref<128x128xf32, #tpu.memory_space<vmem>> -> memref<32x128xf32, #tpu.memory_space<vmem>>
    %dma_wait3A_1279 = arith.constant 384 : i32
    %dma_wait3A_1280 = tpu.memref_slice %arg2[%add3A_875, %dma_wait3A_1279] : memref<16384x512xf32, #tpu.memory_space<hbm>> -> memref<32x128xf32, #tpu.memory_space<hbm>>
    %dma_wait3A_1281 = arith.constant 96 : i32
    %dma_wait3A_1282 = arith.constant 0 : i32
    %dma_wait3A_1283 = tpu.memref_slice %arg8[%dma_wait3A_1281, %dma_wait3A_1282] : memref<128x128xf32, #tpu.memory_space<vmem>> -> memref<32x128xf32, #tpu.memory_space<vmem>>
    %dma_wait3A_1284 = arith.constant 384 : i32
    %dma_wait3A_1285 = tpu.memref_slice %arg2[%add3A_875, %dma_wait3A_1284] : memref<16384x512xf32, #tpu.memory_space<hbm>> -> memref<32x128xf32, #tpu.memory_space<hbm>>
    tpu.wait_dma2 semaphore(%arg20 : memref<!tpu.dma_semaphore, #tpu.memory_space<semaphore_mem>>) src(%dma_wait3A_1285 : memref<32x128xf32, #tpu.memory_space<hbm>>) dst(%dma_wait3A_1283 : memref<32x128xf32, #tpu.memory_space<vmem>>)
    %get3A_1286 = arith.constant 192 : index
    %get3A_1287 = tpu.vector_load %arg17[%get3A_1286] {strides = array<i32>} : memref<512xi32, #tpu.memory_space<vmem>>, vector<16xi32>,
    %mul3A_1288 = arith.constant 4 : i32
    %mul3A_1289 = vector.broadcast %mul3A_1288 : i32 to vector<16xi32>
    %mul3A_1290 = arith.muli %get3A_1287, %mul3A_1289 : vector<16xi32>
    %add3A_1291 = arith.constant 0 : i32
    %add3A_1292 = vector.broadcast %add3A_1291 : i32 to vector<16xi32>
    %add3A_1293 = arith.addi %mul3A_1290, %add3A_1292 : vector<16xi32>
    %swap3A_1294 = arith.constant 0 : index
    %swap3A_1295 = tpu.vector_load %arg13[%swap3A_1294] {strides = array<i32>} : memref<128xi32, #tpu.memory_space<vmem>>, vector<16xi32>,
    tpu.vector_store %arg13[%swap3A_1294], %add3A_1293 {strides = array<i32>} : memref<128xi32, #tpu.memory_space<vmem>>, vector<16xi32>,
    %get3A_1296 = arith.constant 208 : index
    %get3A_1297 = tpu.vector_load %arg17[%get3A_1296] {strides = array<i32>} : memref<512xi32, #tpu.memory_space<vmem>>, vector<16xi32>,
    %mul3A_1298 = arith.constant 4 : i32
    %mul3A_1299 = vector.broadcast %mul3A_1298 : i32 to vector<16xi32>
    %mul3A_1300 = arith.muli %get3A_1297, %mul3A_1299 : vector<16xi32>
    %add3A_1301 = arith.constant 0 : i32
    %add3A_1302 = vector.broadcast %add3A_1301 : i32 to vector<16xi32>
    %add3A_1303 = arith.addi %mul3A_1300, %add3A_1302 : vector<16xi32>
    %swap3A_1304 = arith.constant 16 : index
    %swap3A_1305 = tpu.vector_load %arg13[%swap3A_1304] {strides = array<i32>} : memref<128xi32, #tpu.memory_space<vmem>>, vector<16xi32>,
    tpu.vector_store %arg13[%swap3A_1304], %add3A_1303 {strides = array<i32>} : memref<128xi32, #tpu.memory_space<vmem>>, vector<16xi32>,
    %get3A_1306 = arith.constant 192 : index
    %get3A_1307 = tpu.vector_load %arg17[%get3A_1306] {strides = array<i32>} : memref<512xi32, #tpu.memory_space<vmem>>, vector<16xi32>,
    %mul3A_1308 = arith.constant 4 : i32
    %mul3A_1309 = vector.broadcast %mul3A_1308 : i32 to vector<16xi32>
    %mul3A_1310 = arith.muli %get3A_1307, %mul3A_1309 : vector<16xi32>
    %add3A_1311 = arith.constant 1 : i32
    %add3A_1312 = vector.broadcast %add3A_1311 : i32 to vector<16xi32>
    %add3A_1313 = arith.addi %mul3A_1310, %add3A_1312 : vector<16xi32>
    %swap3A_1314 = arith.constant 32 : index
    %swap3A_1315 = tpu.vector_load %arg13[%swap3A_1314] {strides = array<i32>} : memref<128xi32, #tpu.memory_space<vmem>>, vector<16xi32>,
    tpu.vector_store %arg13[%swap3A_1314], %add3A_1313 {strides = array<i32>} : memref<128xi32, #tpu.memory_space<vmem>>, vector<16xi32>,
    %get3A_1316 = arith.constant 208 : index
    %get3A_1317 = tpu.vector_load %arg17[%get3A_1316] {strides = array<i32>} : memref<512xi32, #tpu.memory_space<vmem>>, vector<16xi32>,
    %mul3A_1318 = arith.constant 4 : i32
    %mul3A_1319 = vector.broadcast %mul3A_1318 : i32 to vector<16xi32>
    %mul3A_1320 = arith.muli %get3A_1317, %mul3A_1319 : vector<16xi32>
    %add3A_1321 = arith.constant 1 : i32
    %add3A_1322 = vector.broadcast %add3A_1321 : i32 to vector<16xi32>
    %add3A_1323 = arith.addi %mul3A_1320, %add3A_1322 : vector<16xi32>
    %swap3A_1324 = arith.constant 48 : index
    %swap3A_1325 = tpu.vector_load %arg13[%swap3A_1324] {strides = array<i32>} : memref<128xi32, #tpu.memory_space<vmem>>, vector<16xi32>,
    tpu.vector_store %arg13[%swap3A_1324], %add3A_1323 {strides = array<i32>} : memref<128xi32, #tpu.memory_space<vmem>>, vector<16xi32>,
    %get3A_1326 = arith.constant 192 : index
    %get3A_1327 = tpu.vector_load %arg17[%get3A_1326] {strides = array<i32>} : memref<512xi32, #tpu.memory_space<vmem>>, vector<16xi32>,
    %mul3A_1328 = arith.constant 4 : i32
    %mul3A_1329 = vector.broadcast %mul3A_1328 : i32 to vector<16xi32>
    %mul3A_1330 = arith.muli %get3A_1327, %mul3A_1329 : vector<16xi32>
    %add3A_1331 = arith.constant 2 : i32
    %add3A_1332 = vector.broadcast %add3A_1331 : i32 to vector<16xi32>
    %add3A_1333 = arith.addi %mul3A_1330, %add3A_1332 : vector<16xi32>
    %swap3A_1334 = arith.constant 64 : index
    %swap3A_1335 = tpu.vector_load %arg13[%swap3A_1334] {strides = array<i32>} : memref<128xi32, #tpu.memory_space<vmem>>, vector<16xi32>,
    tpu.vector_store %arg13[%swap3A_1334], %add3A_1333 {strides = array<i32>} : memref<128xi32, #tpu.memory_space<vmem>>, vector<16xi32>,
    %get3A_1336 = arith.constant 208 : index
    %get3A_1337 = tpu.vector_load %arg17[%get3A_1336] {strides = array<i32>} : memref<512xi32, #tpu.memory_space<vmem>>, vector<16xi32>,
    %mul3A_1338 = arith.constant 4 : i32
    %mul3A_1339 = vector.broadcast %mul3A_1338 : i32 to vector<16xi32>
    %mul3A_1340 = arith.muli %get3A_1337, %mul3A_1339 : vector<16xi32>
    %add3A_1341 = arith.constant 2 : i32
    %add3A_1342 = vector.broadcast %add3A_1341 : i32 to vector<16xi32>
    %add3A_1343 = arith.addi %mul3A_1340, %add3A_1342 : vector<16xi32>
    %swap3A_1344 = arith.constant 80 : index
    %swap3A_1345 = tpu.vector_load %arg13[%swap3A_1344] {strides = array<i32>} : memref<128xi32, #tpu.memory_space<vmem>>, vector<16xi32>,
    tpu.vector_store %arg13[%swap3A_1344], %add3A_1343 {strides = array<i32>} : memref<128xi32, #tpu.memory_space<vmem>>, vector<16xi32>,
    %get3A_1346 = arith.constant 192 : index
    %get3A_1347 = tpu.vector_load %arg17[%get3A_1346] {strides = array<i32>} : memref<512xi32, #tpu.memory_space<vmem>>, vector<16xi32>,
    %mul3A_1348 = arith.constant 4 : i32
    %mul3A_1349 = vector.broadcast %mul3A_1348 : i32 to vector<16xi32>
    %mul3A_1350 = arith.muli %get3A_1347, %mul3A_1349 : vector<16xi32>
    %add3A_1351 = arith.constant 3 : i32
    %add3A_1352 = vector.broadcast %add3A_1351 : i32 to vector<16xi32>
    %add3A_1353 = arith.addi %mul3A_1350, %add3A_1352 : vector<16xi32>
    %swap3A_1354 = arith.constant 96 : index
    %swap3A_1355 = tpu.vector_load %arg13[%swap3A_1354] {strides = array<i32>} : memref<128xi32, #tpu.memory_space<vmem>>, vector<16xi32>,
    tpu.vector_store %arg13[%swap3A_1354], %add3A_1353 {strides = array<i32>} : memref<128xi32, #tpu.memory_space<vmem>>, vector<16xi32>,
    %get3A_1356 = arith.constant 208 : index
    %get3A_1357 = tpu.vector_load %arg17[%get3A_1356] {strides = array<i32>} : memref<512xi32, #tpu.memory_space<vmem>>, vector<16xi32>,
    %mul3A_1358 = arith.constant 4 : i32
    %mul3A_1359 = vector.broadcast %mul3A_1358 : i32 to vector<16xi32>
    %mul3A_1360 = arith.muli %get3A_1357, %mul3A_1359 : vector<16xi32>
    %add3A_1361 = arith.constant 3 : i32
    %add3A_1362 = vector.broadcast %add3A_1361 : i32 to vector<16xi32>
    %add3A_1363 = arith.addi %mul3A_1360, %add3A_1362 : vector<16xi32>
    %swap3A_1364 = arith.constant 112 : index
    %swap3A_1365 = tpu.vector_load %arg13[%swap3A_1364] {strides = array<i32>} : memref<128xi32, #tpu.memory_space<vmem>>, vector<16xi32>,
    tpu.vector_store %arg13[%swap3A_1364], %add3A_1363 {strides = array<i32>} : memref<128xi32, #tpu.memory_space<vmem>>, vector<16xi32>,
    %dma_start3A_1366 = arith.constant 0 : i32
    %dma_start3A_1367 = arith.constant 0 : i32
    %dma_start3A_1368 = tpu.memref_slice %arg6[%dma_start3A_1366, %dma_start3A_1367] : memref<4096x128xf32, #tpu.memory_space<vmem_shared>> -> memref<4096x128xf32, #tpu.memory_space<vmem_shared>>
    tpu.enqueue_indirect_dma source(%arg8 : memref<128x128xf32, #tpu.memory_space<vmem>>) target(%dma_start3A_1368 : memref<4096x128xf32, #tpu.memory_space<vmem_shared>>) offsets(%arg13 : memref<128xi32, #tpu.memory_space<vmem>>) semaphore(%arg25 : memref<!tpu.dma_semaphore, #tpu.memory_space<semaphore_mem>>) {add = true}
    %scan3A_1369 = arith.constant 0 : i32
    %scan3A_1370 = arith.constant 128 : i32
    %scan3A_1371 = arith.addi %scan3A_1369, %scan3A_1370 : i32
    %scan3A_1372 = arith.constant 1 : i32
    %scan3A_1373:8 = scf.for %scan3A_2927 = %scan3A_1369 to %scan3A_1371 step %scan3A_1372 iter_args(%scan3A_2928 = %scan3A_1193#0, %scan3A_2929 = %scan3A_1193#1, %scan3A_2930 = %scan3A_1193#2, %scan3A_2931 = %scan3A_1193#3, %scan3A_2932 = %scan3A_1193#4, %scan3A_2933 = %scan3A_1193#5, %scan3A_2934 = %scan3A_1193#6, %scan3A_2935 = %scan3A_1193#7) -> (vector<16xf32>, vector<16xf32>, vector<16xf32>, vector<16xf32>, vector<16xf32>, vector<16xf32>, vector<16xf32>, vector<16xf32>)  : i32 {
      %get3A_2936 = arith.index_cast %scan3A_2927 : i32 to index
      %get3A_2937 = arith.constant 0 : index
      %get3A_2938 = tpu.vector_load %arg8[%get3A_2936, %get3A_2937] {strides = array<i32>} : memref<128x128xf32, #tpu.memory_space<vmem>>, vector<16xf32>,
      %mul3A_2939 = arith.mulf %get3A_2938, %get3A_2938 : vector<16xf32>
      %add3A_2940 = arith.addf %scan3A_2928, %mul3A_2939 : vector<16xf32>
      %get3A_2941 = arith.index_cast %scan3A_2927 : i32 to index
      %get3A_2942 = arith.constant 16 : index
      %get3A_2943 = tpu.vector_load %arg8[%get3A_2941, %get3A_2942] {strides = array<i32>} : memref<128x128xf32, #tpu.memory_space<vmem>>, vector<16xf32>,
      %mul3A_2944 = arith.mulf %get3A_2943, %get3A_2943 : vector<16xf32>
      %add3A_2945 = arith.addf %scan3A_2929, %mul3A_2944 : vector<16xf32>
      %get3A_2946 = arith.index_cast %scan3A_2927 : i32 to index
      %get3A_2947 = arith.constant 32 : index
      %get3A_2948 = tpu.vector_load %arg8[%get3A_2946, %get3A_2947] {strides = array<i32>} : memref<128x128xf32, #tpu.memory_space<vmem>>, vector<16xf32>,
      %mul3A_2949 = arith.mulf %get3A_2948, %get3A_2948 : vector<16xf32>
      %add3A_2950 = arith.addf %scan3A_2930, %mul3A_2949 : vector<16xf32>
      %get3A_2951 = arith.index_cast %scan3A_2927 : i32 to index
      %get3A_2952 = arith.constant 48 : index
      %get3A_2953 = tpu.vector_load %arg8[%get3A_2951, %get3A_2952] {strides = array<i32>} : memref<128x128xf32, #tpu.memory_space<vmem>>, vector<16xf32>,
      %mul3A_2954 = arith.mulf %get3A_2953, %get3A_2953 : vector<16xf32>
      %add3A_2955 = arith.addf %scan3A_2931, %mul3A_2954 : vector<16xf32>
      %get3A_2956 = arith.index_cast %scan3A_2927 : i32 to index
      %get3A_2957 = arith.constant 64 : index
      %get3A_2958 = tpu.vector_load %arg8[%get3A_2956, %get3A_2957] {strides = array<i32>} : memref<128x128xf32, #tpu.memory_space<vmem>>, vector<16xf32>,
      %mul3A_2959 = arith.mulf %get3A_2958, %get3A_2958 : vector<16xf32>
      %add3A_2960 = arith.addf %scan3A_2932, %mul3A_2959 : vector<16xf32>
      %get3A_2961 = arith.index_cast %scan3A_2927 : i32 to index
      %get3A_2962 = arith.constant 80 : index
      %get3A_2963 = tpu.vector_load %arg8[%get3A_2961, %get3A_2962] {strides = array<i32>} : memref<128x128xf32, #tpu.memory_space<vmem>>, vector<16xf32>,
      %mul3A_2964 = arith.mulf %get3A_2963, %get3A_2963 : vector<16xf32>
      %add3A_2965 = arith.addf %scan3A_2933, %mul3A_2964 : vector<16xf32>
      %get3A_2966 = arith.index_cast %scan3A_2927 : i32 to index
      %get3A_2967 = arith.constant 96 : index
      %get3A_2968 = tpu.vector_load %arg8[%get3A_2966, %get3A_2967] {strides = array<i32>} : memref<128x128xf32, #tpu.memory_space<vmem>>, vector<16xf32>,
      %mul3A_2969 = arith.mulf %get3A_2968, %get3A_2968 : vector<16xf32>
      %add3A_2970 = arith.addf %scan3A_2934, %mul3A_2969 : vector<16xf32>
      %get3A_2971 = arith.index_cast %scan3A_2927 : i32 to index
      %get3A_2972 = arith.constant 112 : index
      %get3A_2973 = tpu.vector_load %arg8[%get3A_2971, %get3A_2972] {strides = array<i32>} : memref<128x128xf32, #tpu.memory_space<vmem>>, vector<16xf32>,
      %mul3A_2974 = arith.mulf %get3A_2973, %get3A_2973 : vector<16xf32>
      %add3A_2975 = arith.addf %scan3A_2935, %mul3A_2974 : vector<16xf32>
      scf.yield %add3A_2940, %add3A_2945, %add3A_2950, %add3A_2955, %add3A_2960, %add3A_2965, %add3A_2970, %add3A_2975 : vector<16xf32>, vector<16xf32>, vector<16xf32>, vector<16xf32>, vector<16xf32>, vector<16xf32>, vector<16xf32>, vector<16xf32>
    }
    %scan3A_1374 = arith.constant 128 : i32
    %dma_wait3A_1375 = arith.constant 0 : i32
    %dma_wait3A_1376 = arith.constant 0 : i32
    %dma_wait3A_1377 = tpu.memref_slice %arg6[%dma_wait3A_1375, %dma_wait3A_1376] : memref<4096x128xf32, #tpu.memory_space<vmem_shared>> -> memref<4096x128xf32, #tpu.memory_space<vmem_shared>>
    tpu.wait_indirect_dma semaphore(%arg28 : memref<!tpu.dma_semaphore, #tpu.memory_space<semaphore_mem>>) src(%arg11 : memref<128x128xf32, #tpu.memory_space<vmem>>) dst(%dma_wait3A_1377 : memref<4096x128xf32, #tpu.memory_space<vmem_shared>>)
    %add3A_1378 = arith.constant 288 : i32
    %add3A_1379 = arith.addi %mul3A_16, %add3A_1378 : i32
    %dma_start3A_1380 = arith.constant 0 : i32
    %dma_start3A_1381 = arith.constant 0 : i32
    %dma_start3A_1382 = tpu.memref_slice %arg11[%dma_start3A_1380, %dma_start3A_1381] : memref<128x128xf32, #tpu.memory_space<vmem>> -> memref<32x128xf32, #tpu.memory_space<vmem>>
    %dma_start3A_1383 = arith.constant 0 : i32
    %dma_start3A_1384 = tpu.memref_slice %arg2[%add3A_1379, %dma_start3A_1383] : memref<16384x512xf32, #tpu.memory_space<hbm>> -> memref<32x128xf32, #tpu.memory_space<hbm>>
    %dma_start3A_1385 = arith.constant 0 : i32
    %dma_start3A_1386 = arith.constant 0 : i32
    %dma_start3A_1387 = tpu.memref_slice %arg11[%dma_start3A_1385, %dma_start3A_1386] : memref<128x128xf32, #tpu.memory_space<vmem>> -> memref<32x128xf32, #tpu.memory_space<vmem>>
    %dma_start3A_1388 = arith.constant 0 : i32
    %dma_start3A_1389 = tpu.memref_slice %arg2[%add3A_1379, %dma_start3A_1388] : memref<16384x512xf32, #tpu.memory_space<hbm>> -> memref<32x128xf32, #tpu.memory_space<hbm>>
    tpu.enqueue_dma source(%dma_start3A_1389 : memref<32x128xf32, #tpu.memory_space<hbm>>) target(%dma_start3A_1387 : memref<32x128xf32, #tpu.memory_space<vmem>>) target_semaphore(%arg23 : memref<!tpu.dma_semaphore, #tpu.memory_space<semaphore_mem>>)
    %add3A_1390 = arith.constant 288 : i32
    %add3A_1391 = arith.addi %mul3A_16, %add3A_1390 : i32
    %dma_start3A_1392 = arith.constant 32 : i32
    %dma_start3A_1393 = arith.constant 0 : i32
    %dma_start3A_1394 = tpu.memref_slice %arg11[%dma_start3A_1392, %dma_start3A_1393] : memref<128x128xf32, #tpu.memory_space<vmem>> -> memref<32x128xf32, #tpu.memory_space<vmem>>
    %dma_start3A_1395 = arith.constant 128 : i32
    %dma_start3A_1396 = tpu.memref_slice %arg2[%add3A_1391, %dma_start3A_1395] : memref<16384x512xf32, #tpu.memory_space<hbm>> -> memref<32x128xf32, #tpu.memory_space<hbm>>
    %dma_start3A_1397 = arith.constant 32 : i32
    %dma_start3A_1398 = arith.constant 0 : i32
    %dma_start3A_1399 = tpu.memref_slice %arg11[%dma_start3A_1397, %dma_start3A_1398] : memref<128x128xf32, #tpu.memory_space<vmem>> -> memref<32x128xf32, #tpu.memory_space<vmem>>
    %dma_start3A_1400 = arith.constant 128 : i32
    %dma_start3A_1401 = tpu.memref_slice %arg2[%add3A_1391, %dma_start3A_1400] : memref<16384x512xf32, #tpu.memory_space<hbm>> -> memref<32x128xf32, #tpu.memory_space<hbm>>
    tpu.enqueue_dma source(%dma_start3A_1401 : memref<32x128xf32, #tpu.memory_space<hbm>>) target(%dma_start3A_1399 : memref<32x128xf32, #tpu.memory_space<vmem>>) target_semaphore(%arg23 : memref<!tpu.dma_semaphore, #tpu.memory_space<semaphore_mem>>)
    %add3A_1402 = arith.constant 288 : i32
    %add3A_1403 = arith.addi %mul3A_16, %add3A_1402 : i32
    %dma_start3A_1404 = arith.constant 64 : i32
    %dma_start3A_1405 = arith.constant 0 : i32
    %dma_start3A_1406 = tpu.memref_slice %arg11[%dma_start3A_1404, %dma_start3A_1405] : memref<128x128xf32, #tpu.memory_space<vmem>> -> memref<32x128xf32, #tpu.memory_space<vmem>>
    %dma_start3A_1407 = arith.constant 256 : i32
    %dma_start3A_1408 = tpu.memref_slice %arg2[%add3A_1403, %dma_start3A_1407] : memref<16384x512xf32, #tpu.memory_space<hbm>> -> memref<32x128xf32, #tpu.memory_space<hbm>>
    %dma_start3A_1409 = arith.constant 64 : i32
    %dma_start3A_1410 = arith.constant 0 : i32
    %dma_start3A_1411 = tpu.memref_slice %arg11[%dma_start3A_1409, %dma_start3A_1410] : memref<128x128xf32, #tpu.memory_space<vmem>> -> memref<32x128xf32, #tpu.memory_space<vmem>>
    %dma_start3A_1412 = arith.constant 256 : i32
    %dma_start3A_1413 = tpu.memref_slice %arg2[%add3A_1403, %dma_start3A_1412] : memref<16384x512xf32, #tpu.memory_space<hbm>> -> memref<32x128xf32, #tpu.memory_space<hbm>>
    tpu.enqueue_dma source(%dma_start3A_1413 : memref<32x128xf32, #tpu.memory_space<hbm>>) target(%dma_start3A_1411 : memref<32x128xf32, #tpu.memory_space<vmem>>) target_semaphore(%arg23 : memref<!tpu.dma_semaphore, #tpu.memory_space<semaphore_mem>>)
    %add3A_1414 = arith.constant 288 : i32
    %add3A_1415 = arith.addi %mul3A_16, %add3A_1414 : i32
    %dma_start3A_1416 = arith.constant 96 : i32
    %dma_start3A_1417 = arith.constant 0 : i32
    %dma_start3A_1418 = tpu.memref_slice %arg11[%dma_start3A_1416, %dma_start3A_1417] : memref<128x128xf32, #tpu.memory_space<vmem>> -> memref<32x128xf32, #tpu.memory_space<vmem>>
    %dma_start3A_1419 = arith.constant 384 : i32
    %dma_start3A_1420 = tpu.memref_slice %arg2[%add3A_1415, %dma_start3A_1419] : memref<16384x512xf32, #tpu.memory_space<hbm>> -> memref<32x128xf32, #tpu.memory_space<hbm>>
    %dma_start3A_1421 = arith.constant 96 : i32
    %dma_start3A_1422 = arith.constant 0 : i32
    %dma_start3A_1423 = tpu.memref_slice %arg11[%dma_start3A_1421, %dma_start3A_1422] : memref<128x128xf32, #tpu.memory_space<vmem>> -> memref<32x128xf32, #tpu.memory_space<vmem>>
    %dma_start3A_1424 = arith.constant 384 : i32
    %dma_start3A_1425 = tpu.memref_slice %arg2[%add3A_1415, %dma_start3A_1424] : memref<16384x512xf32, #tpu.memory_space<hbm>> -> memref<32x128xf32, #tpu.memory_space<hbm>>
    tpu.enqueue_dma source(%dma_start3A_1425 : memref<32x128xf32, #tpu.memory_space<hbm>>) target(%dma_start3A_1423 : memref<32x128xf32, #tpu.memory_space<vmem>>) target_semaphore(%arg23 : memref<!tpu.dma_semaphore, #tpu.memory_space<semaphore_mem>>)
    %dma_wait3A_1426 = arith.constant 0 : i32
    %dma_wait3A_1427 = arith.constant 0 : i32
    %dma_wait3A_1428 = tpu.memref_slice %arg9[%dma_wait3A_1426, %dma_wait3A_1427] : memref<128x128xf32, #tpu.memory_space<vmem>> -> memref<32x128xf32, #tpu.memory_space<vmem>>
    %dma_wait3A_1429 = arith.constant 0 : i32
    %dma_wait3A_1430 = tpu.memref_slice %arg2[%add3A_1019, %dma_wait3A_1429] : memref<16384x512xf32, #tpu.memory_space<hbm>> -> memref<32x128xf32, #tpu.memory_space<hbm>>
    %dma_wait3A_1431 = arith.constant 0 : i32
    %dma_wait3A_1432 = arith.constant 0 : i32
    %dma_wait3A_1433 = tpu.memref_slice %arg9[%dma_wait3A_1431, %dma_wait3A_1432] : memref<128x128xf32, #tpu.memory_space<vmem>> -> memref<32x128xf32, #tpu.memory_space<vmem>>
    %dma_wait3A_1434 = arith.constant 0 : i32
    %dma_wait3A_1435 = tpu.memref_slice %arg2[%add3A_1019, %dma_wait3A_1434] : memref<16384x512xf32, #tpu.memory_space<hbm>> -> memref<32x128xf32, #tpu.memory_space<hbm>>
    tpu.wait_dma2 semaphore(%arg21 : memref<!tpu.dma_semaphore, #tpu.memory_space<semaphore_mem>>) src(%dma_wait3A_1435 : memref<32x128xf32, #tpu.memory_space<hbm>>) dst(%dma_wait3A_1433 : memref<32x128xf32, #tpu.memory_space<vmem>>)
    %dma_wait3A_1436 = arith.constant 32 : i32
    %dma_wait3A_1437 = arith.constant 0 : i32
    %dma_wait3A_1438 = tpu.memref_slice %arg9[%dma_wait3A_1436, %dma_wait3A_1437] : memref<128x128xf32, #tpu.memory_space<vmem>> -> memref<32x128xf32, #tpu.memory_space<vmem>>
    %dma_wait3A_1439 = arith.constant 128 : i32
    %dma_wait3A_1440 = tpu.memref_slice %arg2[%add3A_1031, %dma_wait3A_1439] : memref<16384x512xf32, #tpu.memory_space<hbm>> -> memref<32x128xf32, #tpu.memory_space<hbm>>
    %dma_wait3A_1441 = arith.constant 32 : i32
    %dma_wait3A_1442 = arith.constant 0 : i32
    %dma_wait3A_1443 = tpu.memref_slice %arg9[%dma_wait3A_1441, %dma_wait3A_1442] : memref<128x128xf32, #tpu.memory_space<vmem>> -> memref<32x128xf32, #tpu.memory_space<vmem>>
    %dma_wait3A_1444 = arith.constant 128 : i32
    %dma_wait3A_1445 = tpu.memref_slice %arg2[%add3A_1031, %dma_wait3A_1444] : memref<16384x512xf32, #tpu.memory_space<hbm>> -> memref<32x128xf32, #tpu.memory_space<hbm>>
    tpu.wait_dma2 semaphore(%arg21 : memref<!tpu.dma_semaphore, #tpu.memory_space<semaphore_mem>>) src(%dma_wait3A_1445 : memref<32x128xf32, #tpu.memory_space<hbm>>) dst(%dma_wait3A_1443 : memref<32x128xf32, #tpu.memory_space<vmem>>)
    %dma_wait3A_1446 = arith.constant 64 : i32
    %dma_wait3A_1447 = arith.constant 0 : i32
    %dma_wait3A_1448 = tpu.memref_slice %arg9[%dma_wait3A_1446, %dma_wait3A_1447] : memref<128x128xf32, #tpu.memory_space<vmem>> -> memref<32x128xf32, #tpu.memory_space<vmem>>
    %dma_wait3A_1449 = arith.constant 256 : i32
    %dma_wait3A_1450 = tpu.memref_slice %arg2[%add3A_1043, %dma_wait3A_1449] : memref<16384x512xf32, #tpu.memory_space<hbm>> -> memref<32x128xf32, #tpu.memory_space<hbm>>
    %dma_wait3A_1451 = arith.constant 64 : i32
    %dma_wait3A_1452 = arith.constant 0 : i32
    %dma_wait3A_1453 = tpu.memref_slice %arg9[%dma_wait3A_1451, %dma_wait3A_1452] : memref<128x128xf32, #tpu.memory_space<vmem>> -> memref<32x128xf32, #tpu.memory_space<vmem>>
    %dma_wait3A_1454 = arith.constant 256 : i32
    %dma_wait3A_1455 = tpu.memref_slice %arg2[%add3A_1043, %dma_wait3A_1454] : memref<16384x512xf32, #tpu.memory_space<hbm>> -> memref<32x128xf32, #tpu.memory_space<hbm>>
    tpu.wait_dma2 semaphore(%arg21 : memref<!tpu.dma_semaphore, #tpu.memory_space<semaphore_mem>>) src(%dma_wait3A_1455 : memref<32x128xf32, #tpu.memory_space<hbm>>) dst(%dma_wait3A_1453 : memref<32x128xf32, #tpu.memory_space<vmem>>)
    %dma_wait3A_1456 = arith.constant 96 : i32
    %dma_wait3A_1457 = arith.constant 0 : i32
    %dma_wait3A_1458 = tpu.memref_slice %arg9[%dma_wait3A_1456, %dma_wait3A_1457] : memref<128x128xf32, #tpu.memory_space<vmem>> -> memref<32x128xf32, #tpu.memory_space<vmem>>
    %dma_wait3A_1459 = arith.constant 384 : i32
    %dma_wait3A_1460 = tpu.memref_slice %arg2[%add3A_1055, %dma_wait3A_1459] : memref<16384x512xf32, #tpu.memory_space<hbm>> -> memref<32x128xf32, #tpu.memory_space<hbm>>
    %dma_wait3A_1461 = arith.constant 96 : i32
    %dma_wait3A_1462 = arith.constant 0 : i32
    %dma_wait3A_1463 = tpu.memref_slice %arg9[%dma_wait3A_1461, %dma_wait3A_1462] : memref<128x128xf32, #tpu.memory_space<vmem>> -> memref<32x128xf32, #tpu.memory_space<vmem>>
    %dma_wait3A_1464 = arith.constant 384 : i32
    %dma_wait3A_1465 = tpu.memref_slice %arg2[%add3A_1055, %dma_wait3A_1464] : memref<16384x512xf32, #tpu.memory_space<hbm>> -> memref<32x128xf32, #tpu.memory_space<hbm>>
    tpu.wait_dma2 semaphore(%arg21 : memref<!tpu.dma_semaphore, #tpu.memory_space<semaphore_mem>>) src(%dma_wait3A_1465 : memref<32x128xf32, #tpu.memory_space<hbm>>) dst(%dma_wait3A_1463 : memref<32x128xf32, #tpu.memory_space<vmem>>)
    %get3A_1466 = arith.constant 224 : index
    %get3A_1467 = tpu.vector_load %arg17[%get3A_1466] {strides = array<i32>} : memref<512xi32, #tpu.memory_space<vmem>>, vector<16xi32>,
    %mul3A_1468 = arith.constant 4 : i32
    %mul3A_1469 = vector.broadcast %mul3A_1468 : i32 to vector<16xi32>
    %mul3A_1470 = arith.muli %get3A_1467, %mul3A_1469 : vector<16xi32>
    %add3A_1471 = arith.constant 0 : i32
    %add3A_1472 = vector.broadcast %add3A_1471 : i32 to vector<16xi32>
    %add3A_1473 = arith.addi %mul3A_1470, %add3A_1472 : vector<16xi32>
    %swap3A_1474 = arith.constant 0 : index
    %swap3A_1475 = tpu.vector_load %arg14[%swap3A_1474] {strides = array<i32>} : memref<128xi32, #tpu.memory_space<vmem>>, vector<16xi32>,
    tpu.vector_store %arg14[%swap3A_1474], %add3A_1473 {strides = array<i32>} : memref<128xi32, #tpu.memory_space<vmem>>, vector<16xi32>,
    %get3A_1476 = arith.constant 240 : index
    %get3A_1477 = tpu.vector_load %arg17[%get3A_1476] {strides = array<i32>} : memref<512xi32, #tpu.memory_space<vmem>>, vector<16xi32>,
    %mul3A_1478 = arith.constant 4 : i32
    %mul3A_1479 = vector.broadcast %mul3A_1478 : i32 to vector<16xi32>
    %mul3A_1480 = arith.muli %get3A_1477, %mul3A_1479 : vector<16xi32>
    %add3A_1481 = arith.constant 0 : i32
    %add3A_1482 = vector.broadcast %add3A_1481 : i32 to vector<16xi32>
    %add3A_1483 = arith.addi %mul3A_1480, %add3A_1482 : vector<16xi32>
    %swap3A_1484 = arith.constant 16 : index
    %swap3A_1485 = tpu.vector_load %arg14[%swap3A_1484] {strides = array<i32>} : memref<128xi32, #tpu.memory_space<vmem>>, vector<16xi32>,
    tpu.vector_store %arg14[%swap3A_1484], %add3A_1483 {strides = array<i32>} : memref<128xi32, #tpu.memory_space<vmem>>, vector<16xi32>,
    %get3A_1486 = arith.constant 224 : index
    %get3A_1487 = tpu.vector_load %arg17[%get3A_1486] {strides = array<i32>} : memref<512xi32, #tpu.memory_space<vmem>>, vector<16xi32>,
    %mul3A_1488 = arith.constant 4 : i32
    %mul3A_1489 = vector.broadcast %mul3A_1488 : i32 to vector<16xi32>
    %mul3A_1490 = arith.muli %get3A_1487, %mul3A_1489 : vector<16xi32>
    %add3A_1491 = arith.constant 1 : i32
    %add3A_1492 = vector.broadcast %add3A_1491 : i32 to vector<16xi32>
    %add3A_1493 = arith.addi %mul3A_1490, %add3A_1492 : vector<16xi32>
    %swap3A_1494 = arith.constant 32 : index
    %swap3A_1495 = tpu.vector_load %arg14[%swap3A_1494] {strides = array<i32>} : memref<128xi32, #tpu.memory_space<vmem>>, vector<16xi32>,
    tpu.vector_store %arg14[%swap3A_1494], %add3A_1493 {strides = array<i32>} : memref<128xi32, #tpu.memory_space<vmem>>, vector<16xi32>,
    %get3A_1496 = arith.constant 240 : index
    %get3A_1497 = tpu.vector_load %arg17[%get3A_1496] {strides = array<i32>} : memref<512xi32, #tpu.memory_space<vmem>>, vector<16xi32>,
    %mul3A_1498 = arith.constant 4 : i32
    %mul3A_1499 = vector.broadcast %mul3A_1498 : i32 to vector<16xi32>
    %mul3A_1500 = arith.muli %get3A_1497, %mul3A_1499 : vector<16xi32>
    %add3A_1501 = arith.constant 1 : i32
    %add3A_1502 = vector.broadcast %add3A_1501 : i32 to vector<16xi32>
    %add3A_1503 = arith.addi %mul3A_1500, %add3A_1502 : vector<16xi32>
    %swap3A_1504 = arith.constant 48 : index
    %swap3A_1505 = tpu.vector_load %arg14[%swap3A_1504] {strides = array<i32>} : memref<128xi32, #tpu.memory_space<vmem>>, vector<16xi32>,
    tpu.vector_store %arg14[%swap3A_1504], %add3A_1503 {strides = array<i32>} : memref<128xi32, #tpu.memory_space<vmem>>, vector<16xi32>,
    %get3A_1506 = arith.constant 224 : index
    %get3A_1507 = tpu.vector_load %arg17[%get3A_1506] {strides = array<i32>} : memref<512xi32, #tpu.memory_space<vmem>>, vector<16xi32>,
    %mul3A_1508 = arith.constant 4 : i32
    %mul3A_1509 = vector.broadcast %mul3A_1508 : i32 to vector<16xi32>
    %mul3A_1510 = arith.muli %get3A_1507, %mul3A_1509 : vector<16xi32>
    %add3A_1511 = arith.constant 2 : i32
    %add3A_1512 = vector.broadcast %add3A_1511 : i32 to vector<16xi32>
    %add3A_1513 = arith.addi %mul3A_1510, %add3A_1512 : vector<16xi32>
    %swap3A_1514 = arith.constant 64 : index
    %swap3A_1515 = tpu.vector_load %arg14[%swap3A_1514] {strides = array<i32>} : memref<128xi32, #tpu.memory_space<vmem>>, vector<16xi32>,
    tpu.vector_store %arg14[%swap3A_1514], %add3A_1513 {strides = array<i32>} : memref<128xi32, #tpu.memory_space<vmem>>, vector<16xi32>,
    %get3A_1516 = arith.constant 240 : index
    %get3A_1517 = tpu.vector_load %arg17[%get3A_1516] {strides = array<i32>} : memref<512xi32, #tpu.memory_space<vmem>>, vector<16xi32>,
    %mul3A_1518 = arith.constant 4 : i32
    %mul3A_1519 = vector.broadcast %mul3A_1518 : i32 to vector<16xi32>
    %mul3A_1520 = arith.muli %get3A_1517, %mul3A_1519 : vector<16xi32>
    %add3A_1521 = arith.constant 2 : i32
    %add3A_1522 = vector.broadcast %add3A_1521 : i32 to vector<16xi32>
    %add3A_1523 = arith.addi %mul3A_1520, %add3A_1522 : vector<16xi32>
    %swap3A_1524 = arith.constant 80 : index
    %swap3A_1525 = tpu.vector_load %arg14[%swap3A_1524] {strides = array<i32>} : memref<128xi32, #tpu.memory_space<vmem>>, vector<16xi32>,
    tpu.vector_store %arg14[%swap3A_1524], %add3A_1523 {strides = array<i32>} : memref<128xi32, #tpu.memory_space<vmem>>, vector<16xi32>,
    %get3A_1526 = arith.constant 224 : index
    %get3A_1527 = tpu.vector_load %arg17[%get3A_1526] {strides = array<i32>} : memref<512xi32, #tpu.memory_space<vmem>>, vector<16xi32>,
    %mul3A_1528 = arith.constant 4 : i32
    %mul3A_1529 = vector.broadcast %mul3A_1528 : i32 to vector<16xi32>
    %mul3A_1530 = arith.muli %get3A_1527, %mul3A_1529 : vector<16xi32>
    %add3A_1531 = arith.constant 3 : i32
    %add3A_1532 = vector.broadcast %add3A_1531 : i32 to vector<16xi32>
    %add3A_1533 = arith.addi %mul3A_1530, %add3A_1532 : vector<16xi32>
    %swap3A_1534 = arith.constant 96 : index
    %swap3A_1535 = tpu.vector_load %arg14[%swap3A_1534] {strides = array<i32>} : memref<128xi32, #tpu.memory_space<vmem>>, vector<16xi32>,
    tpu.vector_store %arg14[%swap3A_1534], %add3A_1533 {strides = array<i32>} : memref<128xi32, #tpu.memory_space<vmem>>, vector<16xi32>,
    %get3A_1536 = arith.constant 240 : index
    %get3A_1537 = tpu.vector_load %arg17[%get3A_1536] {strides = array<i32>} : memref<512xi32, #tpu.memory_space<vmem>>, vector<16xi32>,
    %mul3A_1538 = arith.constant 4 : i32
    %mul3A_1539 = vector.broadcast %mul3A_1538 : i32 to vector<16xi32>
    %mul3A_1540 = arith.muli %get3A_1537, %mul3A_1539 : vector<16xi32>
    %add3A_1541 = arith.constant 3 : i32
    %add3A_1542 = vector.broadcast %add3A_1541 : i32 to vector<16xi32>
    %add3A_1543 = arith.addi %mul3A_1540, %add3A_1542 : vector<16xi32>
    %swap3A_1544 = arith.constant 112 : index
    %swap3A_1545 = tpu.vector_load %arg14[%swap3A_1544] {strides = array<i32>} : memref<128xi32, #tpu.memory_space<vmem>>, vector<16xi32>,
    tpu.vector_store %arg14[%swap3A_1544], %add3A_1543 {strides = array<i32>} : memref<128xi32, #tpu.memory_space<vmem>>, vector<16xi32>,
    %dma_start3A_1546 = arith.constant 0 : i32
    %dma_start3A_1547 = arith.constant 0 : i32
    %dma_start3A_1548 = tpu.memref_slice %arg6[%dma_start3A_1546, %dma_start3A_1547] : memref<4096x128xf32, #tpu.memory_space<vmem_shared>> -> memref<4096x128xf32, #tpu.memory_space<vmem_shared>>
    tpu.enqueue_indirect_dma source(%arg9 : memref<128x128xf32, #tpu.memory_space<vmem>>) target(%dma_start3A_1548 : memref<4096x128xf32, #tpu.memory_space<vmem_shared>>) offsets(%arg14 : memref<128xi32, #tpu.memory_space<vmem>>) semaphore(%arg26 : memref<!tpu.dma_semaphore, #tpu.memory_space<semaphore_mem>>) {add = true}
    %scan3A_1549 = arith.constant 0 : i32
    %scan3A_1550 = arith.constant 128 : i32
    %scan3A_1551 = arith.addi %scan3A_1549, %scan3A_1550 : i32
    %scan3A_1552 = arith.constant 1 : i32
    %scan3A_1553:8 = scf.for %scan3A_2927 = %scan3A_1549 to %scan3A_1551 step %scan3A_1552 iter_args(%scan3A_2928 = %scan3A_1373#0, %scan3A_2929 = %scan3A_1373#1, %scan3A_2930 = %scan3A_1373#2, %scan3A_2931 = %scan3A_1373#3, %scan3A_2932 = %scan3A_1373#4, %scan3A_2933 = %scan3A_1373#5, %scan3A_2934 = %scan3A_1373#6, %scan3A_2935 = %scan3A_1373#7) -> (vector<16xf32>, vector<16xf32>, vector<16xf32>, vector<16xf32>, vector<16xf32>, vector<16xf32>, vector<16xf32>, vector<16xf32>)  : i32 {
      %get3A_2936 = arith.index_cast %scan3A_2927 : i32 to index
      %get3A_2937 = arith.constant 0 : index
      %get3A_2938 = tpu.vector_load %arg9[%get3A_2936, %get3A_2937] {strides = array<i32>} : memref<128x128xf32, #tpu.memory_space<vmem>>, vector<16xf32>,
      %mul3A_2939 = arith.mulf %get3A_2938, %get3A_2938 : vector<16xf32>
      %add3A_2940 = arith.addf %scan3A_2928, %mul3A_2939 : vector<16xf32>
      %get3A_2941 = arith.index_cast %scan3A_2927 : i32 to index
      %get3A_2942 = arith.constant 16 : index
      %get3A_2943 = tpu.vector_load %arg9[%get3A_2941, %get3A_2942] {strides = array<i32>} : memref<128x128xf32, #tpu.memory_space<vmem>>, vector<16xf32>,
      %mul3A_2944 = arith.mulf %get3A_2943, %get3A_2943 : vector<16xf32>
      %add3A_2945 = arith.addf %scan3A_2929, %mul3A_2944 : vector<16xf32>
      %get3A_2946 = arith.index_cast %scan3A_2927 : i32 to index
      %get3A_2947 = arith.constant 32 : index
      %get3A_2948 = tpu.vector_load %arg9[%get3A_2946, %get3A_2947] {strides = array<i32>} : memref<128x128xf32, #tpu.memory_space<vmem>>, vector<16xf32>,
      %mul3A_2949 = arith.mulf %get3A_2948, %get3A_2948 : vector<16xf32>
      %add3A_2950 = arith.addf %scan3A_2930, %mul3A_2949 : vector<16xf32>
      %get3A_2951 = arith.index_cast %scan3A_2927 : i32 to index
      %get3A_2952 = arith.constant 48 : index
      %get3A_2953 = tpu.vector_load %arg9[%get3A_2951, %get3A_2952] {strides = array<i32>} : memref<128x128xf32, #tpu.memory_space<vmem>>, vector<16xf32>,
      %mul3A_2954 = arith.mulf %get3A_2953, %get3A_2953 : vector<16xf32>
      %add3A_2955 = arith.addf %scan3A_2931, %mul3A_2954 : vector<16xf32>
      %get3A_2956 = arith.index_cast %scan3A_2927 : i32 to index
      %get3A_2957 = arith.constant 64 : index
      %get3A_2958 = tpu.vector_load %arg9[%get3A_2956, %get3A_2957] {strides = array<i32>} : memref<128x128xf32, #tpu.memory_space<vmem>>, vector<16xf32>,
      %mul3A_2959 = arith.mulf %get3A_2958, %get3A_2958 : vector<16xf32>
      %add3A_2960 = arith.addf %scan3A_2932, %mul3A_2959 : vector<16xf32>
      %get3A_2961 = arith.index_cast %scan3A_2927 : i32 to index
      %get3A_2962 = arith.constant 80 : index
      %get3A_2963 = tpu.vector_load %arg9[%get3A_2961, %get3A_2962] {strides = array<i32>} : memref<128x128xf32, #tpu.memory_space<vmem>>, vector<16xf32>,
      %mul3A_2964 = arith.mulf %get3A_2963, %get3A_2963 : vector<16xf32>
      %add3A_2965 = arith.addf %scan3A_2933, %mul3A_2964 : vector<16xf32>
      %get3A_2966 = arith.index_cast %scan3A_2927 : i32 to index
      %get3A_2967 = arith.constant 96 : index
      %get3A_2968 = tpu.vector_load %arg9[%get3A_2966, %get3A_2967] {strides = array<i32>} : memref<128x128xf32, #tpu.memory_space<vmem>>, vector<16xf32>,
      %mul3A_2969 = arith.mulf %get3A_2968, %get3A_2968 : vector<16xf32>
      %add3A_2970 = arith.addf %scan3A_2934, %mul3A_2969 : vector<16xf32>
      %get3A_2971 = arith.index_cast %scan3A_2927 : i32 to index
      %get3A_2972 = arith.constant 112 : index
      %get3A_2973 = tpu.vector_load %arg9[%get3A_2971, %get3A_2972] {strides = array<i32>} : memref<128x128xf32, #tpu.memory_space<vmem>>, vector<16xf32>,
      %mul3A_2974 = arith.mulf %get3A_2973, %get3A_2973 : vector<16xf32>
      %add3A_2975 = arith.addf %scan3A_2935, %mul3A_2974 : vector<16xf32>
      scf.yield %add3A_2940, %add3A_2945, %add3A_2950, %add3A_2955, %add3A_2960, %add3A_2965, %add3A_2970, %add3A_2975 : vector<16xf32>, vector<16xf32>, vector<16xf32>, vector<16xf32>, vector<16xf32>, vector<16xf32>, vector<16xf32>, vector<16xf32>
    }
    %scan3A_1554 = arith.constant 128 : i32
    %dma_wait3A_1555 = arith.constant 0 : i32
    %dma_wait3A_1556 = arith.constant 0 : i32
    %dma_wait3A_1557 = tpu.memref_slice %arg6[%dma_wait3A_1555, %dma_wait3A_1556] : memref<4096x128xf32, #tpu.memory_space<vmem_shared>> -> memref<4096x128xf32, #tpu.memory_space<vmem_shared>>
    tpu.wait_indirect_dma semaphore(%arg24 : memref<!tpu.dma_semaphore, #tpu.memory_space<semaphore_mem>>) src(%arg7 : memref<128x128xf32, #tpu.memory_space<vmem>>) dst(%dma_wait3A_1557 : memref<4096x128xf32, #tpu.memory_space<vmem_shared>>)
    %add3A_1558 = arith.constant 320 : i32
    %add3A_1559 = arith.addi %mul3A_16, %add3A_1558 : i32
    %dma_start3A_1560 = arith.constant 0 : i32
    %dma_start3A_1561 = arith.constant 0 : i32
    %dma_start3A_1562 = tpu.memref_slice %arg7[%dma_start3A_1560, %dma_start3A_1561] : memref<128x128xf32, #tpu.memory_space<vmem>> -> memref<32x128xf32, #tpu.memory_space<vmem>>
    %dma_start3A_1563 = arith.constant 0 : i32
    %dma_start3A_1564 = tpu.memref_slice %arg2[%add3A_1559, %dma_start3A_1563] : memref<16384x512xf32, #tpu.memory_space<hbm>> -> memref<32x128xf32, #tpu.memory_space<hbm>>
    %dma_start3A_1565 = arith.constant 0 : i32
    %dma_start3A_1566 = arith.constant 0 : i32
    %dma_start3A_1567 = tpu.memref_slice %arg7[%dma_start3A_1565, %dma_start3A_1566] : memref<128x128xf32, #tpu.memory_space<vmem>> -> memref<32x128xf32, #tpu.memory_space<vmem>>
    %dma_start3A_1568 = arith.constant 0 : i32
    %dma_start3A_1569 = tpu.memref_slice %arg2[%add3A_1559, %dma_start3A_1568] : memref<16384x512xf32, #tpu.memory_space<hbm>> -> memref<32x128xf32, #tpu.memory_space<hbm>>
    tpu.enqueue_dma source(%dma_start3A_1569 : memref<32x128xf32, #tpu.memory_space<hbm>>) target(%dma_start3A_1567 : memref<32x128xf32, #tpu.memory_space<vmem>>) target_semaphore(%arg19 : memref<!tpu.dma_semaphore, #tpu.memory_space<semaphore_mem>>)
    %add3A_1570 = arith.constant 320 : i32
    %add3A_1571 = arith.addi %mul3A_16, %add3A_1570 : i32
    %dma_start3A_1572 = arith.constant 32 : i32
    %dma_start3A_1573 = arith.constant 0 : i32
    %dma_start3A_1574 = tpu.memref_slice %arg7[%dma_start3A_1572, %dma_start3A_1573] : memref<128x128xf32, #tpu.memory_space<vmem>> -> memref<32x128xf32, #tpu.memory_space<vmem>>
    %dma_start3A_1575 = arith.constant 128 : i32
    %dma_start3A_1576 = tpu.memref_slice %arg2[%add3A_1571, %dma_start3A_1575] : memref<16384x512xf32, #tpu.memory_space<hbm>> -> memref<32x128xf32, #tpu.memory_space<hbm>>
    %dma_start3A_1577 = arith.constant 32 : i32
    %dma_start3A_1578 = arith.constant 0 : i32
    %dma_start3A_1579 = tpu.memref_slice %arg7[%dma_start3A_1577, %dma_start3A_1578] : memref<128x128xf32, #tpu.memory_space<vmem>> -> memref<32x128xf32, #tpu.memory_space<vmem>>
    %dma_start3A_1580 = arith.constant 128 : i32
    %dma_start3A_1581 = tpu.memref_slice %arg2[%add3A_1571, %dma_start3A_1580] : memref<16384x512xf32, #tpu.memory_space<hbm>> -> memref<32x128xf32, #tpu.memory_space<hbm>>
    tpu.enqueue_dma source(%dma_start3A_1581 : memref<32x128xf32, #tpu.memory_space<hbm>>) target(%dma_start3A_1579 : memref<32x128xf32, #tpu.memory_space<vmem>>) target_semaphore(%arg19 : memref<!tpu.dma_semaphore, #tpu.memory_space<semaphore_mem>>)
    %add3A_1582 = arith.constant 320 : i32
    %add3A_1583 = arith.addi %mul3A_16, %add3A_1582 : i32
    %dma_start3A_1584 = arith.constant 64 : i32
    %dma_start3A_1585 = arith.constant 0 : i32
    %dma_start3A_1586 = tpu.memref_slice %arg7[%dma_start3A_1584, %dma_start3A_1585] : memref<128x128xf32, #tpu.memory_space<vmem>> -> memref<32x128xf32, #tpu.memory_space<vmem>>
    %dma_start3A_1587 = arith.constant 256 : i32
    %dma_start3A_1588 = tpu.memref_slice %arg2[%add3A_1583, %dma_start3A_1587] : memref<16384x512xf32, #tpu.memory_space<hbm>> -> memref<32x128xf32, #tpu.memory_space<hbm>>
    %dma_start3A_1589 = arith.constant 64 : i32
    %dma_start3A_1590 = arith.constant 0 : i32
    %dma_start3A_1591 = tpu.memref_slice %arg7[%dma_start3A_1589, %dma_start3A_1590] : memref<128x128xf32, #tpu.memory_space<vmem>> -> memref<32x128xf32, #tpu.memory_space<vmem>>
    %dma_start3A_1592 = arith.constant 256 : i32
    %dma_start3A_1593 = tpu.memref_slice %arg2[%add3A_1583, %dma_start3A_1592] : memref<16384x512xf32, #tpu.memory_space<hbm>> -> memref<32x128xf32, #tpu.memory_space<hbm>>
    tpu.enqueue_dma source(%dma_start3A_1593 : memref<32x128xf32, #tpu.memory_space<hbm>>) target(%dma_start3A_1591 : memref<32x128xf32, #tpu.memory_space<vmem>>) target_semaphore(%arg19 : memref<!tpu.dma_semaphore, #tpu.memory_space<semaphore_mem>>)
    %add3A_1594 = arith.constant 320 : i32
    %add3A_1595 = arith.addi %mul3A_16, %add3A_1594 : i32
    %dma_start3A_1596 = arith.constant 96 : i32
    %dma_start3A_1597 = arith.constant 0 : i32
    %dma_start3A_1598 = tpu.memref_slice %arg7[%dma_start3A_1596, %dma_start3A_1597] : memref<128x128xf32, #tpu.memory_space<vmem>> -> memref<32x128xf32, #tpu.memory_space<vmem>>
    %dma_start3A_1599 = arith.constant 384 : i32
    %dma_start3A_1600 = tpu.memref_slice %arg2[%add3A_1595, %dma_start3A_1599] : memref<16384x512xf32, #tpu.memory_space<hbm>> -> memref<32x128xf32, #tpu.memory_space<hbm>>
    %dma_start3A_1601 = arith.constant 96 : i32
    %dma_start3A_1602 = arith.constant 0 : i32
    %dma_start3A_1603 = tpu.memref_slice %arg7[%dma_start3A_1601, %dma_start3A_1602] : memref<128x128xf32, #tpu.memory_space<vmem>> -> memref<32x128xf32, #tpu.memory_space<vmem>>
    %dma_start3A_1604 = arith.constant 384 : i32
    %dma_start3A_1605 = tpu.memref_slice %arg2[%add3A_1595, %dma_start3A_1604] : memref<16384x512xf32, #tpu.memory_space<hbm>> -> memref<32x128xf32, #tpu.memory_space<hbm>>
    tpu.enqueue_dma source(%dma_start3A_1605 : memref<32x128xf32, #tpu.memory_space<hbm>>) target(%dma_start3A_1603 : memref<32x128xf32, #tpu.memory_space<vmem>>) target_semaphore(%arg19 : memref<!tpu.dma_semaphore, #tpu.memory_space<semaphore_mem>>)
    %dma_wait3A_1606 = arith.constant 0 : i32
    %dma_wait3A_1607 = arith.constant 0 : i32
    %dma_wait3A_1608 = tpu.memref_slice %arg10[%dma_wait3A_1606, %dma_wait3A_1607] : memref<128x128xf32, #tpu.memory_space<vmem>> -> memref<32x128xf32, #tpu.memory_space<vmem>>
    %dma_wait3A_1609 = arith.constant 0 : i32
    %dma_wait3A_1610 = tpu.memref_slice %arg2[%add3A_1199, %dma_wait3A_1609] : memref<16384x512xf32, #tpu.memory_space<hbm>> -> memref<32x128xf32, #tpu.memory_space<hbm>>
    %dma_wait3A_1611 = arith.constant 0 : i32
    %dma_wait3A_1612 = arith.constant 0 : i32
    %dma_wait3A_1613 = tpu.memref_slice %arg10[%dma_wait3A_1611, %dma_wait3A_1612] : memref<128x128xf32, #tpu.memory_space<vmem>> -> memref<32x128xf32, #tpu.memory_space<vmem>>
    %dma_wait3A_1614 = arith.constant 0 : i32
    %dma_wait3A_1615 = tpu.memref_slice %arg2[%add3A_1199, %dma_wait3A_1614] : memref<16384x512xf32, #tpu.memory_space<hbm>> -> memref<32x128xf32, #tpu.memory_space<hbm>>
    tpu.wait_dma2 semaphore(%arg22 : memref<!tpu.dma_semaphore, #tpu.memory_space<semaphore_mem>>) src(%dma_wait3A_1615 : memref<32x128xf32, #tpu.memory_space<hbm>>) dst(%dma_wait3A_1613 : memref<32x128xf32, #tpu.memory_space<vmem>>)
    %dma_wait3A_1616 = arith.constant 32 : i32
    %dma_wait3A_1617 = arith.constant 0 : i32
    %dma_wait3A_1618 = tpu.memref_slice %arg10[%dma_wait3A_1616, %dma_wait3A_1617] : memref<128x128xf32, #tpu.memory_space<vmem>> -> memref<32x128xf32, #tpu.memory_space<vmem>>
    %dma_wait3A_1619 = arith.constant 128 : i32
    %dma_wait3A_1620 = tpu.memref_slice %arg2[%add3A_1211, %dma_wait3A_1619] : memref<16384x512xf32, #tpu.memory_space<hbm>> -> memref<32x128xf32, #tpu.memory_space<hbm>>
    %dma_wait3A_1621 = arith.constant 32 : i32
    %dma_wait3A_1622 = arith.constant 0 : i32
    %dma_wait3A_1623 = tpu.memref_slice %arg10[%dma_wait3A_1621, %dma_wait3A_1622] : memref<128x128xf32, #tpu.memory_space<vmem>> -> memref<32x128xf32, #tpu.memory_space<vmem>>
    %dma_wait3A_1624 = arith.constant 128 : i32
    %dma_wait3A_1625 = tpu.memref_slice %arg2[%add3A_1211, %dma_wait3A_1624] : memref<16384x512xf32, #tpu.memory_space<hbm>> -> memref<32x128xf32, #tpu.memory_space<hbm>>
    tpu.wait_dma2 semaphore(%arg22 : memref<!tpu.dma_semaphore, #tpu.memory_space<semaphore_mem>>) src(%dma_wait3A_1625 : memref<32x128xf32, #tpu.memory_space<hbm>>) dst(%dma_wait3A_1623 : memref<32x128xf32, #tpu.memory_space<vmem>>)
    %dma_wait3A_1626 = arith.constant 64 : i32
    %dma_wait3A_1627 = arith.constant 0 : i32
    %dma_wait3A_1628 = tpu.memref_slice %arg10[%dma_wait3A_1626, %dma_wait3A_1627] : memref<128x128xf32, #tpu.memory_space<vmem>> -> memref<32x128xf32, #tpu.memory_space<vmem>>
    %dma_wait3A_1629 = arith.constant 256 : i32
    %dma_wait3A_1630 = tpu.memref_slice %arg2[%add3A_1223, %dma_wait3A_1629] : memref<16384x512xf32, #tpu.memory_space<hbm>> -> memref<32x128xf32, #tpu.memory_space<hbm>>
    %dma_wait3A_1631 = arith.constant 64 : i32
    %dma_wait3A_1632 = arith.constant 0 : i32
    %dma_wait3A_1633 = tpu.memref_slice %arg10[%dma_wait3A_1631, %dma_wait3A_1632] : memref<128x128xf32, #tpu.memory_space<vmem>> -> memref<32x128xf32, #tpu.memory_space<vmem>>
    %dma_wait3A_1634 = arith.constant 256 : i32
    %dma_wait3A_1635 = tpu.memref_slice %arg2[%add3A_1223, %dma_wait3A_1634] : memref<16384x512xf32, #tpu.memory_space<hbm>> -> memref<32x128xf32, #tpu.memory_space<hbm>>
    tpu.wait_dma2 semaphore(%arg22 : memref<!tpu.dma_semaphore, #tpu.memory_space<semaphore_mem>>) src(%dma_wait3A_1635 : memref<32x128xf32, #tpu.memory_space<hbm>>) dst(%dma_wait3A_1633 : memref<32x128xf32, #tpu.memory_space<vmem>>)
    %dma_wait3A_1636 = arith.constant 96 : i32
    %dma_wait3A_1637 = arith.constant 0 : i32
    %dma_wait3A_1638 = tpu.memref_slice %arg10[%dma_wait3A_1636, %dma_wait3A_1637] : memref<128x128xf32, #tpu.memory_space<vmem>> -> memref<32x128xf32, #tpu.memory_space<vmem>>
    %dma_wait3A_1639 = arith.constant 384 : i32
    %dma_wait3A_1640 = tpu.memref_slice %arg2[%add3A_1235, %dma_wait3A_1639] : memref<16384x512xf32, #tpu.memory_space<hbm>> -> memref<32x128xf32, #tpu.memory_space<hbm>>
    %dma_wait3A_1641 = arith.constant 96 : i32
    %dma_wait3A_1642 = arith.constant 0 : i32
    %dma_wait3A_1643 = tpu.memref_slice %arg10[%dma_wait3A_1641, %dma_wait3A_1642] : memref<128x128xf32, #tpu.memory_space<vmem>> -> memref<32x128xf32, #tpu.memory_space<vmem>>
    %dma_wait3A_1644 = arith.constant 384 : i32
    %dma_wait3A_1645 = tpu.memref_slice %arg2[%add3A_1235, %dma_wait3A_1644] : memref<16384x512xf32, #tpu.memory_space<hbm>> -> memref<32x128xf32, #tpu.memory_space<hbm>>
    tpu.wait_dma2 semaphore(%arg22 : memref<!tpu.dma_semaphore, #tpu.memory_space<semaphore_mem>>) src(%dma_wait3A_1645 : memref<32x128xf32, #tpu.memory_space<hbm>>) dst(%dma_wait3A_1643 : memref<32x128xf32, #tpu.memory_space<vmem>>)
    %get3A_1646 = arith.constant 256 : index
    %get3A_1647 = tpu.vector_load %arg17[%get3A_1646] {strides = array<i32>} : memref<512xi32, #tpu.memory_space<vmem>>, vector<16xi32>,
    %mul3A_1648 = arith.constant 4 : i32
    %mul3A_1649 = vector.broadcast %mul3A_1648 : i32 to vector<16xi32>
    %mul3A_1650 = arith.muli %get3A_1647, %mul3A_1649 : vector<16xi32>
    %add3A_1651 = arith.constant 0 : i32
    %add3A_1652 = vector.broadcast %add3A_1651 : i32 to vector<16xi32>
    %add3A_1653 = arith.addi %mul3A_1650, %add3A_1652 : vector<16xi32>
    %swap3A_1654 = arith.constant 0 : index
    %swap3A_1655 = tpu.vector_load %arg15[%swap3A_1654] {strides = array<i32>} : memref<128xi32, #tpu.memory_space<vmem>>, vector<16xi32>,
    tpu.vector_store %arg15[%swap3A_1654], %add3A_1653 {strides = array<i32>} : memref<128xi32, #tpu.memory_space<vmem>>, vector<16xi32>,
    %get3A_1656 = arith.constant 272 : index
    %get3A_1657 = tpu.vector_load %arg17[%get3A_1656] {strides = array<i32>} : memref<512xi32, #tpu.memory_space<vmem>>, vector<16xi32>,
    %mul3A_1658 = arith.constant 4 : i32
    %mul3A_1659 = vector.broadcast %mul3A_1658 : i32 to vector<16xi32>
    %mul3A_1660 = arith.muli %get3A_1657, %mul3A_1659 : vector<16xi32>
    %add3A_1661 = arith.constant 0 : i32
    %add3A_1662 = vector.broadcast %add3A_1661 : i32 to vector<16xi32>
    %add3A_1663 = arith.addi %mul3A_1660, %add3A_1662 : vector<16xi32>
    %swap3A_1664 = arith.constant 16 : index
    %swap3A_1665 = tpu.vector_load %arg15[%swap3A_1664] {strides = array<i32>} : memref<128xi32, #tpu.memory_space<vmem>>, vector<16xi32>,
    tpu.vector_store %arg15[%swap3A_1664], %add3A_1663 {strides = array<i32>} : memref<128xi32, #tpu.memory_space<vmem>>, vector<16xi32>,
    %get3A_1666 = arith.constant 256 : index
    %get3A_1667 = tpu.vector_load %arg17[%get3A_1666] {strides = array<i32>} : memref<512xi32, #tpu.memory_space<vmem>>, vector<16xi32>,
    %mul3A_1668 = arith.constant 4 : i32
    %mul3A_1669 = vector.broadcast %mul3A_1668 : i32 to vector<16xi32>
    %mul3A_1670 = arith.muli %get3A_1667, %mul3A_1669 : vector<16xi32>
    %add3A_1671 = arith.constant 1 : i32
    %add3A_1672 = vector.broadcast %add3A_1671 : i32 to vector<16xi32>
    %add3A_1673 = arith.addi %mul3A_1670, %add3A_1672 : vector<16xi32>
    %swap3A_1674 = arith.constant 32 : index
    %swap3A_1675 = tpu.vector_load %arg15[%swap3A_1674] {strides = array<i32>} : memref<128xi32, #tpu.memory_space<vmem>>, vector<16xi32>,
    tpu.vector_store %arg15[%swap3A_1674], %add3A_1673 {strides = array<i32>} : memref<128xi32, #tpu.memory_space<vmem>>, vector<16xi32>,
    %get3A_1676 = arith.constant 272 : index
    %get3A_1677 = tpu.vector_load %arg17[%get3A_1676] {strides = array<i32>} : memref<512xi32, #tpu.memory_space<vmem>>, vector<16xi32>,
    %mul3A_1678 = arith.constant 4 : i32
    %mul3A_1679 = vector.broadcast %mul3A_1678 : i32 to vector<16xi32>
    %mul3A_1680 = arith.muli %get3A_1677, %mul3A_1679 : vector<16xi32>
    %add3A_1681 = arith.constant 1 : i32
    %add3A_1682 = vector.broadcast %add3A_1681 : i32 to vector<16xi32>
    %add3A_1683 = arith.addi %mul3A_1680, %add3A_1682 : vector<16xi32>
    %swap3A_1684 = arith.constant 48 : index
    %swap3A_1685 = tpu.vector_load %arg15[%swap3A_1684] {strides = array<i32>} : memref<128xi32, #tpu.memory_space<vmem>>, vector<16xi32>,
    tpu.vector_store %arg15[%swap3A_1684], %add3A_1683 {strides = array<i32>} : memref<128xi32, #tpu.memory_space<vmem>>, vector<16xi32>,
    %get3A_1686 = arith.constant 256 : index
    %get3A_1687 = tpu.vector_load %arg17[%get3A_1686] {strides = array<i32>} : memref<512xi32, #tpu.memory_space<vmem>>, vector<16xi32>,
    %mul3A_1688 = arith.constant 4 : i32
    %mul3A_1689 = vector.broadcast %mul3A_1688 : i32 to vector<16xi32>
    %mul3A_1690 = arith.muli %get3A_1687, %mul3A_1689 : vector<16xi32>
    %add3A_1691 = arith.constant 2 : i32
    %add3A_1692 = vector.broadcast %add3A_1691 : i32 to vector<16xi32>
    %add3A_1693 = arith.addi %mul3A_1690, %add3A_1692 : vector<16xi32>
    %swap3A_1694 = arith.constant 64 : index
    %swap3A_1695 = tpu.vector_load %arg15[%swap3A_1694] {strides = array<i32>} : memref<128xi32, #tpu.memory_space<vmem>>, vector<16xi32>,
    tpu.vector_store %arg15[%swap3A_1694], %add3A_1693 {strides = array<i32>} : memref<128xi32, #tpu.memory_space<vmem>>, vector<16xi32>,
    %get3A_1696 = arith.constant 272 : index
    %get3A_1697 = tpu.vector_load %arg17[%get3A_1696] {strides = array<i32>} : memref<512xi32, #tpu.memory_space<vmem>>, vector<16xi32>,
    %mul3A_1698 = arith.constant 4 : i32
    %mul3A_1699 = vector.broadcast %mul3A_1698 : i32 to vector<16xi32>
    %mul3A_1700 = arith.muli %get3A_1697, %mul3A_1699 : vector<16xi32>
    %add3A_1701 = arith.constant 2 : i32
    %add3A_1702 = vector.broadcast %add3A_1701 : i32 to vector<16xi32>
    %add3A_1703 = arith.addi %mul3A_1700, %add3A_1702 : vector<16xi32>
    %swap3A_1704 = arith.constant 80 : index
    %swap3A_1705 = tpu.vector_load %arg15[%swap3A_1704] {strides = array<i32>} : memref<128xi32, #tpu.memory_space<vmem>>, vector<16xi32>,
    tpu.vector_store %arg15[%swap3A_1704], %add3A_1703 {strides = array<i32>} : memref<128xi32, #tpu.memory_space<vmem>>, vector<16xi32>,
    %get3A_1706 = arith.constant 256 : index
    %get3A_1707 = tpu.vector_load %arg17[%get3A_1706] {strides = array<i32>} : memref<512xi32, #tpu.memory_space<vmem>>, vector<16xi32>,
    %mul3A_1708 = arith.constant 4 : i32
    %mul3A_1709 = vector.broadcast %mul3A_1708 : i32 to vector<16xi32>
    %mul3A_1710 = arith.muli %get3A_1707, %mul3A_1709 : vector<16xi32>
    %add3A_1711 = arith.constant 3 : i32
    %add3A_1712 = vector.broadcast %add3A_1711 : i32 to vector<16xi32>
    %add3A_1713 = arith.addi %mul3A_1710, %add3A_1712 : vector<16xi32>
    %swap3A_1714 = arith.constant 96 : index
    %swap3A_1715 = tpu.vector_load %arg15[%swap3A_1714] {strides = array<i32>} : memref<128xi32, #tpu.memory_space<vmem>>, vector<16xi32>,
    tpu.vector_store %arg15[%swap3A_1714], %add3A_1713 {strides = array<i32>} : memref<128xi32, #tpu.memory_space<vmem>>, vector<16xi32>,
    %get3A_1716 = arith.constant 272 : index
    %get3A_1717 = tpu.vector_load %arg17[%get3A_1716] {strides = array<i32>} : memref<512xi32, #tpu.memory_space<vmem>>, vector<16xi32>,
    %mul3A_1718 = arith.constant 4 : i32
    %mul3A_1719 = vector.broadcast %mul3A_1718 : i32 to vector<16xi32>
    %mul3A_1720 = arith.muli %get3A_1717, %mul3A_1719 : vector<16xi32>
    %add3A_1721 = arith.constant 3 : i32
    %add3A_1722 = vector.broadcast %add3A_1721 : i32 to vector<16xi32>
    %add3A_1723 = arith.addi %mul3A_1720, %add3A_1722 : vector<16xi32>
    %swap3A_1724 = arith.constant 112 : index
    %swap3A_1725 = tpu.vector_load %arg15[%swap3A_1724] {strides = array<i32>} : memref<128xi32, #tpu.memory_space<vmem>>, vector<16xi32>,
    tpu.vector_store %arg15[%swap3A_1724], %add3A_1723 {strides = array<i32>} : memref<128xi32, #tpu.memory_space<vmem>>, vector<16xi32>,
    %dma_start3A_1726 = arith.constant 0 : i32
    %dma_start3A_1727 = arith.constant 0 : i32
    %dma_start3A_1728 = tpu.memref_slice %arg6[%dma_start3A_1726, %dma_start3A_1727] : memref<4096x128xf32, #tpu.memory_space<vmem_shared>> -> memref<4096x128xf32, #tpu.memory_space<vmem_shared>>
    tpu.enqueue_indirect_dma source(%arg10 : memref<128x128xf32, #tpu.memory_space<vmem>>) target(%dma_start3A_1728 : memref<4096x128xf32, #tpu.memory_space<vmem_shared>>) offsets(%arg15 : memref<128xi32, #tpu.memory_space<vmem>>) semaphore(%arg27 : memref<!tpu.dma_semaphore, #tpu.memory_space<semaphore_mem>>) {add = true}
    %scan3A_1729 = arith.constant 0 : i32
    %scan3A_1730 = arith.constant 128 : i32
    %scan3A_1731 = arith.addi %scan3A_1729, %scan3A_1730 : i32
    %scan3A_1732 = arith.constant 1 : i32
    %scan3A_1733:8 = scf.for %scan3A_2927 = %scan3A_1729 to %scan3A_1731 step %scan3A_1732 iter_args(%scan3A_2928 = %scan3A_1553#0, %scan3A_2929 = %scan3A_1553#1, %scan3A_2930 = %scan3A_1553#2, %scan3A_2931 = %scan3A_1553#3, %scan3A_2932 = %scan3A_1553#4, %scan3A_2933 = %scan3A_1553#5, %scan3A_2934 = %scan3A_1553#6, %scan3A_2935 = %scan3A_1553#7) -> (vector<16xf32>, vector<16xf32>, vector<16xf32>, vector<16xf32>, vector<16xf32>, vector<16xf32>, vector<16xf32>, vector<16xf32>)  : i32 {
      %get3A_2936 = arith.index_cast %scan3A_2927 : i32 to index
      %get3A_2937 = arith.constant 0 : index
      %get3A_2938 = tpu.vector_load %arg10[%get3A_2936, %get3A_2937] {strides = array<i32>} : memref<128x128xf32, #tpu.memory_space<vmem>>, vector<16xf32>,
      %mul3A_2939 = arith.mulf %get3A_2938, %get3A_2938 : vector<16xf32>
      %add3A_2940 = arith.addf %scan3A_2928, %mul3A_2939 : vector<16xf32>
      %get3A_2941 = arith.index_cast %scan3A_2927 : i32 to index
      %get3A_2942 = arith.constant 16 : index
      %get3A_2943 = tpu.vector_load %arg10[%get3A_2941, %get3A_2942] {strides = array<i32>} : memref<128x128xf32, #tpu.memory_space<vmem>>, vector<16xf32>,
      %mul3A_2944 = arith.mulf %get3A_2943, %get3A_2943 : vector<16xf32>
      %add3A_2945 = arith.addf %scan3A_2929, %mul3A_2944 : vector<16xf32>
      %get3A_2946 = arith.index_cast %scan3A_2927 : i32 to index
      %get3A_2947 = arith.constant 32 : index
      %get3A_2948 = tpu.vector_load %arg10[%get3A_2946, %get3A_2947] {strides = array<i32>} : memref<128x128xf32, #tpu.memory_space<vmem>>, vector<16xf32>,
      %mul3A_2949 = arith.mulf %get3A_2948, %get3A_2948 : vector<16xf32>
      %add3A_2950 = arith.addf %scan3A_2930, %mul3A_2949 : vector<16xf32>
      %get3A_2951 = arith.index_cast %scan3A_2927 : i32 to index
      %get3A_2952 = arith.constant 48 : index
      %get3A_2953 = tpu.vector_load %arg10[%get3A_2951, %get3A_2952] {strides = array<i32>} : memref<128x128xf32, #tpu.memory_space<vmem>>, vector<16xf32>,
      %mul3A_2954 = arith.mulf %get3A_2953, %get3A_2953 : vector<16xf32>
      %add3A_2955 = arith.addf %scan3A_2931, %mul3A_2954 : vector<16xf32>
      %get3A_2956 = arith.index_cast %scan3A_2927 : i32 to index
      %get3A_2957 = arith.constant 64 : index
      %get3A_2958 = tpu.vector_load %arg10[%get3A_2956, %get3A_2957] {strides = array<i32>} : memref<128x128xf32, #tpu.memory_space<vmem>>, vector<16xf32>,
      %mul3A_2959 = arith.mulf %get3A_2958, %get3A_2958 : vector<16xf32>
      %add3A_2960 = arith.addf %scan3A_2932, %mul3A_2959 : vector<16xf32>
      %get3A_2961 = arith.index_cast %scan3A_2927 : i32 to index
      %get3A_2962 = arith.constant 80 : index
      %get3A_2963 = tpu.vector_load %arg10[%get3A_2961, %get3A_2962] {strides = array<i32>} : memref<128x128xf32, #tpu.memory_space<vmem>>, vector<16xf32>,
      %mul3A_2964 = arith.mulf %get3A_2963, %get3A_2963 : vector<16xf32>
      %add3A_2965 = arith.addf %scan3A_2933, %mul3A_2964 : vector<16xf32>
      %get3A_2966 = arith.index_cast %scan3A_2927 : i32 to index
      %get3A_2967 = arith.constant 96 : index
      %get3A_2968 = tpu.vector_load %arg10[%get3A_2966, %get3A_2967] {strides = array<i32>} : memref<128x128xf32, #tpu.memory_space<vmem>>, vector<16xf32>,
      %mul3A_2969 = arith.mulf %get3A_2968, %get3A_2968 : vector<16xf32>
      %add3A_2970 = arith.addf %scan3A_2934, %mul3A_2969 : vector<16xf32>
      %get3A_2971 = arith.index_cast %scan3A_2927 : i32 to index
      %get3A_2972 = arith.constant 112 : index
      %get3A_2973 = tpu.vector_load %arg10[%get3A_2971, %get3A_2972] {strides = array<i32>} : memref<128x128xf32, #tpu.memory_space<vmem>>, vector<16xf32>,
      %mul3A_2974 = arith.mulf %get3A_2973, %get3A_2973 : vector<16xf32>
      %add3A_2975 = arith.addf %scan3A_2935, %mul3A_2974 : vector<16xf32>
      scf.yield %add3A_2940, %add3A_2945, %add3A_2950, %add3A_2955, %add3A_2960, %add3A_2965, %add3A_2970, %add3A_2975 : vector<16xf32>, vector<16xf32>, vector<16xf32>, vector<16xf32>, vector<16xf32>, vector<16xf32>, vector<16xf32>, vector<16xf32>
    }
    %scan3A_1734 = arith.constant 128 : i32
    %dma_wait3A_1735 = arith.constant 0 : i32
    %dma_wait3A_1736 = arith.constant 0 : i32
    %dma_wait3A_1737 = tpu.memref_slice %arg6[%dma_wait3A_1735, %dma_wait3A_1736] : memref<4096x128xf32, #tpu.memory_space<vmem_shared>> -> memref<4096x128xf32, #tpu.memory_space<vmem_shared>>
    tpu.wait_indirect_dma semaphore(%arg25 : memref<!tpu.dma_semaphore, #tpu.memory_space<semaphore_mem>>) src(%arg8 : memref<128x128xf32, #tpu.memory_space<vmem>>) dst(%dma_wait3A_1737 : memref<4096x128xf32, #tpu.memory_space<vmem_shared>>)
    %add3A_1738 = arith.constant 352 : i32
    %add3A_1739 = arith.addi %mul3A_16, %add3A_1738 : i32
    %dma_start3A_1740 = arith.constant 0 : i32
    %dma_start3A_1741 = arith.constant 0 : i32
    %dma_start3A_1742 = tpu.memref_slice %arg8[%dma_start3A_1740, %dma_start3A_1741] : memref<128x128xf32, #tpu.memory_space<vmem>> -> memref<32x128xf32, #tpu.memory_space<vmem>>
    %dma_start3A_1743 = arith.constant 0 : i32
    %dma_start3A_1744 = tpu.memref_slice %arg2[%add3A_1739, %dma_start3A_1743] : memref<16384x512xf32, #tpu.memory_space<hbm>> -> memref<32x128xf32, #tpu.memory_space<hbm>>
    %dma_start3A_1745 = arith.constant 0 : i32
    %dma_start3A_1746 = arith.constant 0 : i32
    %dma_start3A_1747 = tpu.memref_slice %arg8[%dma_start3A_1745, %dma_start3A_1746] : memref<128x128xf32, #tpu.memory_space<vmem>> -> memref<32x128xf32, #tpu.memory_space<vmem>>
    %dma_start3A_1748 = arith.constant 0 : i32
    %dma_start3A_1749 = tpu.memref_slice %arg2[%add3A_1739, %dma_start3A_1748] : memref<16384x512xf32, #tpu.memory_space<hbm>> -> memref<32x128xf32, #tpu.memory_space<hbm>>
    tpu.enqueue_dma source(%dma_start3A_1749 : memref<32x128xf32, #tpu.memory_space<hbm>>) target(%dma_start3A_1747 : memref<32x128xf32, #tpu.memory_space<vmem>>) target_semaphore(%arg20 : memref<!tpu.dma_semaphore, #tpu.memory_space<semaphore_mem>>)
    %add3A_1750 = arith.constant 352 : i32
    %add3A_1751 = arith.addi %mul3A_16, %add3A_1750 : i32
    %dma_start3A_1752 = arith.constant 32 : i32
    %dma_start3A_1753 = arith.constant 0 : i32
    %dma_start3A_1754 = tpu.memref_slice %arg8[%dma_start3A_1752, %dma_start3A_1753] : memref<128x128xf32, #tpu.memory_space<vmem>> -> memref<32x128xf32, #tpu.memory_space<vmem>>
    %dma_start3A_1755 = arith.constant 128 : i32
    %dma_start3A_1756 = tpu.memref_slice %arg2[%add3A_1751, %dma_start3A_1755] : memref<16384x512xf32, #tpu.memory_space<hbm>> -> memref<32x128xf32, #tpu.memory_space<hbm>>
    %dma_start3A_1757 = arith.constant 32 : i32
    %dma_start3A_1758 = arith.constant 0 : i32
    %dma_start3A_1759 = tpu.memref_slice %arg8[%dma_start3A_1757, %dma_start3A_1758] : memref<128x128xf32, #tpu.memory_space<vmem>> -> memref<32x128xf32, #tpu.memory_space<vmem>>
    %dma_start3A_1760 = arith.constant 128 : i32
    %dma_start3A_1761 = tpu.memref_slice %arg2[%add3A_1751, %dma_start3A_1760] : memref<16384x512xf32, #tpu.memory_space<hbm>> -> memref<32x128xf32, #tpu.memory_space<hbm>>
    tpu.enqueue_dma source(%dma_start3A_1761 : memref<32x128xf32, #tpu.memory_space<hbm>>) target(%dma_start3A_1759 : memref<32x128xf32, #tpu.memory_space<vmem>>) target_semaphore(%arg20 : memref<!tpu.dma_semaphore, #tpu.memory_space<semaphore_mem>>)
    %add3A_1762 = arith.constant 352 : i32
    %add3A_1763 = arith.addi %mul3A_16, %add3A_1762 : i32
    %dma_start3A_1764 = arith.constant 64 : i32
    %dma_start3A_1765 = arith.constant 0 : i32
    %dma_start3A_1766 = tpu.memref_slice %arg8[%dma_start3A_1764, %dma_start3A_1765] : memref<128x128xf32, #tpu.memory_space<vmem>> -> memref<32x128xf32, #tpu.memory_space<vmem>>
    %dma_start3A_1767 = arith.constant 256 : i32
    %dma_start3A_1768 = tpu.memref_slice %arg2[%add3A_1763, %dma_start3A_1767] : memref<16384x512xf32, #tpu.memory_space<hbm>> -> memref<32x128xf32, #tpu.memory_space<hbm>>
    %dma_start3A_1769 = arith.constant 64 : i32
    %dma_start3A_1770 = arith.constant 0 : i32
    %dma_start3A_1771 = tpu.memref_slice %arg8[%dma_start3A_1769, %dma_start3A_1770] : memref<128x128xf32, #tpu.memory_space<vmem>> -> memref<32x128xf32, #tpu.memory_space<vmem>>
    %dma_start3A_1772 = arith.constant 256 : i32
    %dma_start3A_1773 = tpu.memref_slice %arg2[%add3A_1763, %dma_start3A_1772] : memref<16384x512xf32, #tpu.memory_space<hbm>> -> memref<32x128xf32, #tpu.memory_space<hbm>>
    tpu.enqueue_dma source(%dma_start3A_1773 : memref<32x128xf32, #tpu.memory_space<hbm>>) target(%dma_start3A_1771 : memref<32x128xf32, #tpu.memory_space<vmem>>) target_semaphore(%arg20 : memref<!tpu.dma_semaphore, #tpu.memory_space<semaphore_mem>>)
    %add3A_1774 = arith.constant 352 : i32
    %add3A_1775 = arith.addi %mul3A_16, %add3A_1774 : i32
    %dma_start3A_1776 = arith.constant 96 : i32
    %dma_start3A_1777 = arith.constant 0 : i32
    %dma_start3A_1778 = tpu.memref_slice %arg8[%dma_start3A_1776, %dma_start3A_1777] : memref<128x128xf32, #tpu.memory_space<vmem>> -> memref<32x128xf32, #tpu.memory_space<vmem>>
    %dma_start3A_1779 = arith.constant 384 : i32
    %dma_start3A_1780 = tpu.memref_slice %arg2[%add3A_1775, %dma_start3A_1779] : memref<16384x512xf32, #tpu.memory_space<hbm>> -> memref<32x128xf32, #tpu.memory_space<hbm>>
    %dma_start3A_1781 = arith.constant 96 : i32
    %dma_start3A_1782 = arith.constant 0 : i32
    %dma_start3A_1783 = tpu.memref_slice %arg8[%dma_start3A_1781, %dma_start3A_1782] : memref<128x128xf32, #tpu.memory_space<vmem>> -> memref<32x128xf32, #tpu.memory_space<vmem>>
    %dma_start3A_1784 = arith.constant 384 : i32
    %dma_start3A_1785 = tpu.memref_slice %arg2[%add3A_1775, %dma_start3A_1784] : memref<16384x512xf32, #tpu.memory_space<hbm>> -> memref<32x128xf32, #tpu.memory_space<hbm>>
    tpu.enqueue_dma source(%dma_start3A_1785 : memref<32x128xf32, #tpu.memory_space<hbm>>) target(%dma_start3A_1783 : memref<32x128xf32, #tpu.memory_space<vmem>>) target_semaphore(%arg20 : memref<!tpu.dma_semaphore, #tpu.memory_space<semaphore_mem>>)
    %dma_wait3A_1786 = arith.constant 0 : i32
    %dma_wait3A_1787 = arith.constant 0 : i32
    %dma_wait3A_1788 = tpu.memref_slice %arg11[%dma_wait3A_1786, %dma_wait3A_1787] : memref<128x128xf32, #tpu.memory_space<vmem>> -> memref<32x128xf32, #tpu.memory_space<vmem>>
    %dma_wait3A_1789 = arith.constant 0 : i32
    %dma_wait3A_1790 = tpu.memref_slice %arg2[%add3A_1379, %dma_wait3A_1789] : memref<16384x512xf32, #tpu.memory_space<hbm>> -> memref<32x128xf32, #tpu.memory_space<hbm>>
    %dma_wait3A_1791 = arith.constant 0 : i32
    %dma_wait3A_1792 = arith.constant 0 : i32
    %dma_wait3A_1793 = tpu.memref_slice %arg11[%dma_wait3A_1791, %dma_wait3A_1792] : memref<128x128xf32, #tpu.memory_space<vmem>> -> memref<32x128xf32, #tpu.memory_space<vmem>>
    %dma_wait3A_1794 = arith.constant 0 : i32
    %dma_wait3A_1795 = tpu.memref_slice %arg2[%add3A_1379, %dma_wait3A_1794] : memref<16384x512xf32, #tpu.memory_space<hbm>> -> memref<32x128xf32, #tpu.memory_space<hbm>>
    tpu.wait_dma2 semaphore(%arg23 : memref<!tpu.dma_semaphore, #tpu.memory_space<semaphore_mem>>) src(%dma_wait3A_1795 : memref<32x128xf32, #tpu.memory_space<hbm>>) dst(%dma_wait3A_1793 : memref<32x128xf32, #tpu.memory_space<vmem>>)
    %dma_wait3A_1796 = arith.constant 32 : i32
    %dma_wait3A_1797 = arith.constant 0 : i32
    %dma_wait3A_1798 = tpu.memref_slice %arg11[%dma_wait3A_1796, %dma_wait3A_1797] : memref<128x128xf32, #tpu.memory_space<vmem>> -> memref<32x128xf32, #tpu.memory_space<vmem>>
    %dma_wait3A_1799 = arith.constant 128 : i32
    %dma_wait3A_1800 = tpu.memref_slice %arg2[%add3A_1391, %dma_wait3A_1799] : memref<16384x512xf32, #tpu.memory_space<hbm>> -> memref<32x128xf32, #tpu.memory_space<hbm>>
    %dma_wait3A_1801 = arith.constant 32 : i32
    %dma_wait3A_1802 = arith.constant 0 : i32
    %dma_wait3A_1803 = tpu.memref_slice %arg11[%dma_wait3A_1801, %dma_wait3A_1802] : memref<128x128xf32, #tpu.memory_space<vmem>> -> memref<32x128xf32, #tpu.memory_space<vmem>>
    %dma_wait3A_1804 = arith.constant 128 : i32
    %dma_wait3A_1805 = tpu.memref_slice %arg2[%add3A_1391, %dma_wait3A_1804] : memref<16384x512xf32, #tpu.memory_space<hbm>> -> memref<32x128xf32, #tpu.memory_space<hbm>>
    tpu.wait_dma2 semaphore(%arg23 : memref<!tpu.dma_semaphore, #tpu.memory_space<semaphore_mem>>) src(%dma_wait3A_1805 : memref<32x128xf32, #tpu.memory_space<hbm>>) dst(%dma_wait3A_1803 : memref<32x128xf32, #tpu.memory_space<vmem>>)
    %dma_wait3A_1806 = arith.constant 64 : i32
    %dma_wait3A_1807 = arith.constant 0 : i32
    %dma_wait3A_1808 = tpu.memref_slice %arg11[%dma_wait3A_1806, %dma_wait3A_1807] : memref<128x128xf32, #tpu.memory_space<vmem>> -> memref<32x128xf32, #tpu.memory_space<vmem>>
    %dma_wait3A_1809 = arith.constant 256 : i32
    %dma_wait3A_1810 = tpu.memref_slice %arg2[%add3A_1403, %dma_wait3A_1809] : memref<16384x512xf32, #tpu.memory_space<hbm>> -> memref<32x128xf32, #tpu.memory_space<hbm>>
    %dma_wait3A_1811 = arith.constant 64 : i32
    %dma_wait3A_1812 = arith.constant 0 : i32
    %dma_wait3A_1813 = tpu.memref_slice %arg11[%dma_wait3A_1811, %dma_wait3A_1812] : memref<128x128xf32, #tpu.memory_space<vmem>> -> memref<32x128xf32, #tpu.memory_space<vmem>>
    %dma_wait3A_1814 = arith.constant 256 : i32
    %dma_wait3A_1815 = tpu.memref_slice %arg2[%add3A_1403, %dma_wait3A_1814] : memref<16384x512xf32, #tpu.memory_space<hbm>> -> memref<32x128xf32, #tpu.memory_space<hbm>>
    tpu.wait_dma2 semaphore(%arg23 : memref<!tpu.dma_semaphore, #tpu.memory_space<semaphore_mem>>) src(%dma_wait3A_1815 : memref<32x128xf32, #tpu.memory_space<hbm>>) dst(%dma_wait3A_1813 : memref<32x128xf32, #tpu.memory_space<vmem>>)
    %dma_wait3A_1816 = arith.constant 96 : i32
    %dma_wait3A_1817 = arith.constant 0 : i32
    %dma_wait3A_1818 = tpu.memref_slice %arg11[%dma_wait3A_1816, %dma_wait3A_1817] : memref<128x128xf32, #tpu.memory_space<vmem>> -> memref<32x128xf32, #tpu.memory_space<vmem>>
    %dma_wait3A_1819 = arith.constant 384 : i32
    %dma_wait3A_1820 = tpu.memref_slice %arg2[%add3A_1415, %dma_wait3A_1819] : memref<16384x512xf32, #tpu.memory_space<hbm>> -> memref<32x128xf32, #tpu.memory_space<hbm>>
    %dma_wait3A_1821 = arith.constant 96 : i32
    %dma_wait3A_1822 = arith.constant 0 : i32
    %dma_wait3A_1823 = tpu.memref_slice %arg11[%dma_wait3A_1821, %dma_wait3A_1822] : memref<128x128xf32, #tpu.memory_space<vmem>> -> memref<32x128xf32, #tpu.memory_space<vmem>>
    %dma_wait3A_1824 = arith.constant 384 : i32
    %dma_wait3A_1825 = tpu.memref_slice %arg2[%add3A_1415, %dma_wait3A_1824] : memref<16384x512xf32, #tpu.memory_space<hbm>> -> memref<32x128xf32, #tpu.memory_space<hbm>>
    tpu.wait_dma2 semaphore(%arg23 : memref<!tpu.dma_semaphore, #tpu.memory_space<semaphore_mem>>) src(%dma_wait3A_1825 : memref<32x128xf32, #tpu.memory_space<hbm>>) dst(%dma_wait3A_1823 : memref<32x128xf32, #tpu.memory_space<vmem>>)
    %get3A_1826 = arith.constant 288 : index
    %get3A_1827 = tpu.vector_load %arg17[%get3A_1826] {strides = array<i32>} : memref<512xi32, #tpu.memory_space<vmem>>, vector<16xi32>,
    %mul3A_1828 = arith.constant 4 : i32
    %mul3A_1829 = vector.broadcast %mul3A_1828 : i32 to vector<16xi32>
    %mul3A_1830 = arith.muli %get3A_1827, %mul3A_1829 : vector<16xi32>
    %add3A_1831 = arith.constant 0 : i32
    %add3A_1832 = vector.broadcast %add3A_1831 : i32 to vector<16xi32>
    %add3A_1833 = arith.addi %mul3A_1830, %add3A_1832 : vector<16xi32>
    %swap3A_1834 = arith.constant 0 : index
    %swap3A_1835 = tpu.vector_load %arg16[%swap3A_1834] {strides = array<i32>} : memref<128xi32, #tpu.memory_space<vmem>>, vector<16xi32>,
    tpu.vector_store %arg16[%swap3A_1834], %add3A_1833 {strides = array<i32>} : memref<128xi32, #tpu.memory_space<vmem>>, vector<16xi32>,
    %get3A_1836 = arith.constant 304 : index
    %get3A_1837 = tpu.vector_load %arg17[%get3A_1836] {strides = array<i32>} : memref<512xi32, #tpu.memory_space<vmem>>, vector<16xi32>,
    %mul3A_1838 = arith.constant 4 : i32
    %mul3A_1839 = vector.broadcast %mul3A_1838 : i32 to vector<16xi32>
    %mul3A_1840 = arith.muli %get3A_1837, %mul3A_1839 : vector<16xi32>
    %add3A_1841 = arith.constant 0 : i32
    %add3A_1842 = vector.broadcast %add3A_1841 : i32 to vector<16xi32>
    %add3A_1843 = arith.addi %mul3A_1840, %add3A_1842 : vector<16xi32>
    %swap3A_1844 = arith.constant 16 : index
    %swap3A_1845 = tpu.vector_load %arg16[%swap3A_1844] {strides = array<i32>} : memref<128xi32, #tpu.memory_space<vmem>>, vector<16xi32>,
    tpu.vector_store %arg16[%swap3A_1844], %add3A_1843 {strides = array<i32>} : memref<128xi32, #tpu.memory_space<vmem>>, vector<16xi32>,
    %get3A_1846 = arith.constant 288 : index
    %get3A_1847 = tpu.vector_load %arg17[%get3A_1846] {strides = array<i32>} : memref<512xi32, #tpu.memory_space<vmem>>, vector<16xi32>,
    %mul3A_1848 = arith.constant 4 : i32
    %mul3A_1849 = vector.broadcast %mul3A_1848 : i32 to vector<16xi32>
    %mul3A_1850 = arith.muli %get3A_1847, %mul3A_1849 : vector<16xi32>
    %add3A_1851 = arith.constant 1 : i32
    %add3A_1852 = vector.broadcast %add3A_1851 : i32 to vector<16xi32>
    %add3A_1853 = arith.addi %mul3A_1850, %add3A_1852 : vector<16xi32>
    %swap3A_1854 = arith.constant 32 : index
    %swap3A_1855 = tpu.vector_load %arg16[%swap3A_1854] {strides = array<i32>} : memref<128xi32, #tpu.memory_space<vmem>>, vector<16xi32>,
    tpu.vector_store %arg16[%swap3A_1854], %add3A_1853 {strides = array<i32>} : memref<128xi32, #tpu.memory_space<vmem>>, vector<16xi32>,
    %get3A_1856 = arith.constant 304 : index
    %get3A_1857 = tpu.vector_load %arg17[%get3A_1856] {strides = array<i32>} : memref<512xi32, #tpu.memory_space<vmem>>, vector<16xi32>,
    %mul3A_1858 = arith.constant 4 : i32
    %mul3A_1859 = vector.broadcast %mul3A_1858 : i32 to vector<16xi32>
    %mul3A_1860 = arith.muli %get3A_1857, %mul3A_1859 : vector<16xi32>
    %add3A_1861 = arith.constant 1 : i32
    %add3A_1862 = vector.broadcast %add3A_1861 : i32 to vector<16xi32>
    %add3A_1863 = arith.addi %mul3A_1860, %add3A_1862 : vector<16xi32>
    %swap3A_1864 = arith.constant 48 : index
    %swap3A_1865 = tpu.vector_load %arg16[%swap3A_1864] {strides = array<i32>} : memref<128xi32, #tpu.memory_space<vmem>>, vector<16xi32>,
    tpu.vector_store %arg16[%swap3A_1864], %add3A_1863 {strides = array<i32>} : memref<128xi32, #tpu.memory_space<vmem>>, vector<16xi32>,
    %get3A_1866 = arith.constant 288 : index
    %get3A_1867 = tpu.vector_load %arg17[%get3A_1866] {strides = array<i32>} : memref<512xi32, #tpu.memory_space<vmem>>, vector<16xi32>,
    %mul3A_1868 = arith.constant 4 : i32
    %mul3A_1869 = vector.broadcast %mul3A_1868 : i32 to vector<16xi32>
    %mul3A_1870 = arith.muli %get3A_1867, %mul3A_1869 : vector<16xi32>
    %add3A_1871 = arith.constant 2 : i32
    %add3A_1872 = vector.broadcast %add3A_1871 : i32 to vector<16xi32>
    %add3A_1873 = arith.addi %mul3A_1870, %add3A_1872 : vector<16xi32>
    %swap3A_1874 = arith.constant 64 : index
    %swap3A_1875 = tpu.vector_load %arg16[%swap3A_1874] {strides = array<i32>} : memref<128xi32, #tpu.memory_space<vmem>>, vector<16xi32>,
    tpu.vector_store %arg16[%swap3A_1874], %add3A_1873 {strides = array<i32>} : memref<128xi32, #tpu.memory_space<vmem>>, vector<16xi32>,
    %get3A_1876 = arith.constant 304 : index
    %get3A_1877 = tpu.vector_load %arg17[%get3A_1876] {strides = array<i32>} : memref<512xi32, #tpu.memory_space<vmem>>, vector<16xi32>,
    %mul3A_1878 = arith.constant 4 : i32
    %mul3A_1879 = vector.broadcast %mul3A_1878 : i32 to vector<16xi32>
    %mul3A_1880 = arith.muli %get3A_1877, %mul3A_1879 : vector<16xi32>
    %add3A_1881 = arith.constant 2 : i32
    %add3A_1882 = vector.broadcast %add3A_1881 : i32 to vector<16xi32>
    %add3A_1883 = arith.addi %mul3A_1880, %add3A_1882 : vector<16xi32>
    %swap3A_1884 = arith.constant 80 : index
    %swap3A_1885 = tpu.vector_load %arg16[%swap3A_1884] {strides = array<i32>} : memref<128xi32, #tpu.memory_space<vmem>>, vector<16xi32>,
    tpu.vector_store %arg16[%swap3A_1884], %add3A_1883 {strides = array<i32>} : memref<128xi32, #tpu.memory_space<vmem>>, vector<16xi32>,
    %get3A_1886 = arith.constant 288 : index
    %get3A_1887 = tpu.vector_load %arg17[%get3A_1886] {strides = array<i32>} : memref<512xi32, #tpu.memory_space<vmem>>, vector<16xi32>,
    %mul3A_1888 = arith.constant 4 : i32
    %mul3A_1889 = vector.broadcast %mul3A_1888 : i32 to vector<16xi32>
    %mul3A_1890 = arith.muli %get3A_1887, %mul3A_1889 : vector<16xi32>
    %add3A_1891 = arith.constant 3 : i32
    %add3A_1892 = vector.broadcast %add3A_1891 : i32 to vector<16xi32>
    %add3A_1893 = arith.addi %mul3A_1890, %add3A_1892 : vector<16xi32>
    %swap3A_1894 = arith.constant 96 : index
    %swap3A_1895 = tpu.vector_load %arg16[%swap3A_1894] {strides = array<i32>} : memref<128xi32, #tpu.memory_space<vmem>>, vector<16xi32>,
    tpu.vector_store %arg16[%swap3A_1894], %add3A_1893 {strides = array<i32>} : memref<128xi32, #tpu.memory_space<vmem>>, vector<16xi32>,
    %get3A_1896 = arith.constant 304 : index
    %get3A_1897 = tpu.vector_load %arg17[%get3A_1896] {strides = array<i32>} : memref<512xi32, #tpu.memory_space<vmem>>, vector<16xi32>,
    %mul3A_1898 = arith.constant 4 : i32
    %mul3A_1899 = vector.broadcast %mul3A_1898 : i32 to vector<16xi32>
    %mul3A_1900 = arith.muli %get3A_1897, %mul3A_1899 : vector<16xi32>
    %add3A_1901 = arith.constant 3 : i32
    %add3A_1902 = vector.broadcast %add3A_1901 : i32 to vector<16xi32>
    %add3A_1903 = arith.addi %mul3A_1900, %add3A_1902 : vector<16xi32>
    %swap3A_1904 = arith.constant 112 : index
    %swap3A_1905 = tpu.vector_load %arg16[%swap3A_1904] {strides = array<i32>} : memref<128xi32, #tpu.memory_space<vmem>>, vector<16xi32>,
    tpu.vector_store %arg16[%swap3A_1904], %add3A_1903 {strides = array<i32>} : memref<128xi32, #tpu.memory_space<vmem>>, vector<16xi32>,
    %dma_start3A_1906 = arith.constant 0 : i32
    %dma_start3A_1907 = arith.constant 0 : i32
    %dma_start3A_1908 = tpu.memref_slice %arg6[%dma_start3A_1906, %dma_start3A_1907] : memref<4096x128xf32, #tpu.memory_space<vmem_shared>> -> memref<4096x128xf32, #tpu.memory_space<vmem_shared>>
    tpu.enqueue_indirect_dma source(%arg11 : memref<128x128xf32, #tpu.memory_space<vmem>>) target(%dma_start3A_1908 : memref<4096x128xf32, #tpu.memory_space<vmem_shared>>) offsets(%arg16 : memref<128xi32, #tpu.memory_space<vmem>>) semaphore(%arg28 : memref<!tpu.dma_semaphore, #tpu.memory_space<semaphore_mem>>) {add = true}
    %scan3A_1909 = arith.constant 0 : i32
    %scan3A_1910 = arith.constant 128 : i32
    %scan3A_1911 = arith.addi %scan3A_1909, %scan3A_1910 : i32
    %scan3A_1912 = arith.constant 1 : i32
    %scan3A_1913:8 = scf.for %scan3A_2927 = %scan3A_1909 to %scan3A_1911 step %scan3A_1912 iter_args(%scan3A_2928 = %scan3A_1733#0, %scan3A_2929 = %scan3A_1733#1, %scan3A_2930 = %scan3A_1733#2, %scan3A_2931 = %scan3A_1733#3, %scan3A_2932 = %scan3A_1733#4, %scan3A_2933 = %scan3A_1733#5, %scan3A_2934 = %scan3A_1733#6, %scan3A_2935 = %scan3A_1733#7) -> (vector<16xf32>, vector<16xf32>, vector<16xf32>, vector<16xf32>, vector<16xf32>, vector<16xf32>, vector<16xf32>, vector<16xf32>)  : i32 {
      %get3A_2936 = arith.index_cast %scan3A_2927 : i32 to index
      %get3A_2937 = arith.constant 0 : index
      %get3A_2938 = tpu.vector_load %arg11[%get3A_2936, %get3A_2937] {strides = array<i32>} : memref<128x128xf32, #tpu.memory_space<vmem>>, vector<16xf32>,
      %mul3A_2939 = arith.mulf %get3A_2938, %get3A_2938 : vector<16xf32>
      %add3A_2940 = arith.addf %scan3A_2928, %mul3A_2939 : vector<16xf32>
      %get3A_2941 = arith.index_cast %scan3A_2927 : i32 to index
      %get3A_2942 = arith.constant 16 : index
      %get3A_2943 = tpu.vector_load %arg11[%get3A_2941, %get3A_2942] {strides = array<i32>} : memref<128x128xf32, #tpu.memory_space<vmem>>, vector<16xf32>,
      %mul3A_2944 = arith.mulf %get3A_2943, %get3A_2943 : vector<16xf32>
      %add3A_2945 = arith.addf %scan3A_2929, %mul3A_2944 : vector<16xf32>
      %get3A_2946 = arith.index_cast %scan3A_2927 : i32 to index
      %get3A_2947 = arith.constant 32 : index
      %get3A_2948 = tpu.vector_load %arg11[%get3A_2946, %get3A_2947] {strides = array<i32>} : memref<128x128xf32, #tpu.memory_space<vmem>>, vector<16xf32>,
      %mul3A_2949 = arith.mulf %get3A_2948, %get3A_2948 : vector<16xf32>
      %add3A_2950 = arith.addf %scan3A_2930, %mul3A_2949 : vector<16xf32>
      %get3A_2951 = arith.index_cast %scan3A_2927 : i32 to index
      %get3A_2952 = arith.constant 48 : index
      %get3A_2953 = tpu.vector_load %arg11[%get3A_2951, %get3A_2952] {strides = array<i32>} : memref<128x128xf32, #tpu.memory_space<vmem>>, vector<16xf32>,
      %mul3A_2954 = arith.mulf %get3A_2953, %get3A_2953 : vector<16xf32>
      %add3A_2955 = arith.addf %scan3A_2931, %mul3A_2954 : vector<16xf32>
      %get3A_2956 = arith.index_cast %scan3A_2927 : i32 to index
      %get3A_2957 = arith.constant 64 : index
      %get3A_2958 = tpu.vector_load %arg11[%get3A_2956, %get3A_2957] {strides = array<i32>} : memref<128x128xf32, #tpu.memory_space<vmem>>, vector<16xf32>,
      %mul3A_2959 = arith.mulf %get3A_2958, %get3A_2958 : vector<16xf32>
      %add3A_2960 = arith.addf %scan3A_2932, %mul3A_2959 : vector<16xf32>
      %get3A_2961 = arith.index_cast %scan3A_2927 : i32 to index
      %get3A_2962 = arith.constant 80 : index
      %get3A_2963 = tpu.vector_load %arg11[%get3A_2961, %get3A_2962] {strides = array<i32>} : memref<128x128xf32, #tpu.memory_space<vmem>>, vector<16xf32>,
      %mul3A_2964 = arith.mulf %get3A_2963, %get3A_2963 : vector<16xf32>
      %add3A_2965 = arith.addf %scan3A_2933, %mul3A_2964 : vector<16xf32>
      %get3A_2966 = arith.index_cast %scan3A_2927 : i32 to index
      %get3A_2967 = arith.constant 96 : index
      %get3A_2968 = tpu.vector_load %arg11[%get3A_2966, %get3A_2967] {strides = array<i32>} : memref<128x128xf32, #tpu.memory_space<vmem>>, vector<16xf32>,
      %mul3A_2969 = arith.mulf %get3A_2968, %get3A_2968 : vector<16xf32>
      %add3A_2970 = arith.addf %scan3A_2934, %mul3A_2969 : vector<16xf32>
      %get3A_2971 = arith.index_cast %scan3A_2927 : i32 to index
      %get3A_2972 = arith.constant 112 : index
      %get3A_2973 = tpu.vector_load %arg11[%get3A_2971, %get3A_2972] {strides = array<i32>} : memref<128x128xf32, #tpu.memory_space<vmem>>, vector<16xf32>,
      %mul3A_2974 = arith.mulf %get3A_2973, %get3A_2973 : vector<16xf32>
      %add3A_2975 = arith.addf %scan3A_2935, %mul3A_2974 : vector<16xf32>
      scf.yield %add3A_2940, %add3A_2945, %add3A_2950, %add3A_2955, %add3A_2960, %add3A_2965, %add3A_2970, %add3A_2975 : vector<16xf32>, vector<16xf32>, vector<16xf32>, vector<16xf32>, vector<16xf32>, vector<16xf32>, vector<16xf32>, vector<16xf32>
    }
    %scan3A_1914 = arith.constant 128 : i32
    %dma_wait3A_1915 = arith.constant 0 : i32
    %dma_wait3A_1916 = arith.constant 0 : i32
    %dma_wait3A_1917 = tpu.memref_slice %arg6[%dma_wait3A_1915, %dma_wait3A_1916] : memref<4096x128xf32, #tpu.memory_space<vmem_shared>> -> memref<4096x128xf32, #tpu.memory_space<vmem_shared>>
    tpu.wait_indirect_dma semaphore(%arg26 : memref<!tpu.dma_semaphore, #tpu.memory_space<semaphore_mem>>) src(%arg9 : memref<128x128xf32, #tpu.memory_space<vmem>>) dst(%dma_wait3A_1917 : memref<4096x128xf32, #tpu.memory_space<vmem_shared>>)
    %add3A_1918 = arith.constant 384 : i32
    %add3A_1919 = arith.addi %mul3A_16, %add3A_1918 : i32
    %dma_start3A_1920 = arith.constant 0 : i32
    %dma_start3A_1921 = arith.constant 0 : i32
    %dma_start3A_1922 = tpu.memref_slice %arg9[%dma_start3A_1920, %dma_start3A_1921] : memref<128x128xf32, #tpu.memory_space<vmem>> -> memref<32x128xf32, #tpu.memory_space<vmem>>
    %dma_start3A_1923 = arith.constant 0 : i32
    %dma_start3A_1924 = tpu.memref_slice %arg2[%add3A_1919, %dma_start3A_1923] : memref<16384x512xf32, #tpu.memory_space<hbm>> -> memref<32x128xf32, #tpu.memory_space<hbm>>
    %dma_start3A_1925 = arith.constant 0 : i32
    %dma_start3A_1926 = arith.constant 0 : i32
    %dma_start3A_1927 = tpu.memref_slice %arg9[%dma_start3A_1925, %dma_start3A_1926] : memref<128x128xf32, #tpu.memory_space<vmem>> -> memref<32x128xf32, #tpu.memory_space<vmem>>
    %dma_start3A_1928 = arith.constant 0 : i32
    %dma_start3A_1929 = tpu.memref_slice %arg2[%add3A_1919, %dma_start3A_1928] : memref<16384x512xf32, #tpu.memory_space<hbm>> -> memref<32x128xf32, #tpu.memory_space<hbm>>
    tpu.enqueue_dma source(%dma_start3A_1929 : memref<32x128xf32, #tpu.memory_space<hbm>>) target(%dma_start3A_1927 : memref<32x128xf32, #tpu.memory_space<vmem>>) target_semaphore(%arg21 : memref<!tpu.dma_semaphore, #tpu.memory_space<semaphore_mem>>)
    %add3A_1930 = arith.constant 384 : i32
    %add3A_1931 = arith.addi %mul3A_16, %add3A_1930 : i32
    %dma_start3A_1932 = arith.constant 32 : i32
    %dma_start3A_1933 = arith.constant 0 : i32
    %dma_start3A_1934 = tpu.memref_slice %arg9[%dma_start3A_1932, %dma_start3A_1933] : memref<128x128xf32, #tpu.memory_space<vmem>> -> memref<32x128xf32, #tpu.memory_space<vmem>>
    %dma_start3A_1935 = arith.constant 128 : i32
    %dma_start3A_1936 = tpu.memref_slice %arg2[%add3A_1931, %dma_start3A_1935] : memref<16384x512xf32, #tpu.memory_space<hbm>> -> memref<32x128xf32, #tpu.memory_space<hbm>>
    %dma_start3A_1937 = arith.constant 32 : i32
    %dma_start3A_1938 = arith.constant 0 : i32
    %dma_start3A_1939 = tpu.memref_slice %arg9[%dma_start3A_1937, %dma_start3A_1938] : memref<128x128xf32, #tpu.memory_space<vmem>> -> memref<32x128xf32, #tpu.memory_space<vmem>>
    %dma_start3A_1940 = arith.constant 128 : i32
    %dma_start3A_1941 = tpu.memref_slice %arg2[%add3A_1931, %dma_start3A_1940] : memref<16384x512xf32, #tpu.memory_space<hbm>> -> memref<32x128xf32, #tpu.memory_space<hbm>>
    tpu.enqueue_dma source(%dma_start3A_1941 : memref<32x128xf32, #tpu.memory_space<hbm>>) target(%dma_start3A_1939 : memref<32x128xf32, #tpu.memory_space<vmem>>) target_semaphore(%arg21 : memref<!tpu.dma_semaphore, #tpu.memory_space<semaphore_mem>>)
    %add3A_1942 = arith.constant 384 : i32
    %add3A_1943 = arith.addi %mul3A_16, %add3A_1942 : i32
    %dma_start3A_1944 = arith.constant 64 : i32
    %dma_start3A_1945 = arith.constant 0 : i32
    %dma_start3A_1946 = tpu.memref_slice %arg9[%dma_start3A_1944, %dma_start3A_1945] : memref<128x128xf32, #tpu.memory_space<vmem>> -> memref<32x128xf32, #tpu.memory_space<vmem>>
    %dma_start3A_1947 = arith.constant 256 : i32
    %dma_start3A_1948 = tpu.memref_slice %arg2[%add3A_1943, %dma_start3A_1947] : memref<16384x512xf32, #tpu.memory_space<hbm>> -> memref<32x128xf32, #tpu.memory_space<hbm>>
    %dma_start3A_1949 = arith.constant 64 : i32
    %dma_start3A_1950 = arith.constant 0 : i32
    %dma_start3A_1951 = tpu.memref_slice %arg9[%dma_start3A_1949, %dma_start3A_1950] : memref<128x128xf32, #tpu.memory_space<vmem>> -> memref<32x128xf32, #tpu.memory_space<vmem>>
    %dma_start3A_1952 = arith.constant 256 : i32
    %dma_start3A_1953 = tpu.memref_slice %arg2[%add3A_1943, %dma_start3A_1952] : memref<16384x512xf32, #tpu.memory_space<hbm>> -> memref<32x128xf32, #tpu.memory_space<hbm>>
    tpu.enqueue_dma source(%dma_start3A_1953 : memref<32x128xf32, #tpu.memory_space<hbm>>) target(%dma_start3A_1951 : memref<32x128xf32, #tpu.memory_space<vmem>>) target_semaphore(%arg21 : memref<!tpu.dma_semaphore, #tpu.memory_space<semaphore_mem>>)
    %add3A_1954 = arith.constant 384 : i32
    %add3A_1955 = arith.addi %mul3A_16, %add3A_1954 : i32
    %dma_start3A_1956 = arith.constant 96 : i32
    %dma_start3A_1957 = arith.constant 0 : i32
    %dma_start3A_1958 = tpu.memref_slice %arg9[%dma_start3A_1956, %dma_start3A_1957] : memref<128x128xf32, #tpu.memory_space<vmem>> -> memref<32x128xf32, #tpu.memory_space<vmem>>
    %dma_start3A_1959 = arith.constant 384 : i32
    %dma_start3A_1960 = tpu.memref_slice %arg2[%add3A_1955, %dma_start3A_1959] : memref<16384x512xf32, #tpu.memory_space<hbm>> -> memref<32x128xf32, #tpu.memory_space<hbm>>
    %dma_start3A_1961 = arith.constant 96 : i32
    %dma_start3A_1962 = arith.constant 0 : i32
    %dma_start3A_1963 = tpu.memref_slice %arg9[%dma_start3A_1961, %dma_start3A_1962] : memref<128x128xf32, #tpu.memory_space<vmem>> -> memref<32x128xf32, #tpu.memory_space<vmem>>
    %dma_start3A_1964 = arith.constant 384 : i32
    %dma_start3A_1965 = tpu.memref_slice %arg2[%add3A_1955, %dma_start3A_1964] : memref<16384x512xf32, #tpu.memory_space<hbm>> -> memref<32x128xf32, #tpu.memory_space<hbm>>
    tpu.enqueue_dma source(%dma_start3A_1965 : memref<32x128xf32, #tpu.memory_space<hbm>>) target(%dma_start3A_1963 : memref<32x128xf32, #tpu.memory_space<vmem>>) target_semaphore(%arg21 : memref<!tpu.dma_semaphore, #tpu.memory_space<semaphore_mem>>)
    %dma_wait3A_1966 = arith.constant 0 : i32
    %dma_wait3A_1967 = arith.constant 0 : i32
    %dma_wait3A_1968 = tpu.memref_slice %arg7[%dma_wait3A_1966, %dma_wait3A_1967] : memref<128x128xf32, #tpu.memory_space<vmem>> -> memref<32x128xf32, #tpu.memory_space<vmem>>
    %dma_wait3A_1969 = arith.constant 0 : i32
    %dma_wait3A_1970 = tpu.memref_slice %arg2[%add3A_1559, %dma_wait3A_1969] : memref<16384x512xf32, #tpu.memory_space<hbm>> -> memref<32x128xf32, #tpu.memory_space<hbm>>
    %dma_wait3A_1971 = arith.constant 0 : i32
    %dma_wait3A_1972 = arith.constant 0 : i32
    %dma_wait3A_1973 = tpu.memref_slice %arg7[%dma_wait3A_1971, %dma_wait3A_1972] : memref<128x128xf32, #tpu.memory_space<vmem>> -> memref<32x128xf32, #tpu.memory_space<vmem>>
    %dma_wait3A_1974 = arith.constant 0 : i32
    %dma_wait3A_1975 = tpu.memref_slice %arg2[%add3A_1559, %dma_wait3A_1974] : memref<16384x512xf32, #tpu.memory_space<hbm>> -> memref<32x128xf32, #tpu.memory_space<hbm>>
    tpu.wait_dma2 semaphore(%arg19 : memref<!tpu.dma_semaphore, #tpu.memory_space<semaphore_mem>>) src(%dma_wait3A_1975 : memref<32x128xf32, #tpu.memory_space<hbm>>) dst(%dma_wait3A_1973 : memref<32x128xf32, #tpu.memory_space<vmem>>)
    %dma_wait3A_1976 = arith.constant 32 : i32
    %dma_wait3A_1977 = arith.constant 0 : i32
    %dma_wait3A_1978 = tpu.memref_slice %arg7[%dma_wait3A_1976, %dma_wait3A_1977] : memref<128x128xf32, #tpu.memory_space<vmem>> -> memref<32x128xf32, #tpu.memory_space<vmem>>
    %dma_wait3A_1979 = arith.constant 128 : i32
    %dma_wait3A_1980 = tpu.memref_slice %arg2[%add3A_1571, %dma_wait3A_1979] : memref<16384x512xf32, #tpu.memory_space<hbm>> -> memref<32x128xf32, #tpu.memory_space<hbm>>
    %dma_wait3A_1981 = arith.constant 32 : i32
    %dma_wait3A_1982 = arith.constant 0 : i32
    %dma_wait3A_1983 = tpu.memref_slice %arg7[%dma_wait3A_1981, %dma_wait3A_1982] : memref<128x128xf32, #tpu.memory_space<vmem>> -> memref<32x128xf32, #tpu.memory_space<vmem>>
    %dma_wait3A_1984 = arith.constant 128 : i32
    %dma_wait3A_1985 = tpu.memref_slice %arg2[%add3A_1571, %dma_wait3A_1984] : memref<16384x512xf32, #tpu.memory_space<hbm>> -> memref<32x128xf32, #tpu.memory_space<hbm>>
    tpu.wait_dma2 semaphore(%arg19 : memref<!tpu.dma_semaphore, #tpu.memory_space<semaphore_mem>>) src(%dma_wait3A_1985 : memref<32x128xf32, #tpu.memory_space<hbm>>) dst(%dma_wait3A_1983 : memref<32x128xf32, #tpu.memory_space<vmem>>)
    %dma_wait3A_1986 = arith.constant 64 : i32
    %dma_wait3A_1987 = arith.constant 0 : i32
    %dma_wait3A_1988 = tpu.memref_slice %arg7[%dma_wait3A_1986, %dma_wait3A_1987] : memref<128x128xf32, #tpu.memory_space<vmem>> -> memref<32x128xf32, #tpu.memory_space<vmem>>
    %dma_wait3A_1989 = arith.constant 256 : i32
    %dma_wait3A_1990 = tpu.memref_slice %arg2[%add3A_1583, %dma_wait3A_1989] : memref<16384x512xf32, #tpu.memory_space<hbm>> -> memref<32x128xf32, #tpu.memory_space<hbm>>
    %dma_wait3A_1991 = arith.constant 64 : i32
    %dma_wait3A_1992 = arith.constant 0 : i32
    %dma_wait3A_1993 = tpu.memref_slice %arg7[%dma_wait3A_1991, %dma_wait3A_1992] : memref<128x128xf32, #tpu.memory_space<vmem>> -> memref<32x128xf32, #tpu.memory_space<vmem>>
    %dma_wait3A_1994 = arith.constant 256 : i32
    %dma_wait3A_1995 = tpu.memref_slice %arg2[%add3A_1583, %dma_wait3A_1994] : memref<16384x512xf32, #tpu.memory_space<hbm>> -> memref<32x128xf32, #tpu.memory_space<hbm>>
    tpu.wait_dma2 semaphore(%arg19 : memref<!tpu.dma_semaphore, #tpu.memory_space<semaphore_mem>>) src(%dma_wait3A_1995 : memref<32x128xf32, #tpu.memory_space<hbm>>) dst(%dma_wait3A_1993 : memref<32x128xf32, #tpu.memory_space<vmem>>)
    %dma_wait3A_1996 = arith.constant 96 : i32
    %dma_wait3A_1997 = arith.constant 0 : i32
    %dma_wait3A_1998 = tpu.memref_slice %arg7[%dma_wait3A_1996, %dma_wait3A_1997] : memref<128x128xf32, #tpu.memory_space<vmem>> -> memref<32x128xf32, #tpu.memory_space<vmem>>
    %dma_wait3A_1999 = arith.constant 384 : i32
    %dma_wait3A_2000 = tpu.memref_slice %arg2[%add3A_1595, %dma_wait3A_1999] : memref<16384x512xf32, #tpu.memory_space<hbm>> -> memref<32x128xf32, #tpu.memory_space<hbm>>
    %dma_wait3A_2001 = arith.constant 96 : i32
    %dma_wait3A_2002 = arith.constant 0 : i32
    %dma_wait3A_2003 = tpu.memref_slice %arg7[%dma_wait3A_2001, %dma_wait3A_2002] : memref<128x128xf32, #tpu.memory_space<vmem>> -> memref<32x128xf32, #tpu.memory_space<vmem>>
    %dma_wait3A_2004 = arith.constant 384 : i32
    %dma_wait3A_2005 = tpu.memref_slice %arg2[%add3A_1595, %dma_wait3A_2004] : memref<16384x512xf32, #tpu.memory_space<hbm>> -> memref<32x128xf32, #tpu.memory_space<hbm>>
    tpu.wait_dma2 semaphore(%arg19 : memref<!tpu.dma_semaphore, #tpu.memory_space<semaphore_mem>>) src(%dma_wait3A_2005 : memref<32x128xf32, #tpu.memory_space<hbm>>) dst(%dma_wait3A_2003 : memref<32x128xf32, #tpu.memory_space<vmem>>)
    %get3A_2006 = arith.constant 320 : index
    %get3A_2007 = tpu.vector_load %arg17[%get3A_2006] {strides = array<i32>} : memref<512xi32, #tpu.memory_space<vmem>>, vector<16xi32>,
    %mul3A_2008 = arith.constant 4 : i32
    %mul3A_2009 = vector.broadcast %mul3A_2008 : i32 to vector<16xi32>
    %mul3A_2010 = arith.muli %get3A_2007, %mul3A_2009 : vector<16xi32>
    %add3A_2011 = arith.constant 0 : i32
    %add3A_2012 = vector.broadcast %add3A_2011 : i32 to vector<16xi32>
    %add3A_2013 = arith.addi %mul3A_2010, %add3A_2012 : vector<16xi32>
    %swap3A_2014 = arith.constant 0 : index
    %swap3A_2015 = tpu.vector_load %arg12[%swap3A_2014] {strides = array<i32>} : memref<128xi32, #tpu.memory_space<vmem>>, vector<16xi32>,
    tpu.vector_store %arg12[%swap3A_2014], %add3A_2013 {strides = array<i32>} : memref<128xi32, #tpu.memory_space<vmem>>, vector<16xi32>,
    %get3A_2016 = arith.constant 336 : index
    %get3A_2017 = tpu.vector_load %arg17[%get3A_2016] {strides = array<i32>} : memref<512xi32, #tpu.memory_space<vmem>>, vector<16xi32>,
    %mul3A_2018 = arith.constant 4 : i32
    %mul3A_2019 = vector.broadcast %mul3A_2018 : i32 to vector<16xi32>
    %mul3A_2020 = arith.muli %get3A_2017, %mul3A_2019 : vector<16xi32>
    %add3A_2021 = arith.constant 0 : i32
    %add3A_2022 = vector.broadcast %add3A_2021 : i32 to vector<16xi32>
    %add3A_2023 = arith.addi %mul3A_2020, %add3A_2022 : vector<16xi32>
    %swap3A_2024 = arith.constant 16 : index
    %swap3A_2025 = tpu.vector_load %arg12[%swap3A_2024] {strides = array<i32>} : memref<128xi32, #tpu.memory_space<vmem>>, vector<16xi32>,
    tpu.vector_store %arg12[%swap3A_2024], %add3A_2023 {strides = array<i32>} : memref<128xi32, #tpu.memory_space<vmem>>, vector<16xi32>,
    %get3A_2026 = arith.constant 320 : index
    %get3A_2027 = tpu.vector_load %arg17[%get3A_2026] {strides = array<i32>} : memref<512xi32, #tpu.memory_space<vmem>>, vector<16xi32>,
    %mul3A_2028 = arith.constant 4 : i32
    %mul3A_2029 = vector.broadcast %mul3A_2028 : i32 to vector<16xi32>
    %mul3A_2030 = arith.muli %get3A_2027, %mul3A_2029 : vector<16xi32>
    %add3A_2031 = arith.constant 1 : i32
    %add3A_2032 = vector.broadcast %add3A_2031 : i32 to vector<16xi32>
    %add3A_2033 = arith.addi %mul3A_2030, %add3A_2032 : vector<16xi32>
    %swap3A_2034 = arith.constant 32 : index
    %swap3A_2035 = tpu.vector_load %arg12[%swap3A_2034] {strides = array<i32>} : memref<128xi32, #tpu.memory_space<vmem>>, vector<16xi32>,
    tpu.vector_store %arg12[%swap3A_2034], %add3A_2033 {strides = array<i32>} : memref<128xi32, #tpu.memory_space<vmem>>, vector<16xi32>,
    %get3A_2036 = arith.constant 336 : index
    %get3A_2037 = tpu.vector_load %arg17[%get3A_2036] {strides = array<i32>} : memref<512xi32, #tpu.memory_space<vmem>>, vector<16xi32>,
    %mul3A_2038 = arith.constant 4 : i32
    %mul3A_2039 = vector.broadcast %mul3A_2038 : i32 to vector<16xi32>
    %mul3A_2040 = arith.muli %get3A_2037, %mul3A_2039 : vector<16xi32>
    %add3A_2041 = arith.constant 1 : i32
    %add3A_2042 = vector.broadcast %add3A_2041 : i32 to vector<16xi32>
    %add3A_2043 = arith.addi %mul3A_2040, %add3A_2042 : vector<16xi32>
    %swap3A_2044 = arith.constant 48 : index
    %swap3A_2045 = tpu.vector_load %arg12[%swap3A_2044] {strides = array<i32>} : memref<128xi32, #tpu.memory_space<vmem>>, vector<16xi32>,
    tpu.vector_store %arg12[%swap3A_2044], %add3A_2043 {strides = array<i32>} : memref<128xi32, #tpu.memory_space<vmem>>, vector<16xi32>,
    %get3A_2046 = arith.constant 320 : index
    %get3A_2047 = tpu.vector_load %arg17[%get3A_2046] {strides = array<i32>} : memref<512xi32, #tpu.memory_space<vmem>>, vector<16xi32>,
    %mul3A_2048 = arith.constant 4 : i32
    %mul3A_2049 = vector.broadcast %mul3A_2048 : i32 to vector<16xi32>
    %mul3A_2050 = arith.muli %get3A_2047, %mul3A_2049 : vector<16xi32>
    %add3A_2051 = arith.constant 2 : i32
    %add3A_2052 = vector.broadcast %add3A_2051 : i32 to vector<16xi32>
    %add3A_2053 = arith.addi %mul3A_2050, %add3A_2052 : vector<16xi32>
    %swap3A_2054 = arith.constant 64 : index
    %swap3A_2055 = tpu.vector_load %arg12[%swap3A_2054] {strides = array<i32>} : memref<128xi32, #tpu.memory_space<vmem>>, vector<16xi32>,
    tpu.vector_store %arg12[%swap3A_2054], %add3A_2053 {strides = array<i32>} : memref<128xi32, #tpu.memory_space<vmem>>, vector<16xi32>,
    %get3A_2056 = arith.constant 336 : index
    %get3A_2057 = tpu.vector_load %arg17[%get3A_2056] {strides = array<i32>} : memref<512xi32, #tpu.memory_space<vmem>>, vector<16xi32>,
    %mul3A_2058 = arith.constant 4 : i32
    %mul3A_2059 = vector.broadcast %mul3A_2058 : i32 to vector<16xi32>
    %mul3A_2060 = arith.muli %get3A_2057, %mul3A_2059 : vector<16xi32>
    %add3A_2061 = arith.constant 2 : i32
    %add3A_2062 = vector.broadcast %add3A_2061 : i32 to vector<16xi32>
    %add3A_2063 = arith.addi %mul3A_2060, %add3A_2062 : vector<16xi32>
    %swap3A_2064 = arith.constant 80 : index
    %swap3A_2065 = tpu.vector_load %arg12[%swap3A_2064] {strides = array<i32>} : memref<128xi32, #tpu.memory_space<vmem>>, vector<16xi32>,
    tpu.vector_store %arg12[%swap3A_2064], %add3A_2063 {strides = array<i32>} : memref<128xi32, #tpu.memory_space<vmem>>, vector<16xi32>,
    %get3A_2066 = arith.constant 320 : index
    %get3A_2067 = tpu.vector_load %arg17[%get3A_2066] {strides = array<i32>} : memref<512xi32, #tpu.memory_space<vmem>>, vector<16xi32>,
    %mul3A_2068 = arith.constant 4 : i32
    %mul3A_2069 = vector.broadcast %mul3A_2068 : i32 to vector<16xi32>
    %mul3A_2070 = arith.muli %get3A_2067, %mul3A_2069 : vector<16xi32>
    %add3A_2071 = arith.constant 3 : i32
    %add3A_2072 = vector.broadcast %add3A_2071 : i32 to vector<16xi32>
    %add3A_2073 = arith.addi %mul3A_2070, %add3A_2072 : vector<16xi32>
    %swap3A_2074 = arith.constant 96 : index
    %swap3A_2075 = tpu.vector_load %arg12[%swap3A_2074] {strides = array<i32>} : memref<128xi32, #tpu.memory_space<vmem>>, vector<16xi32>,
    tpu.vector_store %arg12[%swap3A_2074], %add3A_2073 {strides = array<i32>} : memref<128xi32, #tpu.memory_space<vmem>>, vector<16xi32>,
    %get3A_2076 = arith.constant 336 : index
    %get3A_2077 = tpu.vector_load %arg17[%get3A_2076] {strides = array<i32>} : memref<512xi32, #tpu.memory_space<vmem>>, vector<16xi32>,
    %mul3A_2078 = arith.constant 4 : i32
    %mul3A_2079 = vector.broadcast %mul3A_2078 : i32 to vector<16xi32>
    %mul3A_2080 = arith.muli %get3A_2077, %mul3A_2079 : vector<16xi32>
    %add3A_2081 = arith.constant 3 : i32
    %add3A_2082 = vector.broadcast %add3A_2081 : i32 to vector<16xi32>
    %add3A_2083 = arith.addi %mul3A_2080, %add3A_2082 : vector<16xi32>
    %swap3A_2084 = arith.constant 112 : index
    %swap3A_2085 = tpu.vector_load %arg12[%swap3A_2084] {strides = array<i32>} : memref<128xi32, #tpu.memory_space<vmem>>, vector<16xi32>,
    tpu.vector_store %arg12[%swap3A_2084], %add3A_2083 {strides = array<i32>} : memref<128xi32, #tpu.memory_space<vmem>>, vector<16xi32>,
    %dma_start3A_2086 = arith.constant 0 : i32
    %dma_start3A_2087 = arith.constant 0 : i32
    %dma_start3A_2088 = tpu.memref_slice %arg6[%dma_start3A_2086, %dma_start3A_2087] : memref<4096x128xf32, #tpu.memory_space<vmem_shared>> -> memref<4096x128xf32, #tpu.memory_space<vmem_shared>>
    tpu.enqueue_indirect_dma source(%arg7 : memref<128x128xf32, #tpu.memory_space<vmem>>) target(%dma_start3A_2088 : memref<4096x128xf32, #tpu.memory_space<vmem_shared>>) offsets(%arg12 : memref<128xi32, #tpu.memory_space<vmem>>) semaphore(%arg24 : memref<!tpu.dma_semaphore, #tpu.memory_space<semaphore_mem>>) {add = true}
    %scan3A_2089 = arith.constant 0 : i32
    %scan3A_2090 = arith.constant 128 : i32
    %scan3A_2091 = arith.addi %scan3A_2089, %scan3A_2090 : i32
    %scan3A_2092 = arith.constant 1 : i32
    %scan3A_2093:8 = scf.for %scan3A_2927 = %scan3A_2089 to %scan3A_2091 step %scan3A_2092 iter_args(%scan3A_2928 = %scan3A_1913#0, %scan3A_2929 = %scan3A_1913#1, %scan3A_2930 = %scan3A_1913#2, %scan3A_2931 = %scan3A_1913#3, %scan3A_2932 = %scan3A_1913#4, %scan3A_2933 = %scan3A_1913#5, %scan3A_2934 = %scan3A_1913#6, %scan3A_2935 = %scan3A_1913#7) -> (vector<16xf32>, vector<16xf32>, vector<16xf32>, vector<16xf32>, vector<16xf32>, vector<16xf32>, vector<16xf32>, vector<16xf32>)  : i32 {
      %get3A_2936 = arith.index_cast %scan3A_2927 : i32 to index
      %get3A_2937 = arith.constant 0 : index
      %get3A_2938 = tpu.vector_load %arg7[%get3A_2936, %get3A_2937] {strides = array<i32>} : memref<128x128xf32, #tpu.memory_space<vmem>>, vector<16xf32>,
      %mul3A_2939 = arith.mulf %get3A_2938, %get3A_2938 : vector<16xf32>
      %add3A_2940 = arith.addf %scan3A_2928, %mul3A_2939 : vector<16xf32>
      %get3A_2941 = arith.index_cast %scan3A_2927 : i32 to index
      %get3A_2942 = arith.constant 16 : index
      %get3A_2943 = tpu.vector_load %arg7[%get3A_2941, %get3A_2942] {strides = array<i32>} : memref<128x128xf32, #tpu.memory_space<vmem>>, vector<16xf32>,
      %mul3A_2944 = arith.mulf %get3A_2943, %get3A_2943 : vector<16xf32>
      %add3A_2945 = arith.addf %scan3A_2929, %mul3A_2944 : vector<16xf32>
      %get3A_2946 = arith.index_cast %scan3A_2927 : i32 to index
      %get3A_2947 = arith.constant 32 : index
      %get3A_2948 = tpu.vector_load %arg7[%get3A_2946, %get3A_2947] {strides = array<i32>} : memref<128x128xf32, #tpu.memory_space<vmem>>, vector<16xf32>,
      %mul3A_2949 = arith.mulf %get3A_2948, %get3A_2948 : vector<16xf32>
      %add3A_2950 = arith.addf %scan3A_2930, %mul3A_2949 : vector<16xf32>
      %get3A_2951 = arith.index_cast %scan3A_2927 : i32 to index
      %get3A_2952 = arith.constant 48 : index
      %get3A_2953 = tpu.vector_load %arg7[%get3A_2951, %get3A_2952] {strides = array<i32>} : memref<128x128xf32, #tpu.memory_space<vmem>>, vector<16xf32>,
      %mul3A_2954 = arith.mulf %get3A_2953, %get3A_2953 : vector<16xf32>
      %add3A_2955 = arith.addf %scan3A_2931, %mul3A_2954 : vector<16xf32>
      %get3A_2956 = arith.index_cast %scan3A_2927 : i32 to index
      %get3A_2957 = arith.constant 64 : index
      %get3A_2958 = tpu.vector_load %arg7[%get3A_2956, %get3A_2957] {strides = array<i32>} : memref<128x128xf32, #tpu.memory_space<vmem>>, vector<16xf32>,
      %mul3A_2959 = arith.mulf %get3A_2958, %get3A_2958 : vector<16xf32>
      %add3A_2960 = arith.addf %scan3A_2932, %mul3A_2959 : vector<16xf32>
      %get3A_2961 = arith.index_cast %scan3A_2927 : i32 to index
      %get3A_2962 = arith.constant 80 : index
      %get3A_2963 = tpu.vector_load %arg7[%get3A_2961, %get3A_2962] {strides = array<i32>} : memref<128x128xf32, #tpu.memory_space<vmem>>, vector<16xf32>,
      %mul3A_2964 = arith.mulf %get3A_2963, %get3A_2963 : vector<16xf32>
      %add3A_2965 = arith.addf %scan3A_2933, %mul3A_2964 : vector<16xf32>
      %get3A_2966 = arith.index_cast %scan3A_2927 : i32 to index
      %get3A_2967 = arith.constant 96 : index
      %get3A_2968 = tpu.vector_load %arg7[%get3A_2966, %get3A_2967] {strides = array<i32>} : memref<128x128xf32, #tpu.memory_space<vmem>>, vector<16xf32>,
      %mul3A_2969 = arith.mulf %get3A_2968, %get3A_2968 : vector<16xf32>
      %add3A_2970 = arith.addf %scan3A_2934, %mul3A_2969 : vector<16xf32>
      %get3A_2971 = arith.index_cast %scan3A_2927 : i32 to index
      %get3A_2972 = arith.constant 112 : index
      %get3A_2973 = tpu.vector_load %arg7[%get3A_2971, %get3A_2972] {strides = array<i32>} : memref<128x128xf32, #tpu.memory_space<vmem>>, vector<16xf32>,
      %mul3A_2974 = arith.mulf %get3A_2973, %get3A_2973 : vector<16xf32>
      %add3A_2975 = arith.addf %scan3A_2935, %mul3A_2974 : vector<16xf32>
      scf.yield %add3A_2940, %add3A_2945, %add3A_2950, %add3A_2955, %add3A_2960, %add3A_2965, %add3A_2970, %add3A_2975 : vector<16xf32>, vector<16xf32>, vector<16xf32>, vector<16xf32>, vector<16xf32>, vector<16xf32>, vector<16xf32>, vector<16xf32>
    }
    %scan3A_2094 = arith.constant 128 : i32
    %dma_wait3A_2095 = arith.constant 0 : i32
    %dma_wait3A_2096 = arith.constant 0 : i32
    %dma_wait3A_2097 = tpu.memref_slice %arg6[%dma_wait3A_2095, %dma_wait3A_2096] : memref<4096x128xf32, #tpu.memory_space<vmem_shared>> -> memref<4096x128xf32, #tpu.memory_space<vmem_shared>>
    tpu.wait_indirect_dma semaphore(%arg27 : memref<!tpu.dma_semaphore, #tpu.memory_space<semaphore_mem>>) src(%arg10 : memref<128x128xf32, #tpu.memory_space<vmem>>) dst(%dma_wait3A_2097 : memref<4096x128xf32, #tpu.memory_space<vmem_shared>>)
    %add3A_2098 = arith.constant 416 : i32
    %add3A_2099 = arith.addi %mul3A_16, %add3A_2098 : i32
    %dma_start3A_2100 = arith.constant 0 : i32
    %dma_start3A_2101 = arith.constant 0 : i32
    %dma_start3A_2102 = tpu.memref_slice %arg10[%dma_start3A_2100, %dma_start3A_2101] : memref<128x128xf32, #tpu.memory_space<vmem>> -> memref<32x128xf32, #tpu.memory_space<vmem>>
    %dma_start3A_2103 = arith.constant 0 : i32
    %dma_start3A_2104 = tpu.memref_slice %arg2[%add3A_2099, %dma_start3A_2103] : memref<16384x512xf32, #tpu.memory_space<hbm>> -> memref<32x128xf32, #tpu.memory_space<hbm>>
    %dma_start3A_2105 = arith.constant 0 : i32
    %dma_start3A_2106 = arith.constant 0 : i32
    %dma_start3A_2107 = tpu.memref_slice %arg10[%dma_start3A_2105, %dma_start3A_2106] : memref<128x128xf32, #tpu.memory_space<vmem>> -> memref<32x128xf32, #tpu.memory_space<vmem>>
    %dma_start3A_2108 = arith.constant 0 : i32
    %dma_start3A_2109 = tpu.memref_slice %arg2[%add3A_2099, %dma_start3A_2108] : memref<16384x512xf32, #tpu.memory_space<hbm>> -> memref<32x128xf32, #tpu.memory_space<hbm>>
    tpu.enqueue_dma source(%dma_start3A_2109 : memref<32x128xf32, #tpu.memory_space<hbm>>) target(%dma_start3A_2107 : memref<32x128xf32, #tpu.memory_space<vmem>>) target_semaphore(%arg22 : memref<!tpu.dma_semaphore, #tpu.memory_space<semaphore_mem>>)
    %add3A_2110 = arith.constant 416 : i32
    %add3A_2111 = arith.addi %mul3A_16, %add3A_2110 : i32
    %dma_start3A_2112 = arith.constant 32 : i32
    %dma_start3A_2113 = arith.constant 0 : i32
    %dma_start3A_2114 = tpu.memref_slice %arg10[%dma_start3A_2112, %dma_start3A_2113] : memref<128x128xf32, #tpu.memory_space<vmem>> -> memref<32x128xf32, #tpu.memory_space<vmem>>
    %dma_start3A_2115 = arith.constant 128 : i32
    %dma_start3A_2116 = tpu.memref_slice %arg2[%add3A_2111, %dma_start3A_2115] : memref<16384x512xf32, #tpu.memory_space<hbm>> -> memref<32x128xf32, #tpu.memory_space<hbm>>
    %dma_start3A_2117 = arith.constant 32 : i32
    %dma_start3A_2118 = arith.constant 0 : i32
    %dma_start3A_2119 = tpu.memref_slice %arg10[%dma_start3A_2117, %dma_start3A_2118] : memref<128x128xf32, #tpu.memory_space<vmem>> -> memref<32x128xf32, #tpu.memory_space<vmem>>
    %dma_start3A_2120 = arith.constant 128 : i32
    %dma_start3A_2121 = tpu.memref_slice %arg2[%add3A_2111, %dma_start3A_2120] : memref<16384x512xf32, #tpu.memory_space<hbm>> -> memref<32x128xf32, #tpu.memory_space<hbm>>
    tpu.enqueue_dma source(%dma_start3A_2121 : memref<32x128xf32, #tpu.memory_space<hbm>>) target(%dma_start3A_2119 : memref<32x128xf32, #tpu.memory_space<vmem>>) target_semaphore(%arg22 : memref<!tpu.dma_semaphore, #tpu.memory_space<semaphore_mem>>)
    %add3A_2122 = arith.constant 416 : i32
    %add3A_2123 = arith.addi %mul3A_16, %add3A_2122 : i32
    %dma_start3A_2124 = arith.constant 64 : i32
    %dma_start3A_2125 = arith.constant 0 : i32
    %dma_start3A_2126 = tpu.memref_slice %arg10[%dma_start3A_2124, %dma_start3A_2125] : memref<128x128xf32, #tpu.memory_space<vmem>> -> memref<32x128xf32, #tpu.memory_space<vmem>>
    %dma_start3A_2127 = arith.constant 256 : i32
    %dma_start3A_2128 = tpu.memref_slice %arg2[%add3A_2123, %dma_start3A_2127] : memref<16384x512xf32, #tpu.memory_space<hbm>> -> memref<32x128xf32, #tpu.memory_space<hbm>>
    %dma_start3A_2129 = arith.constant 64 : i32
    %dma_start3A_2130 = arith.constant 0 : i32
    %dma_start3A_2131 = tpu.memref_slice %arg10[%dma_start3A_2129, %dma_start3A_2130] : memref<128x128xf32, #tpu.memory_space<vmem>> -> memref<32x128xf32, #tpu.memory_space<vmem>>
    %dma_start3A_2132 = arith.constant 256 : i32
    %dma_start3A_2133 = tpu.memref_slice %arg2[%add3A_2123, %dma_start3A_2132] : memref<16384x512xf32, #tpu.memory_space<hbm>> -> memref<32x128xf32, #tpu.memory_space<hbm>>
    tpu.enqueue_dma source(%dma_start3A_2133 : memref<32x128xf32, #tpu.memory_space<hbm>>) target(%dma_start3A_2131 : memref<32x128xf32, #tpu.memory_space<vmem>>) target_semaphore(%arg22 : memref<!tpu.dma_semaphore, #tpu.memory_space<semaphore_mem>>)
    %add3A_2134 = arith.constant 416 : i32
    %add3A_2135 = arith.addi %mul3A_16, %add3A_2134 : i32
    %dma_start3A_2136 = arith.constant 96 : i32
    %dma_start3A_2137 = arith.constant 0 : i32
    %dma_start3A_2138 = tpu.memref_slice %arg10[%dma_start3A_2136, %dma_start3A_2137] : memref<128x128xf32, #tpu.memory_space<vmem>> -> memref<32x128xf32, #tpu.memory_space<vmem>>
    %dma_start3A_2139 = arith.constant 384 : i32
    %dma_start3A_2140 = tpu.memref_slice %arg2[%add3A_2135, %dma_start3A_2139] : memref<16384x512xf32, #tpu.memory_space<hbm>> -> memref<32x128xf32, #tpu.memory_space<hbm>>
    %dma_start3A_2141 = arith.constant 96 : i32
    %dma_start3A_2142 = arith.constant 0 : i32
    %dma_start3A_2143 = tpu.memref_slice %arg10[%dma_start3A_2141, %dma_start3A_2142] : memref<128x128xf32, #tpu.memory_space<vmem>> -> memref<32x128xf32, #tpu.memory_space<vmem>>
    %dma_start3A_2144 = arith.constant 384 : i32
    %dma_start3A_2145 = tpu.memref_slice %arg2[%add3A_2135, %dma_start3A_2144] : memref<16384x512xf32, #tpu.memory_space<hbm>> -> memref<32x128xf32, #tpu.memory_space<hbm>>
    tpu.enqueue_dma source(%dma_start3A_2145 : memref<32x128xf32, #tpu.memory_space<hbm>>) target(%dma_start3A_2143 : memref<32x128xf32, #tpu.memory_space<vmem>>) target_semaphore(%arg22 : memref<!tpu.dma_semaphore, #tpu.memory_space<semaphore_mem>>)
    %dma_wait3A_2146 = arith.constant 0 : i32
    %dma_wait3A_2147 = arith.constant 0 : i32
    %dma_wait3A_2148 = tpu.memref_slice %arg8[%dma_wait3A_2146, %dma_wait3A_2147] : memref<128x128xf32, #tpu.memory_space<vmem>> -> memref<32x128xf32, #tpu.memory_space<vmem>>
    %dma_wait3A_2149 = arith.constant 0 : i32
    %dma_wait3A_2150 = tpu.memref_slice %arg2[%add3A_1739, %dma_wait3A_2149] : memref<16384x512xf32, #tpu.memory_space<hbm>> -> memref<32x128xf32, #tpu.memory_space<hbm>>
    %dma_wait3A_2151 = arith.constant 0 : i32
    %dma_wait3A_2152 = arith.constant 0 : i32
    %dma_wait3A_2153 = tpu.memref_slice %arg8[%dma_wait3A_2151, %dma_wait3A_2152] : memref<128x128xf32, #tpu.memory_space<vmem>> -> memref<32x128xf32, #tpu.memory_space<vmem>>
    %dma_wait3A_2154 = arith.constant 0 : i32
    %dma_wait3A_2155 = tpu.memref_slice %arg2[%add3A_1739, %dma_wait3A_2154] : memref<16384x512xf32, #tpu.memory_space<hbm>> -> memref<32x128xf32, #tpu.memory_space<hbm>>
    tpu.wait_dma2 semaphore(%arg20 : memref<!tpu.dma_semaphore, #tpu.memory_space<semaphore_mem>>) src(%dma_wait3A_2155 : memref<32x128xf32, #tpu.memory_space<hbm>>) dst(%dma_wait3A_2153 : memref<32x128xf32, #tpu.memory_space<vmem>>)
    %dma_wait3A_2156 = arith.constant 32 : i32
    %dma_wait3A_2157 = arith.constant 0 : i32
    %dma_wait3A_2158 = tpu.memref_slice %arg8[%dma_wait3A_2156, %dma_wait3A_2157] : memref<128x128xf32, #tpu.memory_space<vmem>> -> memref<32x128xf32, #tpu.memory_space<vmem>>
    %dma_wait3A_2159 = arith.constant 128 : i32
    %dma_wait3A_2160 = tpu.memref_slice %arg2[%add3A_1751, %dma_wait3A_2159] : memref<16384x512xf32, #tpu.memory_space<hbm>> -> memref<32x128xf32, #tpu.memory_space<hbm>>
    %dma_wait3A_2161 = arith.constant 32 : i32
    %dma_wait3A_2162 = arith.constant 0 : i32
    %dma_wait3A_2163 = tpu.memref_slice %arg8[%dma_wait3A_2161, %dma_wait3A_2162] : memref<128x128xf32, #tpu.memory_space<vmem>> -> memref<32x128xf32, #tpu.memory_space<vmem>>
    %dma_wait3A_2164 = arith.constant 128 : i32
    %dma_wait3A_2165 = tpu.memref_slice %arg2[%add3A_1751, %dma_wait3A_2164] : memref<16384x512xf32, #tpu.memory_space<hbm>> -> memref<32x128xf32, #tpu.memory_space<hbm>>
    tpu.wait_dma2 semaphore(%arg20 : memref<!tpu.dma_semaphore, #tpu.memory_space<semaphore_mem>>) src(%dma_wait3A_2165 : memref<32x128xf32, #tpu.memory_space<hbm>>) dst(%dma_wait3A_2163 : memref<32x128xf32, #tpu.memory_space<vmem>>)
    %dma_wait3A_2166 = arith.constant 64 : i32
    %dma_wait3A_2167 = arith.constant 0 : i32
    %dma_wait3A_2168 = tpu.memref_slice %arg8[%dma_wait3A_2166, %dma_wait3A_2167] : memref<128x128xf32, #tpu.memory_space<vmem>> -> memref<32x128xf32, #tpu.memory_space<vmem>>
    %dma_wait3A_2169 = arith.constant 256 : i32
    %dma_wait3A_2170 = tpu.memref_slice %arg2[%add3A_1763, %dma_wait3A_2169] : memref<16384x512xf32, #tpu.memory_space<hbm>> -> memref<32x128xf32, #tpu.memory_space<hbm>>
    %dma_wait3A_2171 = arith.constant 64 : i32
    %dma_wait3A_2172 = arith.constant 0 : i32
    %dma_wait3A_2173 = tpu.memref_slice %arg8[%dma_wait3A_2171, %dma_wait3A_2172] : memref<128x128xf32, #tpu.memory_space<vmem>> -> memref<32x128xf32, #tpu.memory_space<vmem>>
    %dma_wait3A_2174 = arith.constant 256 : i32
    %dma_wait3A_2175 = tpu.memref_slice %arg2[%add3A_1763, %dma_wait3A_2174] : memref<16384x512xf32, #tpu.memory_space<hbm>> -> memref<32x128xf32, #tpu.memory_space<hbm>>
    tpu.wait_dma2 semaphore(%arg20 : memref<!tpu.dma_semaphore, #tpu.memory_space<semaphore_mem>>) src(%dma_wait3A_2175 : memref<32x128xf32, #tpu.memory_space<hbm>>) dst(%dma_wait3A_2173 : memref<32x128xf32, #tpu.memory_space<vmem>>)
    %dma_wait3A_2176 = arith.constant 96 : i32
    %dma_wait3A_2177 = arith.constant 0 : i32
    %dma_wait3A_2178 = tpu.memref_slice %arg8[%dma_wait3A_2176, %dma_wait3A_2177] : memref<128x128xf32, #tpu.memory_space<vmem>> -> memref<32x128xf32, #tpu.memory_space<vmem>>
    %dma_wait3A_2179 = arith.constant 384 : i32
    %dma_wait3A_2180 = tpu.memref_slice %arg2[%add3A_1775, %dma_wait3A_2179] : memref<16384x512xf32, #tpu.memory_space<hbm>> -> memref<32x128xf32, #tpu.memory_space<hbm>>
    %dma_wait3A_2181 = arith.constant 96 : i32
    %dma_wait3A_2182 = arith.constant 0 : i32
    %dma_wait3A_2183 = tpu.memref_slice %arg8[%dma_wait3A_2181, %dma_wait3A_2182] : memref<128x128xf32, #tpu.memory_space<vmem>> -> memref<32x128xf32, #tpu.memory_space<vmem>>
    %dma_wait3A_2184 = arith.constant 384 : i32
    %dma_wait3A_2185 = tpu.memref_slice %arg2[%add3A_1775, %dma_wait3A_2184] : memref<16384x512xf32, #tpu.memory_space<hbm>> -> memref<32x128xf32, #tpu.memory_space<hbm>>
    tpu.wait_dma2 semaphore(%arg20 : memref<!tpu.dma_semaphore, #tpu.memory_space<semaphore_mem>>) src(%dma_wait3A_2185 : memref<32x128xf32, #tpu.memory_space<hbm>>) dst(%dma_wait3A_2183 : memref<32x128xf32, #tpu.memory_space<vmem>>)
    %get3A_2186 = arith.constant 352 : index
    %get3A_2187 = tpu.vector_load %arg17[%get3A_2186] {strides = array<i32>} : memref<512xi32, #tpu.memory_space<vmem>>, vector<16xi32>,
    %mul3A_2188 = arith.constant 4 : i32
    %mul3A_2189 = vector.broadcast %mul3A_2188 : i32 to vector<16xi32>
    %mul3A_2190 = arith.muli %get3A_2187, %mul3A_2189 : vector<16xi32>
    %add3A_2191 = arith.constant 0 : i32
    %add3A_2192 = vector.broadcast %add3A_2191 : i32 to vector<16xi32>
    %add3A_2193 = arith.addi %mul3A_2190, %add3A_2192 : vector<16xi32>
    %swap3A_2194 = arith.constant 0 : index
    %swap3A_2195 = tpu.vector_load %arg13[%swap3A_2194] {strides = array<i32>} : memref<128xi32, #tpu.memory_space<vmem>>, vector<16xi32>,
    tpu.vector_store %arg13[%swap3A_2194], %add3A_2193 {strides = array<i32>} : memref<128xi32, #tpu.memory_space<vmem>>, vector<16xi32>,
    %get3A_2196 = arith.constant 368 : index
    %get3A_2197 = tpu.vector_load %arg17[%get3A_2196] {strides = array<i32>} : memref<512xi32, #tpu.memory_space<vmem>>, vector<16xi32>,
    %mul3A_2198 = arith.constant 4 : i32
    %mul3A_2199 = vector.broadcast %mul3A_2198 : i32 to vector<16xi32>
    %mul3A_2200 = arith.muli %get3A_2197, %mul3A_2199 : vector<16xi32>
    %add3A_2201 = arith.constant 0 : i32
    %add3A_2202 = vector.broadcast %add3A_2201 : i32 to vector<16xi32>
    %add3A_2203 = arith.addi %mul3A_2200, %add3A_2202 : vector<16xi32>
    %swap3A_2204 = arith.constant 16 : index
    %swap3A_2205 = tpu.vector_load %arg13[%swap3A_2204] {strides = array<i32>} : memref<128xi32, #tpu.memory_space<vmem>>, vector<16xi32>,
    tpu.vector_store %arg13[%swap3A_2204], %add3A_2203 {strides = array<i32>} : memref<128xi32, #tpu.memory_space<vmem>>, vector<16xi32>,
    %get3A_2206 = arith.constant 352 : index
    %get3A_2207 = tpu.vector_load %arg17[%get3A_2206] {strides = array<i32>} : memref<512xi32, #tpu.memory_space<vmem>>, vector<16xi32>,
    %mul3A_2208 = arith.constant 4 : i32
    %mul3A_2209 = vector.broadcast %mul3A_2208 : i32 to vector<16xi32>
    %mul3A_2210 = arith.muli %get3A_2207, %mul3A_2209 : vector<16xi32>
    %add3A_2211 = arith.constant 1 : i32
    %add3A_2212 = vector.broadcast %add3A_2211 : i32 to vector<16xi32>
    %add3A_2213 = arith.addi %mul3A_2210, %add3A_2212 : vector<16xi32>
    %swap3A_2214 = arith.constant 32 : index
    %swap3A_2215 = tpu.vector_load %arg13[%swap3A_2214] {strides = array<i32>} : memref<128xi32, #tpu.memory_space<vmem>>, vector<16xi32>,
    tpu.vector_store %arg13[%swap3A_2214], %add3A_2213 {strides = array<i32>} : memref<128xi32, #tpu.memory_space<vmem>>, vector<16xi32>,
    %get3A_2216 = arith.constant 368 : index
    %get3A_2217 = tpu.vector_load %arg17[%get3A_2216] {strides = array<i32>} : memref<512xi32, #tpu.memory_space<vmem>>, vector<16xi32>,
    %mul3A_2218 = arith.constant 4 : i32
    %mul3A_2219 = vector.broadcast %mul3A_2218 : i32 to vector<16xi32>
    %mul3A_2220 = arith.muli %get3A_2217, %mul3A_2219 : vector<16xi32>
    %add3A_2221 = arith.constant 1 : i32
    %add3A_2222 = vector.broadcast %add3A_2221 : i32 to vector<16xi32>
    %add3A_2223 = arith.addi %mul3A_2220, %add3A_2222 : vector<16xi32>
    %swap3A_2224 = arith.constant 48 : index
    %swap3A_2225 = tpu.vector_load %arg13[%swap3A_2224] {strides = array<i32>} : memref<128xi32, #tpu.memory_space<vmem>>, vector<16xi32>,
    tpu.vector_store %arg13[%swap3A_2224], %add3A_2223 {strides = array<i32>} : memref<128xi32, #tpu.memory_space<vmem>>, vector<16xi32>,
    %get3A_2226 = arith.constant 352 : index
    %get3A_2227 = tpu.vector_load %arg17[%get3A_2226] {strides = array<i32>} : memref<512xi32, #tpu.memory_space<vmem>>, vector<16xi32>,
    %mul3A_2228 = arith.constant 4 : i32
    %mul3A_2229 = vector.broadcast %mul3A_2228 : i32 to vector<16xi32>
    %mul3A_2230 = arith.muli %get3A_2227, %mul3A_2229 : vector<16xi32>
    %add3A_2231 = arith.constant 2 : i32
    %add3A_2232 = vector.broadcast %add3A_2231 : i32 to vector<16xi32>
    %add3A_2233 = arith.addi %mul3A_2230, %add3A_2232 : vector<16xi32>
    %swap3A_2234 = arith.constant 64 : index
    %swap3A_2235 = tpu.vector_load %arg13[%swap3A_2234] {strides = array<i32>} : memref<128xi32, #tpu.memory_space<vmem>>, vector<16xi32>,
    tpu.vector_store %arg13[%swap3A_2234], %add3A_2233 {strides = array<i32>} : memref<128xi32, #tpu.memory_space<vmem>>, vector<16xi32>,
    %get3A_2236 = arith.constant 368 : index
    %get3A_2237 = tpu.vector_load %arg17[%get3A_2236] {strides = array<i32>} : memref<512xi32, #tpu.memory_space<vmem>>, vector<16xi32>,
    %mul3A_2238 = arith.constant 4 : i32
    %mul3A_2239 = vector.broadcast %mul3A_2238 : i32 to vector<16xi32>
    %mul3A_2240 = arith.muli %get3A_2237, %mul3A_2239 : vector<16xi32>
    %add3A_2241 = arith.constant 2 : i32
    %add3A_2242 = vector.broadcast %add3A_2241 : i32 to vector<16xi32>
    %add3A_2243 = arith.addi %mul3A_2240, %add3A_2242 : vector<16xi32>
    %swap3A_2244 = arith.constant 80 : index
    %swap3A_2245 = tpu.vector_load %arg13[%swap3A_2244] {strides = array<i32>} : memref<128xi32, #tpu.memory_space<vmem>>, vector<16xi32>,
    tpu.vector_store %arg13[%swap3A_2244], %add3A_2243 {strides = array<i32>} : memref<128xi32, #tpu.memory_space<vmem>>, vector<16xi32>,
    %get3A_2246 = arith.constant 352 : index
    %get3A_2247 = tpu.vector_load %arg17[%get3A_2246] {strides = array<i32>} : memref<512xi32, #tpu.memory_space<vmem>>, vector<16xi32>,
    %mul3A_2248 = arith.constant 4 : i32
    %mul3A_2249 = vector.broadcast %mul3A_2248 : i32 to vector<16xi32>
    %mul3A_2250 = arith.muli %get3A_2247, %mul3A_2249 : vector<16xi32>
    %add3A_2251 = arith.constant 3 : i32
    %add3A_2252 = vector.broadcast %add3A_2251 : i32 to vector<16xi32>
    %add3A_2253 = arith.addi %mul3A_2250, %add3A_2252 : vector<16xi32>
    %swap3A_2254 = arith.constant 96 : index
    %swap3A_2255 = tpu.vector_load %arg13[%swap3A_2254] {strides = array<i32>} : memref<128xi32, #tpu.memory_space<vmem>>, vector<16xi32>,
    tpu.vector_store %arg13[%swap3A_2254], %add3A_2253 {strides = array<i32>} : memref<128xi32, #tpu.memory_space<vmem>>, vector<16xi32>,
    %get3A_2256 = arith.constant 368 : index
    %get3A_2257 = tpu.vector_load %arg17[%get3A_2256] {strides = array<i32>} : memref<512xi32, #tpu.memory_space<vmem>>, vector<16xi32>,
    %mul3A_2258 = arith.constant 4 : i32
    %mul3A_2259 = vector.broadcast %mul3A_2258 : i32 to vector<16xi32>
    %mul3A_2260 = arith.muli %get3A_2257, %mul3A_2259 : vector<16xi32>
    %add3A_2261 = arith.constant 3 : i32
    %add3A_2262 = vector.broadcast %add3A_2261 : i32 to vector<16xi32>
    %add3A_2263 = arith.addi %mul3A_2260, %add3A_2262 : vector<16xi32>
    %swap3A_2264 = arith.constant 112 : index
    %swap3A_2265 = tpu.vector_load %arg13[%swap3A_2264] {strides = array<i32>} : memref<128xi32, #tpu.memory_space<vmem>>, vector<16xi32>,
    tpu.vector_store %arg13[%swap3A_2264], %add3A_2263 {strides = array<i32>} : memref<128xi32, #tpu.memory_space<vmem>>, vector<16xi32>,
    %dma_start3A_2266 = arith.constant 0 : i32
    %dma_start3A_2267 = arith.constant 0 : i32
    %dma_start3A_2268 = tpu.memref_slice %arg6[%dma_start3A_2266, %dma_start3A_2267] : memref<4096x128xf32, #tpu.memory_space<vmem_shared>> -> memref<4096x128xf32, #tpu.memory_space<vmem_shared>>
    tpu.enqueue_indirect_dma source(%arg8 : memref<128x128xf32, #tpu.memory_space<vmem>>) target(%dma_start3A_2268 : memref<4096x128xf32, #tpu.memory_space<vmem_shared>>) offsets(%arg13 : memref<128xi32, #tpu.memory_space<vmem>>) semaphore(%arg25 : memref<!tpu.dma_semaphore, #tpu.memory_space<semaphore_mem>>) {add = true}
    %scan3A_2269 = arith.constant 0 : i32
    %scan3A_2270 = arith.constant 128 : i32
    %scan3A_2271 = arith.addi %scan3A_2269, %scan3A_2270 : i32
    %scan3A_2272 = arith.constant 1 : i32
    %scan3A_2273:8 = scf.for %scan3A_2927 = %scan3A_2269 to %scan3A_2271 step %scan3A_2272 iter_args(%scan3A_2928 = %scan3A_2093#0, %scan3A_2929 = %scan3A_2093#1, %scan3A_2930 = %scan3A_2093#2, %scan3A_2931 = %scan3A_2093#3, %scan3A_2932 = %scan3A_2093#4, %scan3A_2933 = %scan3A_2093#5, %scan3A_2934 = %scan3A_2093#6, %scan3A_2935 = %scan3A_2093#7) -> (vector<16xf32>, vector<16xf32>, vector<16xf32>, vector<16xf32>, vector<16xf32>, vector<16xf32>, vector<16xf32>, vector<16xf32>)  : i32 {
      %get3A_2936 = arith.index_cast %scan3A_2927 : i32 to index
      %get3A_2937 = arith.constant 0 : index
      %get3A_2938 = tpu.vector_load %arg8[%get3A_2936, %get3A_2937] {strides = array<i32>} : memref<128x128xf32, #tpu.memory_space<vmem>>, vector<16xf32>,
      %mul3A_2939 = arith.mulf %get3A_2938, %get3A_2938 : vector<16xf32>
      %add3A_2940 = arith.addf %scan3A_2928, %mul3A_2939 : vector<16xf32>
      %get3A_2941 = arith.index_cast %scan3A_2927 : i32 to index
      %get3A_2942 = arith.constant 16 : index
      %get3A_2943 = tpu.vector_load %arg8[%get3A_2941, %get3A_2942] {strides = array<i32>} : memref<128x128xf32, #tpu.memory_space<vmem>>, vector<16xf32>,
      %mul3A_2944 = arith.mulf %get3A_2943, %get3A_2943 : vector<16xf32>
      %add3A_2945 = arith.addf %scan3A_2929, %mul3A_2944 : vector<16xf32>
      %get3A_2946 = arith.index_cast %scan3A_2927 : i32 to index
      %get3A_2947 = arith.constant 32 : index
      %get3A_2948 = tpu.vector_load %arg8[%get3A_2946, %get3A_2947] {strides = array<i32>} : memref<128x128xf32, #tpu.memory_space<vmem>>, vector<16xf32>,
      %mul3A_2949 = arith.mulf %get3A_2948, %get3A_2948 : vector<16xf32>
      %add3A_2950 = arith.addf %scan3A_2930, %mul3A_2949 : vector<16xf32>
      %get3A_2951 = arith.index_cast %scan3A_2927 : i32 to index
      %get3A_2952 = arith.constant 48 : index
      %get3A_2953 = tpu.vector_load %arg8[%get3A_2951, %get3A_2952] {strides = array<i32>} : memref<128x128xf32, #tpu.memory_space<vmem>>, vector<16xf32>,
      %mul3A_2954 = arith.mulf %get3A_2953, %get3A_2953 : vector<16xf32>
      %add3A_2955 = arith.addf %scan3A_2931, %mul3A_2954 : vector<16xf32>
      %get3A_2956 = arith.index_cast %scan3A_2927 : i32 to index
      %get3A_2957 = arith.constant 64 : index
      %get3A_2958 = tpu.vector_load %arg8[%get3A_2956, %get3A_2957] {strides = array<i32>} : memref<128x128xf32, #tpu.memory_space<vmem>>, vector<16xf32>,
      %mul3A_2959 = arith.mulf %get3A_2958, %get3A_2958 : vector<16xf32>
      %add3A_2960 = arith.addf %scan3A_2932, %mul3A_2959 : vector<16xf32>
      %get3A_2961 = arith.index_cast %scan3A_2927 : i32 to index
      %get3A_2962 = arith.constant 80 : index
      %get3A_2963 = tpu.vector_load %arg8[%get3A_2961, %get3A_2962] {strides = array<i32>} : memref<128x128xf32, #tpu.memory_space<vmem>>, vector<16xf32>,
      %mul3A_2964 = arith.mulf %get3A_2963, %get3A_2963 : vector<16xf32>
      %add3A_2965 = arith.addf %scan3A_2933, %mul3A_2964 : vector<16xf32>
      %get3A_2966 = arith.index_cast %scan3A_2927 : i32 to index
      %get3A_2967 = arith.constant 96 : index
      %get3A_2968 = tpu.vector_load %arg8[%get3A_2966, %get3A_2967] {strides = array<i32>} : memref<128x128xf32, #tpu.memory_space<vmem>>, vector<16xf32>,
      %mul3A_2969 = arith.mulf %get3A_2968, %get3A_2968 : vector<16xf32>
      %add3A_2970 = arith.addf %scan3A_2934, %mul3A_2969 : vector<16xf32>
      %get3A_2971 = arith.index_cast %scan3A_2927 : i32 to index
      %get3A_2972 = arith.constant 112 : index
      %get3A_2973 = tpu.vector_load %arg8[%get3A_2971, %get3A_2972] {strides = array<i32>} : memref<128x128xf32, #tpu.memory_space<vmem>>, vector<16xf32>,
      %mul3A_2974 = arith.mulf %get3A_2973, %get3A_2973 : vector<16xf32>
      %add3A_2975 = arith.addf %scan3A_2935, %mul3A_2974 : vector<16xf32>
      scf.yield %add3A_2940, %add3A_2945, %add3A_2950, %add3A_2955, %add3A_2960, %add3A_2965, %add3A_2970, %add3A_2975 : vector<16xf32>, vector<16xf32>, vector<16xf32>, vector<16xf32>, vector<16xf32>, vector<16xf32>, vector<16xf32>, vector<16xf32>
    }
    %scan3A_2274 = arith.constant 128 : i32
    %dma_wait3A_2275 = arith.constant 0 : i32
    %dma_wait3A_2276 = arith.constant 0 : i32
    %dma_wait3A_2277 = tpu.memref_slice %arg6[%dma_wait3A_2275, %dma_wait3A_2276] : memref<4096x128xf32, #tpu.memory_space<vmem_shared>> -> memref<4096x128xf32, #tpu.memory_space<vmem_shared>>
    tpu.wait_indirect_dma semaphore(%arg28 : memref<!tpu.dma_semaphore, #tpu.memory_space<semaphore_mem>>) src(%arg11 : memref<128x128xf32, #tpu.memory_space<vmem>>) dst(%dma_wait3A_2277 : memref<4096x128xf32, #tpu.memory_space<vmem_shared>>)
    %add3A_2278 = arith.constant 448 : i32
    %add3A_2279 = arith.addi %mul3A_16, %add3A_2278 : i32
    %dma_start3A_2280 = arith.constant 0 : i32
    %dma_start3A_2281 = arith.constant 0 : i32
    %dma_start3A_2282 = tpu.memref_slice %arg11[%dma_start3A_2280, %dma_start3A_2281] : memref<128x128xf32, #tpu.memory_space<vmem>> -> memref<32x128xf32, #tpu.memory_space<vmem>>
    %dma_start3A_2283 = arith.constant 0 : i32
    %dma_start3A_2284 = tpu.memref_slice %arg2[%add3A_2279, %dma_start3A_2283] : memref<16384x512xf32, #tpu.memory_space<hbm>> -> memref<32x128xf32, #tpu.memory_space<hbm>>
    %dma_start3A_2285 = arith.constant 0 : i32
    %dma_start3A_2286 = arith.constant 0 : i32
    %dma_start3A_2287 = tpu.memref_slice %arg11[%dma_start3A_2285, %dma_start3A_2286] : memref<128x128xf32, #tpu.memory_space<vmem>> -> memref<32x128xf32, #tpu.memory_space<vmem>>
    %dma_start3A_2288 = arith.constant 0 : i32
    %dma_start3A_2289 = tpu.memref_slice %arg2[%add3A_2279, %dma_start3A_2288] : memref<16384x512xf32, #tpu.memory_space<hbm>> -> memref<32x128xf32, #tpu.memory_space<hbm>>
    tpu.enqueue_dma source(%dma_start3A_2289 : memref<32x128xf32, #tpu.memory_space<hbm>>) target(%dma_start3A_2287 : memref<32x128xf32, #tpu.memory_space<vmem>>) target_semaphore(%arg23 : memref<!tpu.dma_semaphore, #tpu.memory_space<semaphore_mem>>)
    %add3A_2290 = arith.constant 448 : i32
    %add3A_2291 = arith.addi %mul3A_16, %add3A_2290 : i32
    %dma_start3A_2292 = arith.constant 32 : i32
    %dma_start3A_2293 = arith.constant 0 : i32
    %dma_start3A_2294 = tpu.memref_slice %arg11[%dma_start3A_2292, %dma_start3A_2293] : memref<128x128xf32, #tpu.memory_space<vmem>> -> memref<32x128xf32, #tpu.memory_space<vmem>>
    %dma_start3A_2295 = arith.constant 128 : i32
    %dma_start3A_2296 = tpu.memref_slice %arg2[%add3A_2291, %dma_start3A_2295] : memref<16384x512xf32, #tpu.memory_space<hbm>> -> memref<32x128xf32, #tpu.memory_space<hbm>>
    %dma_start3A_2297 = arith.constant 32 : i32
    %dma_start3A_2298 = arith.constant 0 : i32
    %dma_start3A_2299 = tpu.memref_slice %arg11[%dma_start3A_2297, %dma_start3A_2298] : memref<128x128xf32, #tpu.memory_space<vmem>> -> memref<32x128xf32, #tpu.memory_space<vmem>>
    %dma_start3A_2300 = arith.constant 128 : i32
    %dma_start3A_2301 = tpu.memref_slice %arg2[%add3A_2291, %dma_start3A_2300] : memref<16384x512xf32, #tpu.memory_space<hbm>> -> memref<32x128xf32, #tpu.memory_space<hbm>>
    tpu.enqueue_dma source(%dma_start3A_2301 : memref<32x128xf32, #tpu.memory_space<hbm>>) target(%dma_start3A_2299 : memref<32x128xf32, #tpu.memory_space<vmem>>) target_semaphore(%arg23 : memref<!tpu.dma_semaphore, #tpu.memory_space<semaphore_mem>>)
    %add3A_2302 = arith.constant 448 : i32
    %add3A_2303 = arith.addi %mul3A_16, %add3A_2302 : i32
    %dma_start3A_2304 = arith.constant 64 : i32
    %dma_start3A_2305 = arith.constant 0 : i32
    %dma_start3A_2306 = tpu.memref_slice %arg11[%dma_start3A_2304, %dma_start3A_2305] : memref<128x128xf32, #tpu.memory_space<vmem>> -> memref<32x128xf32, #tpu.memory_space<vmem>>
    %dma_start3A_2307 = arith.constant 256 : i32
    %dma_start3A_2308 = tpu.memref_slice %arg2[%add3A_2303, %dma_start3A_2307] : memref<16384x512xf32, #tpu.memory_space<hbm>> -> memref<32x128xf32, #tpu.memory_space<hbm>>
    %dma_start3A_2309 = arith.constant 64 : i32
    %dma_start3A_2310 = arith.constant 0 : i32
    %dma_start3A_2311 = tpu.memref_slice %arg11[%dma_start3A_2309, %dma_start3A_2310] : memref<128x128xf32, #tpu.memory_space<vmem>> -> memref<32x128xf32, #tpu.memory_space<vmem>>
    %dma_start3A_2312 = arith.constant 256 : i32
    %dma_start3A_2313 = tpu.memref_slice %arg2[%add3A_2303, %dma_start3A_2312] : memref<16384x512xf32, #tpu.memory_space<hbm>> -> memref<32x128xf32, #tpu.memory_space<hbm>>
    tpu.enqueue_dma source(%dma_start3A_2313 : memref<32x128xf32, #tpu.memory_space<hbm>>) target(%dma_start3A_2311 : memref<32x128xf32, #tpu.memory_space<vmem>>) target_semaphore(%arg23 : memref<!tpu.dma_semaphore, #tpu.memory_space<semaphore_mem>>)
    %add3A_2314 = arith.constant 448 : i32
    %add3A_2315 = arith.addi %mul3A_16, %add3A_2314 : i32
    %dma_start3A_2316 = arith.constant 96 : i32
    %dma_start3A_2317 = arith.constant 0 : i32
    %dma_start3A_2318 = tpu.memref_slice %arg11[%dma_start3A_2316, %dma_start3A_2317] : memref<128x128xf32, #tpu.memory_space<vmem>> -> memref<32x128xf32, #tpu.memory_space<vmem>>
    %dma_start3A_2319 = arith.constant 384 : i32
    %dma_start3A_2320 = tpu.memref_slice %arg2[%add3A_2315, %dma_start3A_2319] : memref<16384x512xf32, #tpu.memory_space<hbm>> -> memref<32x128xf32, #tpu.memory_space<hbm>>
    %dma_start3A_2321 = arith.constant 96 : i32
    %dma_start3A_2322 = arith.constant 0 : i32
    %dma_start3A_2323 = tpu.memref_slice %arg11[%dma_start3A_2321, %dma_start3A_2322] : memref<128x128xf32, #tpu.memory_space<vmem>> -> memref<32x128xf32, #tpu.memory_space<vmem>>
    %dma_start3A_2324 = arith.constant 384 : i32
    %dma_start3A_2325 = tpu.memref_slice %arg2[%add3A_2315, %dma_start3A_2324] : memref<16384x512xf32, #tpu.memory_space<hbm>> -> memref<32x128xf32, #tpu.memory_space<hbm>>
    tpu.enqueue_dma source(%dma_start3A_2325 : memref<32x128xf32, #tpu.memory_space<hbm>>) target(%dma_start3A_2323 : memref<32x128xf32, #tpu.memory_space<vmem>>) target_semaphore(%arg23 : memref<!tpu.dma_semaphore, #tpu.memory_space<semaphore_mem>>)
    %dma_wait3A_2326 = arith.constant 0 : i32
    %dma_wait3A_2327 = arith.constant 0 : i32
    %dma_wait3A_2328 = tpu.memref_slice %arg9[%dma_wait3A_2326, %dma_wait3A_2327] : memref<128x128xf32, #tpu.memory_space<vmem>> -> memref<32x128xf32, #tpu.memory_space<vmem>>
    %dma_wait3A_2329 = arith.constant 0 : i32
    %dma_wait3A_2330 = tpu.memref_slice %arg2[%add3A_1919, %dma_wait3A_2329] : memref<16384x512xf32, #tpu.memory_space<hbm>> -> memref<32x128xf32, #tpu.memory_space<hbm>>
    %dma_wait3A_2331 = arith.constant 0 : i32
    %dma_wait3A_2332 = arith.constant 0 : i32
    %dma_wait3A_2333 = tpu.memref_slice %arg9[%dma_wait3A_2331, %dma_wait3A_2332] : memref<128x128xf32, #tpu.memory_space<vmem>> -> memref<32x128xf32, #tpu.memory_space<vmem>>
    %dma_wait3A_2334 = arith.constant 0 : i32
    %dma_wait3A_2335 = tpu.memref_slice %arg2[%add3A_1919, %dma_wait3A_2334] : memref<16384x512xf32, #tpu.memory_space<hbm>> -> memref<32x128xf32, #tpu.memory_space<hbm>>
    tpu.wait_dma2 semaphore(%arg21 : memref<!tpu.dma_semaphore, #tpu.memory_space<semaphore_mem>>) src(%dma_wait3A_2335 : memref<32x128xf32, #tpu.memory_space<hbm>>) dst(%dma_wait3A_2333 : memref<32x128xf32, #tpu.memory_space<vmem>>)
    %dma_wait3A_2336 = arith.constant 32 : i32
    %dma_wait3A_2337 = arith.constant 0 : i32
    %dma_wait3A_2338 = tpu.memref_slice %arg9[%dma_wait3A_2336, %dma_wait3A_2337] : memref<128x128xf32, #tpu.memory_space<vmem>> -> memref<32x128xf32, #tpu.memory_space<vmem>>
    %dma_wait3A_2339 = arith.constant 128 : i32
    %dma_wait3A_2340 = tpu.memref_slice %arg2[%add3A_1931, %dma_wait3A_2339] : memref<16384x512xf32, #tpu.memory_space<hbm>> -> memref<32x128xf32, #tpu.memory_space<hbm>>
    %dma_wait3A_2341 = arith.constant 32 : i32
    %dma_wait3A_2342 = arith.constant 0 : i32
    %dma_wait3A_2343 = tpu.memref_slice %arg9[%dma_wait3A_2341, %dma_wait3A_2342] : memref<128x128xf32, #tpu.memory_space<vmem>> -> memref<32x128xf32, #tpu.memory_space<vmem>>
    %dma_wait3A_2344 = arith.constant 128 : i32
    %dma_wait3A_2345 = tpu.memref_slice %arg2[%add3A_1931, %dma_wait3A_2344] : memref<16384x512xf32, #tpu.memory_space<hbm>> -> memref<32x128xf32, #tpu.memory_space<hbm>>
    tpu.wait_dma2 semaphore(%arg21 : memref<!tpu.dma_semaphore, #tpu.memory_space<semaphore_mem>>) src(%dma_wait3A_2345 : memref<32x128xf32, #tpu.memory_space<hbm>>) dst(%dma_wait3A_2343 : memref<32x128xf32, #tpu.memory_space<vmem>>)
    %dma_wait3A_2346 = arith.constant 64 : i32
    %dma_wait3A_2347 = arith.constant 0 : i32
    %dma_wait3A_2348 = tpu.memref_slice %arg9[%dma_wait3A_2346, %dma_wait3A_2347] : memref<128x128xf32, #tpu.memory_space<vmem>> -> memref<32x128xf32, #tpu.memory_space<vmem>>
    %dma_wait3A_2349 = arith.constant 256 : i32
    %dma_wait3A_2350 = tpu.memref_slice %arg2[%add3A_1943, %dma_wait3A_2349] : memref<16384x512xf32, #tpu.memory_space<hbm>> -> memref<32x128xf32, #tpu.memory_space<hbm>>
    %dma_wait3A_2351 = arith.constant 64 : i32
    %dma_wait3A_2352 = arith.constant 0 : i32
    %dma_wait3A_2353 = tpu.memref_slice %arg9[%dma_wait3A_2351, %dma_wait3A_2352] : memref<128x128xf32, #tpu.memory_space<vmem>> -> memref<32x128xf32, #tpu.memory_space<vmem>>
    %dma_wait3A_2354 = arith.constant 256 : i32
    %dma_wait3A_2355 = tpu.memref_slice %arg2[%add3A_1943, %dma_wait3A_2354] : memref<16384x512xf32, #tpu.memory_space<hbm>> -> memref<32x128xf32, #tpu.memory_space<hbm>>
    tpu.wait_dma2 semaphore(%arg21 : memref<!tpu.dma_semaphore, #tpu.memory_space<semaphore_mem>>) src(%dma_wait3A_2355 : memref<32x128xf32, #tpu.memory_space<hbm>>) dst(%dma_wait3A_2353 : memref<32x128xf32, #tpu.memory_space<vmem>>)
    %dma_wait3A_2356 = arith.constant 96 : i32
    %dma_wait3A_2357 = arith.constant 0 : i32
    %dma_wait3A_2358 = tpu.memref_slice %arg9[%dma_wait3A_2356, %dma_wait3A_2357] : memref<128x128xf32, #tpu.memory_space<vmem>> -> memref<32x128xf32, #tpu.memory_space<vmem>>
    %dma_wait3A_2359 = arith.constant 384 : i32
    %dma_wait3A_2360 = tpu.memref_slice %arg2[%add3A_1955, %dma_wait3A_2359] : memref<16384x512xf32, #tpu.memory_space<hbm>> -> memref<32x128xf32, #tpu.memory_space<hbm>>
    %dma_wait3A_2361 = arith.constant 96 : i32
    %dma_wait3A_2362 = arith.constant 0 : i32
    %dma_wait3A_2363 = tpu.memref_slice %arg9[%dma_wait3A_2361, %dma_wait3A_2362] : memref<128x128xf32, #tpu.memory_space<vmem>> -> memref<32x128xf32, #tpu.memory_space<vmem>>
    %dma_wait3A_2364 = arith.constant 384 : i32
    %dma_wait3A_2365 = tpu.memref_slice %arg2[%add3A_1955, %dma_wait3A_2364] : memref<16384x512xf32, #tpu.memory_space<hbm>> -> memref<32x128xf32, #tpu.memory_space<hbm>>
    tpu.wait_dma2 semaphore(%arg21 : memref<!tpu.dma_semaphore, #tpu.memory_space<semaphore_mem>>) src(%dma_wait3A_2365 : memref<32x128xf32, #tpu.memory_space<hbm>>) dst(%dma_wait3A_2363 : memref<32x128xf32, #tpu.memory_space<vmem>>)
    %get3A_2366 = arith.constant 384 : index
    %get3A_2367 = tpu.vector_load %arg17[%get3A_2366] {strides = array<i32>} : memref<512xi32, #tpu.memory_space<vmem>>, vector<16xi32>,
    %mul3A_2368 = arith.constant 4 : i32
    %mul3A_2369 = vector.broadcast %mul3A_2368 : i32 to vector<16xi32>
    %mul3A_2370 = arith.muli %get3A_2367, %mul3A_2369 : vector<16xi32>
    %add3A_2371 = arith.constant 0 : i32
    %add3A_2372 = vector.broadcast %add3A_2371 : i32 to vector<16xi32>
    %add3A_2373 = arith.addi %mul3A_2370, %add3A_2372 : vector<16xi32>
    %swap3A_2374 = arith.constant 0 : index
    %swap3A_2375 = tpu.vector_load %arg14[%swap3A_2374] {strides = array<i32>} : memref<128xi32, #tpu.memory_space<vmem>>, vector<16xi32>,
    tpu.vector_store %arg14[%swap3A_2374], %add3A_2373 {strides = array<i32>} : memref<128xi32, #tpu.memory_space<vmem>>, vector<16xi32>,
    %get3A_2376 = arith.constant 400 : index
    %get3A_2377 = tpu.vector_load %arg17[%get3A_2376] {strides = array<i32>} : memref<512xi32, #tpu.memory_space<vmem>>, vector<16xi32>,
    %mul3A_2378 = arith.constant 4 : i32
    %mul3A_2379 = vector.broadcast %mul3A_2378 : i32 to vector<16xi32>
    %mul3A_2380 = arith.muli %get3A_2377, %mul3A_2379 : vector<16xi32>
    %add3A_2381 = arith.constant 0 : i32
    %add3A_2382 = vector.broadcast %add3A_2381 : i32 to vector<16xi32>
    %add3A_2383 = arith.addi %mul3A_2380, %add3A_2382 : vector<16xi32>
    %swap3A_2384 = arith.constant 16 : index
    %swap3A_2385 = tpu.vector_load %arg14[%swap3A_2384] {strides = array<i32>} : memref<128xi32, #tpu.memory_space<vmem>>, vector<16xi32>,
    tpu.vector_store %arg14[%swap3A_2384], %add3A_2383 {strides = array<i32>} : memref<128xi32, #tpu.memory_space<vmem>>, vector<16xi32>,
    %get3A_2386 = arith.constant 384 : index
    %get3A_2387 = tpu.vector_load %arg17[%get3A_2386] {strides = array<i32>} : memref<512xi32, #tpu.memory_space<vmem>>, vector<16xi32>,
    %mul3A_2388 = arith.constant 4 : i32
    %mul3A_2389 = vector.broadcast %mul3A_2388 : i32 to vector<16xi32>
    %mul3A_2390 = arith.muli %get3A_2387, %mul3A_2389 : vector<16xi32>
    %add3A_2391 = arith.constant 1 : i32
    %add3A_2392 = vector.broadcast %add3A_2391 : i32 to vector<16xi32>
    %add3A_2393 = arith.addi %mul3A_2390, %add3A_2392 : vector<16xi32>
    %swap3A_2394 = arith.constant 32 : index
    %swap3A_2395 = tpu.vector_load %arg14[%swap3A_2394] {strides = array<i32>} : memref<128xi32, #tpu.memory_space<vmem>>, vector<16xi32>,
    tpu.vector_store %arg14[%swap3A_2394], %add3A_2393 {strides = array<i32>} : memref<128xi32, #tpu.memory_space<vmem>>, vector<16xi32>,
    %get3A_2396 = arith.constant 400 : index
    %get3A_2397 = tpu.vector_load %arg17[%get3A_2396] {strides = array<i32>} : memref<512xi32, #tpu.memory_space<vmem>>, vector<16xi32>,
    %mul3A_2398 = arith.constant 4 : i32
    %mul3A_2399 = vector.broadcast %mul3A_2398 : i32 to vector<16xi32>
    %mul3A_2400 = arith.muli %get3A_2397, %mul3A_2399 : vector<16xi32>
    %add3A_2401 = arith.constant 1 : i32
    %add3A_2402 = vector.broadcast %add3A_2401 : i32 to vector<16xi32>
    %add3A_2403 = arith.addi %mul3A_2400, %add3A_2402 : vector<16xi32>
    %swap3A_2404 = arith.constant 48 : index
    %swap3A_2405 = tpu.vector_load %arg14[%swap3A_2404] {strides = array<i32>} : memref<128xi32, #tpu.memory_space<vmem>>, vector<16xi32>,
    tpu.vector_store %arg14[%swap3A_2404], %add3A_2403 {strides = array<i32>} : memref<128xi32, #tpu.memory_space<vmem>>, vector<16xi32>,
    %get3A_2406 = arith.constant 384 : index
    %get3A_2407 = tpu.vector_load %arg17[%get3A_2406] {strides = array<i32>} : memref<512xi32, #tpu.memory_space<vmem>>, vector<16xi32>,
    %mul3A_2408 = arith.constant 4 : i32
    %mul3A_2409 = vector.broadcast %mul3A_2408 : i32 to vector<16xi32>
    %mul3A_2410 = arith.muli %get3A_2407, %mul3A_2409 : vector<16xi32>
    %add3A_2411 = arith.constant 2 : i32
    %add3A_2412 = vector.broadcast %add3A_2411 : i32 to vector<16xi32>
    %add3A_2413 = arith.addi %mul3A_2410, %add3A_2412 : vector<16xi32>
    %swap3A_2414 = arith.constant 64 : index
    %swap3A_2415 = tpu.vector_load %arg14[%swap3A_2414] {strides = array<i32>} : memref<128xi32, #tpu.memory_space<vmem>>, vector<16xi32>,
    tpu.vector_store %arg14[%swap3A_2414], %add3A_2413 {strides = array<i32>} : memref<128xi32, #tpu.memory_space<vmem>>, vector<16xi32>,
    %get3A_2416 = arith.constant 400 : index
    %get3A_2417 = tpu.vector_load %arg17[%get3A_2416] {strides = array<i32>} : memref<512xi32, #tpu.memory_space<vmem>>, vector<16xi32>,
    %mul3A_2418 = arith.constant 4 : i32
    %mul3A_2419 = vector.broadcast %mul3A_2418 : i32 to vector<16xi32>
    %mul3A_2420 = arith.muli %get3A_2417, %mul3A_2419 : vector<16xi32>
    %add3A_2421 = arith.constant 2 : i32
    %add3A_2422 = vector.broadcast %add3A_2421 : i32 to vector<16xi32>
    %add3A_2423 = arith.addi %mul3A_2420, %add3A_2422 : vector<16xi32>
    %swap3A_2424 = arith.constant 80 : index
    %swap3A_2425 = tpu.vector_load %arg14[%swap3A_2424] {strides = array<i32>} : memref<128xi32, #tpu.memory_space<vmem>>, vector<16xi32>,
    tpu.vector_store %arg14[%swap3A_2424], %add3A_2423 {strides = array<i32>} : memref<128xi32, #tpu.memory_space<vmem>>, vector<16xi32>,
    %get3A_2426 = arith.constant 384 : index
    %get3A_2427 = tpu.vector_load %arg17[%get3A_2426] {strides = array<i32>} : memref<512xi32, #tpu.memory_space<vmem>>, vector<16xi32>,
    %mul3A_2428 = arith.constant 4 : i32
    %mul3A_2429 = vector.broadcast %mul3A_2428 : i32 to vector<16xi32>
    %mul3A_2430 = arith.muli %get3A_2427, %mul3A_2429 : vector<16xi32>
    %add3A_2431 = arith.constant 3 : i32
    %add3A_2432 = vector.broadcast %add3A_2431 : i32 to vector<16xi32>
    %add3A_2433 = arith.addi %mul3A_2430, %add3A_2432 : vector<16xi32>
    %swap3A_2434 = arith.constant 96 : index
    %swap3A_2435 = tpu.vector_load %arg14[%swap3A_2434] {strides = array<i32>} : memref<128xi32, #tpu.memory_space<vmem>>, vector<16xi32>,
    tpu.vector_store %arg14[%swap3A_2434], %add3A_2433 {strides = array<i32>} : memref<128xi32, #tpu.memory_space<vmem>>, vector<16xi32>,
    %get3A_2436 = arith.constant 400 : index
    %get3A_2437 = tpu.vector_load %arg17[%get3A_2436] {strides = array<i32>} : memref<512xi32, #tpu.memory_space<vmem>>, vector<16xi32>,
    %mul3A_2438 = arith.constant 4 : i32
    %mul3A_2439 = vector.broadcast %mul3A_2438 : i32 to vector<16xi32>
    %mul3A_2440 = arith.muli %get3A_2437, %mul3A_2439 : vector<16xi32>
    %add3A_2441 = arith.constant 3 : i32
    %add3A_2442 = vector.broadcast %add3A_2441 : i32 to vector<16xi32>
    %add3A_2443 = arith.addi %mul3A_2440, %add3A_2442 : vector<16xi32>
    %swap3A_2444 = arith.constant 112 : index
    %swap3A_2445 = tpu.vector_load %arg14[%swap3A_2444] {strides = array<i32>} : memref<128xi32, #tpu.memory_space<vmem>>, vector<16xi32>,
    tpu.vector_store %arg14[%swap3A_2444], %add3A_2443 {strides = array<i32>} : memref<128xi32, #tpu.memory_space<vmem>>, vector<16xi32>,
    %dma_start3A_2446 = arith.constant 0 : i32
    %dma_start3A_2447 = arith.constant 0 : i32
    %dma_start3A_2448 = tpu.memref_slice %arg6[%dma_start3A_2446, %dma_start3A_2447] : memref<4096x128xf32, #tpu.memory_space<vmem_shared>> -> memref<4096x128xf32, #tpu.memory_space<vmem_shared>>
    tpu.enqueue_indirect_dma source(%arg9 : memref<128x128xf32, #tpu.memory_space<vmem>>) target(%dma_start3A_2448 : memref<4096x128xf32, #tpu.memory_space<vmem_shared>>) offsets(%arg14 : memref<128xi32, #tpu.memory_space<vmem>>) semaphore(%arg26 : memref<!tpu.dma_semaphore, #tpu.memory_space<semaphore_mem>>) {add = true}
    %scan3A_2449 = arith.constant 0 : i32
    %scan3A_2450 = arith.constant 128 : i32
    %scan3A_2451 = arith.addi %scan3A_2449, %scan3A_2450 : i32
    %scan3A_2452 = arith.constant 1 : i32
    %scan3A_2453:8 = scf.for %scan3A_2927 = %scan3A_2449 to %scan3A_2451 step %scan3A_2452 iter_args(%scan3A_2928 = %scan3A_2273#0, %scan3A_2929 = %scan3A_2273#1, %scan3A_2930 = %scan3A_2273#2, %scan3A_2931 = %scan3A_2273#3, %scan3A_2932 = %scan3A_2273#4, %scan3A_2933 = %scan3A_2273#5, %scan3A_2934 = %scan3A_2273#6, %scan3A_2935 = %scan3A_2273#7) -> (vector<16xf32>, vector<16xf32>, vector<16xf32>, vector<16xf32>, vector<16xf32>, vector<16xf32>, vector<16xf32>, vector<16xf32>)  : i32 {
      %get3A_2936 = arith.index_cast %scan3A_2927 : i32 to index
      %get3A_2937 = arith.constant 0 : index
      %get3A_2938 = tpu.vector_load %arg9[%get3A_2936, %get3A_2937] {strides = array<i32>} : memref<128x128xf32, #tpu.memory_space<vmem>>, vector<16xf32>,
      %mul3A_2939 = arith.mulf %get3A_2938, %get3A_2938 : vector<16xf32>
      %add3A_2940 = arith.addf %scan3A_2928, %mul3A_2939 : vector<16xf32>
      %get3A_2941 = arith.index_cast %scan3A_2927 : i32 to index
      %get3A_2942 = arith.constant 16 : index
      %get3A_2943 = tpu.vector_load %arg9[%get3A_2941, %get3A_2942] {strides = array<i32>} : memref<128x128xf32, #tpu.memory_space<vmem>>, vector<16xf32>,
      %mul3A_2944 = arith.mulf %get3A_2943, %get3A_2943 : vector<16xf32>
      %add3A_2945 = arith.addf %scan3A_2929, %mul3A_2944 : vector<16xf32>
      %get3A_2946 = arith.index_cast %scan3A_2927 : i32 to index
      %get3A_2947 = arith.constant 32 : index
      %get3A_2948 = tpu.vector_load %arg9[%get3A_2946, %get3A_2947] {strides = array<i32>} : memref<128x128xf32, #tpu.memory_space<vmem>>, vector<16xf32>,
      %mul3A_2949 = arith.mulf %get3A_2948, %get3A_2948 : vector<16xf32>
      %add3A_2950 = arith.addf %scan3A_2930, %mul3A_2949 : vector<16xf32>
      %get3A_2951 = arith.index_cast %scan3A_2927 : i32 to index
      %get3A_2952 = arith.constant 48 : index
      %get3A_2953 = tpu.vector_load %arg9[%get3A_2951, %get3A_2952] {strides = array<i32>} : memref<128x128xf32, #tpu.memory_space<vmem>>, vector<16xf32>,
      %mul3A_2954 = arith.mulf %get3A_2953, %get3A_2953 : vector<16xf32>
      %add3A_2955 = arith.addf %scan3A_2931, %mul3A_2954 : vector<16xf32>
      %get3A_2956 = arith.index_cast %scan3A_2927 : i32 to index
      %get3A_2957 = arith.constant 64 : index
      %get3A_2958 = tpu.vector_load %arg9[%get3A_2956, %get3A_2957] {strides = array<i32>} : memref<128x128xf32, #tpu.memory_space<vmem>>, vector<16xf32>,
      %mul3A_2959 = arith.mulf %get3A_2958, %get3A_2958 : vector<16xf32>
      %add3A_2960 = arith.addf %scan3A_2932, %mul3A_2959 : vector<16xf32>
      %get3A_2961 = arith.index_cast %scan3A_2927 : i32 to index
      %get3A_2962 = arith.constant 80 : index
      %get3A_2963 = tpu.vector_load %arg9[%get3A_2961, %get3A_2962] {strides = array<i32>} : memref<128x128xf32, #tpu.memory_space<vmem>>, vector<16xf32>,
      %mul3A_2964 = arith.mulf %get3A_2963, %get3A_2963 : vector<16xf32>
      %add3A_2965 = arith.addf %scan3A_2933, %mul3A_2964 : vector<16xf32>
      %get3A_2966 = arith.index_cast %scan3A_2927 : i32 to index
      %get3A_2967 = arith.constant 96 : index
      %get3A_2968 = tpu.vector_load %arg9[%get3A_2966, %get3A_2967] {strides = array<i32>} : memref<128x128xf32, #tpu.memory_space<vmem>>, vector<16xf32>,
      %mul3A_2969 = arith.mulf %get3A_2968, %get3A_2968 : vector<16xf32>
      %add3A_2970 = arith.addf %scan3A_2934, %mul3A_2969 : vector<16xf32>
      %get3A_2971 = arith.index_cast %scan3A_2927 : i32 to index
      %get3A_2972 = arith.constant 112 : index
      %get3A_2973 = tpu.vector_load %arg9[%get3A_2971, %get3A_2972] {strides = array<i32>} : memref<128x128xf32, #tpu.memory_space<vmem>>, vector<16xf32>,
      %mul3A_2974 = arith.mulf %get3A_2973, %get3A_2973 : vector<16xf32>
      %add3A_2975 = arith.addf %scan3A_2935, %mul3A_2974 : vector<16xf32>
      scf.yield %add3A_2940, %add3A_2945, %add3A_2950, %add3A_2955, %add3A_2960, %add3A_2965, %add3A_2970, %add3A_2975 : vector<16xf32>, vector<16xf32>, vector<16xf32>, vector<16xf32>, vector<16xf32>, vector<16xf32>, vector<16xf32>, vector<16xf32>
    }
    %scan3A_2454 = arith.constant 128 : i32
    %dma_wait3A_2455 = arith.constant 0 : i32
    %dma_wait3A_2456 = arith.constant 0 : i32
    %dma_wait3A_2457 = tpu.memref_slice %arg6[%dma_wait3A_2455, %dma_wait3A_2456] : memref<4096x128xf32, #tpu.memory_space<vmem_shared>> -> memref<4096x128xf32, #tpu.memory_space<vmem_shared>>
    tpu.wait_indirect_dma semaphore(%arg24 : memref<!tpu.dma_semaphore, #tpu.memory_space<semaphore_mem>>) src(%arg7 : memref<128x128xf32, #tpu.memory_space<vmem>>) dst(%dma_wait3A_2457 : memref<4096x128xf32, #tpu.memory_space<vmem_shared>>)
    %add3A_2458 = arith.constant 480 : i32
    %add3A_2459 = arith.addi %mul3A_16, %add3A_2458 : i32
    %dma_start3A_2460 = arith.constant 0 : i32
    %dma_start3A_2461 = arith.constant 0 : i32
    %dma_start3A_2462 = tpu.memref_slice %arg7[%dma_start3A_2460, %dma_start3A_2461] : memref<128x128xf32, #tpu.memory_space<vmem>> -> memref<32x128xf32, #tpu.memory_space<vmem>>
    %dma_start3A_2463 = arith.constant 0 : i32
    %dma_start3A_2464 = tpu.memref_slice %arg2[%add3A_2459, %dma_start3A_2463] : memref<16384x512xf32, #tpu.memory_space<hbm>> -> memref<32x128xf32, #tpu.memory_space<hbm>>
    %dma_start3A_2465 = arith.constant 0 : i32
    %dma_start3A_2466 = arith.constant 0 : i32
    %dma_start3A_2467 = tpu.memref_slice %arg7[%dma_start3A_2465, %dma_start3A_2466] : memref<128x128xf32, #tpu.memory_space<vmem>> -> memref<32x128xf32, #tpu.memory_space<vmem>>
    %dma_start3A_2468 = arith.constant 0 : i32
    %dma_start3A_2469 = tpu.memref_slice %arg2[%add3A_2459, %dma_start3A_2468] : memref<16384x512xf32, #tpu.memory_space<hbm>> -> memref<32x128xf32, #tpu.memory_space<hbm>>
    tpu.enqueue_dma source(%dma_start3A_2469 : memref<32x128xf32, #tpu.memory_space<hbm>>) target(%dma_start3A_2467 : memref<32x128xf32, #tpu.memory_space<vmem>>) target_semaphore(%arg19 : memref<!tpu.dma_semaphore, #tpu.memory_space<semaphore_mem>>)
    %add3A_2470 = arith.constant 480 : i32
    %add3A_2471 = arith.addi %mul3A_16, %add3A_2470 : i32
    %dma_start3A_2472 = arith.constant 32 : i32
    %dma_start3A_2473 = arith.constant 0 : i32
    %dma_start3A_2474 = tpu.memref_slice %arg7[%dma_start3A_2472, %dma_start3A_2473] : memref<128x128xf32, #tpu.memory_space<vmem>> -> memref<32x128xf32, #tpu.memory_space<vmem>>
    %dma_start3A_2475 = arith.constant 128 : i32
    %dma_start3A_2476 = tpu.memref_slice %arg2[%add3A_2471, %dma_start3A_2475] : memref<16384x512xf32, #tpu.memory_space<hbm>> -> memref<32x128xf32, #tpu.memory_space<hbm>>
    %dma_start3A_2477 = arith.constant 32 : i32
    %dma_start3A_2478 = arith.constant 0 : i32
    %dma_start3A_2479 = tpu.memref_slice %arg7[%dma_start3A_2477, %dma_start3A_2478] : memref<128x128xf32, #tpu.memory_space<vmem>> -> memref<32x128xf32, #tpu.memory_space<vmem>>
    %dma_start3A_2480 = arith.constant 128 : i32
    %dma_start3A_2481 = tpu.memref_slice %arg2[%add3A_2471, %dma_start3A_2480] : memref<16384x512xf32, #tpu.memory_space<hbm>> -> memref<32x128xf32, #tpu.memory_space<hbm>>
    tpu.enqueue_dma source(%dma_start3A_2481 : memref<32x128xf32, #tpu.memory_space<hbm>>) target(%dma_start3A_2479 : memref<32x128xf32, #tpu.memory_space<vmem>>) target_semaphore(%arg19 : memref<!tpu.dma_semaphore, #tpu.memory_space<semaphore_mem>>)
    %add3A_2482 = arith.constant 480 : i32
    %add3A_2483 = arith.addi %mul3A_16, %add3A_2482 : i32
    %dma_start3A_2484 = arith.constant 64 : i32
    %dma_start3A_2485 = arith.constant 0 : i32
    %dma_start3A_2486 = tpu.memref_slice %arg7[%dma_start3A_2484, %dma_start3A_2485] : memref<128x128xf32, #tpu.memory_space<vmem>> -> memref<32x128xf32, #tpu.memory_space<vmem>>
    %dma_start3A_2487 = arith.constant 256 : i32
    %dma_start3A_2488 = tpu.memref_slice %arg2[%add3A_2483, %dma_start3A_2487] : memref<16384x512xf32, #tpu.memory_space<hbm>> -> memref<32x128xf32, #tpu.memory_space<hbm>>
    %dma_start3A_2489 = arith.constant 64 : i32
    %dma_start3A_2490 = arith.constant 0 : i32
    %dma_start3A_2491 = tpu.memref_slice %arg7[%dma_start3A_2489, %dma_start3A_2490] : memref<128x128xf32, #tpu.memory_space<vmem>> -> memref<32x128xf32, #tpu.memory_space<vmem>>
    %dma_start3A_2492 = arith.constant 256 : i32
    %dma_start3A_2493 = tpu.memref_slice %arg2[%add3A_2483, %dma_start3A_2492] : memref<16384x512xf32, #tpu.memory_space<hbm>> -> memref<32x128xf32, #tpu.memory_space<hbm>>
    tpu.enqueue_dma source(%dma_start3A_2493 : memref<32x128xf32, #tpu.memory_space<hbm>>) target(%dma_start3A_2491 : memref<32x128xf32, #tpu.memory_space<vmem>>) target_semaphore(%arg19 : memref<!tpu.dma_semaphore, #tpu.memory_space<semaphore_mem>>)
    %add3A_2494 = arith.constant 480 : i32
    %add3A_2495 = arith.addi %mul3A_16, %add3A_2494 : i32
    %dma_start3A_2496 = arith.constant 96 : i32
    %dma_start3A_2497 = arith.constant 0 : i32
    %dma_start3A_2498 = tpu.memref_slice %arg7[%dma_start3A_2496, %dma_start3A_2497] : memref<128x128xf32, #tpu.memory_space<vmem>> -> memref<32x128xf32, #tpu.memory_space<vmem>>
    %dma_start3A_2499 = arith.constant 384 : i32
    %dma_start3A_2500 = tpu.memref_slice %arg2[%add3A_2495, %dma_start3A_2499] : memref<16384x512xf32, #tpu.memory_space<hbm>> -> memref<32x128xf32, #tpu.memory_space<hbm>>
    %dma_start3A_2501 = arith.constant 96 : i32
    %dma_start3A_2502 = arith.constant 0 : i32
    %dma_start3A_2503 = tpu.memref_slice %arg7[%dma_start3A_2501, %dma_start3A_2502] : memref<128x128xf32, #tpu.memory_space<vmem>> -> memref<32x128xf32, #tpu.memory_space<vmem>>
    %dma_start3A_2504 = arith.constant 384 : i32
    %dma_start3A_2505 = tpu.memref_slice %arg2[%add3A_2495, %dma_start3A_2504] : memref<16384x512xf32, #tpu.memory_space<hbm>> -> memref<32x128xf32, #tpu.memory_space<hbm>>
    tpu.enqueue_dma source(%dma_start3A_2505 : memref<32x128xf32, #tpu.memory_space<hbm>>) target(%dma_start3A_2503 : memref<32x128xf32, #tpu.memory_space<vmem>>) target_semaphore(%arg19 : memref<!tpu.dma_semaphore, #tpu.memory_space<semaphore_mem>>)
    %dma_wait3A_2506 = arith.constant 0 : i32
    %dma_wait3A_2507 = arith.constant 0 : i32
    %dma_wait3A_2508 = tpu.memref_slice %arg10[%dma_wait3A_2506, %dma_wait3A_2507] : memref<128x128xf32, #tpu.memory_space<vmem>> -> memref<32x128xf32, #tpu.memory_space<vmem>>
    %dma_wait3A_2509 = arith.constant 0 : i32
    %dma_wait3A_2510 = tpu.memref_slice %arg2[%add3A_2099, %dma_wait3A_2509] : memref<16384x512xf32, #tpu.memory_space<hbm>> -> memref<32x128xf32, #tpu.memory_space<hbm>>
    %dma_wait3A_2511 = arith.constant 0 : i32
    %dma_wait3A_2512 = arith.constant 0 : i32
    %dma_wait3A_2513 = tpu.memref_slice %arg10[%dma_wait3A_2511, %dma_wait3A_2512] : memref<128x128xf32, #tpu.memory_space<vmem>> -> memref<32x128xf32, #tpu.memory_space<vmem>>
    %dma_wait3A_2514 = arith.constant 0 : i32
    %dma_wait3A_2515 = tpu.memref_slice %arg2[%add3A_2099, %dma_wait3A_2514] : memref<16384x512xf32, #tpu.memory_space<hbm>> -> memref<32x128xf32, #tpu.memory_space<hbm>>
    tpu.wait_dma2 semaphore(%arg22 : memref<!tpu.dma_semaphore, #tpu.memory_space<semaphore_mem>>) src(%dma_wait3A_2515 : memref<32x128xf32, #tpu.memory_space<hbm>>) dst(%dma_wait3A_2513 : memref<32x128xf32, #tpu.memory_space<vmem>>)
    %dma_wait3A_2516 = arith.constant 32 : i32
    %dma_wait3A_2517 = arith.constant 0 : i32
    %dma_wait3A_2518 = tpu.memref_slice %arg10[%dma_wait3A_2516, %dma_wait3A_2517] : memref<128x128xf32, #tpu.memory_space<vmem>> -> memref<32x128xf32, #tpu.memory_space<vmem>>
    %dma_wait3A_2519 = arith.constant 128 : i32
    %dma_wait3A_2520 = tpu.memref_slice %arg2[%add3A_2111, %dma_wait3A_2519] : memref<16384x512xf32, #tpu.memory_space<hbm>> -> memref<32x128xf32, #tpu.memory_space<hbm>>
    %dma_wait3A_2521 = arith.constant 32 : i32
    %dma_wait3A_2522 = arith.constant 0 : i32
    %dma_wait3A_2523 = tpu.memref_slice %arg10[%dma_wait3A_2521, %dma_wait3A_2522] : memref<128x128xf32, #tpu.memory_space<vmem>> -> memref<32x128xf32, #tpu.memory_space<vmem>>
    %dma_wait3A_2524 = arith.constant 128 : i32
    %dma_wait3A_2525 = tpu.memref_slice %arg2[%add3A_2111, %dma_wait3A_2524] : memref<16384x512xf32, #tpu.memory_space<hbm>> -> memref<32x128xf32, #tpu.memory_space<hbm>>
    tpu.wait_dma2 semaphore(%arg22 : memref<!tpu.dma_semaphore, #tpu.memory_space<semaphore_mem>>) src(%dma_wait3A_2525 : memref<32x128xf32, #tpu.memory_space<hbm>>) dst(%dma_wait3A_2523 : memref<32x128xf32, #tpu.memory_space<vmem>>)
    %dma_wait3A_2526 = arith.constant 64 : i32
    %dma_wait3A_2527 = arith.constant 0 : i32
    %dma_wait3A_2528 = tpu.memref_slice %arg10[%dma_wait3A_2526, %dma_wait3A_2527] : memref<128x128xf32, #tpu.memory_space<vmem>> -> memref<32x128xf32, #tpu.memory_space<vmem>>
    %dma_wait3A_2529 = arith.constant 256 : i32
    %dma_wait3A_2530 = tpu.memref_slice %arg2[%add3A_2123, %dma_wait3A_2529] : memref<16384x512xf32, #tpu.memory_space<hbm>> -> memref<32x128xf32, #tpu.memory_space<hbm>>
    %dma_wait3A_2531 = arith.constant 64 : i32
    %dma_wait3A_2532 = arith.constant 0 : i32
    %dma_wait3A_2533 = tpu.memref_slice %arg10[%dma_wait3A_2531, %dma_wait3A_2532] : memref<128x128xf32, #tpu.memory_space<vmem>> -> memref<32x128xf32, #tpu.memory_space<vmem>>
    %dma_wait3A_2534 = arith.constant 256 : i32
    %dma_wait3A_2535 = tpu.memref_slice %arg2[%add3A_2123, %dma_wait3A_2534] : memref<16384x512xf32, #tpu.memory_space<hbm>> -> memref<32x128xf32, #tpu.memory_space<hbm>>
    tpu.wait_dma2 semaphore(%arg22 : memref<!tpu.dma_semaphore, #tpu.memory_space<semaphore_mem>>) src(%dma_wait3A_2535 : memref<32x128xf32, #tpu.memory_space<hbm>>) dst(%dma_wait3A_2533 : memref<32x128xf32, #tpu.memory_space<vmem>>)
    %dma_wait3A_2536 = arith.constant 96 : i32
    %dma_wait3A_2537 = arith.constant 0 : i32
    %dma_wait3A_2538 = tpu.memref_slice %arg10[%dma_wait3A_2536, %dma_wait3A_2537] : memref<128x128xf32, #tpu.memory_space<vmem>> -> memref<32x128xf32, #tpu.memory_space<vmem>>
    %dma_wait3A_2539 = arith.constant 384 : i32
    %dma_wait3A_2540 = tpu.memref_slice %arg2[%add3A_2135, %dma_wait3A_2539] : memref<16384x512xf32, #tpu.memory_space<hbm>> -> memref<32x128xf32, #tpu.memory_space<hbm>>
    %dma_wait3A_2541 = arith.constant 96 : i32
    %dma_wait3A_2542 = arith.constant 0 : i32
    %dma_wait3A_2543 = tpu.memref_slice %arg10[%dma_wait3A_2541, %dma_wait3A_2542] : memref<128x128xf32, #tpu.memory_space<vmem>> -> memref<32x128xf32, #tpu.memory_space<vmem>>
    %dma_wait3A_2544 = arith.constant 384 : i32
    %dma_wait3A_2545 = tpu.memref_slice %arg2[%add3A_2135, %dma_wait3A_2544] : memref<16384x512xf32, #tpu.memory_space<hbm>> -> memref<32x128xf32, #tpu.memory_space<hbm>>
    tpu.wait_dma2 semaphore(%arg22 : memref<!tpu.dma_semaphore, #tpu.memory_space<semaphore_mem>>) src(%dma_wait3A_2545 : memref<32x128xf32, #tpu.memory_space<hbm>>) dst(%dma_wait3A_2543 : memref<32x128xf32, #tpu.memory_space<vmem>>)
    %get3A_2546 = arith.constant 416 : index
    %get3A_2547 = tpu.vector_load %arg17[%get3A_2546] {strides = array<i32>} : memref<512xi32, #tpu.memory_space<vmem>>, vector<16xi32>,
    %mul3A_2548 = arith.constant 4 : i32
    %mul3A_2549 = vector.broadcast %mul3A_2548 : i32 to vector<16xi32>
    %mul3A_2550 = arith.muli %get3A_2547, %mul3A_2549 : vector<16xi32>
    %add3A_2551 = arith.constant 0 : i32
    %add3A_2552 = vector.broadcast %add3A_2551 : i32 to vector<16xi32>
    %add3A_2553 = arith.addi %mul3A_2550, %add3A_2552 : vector<16xi32>
    %swap3A_2554 = arith.constant 0 : index
    %swap3A_2555 = tpu.vector_load %arg15[%swap3A_2554] {strides = array<i32>} : memref<128xi32, #tpu.memory_space<vmem>>, vector<16xi32>,
    tpu.vector_store %arg15[%swap3A_2554], %add3A_2553 {strides = array<i32>} : memref<128xi32, #tpu.memory_space<vmem>>, vector<16xi32>,
    %get3A_2556 = arith.constant 432 : index
    %get3A_2557 = tpu.vector_load %arg17[%get3A_2556] {strides = array<i32>} : memref<512xi32, #tpu.memory_space<vmem>>, vector<16xi32>,
    %mul3A_2558 = arith.constant 4 : i32
    %mul3A_2559 = vector.broadcast %mul3A_2558 : i32 to vector<16xi32>
    %mul3A_2560 = arith.muli %get3A_2557, %mul3A_2559 : vector<16xi32>
    %add3A_2561 = arith.constant 0 : i32
    %add3A_2562 = vector.broadcast %add3A_2561 : i32 to vector<16xi32>
    %add3A_2563 = arith.addi %mul3A_2560, %add3A_2562 : vector<16xi32>
    %swap3A_2564 = arith.constant 16 : index
    %swap3A_2565 = tpu.vector_load %arg15[%swap3A_2564] {strides = array<i32>} : memref<128xi32, #tpu.memory_space<vmem>>, vector<16xi32>,
    tpu.vector_store %arg15[%swap3A_2564], %add3A_2563 {strides = array<i32>} : memref<128xi32, #tpu.memory_space<vmem>>, vector<16xi32>,
    %get3A_2566 = arith.constant 416 : index
    %get3A_2567 = tpu.vector_load %arg17[%get3A_2566] {strides = array<i32>} : memref<512xi32, #tpu.memory_space<vmem>>, vector<16xi32>,
    %mul3A_2568 = arith.constant 4 : i32
    %mul3A_2569 = vector.broadcast %mul3A_2568 : i32 to vector<16xi32>
    %mul3A_2570 = arith.muli %get3A_2567, %mul3A_2569 : vector<16xi32>
    %add3A_2571 = arith.constant 1 : i32
    %add3A_2572 = vector.broadcast %add3A_2571 : i32 to vector<16xi32>
    %add3A_2573 = arith.addi %mul3A_2570, %add3A_2572 : vector<16xi32>
    %swap3A_2574 = arith.constant 32 : index
    %swap3A_2575 = tpu.vector_load %arg15[%swap3A_2574] {strides = array<i32>} : memref<128xi32, #tpu.memory_space<vmem>>, vector<16xi32>,
    tpu.vector_store %arg15[%swap3A_2574], %add3A_2573 {strides = array<i32>} : memref<128xi32, #tpu.memory_space<vmem>>, vector<16xi32>,
    %get3A_2576 = arith.constant 432 : index
    %get3A_2577 = tpu.vector_load %arg17[%get3A_2576] {strides = array<i32>} : memref<512xi32, #tpu.memory_space<vmem>>, vector<16xi32>,
    %mul3A_2578 = arith.constant 4 : i32
    %mul3A_2579 = vector.broadcast %mul3A_2578 : i32 to vector<16xi32>
    %mul3A_2580 = arith.muli %get3A_2577, %mul3A_2579 : vector<16xi32>
    %add3A_2581 = arith.constant 1 : i32
    %add3A_2582 = vector.broadcast %add3A_2581 : i32 to vector<16xi32>
    %add3A_2583 = arith.addi %mul3A_2580, %add3A_2582 : vector<16xi32>
    %swap3A_2584 = arith.constant 48 : index
    %swap3A_2585 = tpu.vector_load %arg15[%swap3A_2584] {strides = array<i32>} : memref<128xi32, #tpu.memory_space<vmem>>, vector<16xi32>,
    tpu.vector_store %arg15[%swap3A_2584], %add3A_2583 {strides = array<i32>} : memref<128xi32, #tpu.memory_space<vmem>>, vector<16xi32>,
    %get3A_2586 = arith.constant 416 : index
    %get3A_2587 = tpu.vector_load %arg17[%get3A_2586] {strides = array<i32>} : memref<512xi32, #tpu.memory_space<vmem>>, vector<16xi32>,
    %mul3A_2588 = arith.constant 4 : i32
    %mul3A_2589 = vector.broadcast %mul3A_2588 : i32 to vector<16xi32>
    %mul3A_2590 = arith.muli %get3A_2587, %mul3A_2589 : vector<16xi32>
    %add3A_2591 = arith.constant 2 : i32
    %add3A_2592 = vector.broadcast %add3A_2591 : i32 to vector<16xi32>
    %add3A_2593 = arith.addi %mul3A_2590, %add3A_2592 : vector<16xi32>
    %swap3A_2594 = arith.constant 64 : index
    %swap3A_2595 = tpu.vector_load %arg15[%swap3A_2594] {strides = array<i32>} : memref<128xi32, #tpu.memory_space<vmem>>, vector<16xi32>,
    tpu.vector_store %arg15[%swap3A_2594], %add3A_2593 {strides = array<i32>} : memref<128xi32, #tpu.memory_space<vmem>>, vector<16xi32>,
    %get3A_2596 = arith.constant 432 : index
    %get3A_2597 = tpu.vector_load %arg17[%get3A_2596] {strides = array<i32>} : memref<512xi32, #tpu.memory_space<vmem>>, vector<16xi32>,
    %mul3A_2598 = arith.constant 4 : i32
    %mul3A_2599 = vector.broadcast %mul3A_2598 : i32 to vector<16xi32>
    %mul3A_2600 = arith.muli %get3A_2597, %mul3A_2599 : vector<16xi32>
    %add3A_2601 = arith.constant 2 : i32
    %add3A_2602 = vector.broadcast %add3A_2601 : i32 to vector<16xi32>
    %add3A_2603 = arith.addi %mul3A_2600, %add3A_2602 : vector<16xi32>
    %swap3A_2604 = arith.constant 80 : index
    %swap3A_2605 = tpu.vector_load %arg15[%swap3A_2604] {strides = array<i32>} : memref<128xi32, #tpu.memory_space<vmem>>, vector<16xi32>,
    tpu.vector_store %arg15[%swap3A_2604], %add3A_2603 {strides = array<i32>} : memref<128xi32, #tpu.memory_space<vmem>>, vector<16xi32>,
    %get3A_2606 = arith.constant 416 : index
    %get3A_2607 = tpu.vector_load %arg17[%get3A_2606] {strides = array<i32>} : memref<512xi32, #tpu.memory_space<vmem>>, vector<16xi32>,
    %mul3A_2608 = arith.constant 4 : i32
    %mul3A_2609 = vector.broadcast %mul3A_2608 : i32 to vector<16xi32>
    %mul3A_2610 = arith.muli %get3A_2607, %mul3A_2609 : vector<16xi32>
    %add3A_2611 = arith.constant 3 : i32
    %add3A_2612 = vector.broadcast %add3A_2611 : i32 to vector<16xi32>
    %add3A_2613 = arith.addi %mul3A_2610, %add3A_2612 : vector<16xi32>
    %swap3A_2614 = arith.constant 96 : index
    %swap3A_2615 = tpu.vector_load %arg15[%swap3A_2614] {strides = array<i32>} : memref<128xi32, #tpu.memory_space<vmem>>, vector<16xi32>,
    tpu.vector_store %arg15[%swap3A_2614], %add3A_2613 {strides = array<i32>} : memref<128xi32, #tpu.memory_space<vmem>>, vector<16xi32>,
    %get3A_2616 = arith.constant 432 : index
    %get3A_2617 = tpu.vector_load %arg17[%get3A_2616] {strides = array<i32>} : memref<512xi32, #tpu.memory_space<vmem>>, vector<16xi32>,
    %mul3A_2618 = arith.constant 4 : i32
    %mul3A_2619 = vector.broadcast %mul3A_2618 : i32 to vector<16xi32>
    %mul3A_2620 = arith.muli %get3A_2617, %mul3A_2619 : vector<16xi32>
    %add3A_2621 = arith.constant 3 : i32
    %add3A_2622 = vector.broadcast %add3A_2621 : i32 to vector<16xi32>
    %add3A_2623 = arith.addi %mul3A_2620, %add3A_2622 : vector<16xi32>
    %swap3A_2624 = arith.constant 112 : index
    %swap3A_2625 = tpu.vector_load %arg15[%swap3A_2624] {strides = array<i32>} : memref<128xi32, #tpu.memory_space<vmem>>, vector<16xi32>,
    tpu.vector_store %arg15[%swap3A_2624], %add3A_2623 {strides = array<i32>} : memref<128xi32, #tpu.memory_space<vmem>>, vector<16xi32>,
    %dma_start3A_2626 = arith.constant 0 : i32
    %dma_start3A_2627 = arith.constant 0 : i32
    %dma_start3A_2628 = tpu.memref_slice %arg6[%dma_start3A_2626, %dma_start3A_2627] : memref<4096x128xf32, #tpu.memory_space<vmem_shared>> -> memref<4096x128xf32, #tpu.memory_space<vmem_shared>>
    tpu.enqueue_indirect_dma source(%arg10 : memref<128x128xf32, #tpu.memory_space<vmem>>) target(%dma_start3A_2628 : memref<4096x128xf32, #tpu.memory_space<vmem_shared>>) offsets(%arg15 : memref<128xi32, #tpu.memory_space<vmem>>) semaphore(%arg27 : memref<!tpu.dma_semaphore, #tpu.memory_space<semaphore_mem>>) {add = true}
    %scan3A_2629 = arith.constant 0 : i32
    %scan3A_2630 = arith.constant 128 : i32
    %scan3A_2631 = arith.addi %scan3A_2629, %scan3A_2630 : i32
    %scan3A_2632 = arith.constant 1 : i32
    %scan3A_2633:8 = scf.for %scan3A_2927 = %scan3A_2629 to %scan3A_2631 step %scan3A_2632 iter_args(%scan3A_2928 = %scan3A_2453#0, %scan3A_2929 = %scan3A_2453#1, %scan3A_2930 = %scan3A_2453#2, %scan3A_2931 = %scan3A_2453#3, %scan3A_2932 = %scan3A_2453#4, %scan3A_2933 = %scan3A_2453#5, %scan3A_2934 = %scan3A_2453#6, %scan3A_2935 = %scan3A_2453#7) -> (vector<16xf32>, vector<16xf32>, vector<16xf32>, vector<16xf32>, vector<16xf32>, vector<16xf32>, vector<16xf32>, vector<16xf32>)  : i32 {
      %get3A_2936 = arith.index_cast %scan3A_2927 : i32 to index
      %get3A_2937 = arith.constant 0 : index
      %get3A_2938 = tpu.vector_load %arg10[%get3A_2936, %get3A_2937] {strides = array<i32>} : memref<128x128xf32, #tpu.memory_space<vmem>>, vector<16xf32>,
      %mul3A_2939 = arith.mulf %get3A_2938, %get3A_2938 : vector<16xf32>
      %add3A_2940 = arith.addf %scan3A_2928, %mul3A_2939 : vector<16xf32>
      %get3A_2941 = arith.index_cast %scan3A_2927 : i32 to index
      %get3A_2942 = arith.constant 16 : index
      %get3A_2943 = tpu.vector_load %arg10[%get3A_2941, %get3A_2942] {strides = array<i32>} : memref<128x128xf32, #tpu.memory_space<vmem>>, vector<16xf32>,
      %mul3A_2944 = arith.mulf %get3A_2943, %get3A_2943 : vector<16xf32>
      %add3A_2945 = arith.addf %scan3A_2929, %mul3A_2944 : vector<16xf32>
      %get3A_2946 = arith.index_cast %scan3A_2927 : i32 to index
      %get3A_2947 = arith.constant 32 : index
      %get3A_2948 = tpu.vector_load %arg10[%get3A_2946, %get3A_2947] {strides = array<i32>} : memref<128x128xf32, #tpu.memory_space<vmem>>, vector<16xf32>,
      %mul3A_2949 = arith.mulf %get3A_2948, %get3A_2948 : vector<16xf32>
      %add3A_2950 = arith.addf %scan3A_2930, %mul3A_2949 : vector<16xf32>
      %get3A_2951 = arith.index_cast %scan3A_2927 : i32 to index
      %get3A_2952 = arith.constant 48 : index
      %get3A_2953 = tpu.vector_load %arg10[%get3A_2951, %get3A_2952] {strides = array<i32>} : memref<128x128xf32, #tpu.memory_space<vmem>>, vector<16xf32>,
      %mul3A_2954 = arith.mulf %get3A_2953, %get3A_2953 : vector<16xf32>
      %add3A_2955 = arith.addf %scan3A_2931, %mul3A_2954 : vector<16xf32>
      %get3A_2956 = arith.index_cast %scan3A_2927 : i32 to index
      %get3A_2957 = arith.constant 64 : index
      %get3A_2958 = tpu.vector_load %arg10[%get3A_2956, %get3A_2957] {strides = array<i32>} : memref<128x128xf32, #tpu.memory_space<vmem>>, vector<16xf32>,
      %mul3A_2959 = arith.mulf %get3A_2958, %get3A_2958 : vector<16xf32>
      %add3A_2960 = arith.addf %scan3A_2932, %mul3A_2959 : vector<16xf32>
      %get3A_2961 = arith.index_cast %scan3A_2927 : i32 to index
      %get3A_2962 = arith.constant 80 : index
      %get3A_2963 = tpu.vector_load %arg10[%get3A_2961, %get3A_2962] {strides = array<i32>} : memref<128x128xf32, #tpu.memory_space<vmem>>, vector<16xf32>,
      %mul3A_2964 = arith.mulf %get3A_2963, %get3A_2963 : vector<16xf32>
      %add3A_2965 = arith.addf %scan3A_2933, %mul3A_2964 : vector<16xf32>
      %get3A_2966 = arith.index_cast %scan3A_2927 : i32 to index
      %get3A_2967 = arith.constant 96 : index
      %get3A_2968 = tpu.vector_load %arg10[%get3A_2966, %get3A_2967] {strides = array<i32>} : memref<128x128xf32, #tpu.memory_space<vmem>>, vector<16xf32>,
      %mul3A_2969 = arith.mulf %get3A_2968, %get3A_2968 : vector<16xf32>
      %add3A_2970 = arith.addf %scan3A_2934, %mul3A_2969 : vector<16xf32>
      %get3A_2971 = arith.index_cast %scan3A_2927 : i32 to index
      %get3A_2972 = arith.constant 112 : index
      %get3A_2973 = tpu.vector_load %arg10[%get3A_2971, %get3A_2972] {strides = array<i32>} : memref<128x128xf32, #tpu.memory_space<vmem>>, vector<16xf32>,
      %mul3A_2974 = arith.mulf %get3A_2973, %get3A_2973 : vector<16xf32>
      %add3A_2975 = arith.addf %scan3A_2935, %mul3A_2974 : vector<16xf32>
      scf.yield %add3A_2940, %add3A_2945, %add3A_2950, %add3A_2955, %add3A_2960, %add3A_2965, %add3A_2970, %add3A_2975 : vector<16xf32>, vector<16xf32>, vector<16xf32>, vector<16xf32>, vector<16xf32>, vector<16xf32>, vector<16xf32>, vector<16xf32>
    }
    %scan3A_2634 = arith.constant 128 : i32
    %dma_wait3A_2635 = arith.constant 0 : i32
    %dma_wait3A_2636 = arith.constant 0 : i32
    %dma_wait3A_2637 = tpu.memref_slice %arg11[%dma_wait3A_2635, %dma_wait3A_2636] : memref<128x128xf32, #tpu.memory_space<vmem>> -> memref<32x128xf32, #tpu.memory_space<vmem>>
    %dma_wait3A_2638 = arith.constant 0 : i32
    %dma_wait3A_2639 = tpu.memref_slice %arg2[%add3A_2279, %dma_wait3A_2638] : memref<16384x512xf32, #tpu.memory_space<hbm>> -> memref<32x128xf32, #tpu.memory_space<hbm>>
    %dma_wait3A_2640 = arith.constant 0 : i32
    %dma_wait3A_2641 = arith.constant 0 : i32
    %dma_wait3A_2642 = tpu.memref_slice %arg11[%dma_wait3A_2640, %dma_wait3A_2641] : memref<128x128xf32, #tpu.memory_space<vmem>> -> memref<32x128xf32, #tpu.memory_space<vmem>>
    %dma_wait3A_2643 = arith.constant 0 : i32
    %dma_wait3A_2644 = tpu.memref_slice %arg2[%add3A_2279, %dma_wait3A_2643] : memref<16384x512xf32, #tpu.memory_space<hbm>> -> memref<32x128xf32, #tpu.memory_space<hbm>>
    tpu.wait_dma2 semaphore(%arg23 : memref<!tpu.dma_semaphore, #tpu.memory_space<semaphore_mem>>) src(%dma_wait3A_2644 : memref<32x128xf32, #tpu.memory_space<hbm>>) dst(%dma_wait3A_2642 : memref<32x128xf32, #tpu.memory_space<vmem>>)
    %dma_wait3A_2645 = arith.constant 32 : i32
    %dma_wait3A_2646 = arith.constant 0 : i32
    %dma_wait3A_2647 = tpu.memref_slice %arg11[%dma_wait3A_2645, %dma_wait3A_2646] : memref<128x128xf32, #tpu.memory_space<vmem>> -> memref<32x128xf32, #tpu.memory_space<vmem>>
    %dma_wait3A_2648 = arith.constant 128 : i32
    %dma_wait3A_2649 = tpu.memref_slice %arg2[%add3A_2291, %dma_wait3A_2648] : memref<16384x512xf32, #tpu.memory_space<hbm>> -> memref<32x128xf32, #tpu.memory_space<hbm>>
    %dma_wait3A_2650 = arith.constant 32 : i32
    %dma_wait3A_2651 = arith.constant 0 : i32
    %dma_wait3A_2652 = tpu.memref_slice %arg11[%dma_wait3A_2650, %dma_wait3A_2651] : memref<128x128xf32, #tpu.memory_space<vmem>> -> memref<32x128xf32, #tpu.memory_space<vmem>>
    %dma_wait3A_2653 = arith.constant 128 : i32
    %dma_wait3A_2654 = tpu.memref_slice %arg2[%add3A_2291, %dma_wait3A_2653] : memref<16384x512xf32, #tpu.memory_space<hbm>> -> memref<32x128xf32, #tpu.memory_space<hbm>>
    tpu.wait_dma2 semaphore(%arg23 : memref<!tpu.dma_semaphore, #tpu.memory_space<semaphore_mem>>) src(%dma_wait3A_2654 : memref<32x128xf32, #tpu.memory_space<hbm>>) dst(%dma_wait3A_2652 : memref<32x128xf32, #tpu.memory_space<vmem>>)
    %dma_wait3A_2655 = arith.constant 64 : i32
    %dma_wait3A_2656 = arith.constant 0 : i32
    %dma_wait3A_2657 = tpu.memref_slice %arg11[%dma_wait3A_2655, %dma_wait3A_2656] : memref<128x128xf32, #tpu.memory_space<vmem>> -> memref<32x128xf32, #tpu.memory_space<vmem>>
    %dma_wait3A_2658 = arith.constant 256 : i32
    %dma_wait3A_2659 = tpu.memref_slice %arg2[%add3A_2303, %dma_wait3A_2658] : memref<16384x512xf32, #tpu.memory_space<hbm>> -> memref<32x128xf32, #tpu.memory_space<hbm>>
    %dma_wait3A_2660 = arith.constant 64 : i32
    %dma_wait3A_2661 = arith.constant 0 : i32
    %dma_wait3A_2662 = tpu.memref_slice %arg11[%dma_wait3A_2660, %dma_wait3A_2661] : memref<128x128xf32, #tpu.memory_space<vmem>> -> memref<32x128xf32, #tpu.memory_space<vmem>>
    %dma_wait3A_2663 = arith.constant 256 : i32
    %dma_wait3A_2664 = tpu.memref_slice %arg2[%add3A_2303, %dma_wait3A_2663] : memref<16384x512xf32, #tpu.memory_space<hbm>> -> memref<32x128xf32, #tpu.memory_space<hbm>>
    tpu.wait_dma2 semaphore(%arg23 : memref<!tpu.dma_semaphore, #tpu.memory_space<semaphore_mem>>) src(%dma_wait3A_2664 : memref<32x128xf32, #tpu.memory_space<hbm>>) dst(%dma_wait3A_2662 : memref<32x128xf32, #tpu.memory_space<vmem>>)
    %dma_wait3A_2665 = arith.constant 96 : i32
    %dma_wait3A_2666 = arith.constant 0 : i32
    %dma_wait3A_2667 = tpu.memref_slice %arg11[%dma_wait3A_2665, %dma_wait3A_2666] : memref<128x128xf32, #tpu.memory_space<vmem>> -> memref<32x128xf32, #tpu.memory_space<vmem>>
    %dma_wait3A_2668 = arith.constant 384 : i32
    %dma_wait3A_2669 = tpu.memref_slice %arg2[%add3A_2315, %dma_wait3A_2668] : memref<16384x512xf32, #tpu.memory_space<hbm>> -> memref<32x128xf32, #tpu.memory_space<hbm>>
    %dma_wait3A_2670 = arith.constant 96 : i32
    %dma_wait3A_2671 = arith.constant 0 : i32
    %dma_wait3A_2672 = tpu.memref_slice %arg11[%dma_wait3A_2670, %dma_wait3A_2671] : memref<128x128xf32, #tpu.memory_space<vmem>> -> memref<32x128xf32, #tpu.memory_space<vmem>>
    %dma_wait3A_2673 = arith.constant 384 : i32
    %dma_wait3A_2674 = tpu.memref_slice %arg2[%add3A_2315, %dma_wait3A_2673] : memref<16384x512xf32, #tpu.memory_space<hbm>> -> memref<32x128xf32, #tpu.memory_space<hbm>>
    tpu.wait_dma2 semaphore(%arg23 : memref<!tpu.dma_semaphore, #tpu.memory_space<semaphore_mem>>) src(%dma_wait3A_2674 : memref<32x128xf32, #tpu.memory_space<hbm>>) dst(%dma_wait3A_2672 : memref<32x128xf32, #tpu.memory_space<vmem>>)
    %get3A_2675 = arith.constant 448 : index
    %get3A_2676 = tpu.vector_load %arg17[%get3A_2675] {strides = array<i32>} : memref<512xi32, #tpu.memory_space<vmem>>, vector<16xi32>,
    %mul3A_2677 = arith.constant 4 : i32
    %mul3A_2678 = vector.broadcast %mul3A_2677 : i32 to vector<16xi32>
    %mul3A_2679 = arith.muli %get3A_2676, %mul3A_2678 : vector<16xi32>
    %add3A_2680 = arith.constant 0 : i32
    %add3A_2681 = vector.broadcast %add3A_2680 : i32 to vector<16xi32>
    %add3A_2682 = arith.addi %mul3A_2679, %add3A_2681 : vector<16xi32>
    %swap3A_2683 = arith.constant 0 : index
    %swap3A_2684 = tpu.vector_load %arg16[%swap3A_2683] {strides = array<i32>} : memref<128xi32, #tpu.memory_space<vmem>>, vector<16xi32>,
    tpu.vector_store %arg16[%swap3A_2683], %add3A_2682 {strides = array<i32>} : memref<128xi32, #tpu.memory_space<vmem>>, vector<16xi32>,
    %get3A_2685 = arith.constant 464 : index
    %get3A_2686 = tpu.vector_load %arg17[%get3A_2685] {strides = array<i32>} : memref<512xi32, #tpu.memory_space<vmem>>, vector<16xi32>,
    %mul3A_2687 = arith.constant 4 : i32
    %mul3A_2688 = vector.broadcast %mul3A_2687 : i32 to vector<16xi32>
    %mul3A_2689 = arith.muli %get3A_2686, %mul3A_2688 : vector<16xi32>
    %add3A_2690 = arith.constant 0 : i32
    %add3A_2691 = vector.broadcast %add3A_2690 : i32 to vector<16xi32>
    %add3A_2692 = arith.addi %mul3A_2689, %add3A_2691 : vector<16xi32>
    %swap3A_2693 = arith.constant 16 : index
    %swap3A_2694 = tpu.vector_load %arg16[%swap3A_2693] {strides = array<i32>} : memref<128xi32, #tpu.memory_space<vmem>>, vector<16xi32>,
    tpu.vector_store %arg16[%swap3A_2693], %add3A_2692 {strides = array<i32>} : memref<128xi32, #tpu.memory_space<vmem>>, vector<16xi32>,
    %get3A_2695 = arith.constant 448 : index
    %get3A_2696 = tpu.vector_load %arg17[%get3A_2695] {strides = array<i32>} : memref<512xi32, #tpu.memory_space<vmem>>, vector<16xi32>,
    %mul3A_2697 = arith.constant 4 : i32
    %mul3A_2698 = vector.broadcast %mul3A_2697 : i32 to vector<16xi32>
    %mul3A_2699 = arith.muli %get3A_2696, %mul3A_2698 : vector<16xi32>
    %add3A_2700 = arith.constant 1 : i32
    %add3A_2701 = vector.broadcast %add3A_2700 : i32 to vector<16xi32>
    %add3A_2702 = arith.addi %mul3A_2699, %add3A_2701 : vector<16xi32>
    %swap3A_2703 = arith.constant 32 : index
    %swap3A_2704 = tpu.vector_load %arg16[%swap3A_2703] {strides = array<i32>} : memref<128xi32, #tpu.memory_space<vmem>>, vector<16xi32>,
    tpu.vector_store %arg16[%swap3A_2703], %add3A_2702 {strides = array<i32>} : memref<128xi32, #tpu.memory_space<vmem>>, vector<16xi32>,
    %get3A_2705 = arith.constant 464 : index
    %get3A_2706 = tpu.vector_load %arg17[%get3A_2705] {strides = array<i32>} : memref<512xi32, #tpu.memory_space<vmem>>, vector<16xi32>,
    %mul3A_2707 = arith.constant 4 : i32
    %mul3A_2708 = vector.broadcast %mul3A_2707 : i32 to vector<16xi32>
    %mul3A_2709 = arith.muli %get3A_2706, %mul3A_2708 : vector<16xi32>
    %add3A_2710 = arith.constant 1 : i32
    %add3A_2711 = vector.broadcast %add3A_2710 : i32 to vector<16xi32>
    %add3A_2712 = arith.addi %mul3A_2709, %add3A_2711 : vector<16xi32>
    %swap3A_2713 = arith.constant 48 : index
    %swap3A_2714 = tpu.vector_load %arg16[%swap3A_2713] {strides = array<i32>} : memref<128xi32, #tpu.memory_space<vmem>>, vector<16xi32>,
    tpu.vector_store %arg16[%swap3A_2713], %add3A_2712 {strides = array<i32>} : memref<128xi32, #tpu.memory_space<vmem>>, vector<16xi32>,
    %get3A_2715 = arith.constant 448 : index
    %get3A_2716 = tpu.vector_load %arg17[%get3A_2715] {strides = array<i32>} : memref<512xi32, #tpu.memory_space<vmem>>, vector<16xi32>,
    %mul3A_2717 = arith.constant 4 : i32
    %mul3A_2718 = vector.broadcast %mul3A_2717 : i32 to vector<16xi32>
    %mul3A_2719 = arith.muli %get3A_2716, %mul3A_2718 : vector<16xi32>
    %add3A_2720 = arith.constant 2 : i32
    %add3A_2721 = vector.broadcast %add3A_2720 : i32 to vector<16xi32>
    %add3A_2722 = arith.addi %mul3A_2719, %add3A_2721 : vector<16xi32>
    %swap3A_2723 = arith.constant 64 : index
    %swap3A_2724 = tpu.vector_load %arg16[%swap3A_2723] {strides = array<i32>} : memref<128xi32, #tpu.memory_space<vmem>>, vector<16xi32>,
    tpu.vector_store %arg16[%swap3A_2723], %add3A_2722 {strides = array<i32>} : memref<128xi32, #tpu.memory_space<vmem>>, vector<16xi32>,
    %get3A_2725 = arith.constant 464 : index
    %get3A_2726 = tpu.vector_load %arg17[%get3A_2725] {strides = array<i32>} : memref<512xi32, #tpu.memory_space<vmem>>, vector<16xi32>,
    %mul3A_2727 = arith.constant 4 : i32
    %mul3A_2728 = vector.broadcast %mul3A_2727 : i32 to vector<16xi32>
    %mul3A_2729 = arith.muli %get3A_2726, %mul3A_2728 : vector<16xi32>
    %add3A_2730 = arith.constant 2 : i32
    %add3A_2731 = vector.broadcast %add3A_2730 : i32 to vector<16xi32>
    %add3A_2732 = arith.addi %mul3A_2729, %add3A_2731 : vector<16xi32>
    %swap3A_2733 = arith.constant 80 : index
    %swap3A_2734 = tpu.vector_load %arg16[%swap3A_2733] {strides = array<i32>} : memref<128xi32, #tpu.memory_space<vmem>>, vector<16xi32>,
    tpu.vector_store %arg16[%swap3A_2733], %add3A_2732 {strides = array<i32>} : memref<128xi32, #tpu.memory_space<vmem>>, vector<16xi32>,
    %get3A_2735 = arith.constant 448 : index
    %get3A_2736 = tpu.vector_load %arg17[%get3A_2735] {strides = array<i32>} : memref<512xi32, #tpu.memory_space<vmem>>, vector<16xi32>,
    %mul3A_2737 = arith.constant 4 : i32
    %mul3A_2738 = vector.broadcast %mul3A_2737 : i32 to vector<16xi32>
    %mul3A_2739 = arith.muli %get3A_2736, %mul3A_2738 : vector<16xi32>
    %add3A_2740 = arith.constant 3 : i32
    %add3A_2741 = vector.broadcast %add3A_2740 : i32 to vector<16xi32>
    %add3A_2742 = arith.addi %mul3A_2739, %add3A_2741 : vector<16xi32>
    %swap3A_2743 = arith.constant 96 : index
    %swap3A_2744 = tpu.vector_load %arg16[%swap3A_2743] {strides = array<i32>} : memref<128xi32, #tpu.memory_space<vmem>>, vector<16xi32>,
    tpu.vector_store %arg16[%swap3A_2743], %add3A_2742 {strides = array<i32>} : memref<128xi32, #tpu.memory_space<vmem>>, vector<16xi32>,
    %get3A_2745 = arith.constant 464 : index
    %get3A_2746 = tpu.vector_load %arg17[%get3A_2745] {strides = array<i32>} : memref<512xi32, #tpu.memory_space<vmem>>, vector<16xi32>,
    %mul3A_2747 = arith.constant 4 : i32
    %mul3A_2748 = vector.broadcast %mul3A_2747 : i32 to vector<16xi32>
    %mul3A_2749 = arith.muli %get3A_2746, %mul3A_2748 : vector<16xi32>
    %add3A_2750 = arith.constant 3 : i32
    %add3A_2751 = vector.broadcast %add3A_2750 : i32 to vector<16xi32>
    %add3A_2752 = arith.addi %mul3A_2749, %add3A_2751 : vector<16xi32>
    %swap3A_2753 = arith.constant 112 : index
    %swap3A_2754 = tpu.vector_load %arg16[%swap3A_2753] {strides = array<i32>} : memref<128xi32, #tpu.memory_space<vmem>>, vector<16xi32>,
    tpu.vector_store %arg16[%swap3A_2753], %add3A_2752 {strides = array<i32>} : memref<128xi32, #tpu.memory_space<vmem>>, vector<16xi32>,
    %dma_start3A_2755 = arith.constant 0 : i32
    %dma_start3A_2756 = arith.constant 0 : i32
    %dma_start3A_2757 = tpu.memref_slice %arg6[%dma_start3A_2755, %dma_start3A_2756] : memref<4096x128xf32, #tpu.memory_space<vmem_shared>> -> memref<4096x128xf32, #tpu.memory_space<vmem_shared>>
    tpu.enqueue_indirect_dma source(%arg11 : memref<128x128xf32, #tpu.memory_space<vmem>>) target(%dma_start3A_2757 : memref<4096x128xf32, #tpu.memory_space<vmem_shared>>) offsets(%arg16 : memref<128xi32, #tpu.memory_space<vmem>>) semaphore(%arg28 : memref<!tpu.dma_semaphore, #tpu.memory_space<semaphore_mem>>) {add = true}
    %scan3A_2758 = arith.constant 0 : i32
    %scan3A_2759 = arith.constant 128 : i32
    %scan3A_2760 = arith.addi %scan3A_2758, %scan3A_2759 : i32
    %scan3A_2761 = arith.constant 1 : i32
    %scan3A_2762:8 = scf.for %scan3A_2927 = %scan3A_2758 to %scan3A_2760 step %scan3A_2761 iter_args(%scan3A_2928 = %scan3A_2633#0, %scan3A_2929 = %scan3A_2633#1, %scan3A_2930 = %scan3A_2633#2, %scan3A_2931 = %scan3A_2633#3, %scan3A_2932 = %scan3A_2633#4, %scan3A_2933 = %scan3A_2633#5, %scan3A_2934 = %scan3A_2633#6, %scan3A_2935 = %scan3A_2633#7) -> (vector<16xf32>, vector<16xf32>, vector<16xf32>, vector<16xf32>, vector<16xf32>, vector<16xf32>, vector<16xf32>, vector<16xf32>)  : i32 {
      %get3A_2936 = arith.index_cast %scan3A_2927 : i32 to index
      %get3A_2937 = arith.constant 0 : index
      %get3A_2938 = tpu.vector_load %arg11[%get3A_2936, %get3A_2937] {strides = array<i32>} : memref<128x128xf32, #tpu.memory_space<vmem>>, vector<16xf32>,
      %mul3A_2939 = arith.mulf %get3A_2938, %get3A_2938 : vector<16xf32>
      %add3A_2940 = arith.addf %scan3A_2928, %mul3A_2939 : vector<16xf32>
      %get3A_2941 = arith.index_cast %scan3A_2927 : i32 to index
      %get3A_2942 = arith.constant 16 : index
      %get3A_2943 = tpu.vector_load %arg11[%get3A_2941, %get3A_2942] {strides = array<i32>} : memref<128x128xf32, #tpu.memory_space<vmem>>, vector<16xf32>,
      %mul3A_2944 = arith.mulf %get3A_2943, %get3A_2943 : vector<16xf32>
      %add3A_2945 = arith.addf %scan3A_2929, %mul3A_2944 : vector<16xf32>
      %get3A_2946 = arith.index_cast %scan3A_2927 : i32 to index
      %get3A_2947 = arith.constant 32 : index
      %get3A_2948 = tpu.vector_load %arg11[%get3A_2946, %get3A_2947] {strides = array<i32>} : memref<128x128xf32, #tpu.memory_space<vmem>>, vector<16xf32>,
      %mul3A_2949 = arith.mulf %get3A_2948, %get3A_2948 : vector<16xf32>
      %add3A_2950 = arith.addf %scan3A_2930, %mul3A_2949 : vector<16xf32>
      %get3A_2951 = arith.index_cast %scan3A_2927 : i32 to index
      %get3A_2952 = arith.constant 48 : index
      %get3A_2953 = tpu.vector_load %arg11[%get3A_2951, %get3A_2952] {strides = array<i32>} : memref<128x128xf32, #tpu.memory_space<vmem>>, vector<16xf32>,
      %mul3A_2954 = arith.mulf %get3A_2953, %get3A_2953 : vector<16xf32>
      %add3A_2955 = arith.addf %scan3A_2931, %mul3A_2954 : vector<16xf32>
      %get3A_2956 = arith.index_cast %scan3A_2927 : i32 to index
      %get3A_2957 = arith.constant 64 : index
      %get3A_2958 = tpu.vector_load %arg11[%get3A_2956, %get3A_2957] {strides = array<i32>} : memref<128x128xf32, #tpu.memory_space<vmem>>, vector<16xf32>,
      %mul3A_2959 = arith.mulf %get3A_2958, %get3A_2958 : vector<16xf32>
      %add3A_2960 = arith.addf %scan3A_2932, %mul3A_2959 : vector<16xf32>
      %get3A_2961 = arith.index_cast %scan3A_2927 : i32 to index
      %get3A_2962 = arith.constant 80 : index
      %get3A_2963 = tpu.vector_load %arg11[%get3A_2961, %get3A_2962] {strides = array<i32>} : memref<128x128xf32, #tpu.memory_space<vmem>>, vector<16xf32>,
      %mul3A_2964 = arith.mulf %get3A_2963, %get3A_2963 : vector<16xf32>
      %add3A_2965 = arith.addf %scan3A_2933, %mul3A_2964 : vector<16xf32>
      %get3A_2966 = arith.index_cast %scan3A_2927 : i32 to index
      %get3A_2967 = arith.constant 96 : index
      %get3A_2968 = tpu.vector_load %arg11[%get3A_2966, %get3A_2967] {strides = array<i32>} : memref<128x128xf32, #tpu.memory_space<vmem>>, vector<16xf32>,
      %mul3A_2969 = arith.mulf %get3A_2968, %get3A_2968 : vector<16xf32>
      %add3A_2970 = arith.addf %scan3A_2934, %mul3A_2969 : vector<16xf32>
      %get3A_2971 = arith.index_cast %scan3A_2927 : i32 to index
      %get3A_2972 = arith.constant 112 : index
      %get3A_2973 = tpu.vector_load %arg11[%get3A_2971, %get3A_2972] {strides = array<i32>} : memref<128x128xf32, #tpu.memory_space<vmem>>, vector<16xf32>,
      %mul3A_2974 = arith.mulf %get3A_2973, %get3A_2973 : vector<16xf32>
      %add3A_2975 = arith.addf %scan3A_2935, %mul3A_2974 : vector<16xf32>
      scf.yield %add3A_2940, %add3A_2945, %add3A_2950, %add3A_2955, %add3A_2960, %add3A_2965, %add3A_2970, %add3A_2975 : vector<16xf32>, vector<16xf32>, vector<16xf32>, vector<16xf32>, vector<16xf32>, vector<16xf32>, vector<16xf32>, vector<16xf32>
    }
    %scan3A_2763 = arith.constant 128 : i32
    %dma_wait3A_2764 = arith.constant 0 : i32
    %dma_wait3A_2765 = arith.constant 0 : i32
    %dma_wait3A_2766 = tpu.memref_slice %arg7[%dma_wait3A_2764, %dma_wait3A_2765] : memref<128x128xf32, #tpu.memory_space<vmem>> -> memref<32x128xf32, #tpu.memory_space<vmem>>
    %dma_wait3A_2767 = arith.constant 0 : i32
    %dma_wait3A_2768 = tpu.memref_slice %arg2[%add3A_2459, %dma_wait3A_2767] : memref<16384x512xf32, #tpu.memory_space<hbm>> -> memref<32x128xf32, #tpu.memory_space<hbm>>
    %dma_wait3A_2769 = arith.constant 0 : i32
    %dma_wait3A_2770 = arith.constant 0 : i32
    %dma_wait3A_2771 = tpu.memref_slice %arg7[%dma_wait3A_2769, %dma_wait3A_2770] : memref<128x128xf32, #tpu.memory_space<vmem>> -> memref<32x128xf32, #tpu.memory_space<vmem>>
    %dma_wait3A_2772 = arith.constant 0 : i32
    %dma_wait3A_2773 = tpu.memref_slice %arg2[%add3A_2459, %dma_wait3A_2772] : memref<16384x512xf32, #tpu.memory_space<hbm>> -> memref<32x128xf32, #tpu.memory_space<hbm>>
    tpu.wait_dma2 semaphore(%arg19 : memref<!tpu.dma_semaphore, #tpu.memory_space<semaphore_mem>>) src(%dma_wait3A_2773 : memref<32x128xf32, #tpu.memory_space<hbm>>) dst(%dma_wait3A_2771 : memref<32x128xf32, #tpu.memory_space<vmem>>)
    %dma_wait3A_2774 = arith.constant 32 : i32
    %dma_wait3A_2775 = arith.constant 0 : i32
    %dma_wait3A_2776 = tpu.memref_slice %arg7[%dma_wait3A_2774, %dma_wait3A_2775] : memref<128x128xf32, #tpu.memory_space<vmem>> -> memref<32x128xf32, #tpu.memory_space<vmem>>
    %dma_wait3A_2777 = arith.constant 128 : i32
    %dma_wait3A_2778 = tpu.memref_slice %arg2[%add3A_2471, %dma_wait3A_2777] : memref<16384x512xf32, #tpu.memory_space<hbm>> -> memref<32x128xf32, #tpu.memory_space<hbm>>
    %dma_wait3A_2779 = arith.constant 32 : i32
    %dma_wait3A_2780 = arith.constant 0 : i32
    %dma_wait3A_2781 = tpu.memref_slice %arg7[%dma_wait3A_2779, %dma_wait3A_2780] : memref<128x128xf32, #tpu.memory_space<vmem>> -> memref<32x128xf32, #tpu.memory_space<vmem>>
    %dma_wait3A_2782 = arith.constant 128 : i32
    %dma_wait3A_2783 = tpu.memref_slice %arg2[%add3A_2471, %dma_wait3A_2782] : memref<16384x512xf32, #tpu.memory_space<hbm>> -> memref<32x128xf32, #tpu.memory_space<hbm>>
    tpu.wait_dma2 semaphore(%arg19 : memref<!tpu.dma_semaphore, #tpu.memory_space<semaphore_mem>>) src(%dma_wait3A_2783 : memref<32x128xf32, #tpu.memory_space<hbm>>) dst(%dma_wait3A_2781 : memref<32x128xf32, #tpu.memory_space<vmem>>)
    %dma_wait3A_2784 = arith.constant 64 : i32
    %dma_wait3A_2785 = arith.constant 0 : i32
    %dma_wait3A_2786 = tpu.memref_slice %arg7[%dma_wait3A_2784, %dma_wait3A_2785] : memref<128x128xf32, #tpu.memory_space<vmem>> -> memref<32x128xf32, #tpu.memory_space<vmem>>
    %dma_wait3A_2787 = arith.constant 256 : i32
    %dma_wait3A_2788 = tpu.memref_slice %arg2[%add3A_2483, %dma_wait3A_2787] : memref<16384x512xf32, #tpu.memory_space<hbm>> -> memref<32x128xf32, #tpu.memory_space<hbm>>
    %dma_wait3A_2789 = arith.constant 64 : i32
    %dma_wait3A_2790 = arith.constant 0 : i32
    %dma_wait3A_2791 = tpu.memref_slice %arg7[%dma_wait3A_2789, %dma_wait3A_2790] : memref<128x128xf32, #tpu.memory_space<vmem>> -> memref<32x128xf32, #tpu.memory_space<vmem>>
    %dma_wait3A_2792 = arith.constant 256 : i32
    %dma_wait3A_2793 = tpu.memref_slice %arg2[%add3A_2483, %dma_wait3A_2792] : memref<16384x512xf32, #tpu.memory_space<hbm>> -> memref<32x128xf32, #tpu.memory_space<hbm>>
    tpu.wait_dma2 semaphore(%arg19 : memref<!tpu.dma_semaphore, #tpu.memory_space<semaphore_mem>>) src(%dma_wait3A_2793 : memref<32x128xf32, #tpu.memory_space<hbm>>) dst(%dma_wait3A_2791 : memref<32x128xf32, #tpu.memory_space<vmem>>)
    %dma_wait3A_2794 = arith.constant 96 : i32
    %dma_wait3A_2795 = arith.constant 0 : i32
    %dma_wait3A_2796 = tpu.memref_slice %arg7[%dma_wait3A_2794, %dma_wait3A_2795] : memref<128x128xf32, #tpu.memory_space<vmem>> -> memref<32x128xf32, #tpu.memory_space<vmem>>
    %dma_wait3A_2797 = arith.constant 384 : i32
    %dma_wait3A_2798 = tpu.memref_slice %arg2[%add3A_2495, %dma_wait3A_2797] : memref<16384x512xf32, #tpu.memory_space<hbm>> -> memref<32x128xf32, #tpu.memory_space<hbm>>
    %dma_wait3A_2799 = arith.constant 96 : i32
    %dma_wait3A_2800 = arith.constant 0 : i32
    %dma_wait3A_2801 = tpu.memref_slice %arg7[%dma_wait3A_2799, %dma_wait3A_2800] : memref<128x128xf32, #tpu.memory_space<vmem>> -> memref<32x128xf32, #tpu.memory_space<vmem>>
    %dma_wait3A_2802 = arith.constant 384 : i32
    %dma_wait3A_2803 = tpu.memref_slice %arg2[%add3A_2495, %dma_wait3A_2802] : memref<16384x512xf32, #tpu.memory_space<hbm>> -> memref<32x128xf32, #tpu.memory_space<hbm>>
    tpu.wait_dma2 semaphore(%arg19 : memref<!tpu.dma_semaphore, #tpu.memory_space<semaphore_mem>>) src(%dma_wait3A_2803 : memref<32x128xf32, #tpu.memory_space<hbm>>) dst(%dma_wait3A_2801 : memref<32x128xf32, #tpu.memory_space<vmem>>)
    %get3A_2804 = arith.constant 480 : index
    %get3A_2805 = tpu.vector_load %arg17[%get3A_2804] {strides = array<i32>} : memref<512xi32, #tpu.memory_space<vmem>>, vector<16xi32>,
    %mul3A_2806 = arith.constant 4 : i32
    %mul3A_2807 = vector.broadcast %mul3A_2806 : i32 to vector<16xi32>
    %mul3A_2808 = arith.muli %get3A_2805, %mul3A_2807 : vector<16xi32>
    %add3A_2809 = arith.constant 0 : i32
    %add3A_2810 = vector.broadcast %add3A_2809 : i32 to vector<16xi32>
    %add3A_2811 = arith.addi %mul3A_2808, %add3A_2810 : vector<16xi32>
    %swap3A_2812 = arith.constant 0 : index
    %swap3A_2813 = tpu.vector_load %arg12[%swap3A_2812] {strides = array<i32>} : memref<128xi32, #tpu.memory_space<vmem>>, vector<16xi32>,
    tpu.vector_store %arg12[%swap3A_2812], %add3A_2811 {strides = array<i32>} : memref<128xi32, #tpu.memory_space<vmem>>, vector<16xi32>,
    %get3A_2814 = arith.constant 496 : index
    %get3A_2815 = tpu.vector_load %arg17[%get3A_2814] {strides = array<i32>} : memref<512xi32, #tpu.memory_space<vmem>>, vector<16xi32>,
    %mul3A_2816 = arith.constant 4 : i32
    %mul3A_2817 = vector.broadcast %mul3A_2816 : i32 to vector<16xi32>
    %mul3A_2818 = arith.muli %get3A_2815, %mul3A_2817 : vector<16xi32>
    %add3A_2819 = arith.constant 0 : i32
    %add3A_2820 = vector.broadcast %add3A_2819 : i32 to vector<16xi32>
    %add3A_2821 = arith.addi %mul3A_2818, %add3A_2820 : vector<16xi32>
    %swap3A_2822 = arith.constant 16 : index
    %swap3A_2823 = tpu.vector_load %arg12[%swap3A_2822] {strides = array<i32>} : memref<128xi32, #tpu.memory_space<vmem>>, vector<16xi32>,
    tpu.vector_store %arg12[%swap3A_2822], %add3A_2821 {strides = array<i32>} : memref<128xi32, #tpu.memory_space<vmem>>, vector<16xi32>,
    %get3A_2824 = arith.constant 480 : index
    %get3A_2825 = tpu.vector_load %arg17[%get3A_2824] {strides = array<i32>} : memref<512xi32, #tpu.memory_space<vmem>>, vector<16xi32>,
    %mul3A_2826 = arith.constant 4 : i32
    %mul3A_2827 = vector.broadcast %mul3A_2826 : i32 to vector<16xi32>
    %mul3A_2828 = arith.muli %get3A_2825, %mul3A_2827 : vector<16xi32>
    %add3A_2829 = arith.constant 1 : i32
    %add3A_2830 = vector.broadcast %add3A_2829 : i32 to vector<16xi32>
    %add3A_2831 = arith.addi %mul3A_2828, %add3A_2830 : vector<16xi32>
    %swap3A_2832 = arith.constant 32 : index
    %swap3A_2833 = tpu.vector_load %arg12[%swap3A_2832] {strides = array<i32>} : memref<128xi32, #tpu.memory_space<vmem>>, vector<16xi32>,
    tpu.vector_store %arg12[%swap3A_2832], %add3A_2831 {strides = array<i32>} : memref<128xi32, #tpu.memory_space<vmem>>, vector<16xi32>,
    %get3A_2834 = arith.constant 496 : index
    %get3A_2835 = tpu.vector_load %arg17[%get3A_2834] {strides = array<i32>} : memref<512xi32, #tpu.memory_space<vmem>>, vector<16xi32>,
    %mul3A_2836 = arith.constant 4 : i32
    %mul3A_2837 = vector.broadcast %mul3A_2836 : i32 to vector<16xi32>
    %mul3A_2838 = arith.muli %get3A_2835, %mul3A_2837 : vector<16xi32>
    %add3A_2839 = arith.constant 1 : i32
    %add3A_2840 = vector.broadcast %add3A_2839 : i32 to vector<16xi32>
    %add3A_2841 = arith.addi %mul3A_2838, %add3A_2840 : vector<16xi32>
    %swap3A_2842 = arith.constant 48 : index
    %swap3A_2843 = tpu.vector_load %arg12[%swap3A_2842] {strides = array<i32>} : memref<128xi32, #tpu.memory_space<vmem>>, vector<16xi32>,
    tpu.vector_store %arg12[%swap3A_2842], %add3A_2841 {strides = array<i32>} : memref<128xi32, #tpu.memory_space<vmem>>, vector<16xi32>,
    %get3A_2844 = arith.constant 480 : index
    %get3A_2845 = tpu.vector_load %arg17[%get3A_2844] {strides = array<i32>} : memref<512xi32, #tpu.memory_space<vmem>>, vector<16xi32>,
    %mul3A_2846 = arith.constant 4 : i32
    %mul3A_2847 = vector.broadcast %mul3A_2846 : i32 to vector<16xi32>
    %mul3A_2848 = arith.muli %get3A_2845, %mul3A_2847 : vector<16xi32>
    %add3A_2849 = arith.constant 2 : i32
    %add3A_2850 = vector.broadcast %add3A_2849 : i32 to vector<16xi32>
    %add3A_2851 = arith.addi %mul3A_2848, %add3A_2850 : vector<16xi32>
    %swap3A_2852 = arith.constant 64 : index
    %swap3A_2853 = tpu.vector_load %arg12[%swap3A_2852] {strides = array<i32>} : memref<128xi32, #tpu.memory_space<vmem>>, vector<16xi32>,
    tpu.vector_store %arg12[%swap3A_2852], %add3A_2851 {strides = array<i32>} : memref<128xi32, #tpu.memory_space<vmem>>, vector<16xi32>,
    %get3A_2854 = arith.constant 496 : index
    %get3A_2855 = tpu.vector_load %arg17[%get3A_2854] {strides = array<i32>} : memref<512xi32, #tpu.memory_space<vmem>>, vector<16xi32>,
    %mul3A_2856 = arith.constant 4 : i32
    %mul3A_2857 = vector.broadcast %mul3A_2856 : i32 to vector<16xi32>
    %mul3A_2858 = arith.muli %get3A_2855, %mul3A_2857 : vector<16xi32>
    %add3A_2859 = arith.constant 2 : i32
    %add3A_2860 = vector.broadcast %add3A_2859 : i32 to vector<16xi32>
    %add3A_2861 = arith.addi %mul3A_2858, %add3A_2860 : vector<16xi32>
    %swap3A_2862 = arith.constant 80 : index
    %swap3A_2863 = tpu.vector_load %arg12[%swap3A_2862] {strides = array<i32>} : memref<128xi32, #tpu.memory_space<vmem>>, vector<16xi32>,
    tpu.vector_store %arg12[%swap3A_2862], %add3A_2861 {strides = array<i32>} : memref<128xi32, #tpu.memory_space<vmem>>, vector<16xi32>,
    %get3A_2864 = arith.constant 480 : index
    %get3A_2865 = tpu.vector_load %arg17[%get3A_2864] {strides = array<i32>} : memref<512xi32, #tpu.memory_space<vmem>>, vector<16xi32>,
    %mul3A_2866 = arith.constant 4 : i32
    %mul3A_2867 = vector.broadcast %mul3A_2866 : i32 to vector<16xi32>
    %mul3A_2868 = arith.muli %get3A_2865, %mul3A_2867 : vector<16xi32>
    %add3A_2869 = arith.constant 3 : i32
    %add3A_2870 = vector.broadcast %add3A_2869 : i32 to vector<16xi32>
    %add3A_2871 = arith.addi %mul3A_2868, %add3A_2870 : vector<16xi32>
    %swap3A_2872 = arith.constant 96 : index
    %swap3A_2873 = tpu.vector_load %arg12[%swap3A_2872] {strides = array<i32>} : memref<128xi32, #tpu.memory_space<vmem>>, vector<16xi32>,
    tpu.vector_store %arg12[%swap3A_2872], %add3A_2871 {strides = array<i32>} : memref<128xi32, #tpu.memory_space<vmem>>, vector<16xi32>,
    %get3A_2874 = arith.constant 496 : index
    %get3A_2875 = tpu.vector_load %arg17[%get3A_2874] {strides = array<i32>} : memref<512xi32, #tpu.memory_space<vmem>>, vector<16xi32>,
    %mul3A_2876 = arith.constant 4 : i32
    %mul3A_2877 = vector.broadcast %mul3A_2876 : i32 to vector<16xi32>
    %mul3A_2878 = arith.muli %get3A_2875, %mul3A_2877 : vector<16xi32>
    %add3A_2879 = arith.constant 3 : i32
    %add3A_2880 = vector.broadcast %add3A_2879 : i32 to vector<16xi32>
    %add3A_2881 = arith.addi %mul3A_2878, %add3A_2880 : vector<16xi32>
    %swap3A_2882 = arith.constant 112 : index
    %swap3A_2883 = tpu.vector_load %arg12[%swap3A_2882] {strides = array<i32>} : memref<128xi32, #tpu.memory_space<vmem>>, vector<16xi32>,
    tpu.vector_store %arg12[%swap3A_2882], %add3A_2881 {strides = array<i32>} : memref<128xi32, #tpu.memory_space<vmem>>, vector<16xi32>,
    %dma_start3A_2884 = arith.constant 0 : i32
    %dma_start3A_2885 = arith.constant 0 : i32
    %dma_start3A_2886 = tpu.memref_slice %arg6[%dma_start3A_2884, %dma_start3A_2885] : memref<4096x128xf32, #tpu.memory_space<vmem_shared>> -> memref<4096x128xf32, #tpu.memory_space<vmem_shared>>
    tpu.enqueue_indirect_dma source(%arg7 : memref<128x128xf32, #tpu.memory_space<vmem>>) target(%dma_start3A_2886 : memref<4096x128xf32, #tpu.memory_space<vmem_shared>>) offsets(%arg12 : memref<128xi32, #tpu.memory_space<vmem>>) semaphore(%arg24 : memref<!tpu.dma_semaphore, #tpu.memory_space<semaphore_mem>>) {add = true}
    %scan3A_2887 = arith.constant 0 : i32
    %scan3A_2888 = arith.constant 128 : i32
    %scan3A_2889 = arith.addi %scan3A_2887, %scan3A_2888 : i32
    %scan3A_2890 = arith.constant 1 : i32
    %scan3A_2891:8 = scf.for %scan3A_2927 = %scan3A_2887 to %scan3A_2889 step %scan3A_2890 iter_args(%scan3A_2928 = %scan3A_2762#0, %scan3A_2929 = %scan3A_2762#1, %scan3A_2930 = %scan3A_2762#2, %scan3A_2931 = %scan3A_2762#3, %scan3A_2932 = %scan3A_2762#4, %scan3A_2933 = %scan3A_2762#5, %scan3A_2934 = %scan3A_2762#6, %scan3A_2935 = %scan3A_2762#7) -> (vector<16xf32>, vector<16xf32>, vector<16xf32>, vector<16xf32>, vector<16xf32>, vector<16xf32>, vector<16xf32>, vector<16xf32>)  : i32 {
      %get3A_2936 = arith.index_cast %scan3A_2927 : i32 to index
      %get3A_2937 = arith.constant 0 : index
      %get3A_2938 = tpu.vector_load %arg7[%get3A_2936, %get3A_2937] {strides = array<i32>} : memref<128x128xf32, #tpu.memory_space<vmem>>, vector<16xf32>,
      %mul3A_2939 = arith.mulf %get3A_2938, %get3A_2938 : vector<16xf32>
      %add3A_2940 = arith.addf %scan3A_2928, %mul3A_2939 : vector<16xf32>
      %get3A_2941 = arith.index_cast %scan3A_2927 : i32 to index
      %get3A_2942 = arith.constant 16 : index
      %get3A_2943 = tpu.vector_load %arg7[%get3A_2941, %get3A_2942] {strides = array<i32>} : memref<128x128xf32, #tpu.memory_space<vmem>>, vector<16xf32>,
      %mul3A_2944 = arith.mulf %get3A_2943, %get3A_2943 : vector<16xf32>
      %add3A_2945 = arith.addf %scan3A_2929, %mul3A_2944 : vector<16xf32>
      %get3A_2946 = arith.index_cast %scan3A_2927 : i32 to index
      %get3A_2947 = arith.constant 32 : index
      %get3A_2948 = tpu.vector_load %arg7[%get3A_2946, %get3A_2947] {strides = array<i32>} : memref<128x128xf32, #tpu.memory_space<vmem>>, vector<16xf32>,
      %mul3A_2949 = arith.mulf %get3A_2948, %get3A_2948 : vector<16xf32>
      %add3A_2950 = arith.addf %scan3A_2930, %mul3A_2949 : vector<16xf32>
      %get3A_2951 = arith.index_cast %scan3A_2927 : i32 to index
      %get3A_2952 = arith.constant 48 : index
      %get3A_2953 = tpu.vector_load %arg7[%get3A_2951, %get3A_2952] {strides = array<i32>} : memref<128x128xf32, #tpu.memory_space<vmem>>, vector<16xf32>,
      %mul3A_2954 = arith.mulf %get3A_2953, %get3A_2953 : vector<16xf32>
      %add3A_2955 = arith.addf %scan3A_2931, %mul3A_2954 : vector<16xf32>
      %get3A_2956 = arith.index_cast %scan3A_2927 : i32 to index
      %get3A_2957 = arith.constant 64 : index
      %get3A_2958 = tpu.vector_load %arg7[%get3A_2956, %get3A_2957] {strides = array<i32>} : memref<128x128xf32, #tpu.memory_space<vmem>>, vector<16xf32>,
      %mul3A_2959 = arith.mulf %get3A_2958, %get3A_2958 : vector<16xf32>
      %add3A_2960 = arith.addf %scan3A_2932, %mul3A_2959 : vector<16xf32>
      %get3A_2961 = arith.index_cast %scan3A_2927 : i32 to index
      %get3A_2962 = arith.constant 80 : index
      %get3A_2963 = tpu.vector_load %arg7[%get3A_2961, %get3A_2962] {strides = array<i32>} : memref<128x128xf32, #tpu.memory_space<vmem>>, vector<16xf32>,
      %mul3A_2964 = arith.mulf %get3A_2963, %get3A_2963 : vector<16xf32>
      %add3A_2965 = arith.addf %scan3A_2933, %mul3A_2964 : vector<16xf32>
      %get3A_2966 = arith.index_cast %scan3A_2927 : i32 to index
      %get3A_2967 = arith.constant 96 : index
      %get3A_2968 = tpu.vector_load %arg7[%get3A_2966, %get3A_2967] {strides = array<i32>} : memref<128x128xf32, #tpu.memory_space<vmem>>, vector<16xf32>,
      %mul3A_2969 = arith.mulf %get3A_2968, %get3A_2968 : vector<16xf32>
      %add3A_2970 = arith.addf %scan3A_2934, %mul3A_2969 : vector<16xf32>
      %get3A_2971 = arith.index_cast %scan3A_2927 : i32 to index
      %get3A_2972 = arith.constant 112 : index
      %get3A_2973 = tpu.vector_load %arg7[%get3A_2971, %get3A_2972] {strides = array<i32>} : memref<128x128xf32, #tpu.memory_space<vmem>>, vector<16xf32>,
      %mul3A_2974 = arith.mulf %get3A_2973, %get3A_2973 : vector<16xf32>
      %add3A_2975 = arith.addf %scan3A_2935, %mul3A_2974 : vector<16xf32>
      scf.yield %add3A_2940, %add3A_2945, %add3A_2950, %add3A_2955, %add3A_2960, %add3A_2965, %add3A_2970, %add3A_2975 : vector<16xf32>, vector<16xf32>, vector<16xf32>, vector<16xf32>, vector<16xf32>, vector<16xf32>, vector<16xf32>, vector<16xf32>
    }
    %scan3A_2892 = arith.constant 128 : i32
    %dma_wait3A_2893 = arith.constant 0 : i32
    %dma_wait3A_2894 = arith.constant 0 : i32
    %dma_wait3A_2895 = tpu.memref_slice %arg6[%dma_wait3A_2893, %dma_wait3A_2894] : memref<4096x128xf32, #tpu.memory_space<vmem_shared>> -> memref<4096x128xf32, #tpu.memory_space<vmem_shared>>
    tpu.wait_indirect_dma semaphore(%arg25 : memref<!tpu.dma_semaphore, #tpu.memory_space<semaphore_mem>>) src(%arg8 : memref<128x128xf32, #tpu.memory_space<vmem>>) dst(%dma_wait3A_2895 : memref<4096x128xf32, #tpu.memory_space<vmem_shared>>)
    %dma_wait3A_2896 = arith.constant 0 : i32
    %dma_wait3A_2897 = arith.constant 0 : i32
    %dma_wait3A_2898 = tpu.memref_slice %arg6[%dma_wait3A_2896, %dma_wait3A_2897] : memref<4096x128xf32, #tpu.memory_space<vmem_shared>> -> memref<4096x128xf32, #tpu.memory_space<vmem_shared>>
    tpu.wait_indirect_dma semaphore(%arg26 : memref<!tpu.dma_semaphore, #tpu.memory_space<semaphore_mem>>) src(%arg9 : memref<128x128xf32, #tpu.memory_space<vmem>>) dst(%dma_wait3A_2898 : memref<4096x128xf32, #tpu.memory_space<vmem_shared>>)
    %dma_wait3A_2899 = arith.constant 0 : i32
    %dma_wait3A_2900 = arith.constant 0 : i32
    %dma_wait3A_2901 = tpu.memref_slice %arg6[%dma_wait3A_2899, %dma_wait3A_2900] : memref<4096x128xf32, #tpu.memory_space<vmem_shared>> -> memref<4096x128xf32, #tpu.memory_space<vmem_shared>>
    tpu.wait_indirect_dma semaphore(%arg27 : memref<!tpu.dma_semaphore, #tpu.memory_space<semaphore_mem>>) src(%arg10 : memref<128x128xf32, #tpu.memory_space<vmem>>) dst(%dma_wait3A_2901 : memref<4096x128xf32, #tpu.memory_space<vmem_shared>>)
    %dma_wait3A_2902 = arith.constant 0 : i32
    %dma_wait3A_2903 = arith.constant 0 : i32
    %dma_wait3A_2904 = tpu.memref_slice %arg6[%dma_wait3A_2902, %dma_wait3A_2903] : memref<4096x128xf32, #tpu.memory_space<vmem_shared>> -> memref<4096x128xf32, #tpu.memory_space<vmem_shared>>
    tpu.wait_indirect_dma semaphore(%arg28 : memref<!tpu.dma_semaphore, #tpu.memory_space<semaphore_mem>>) src(%arg11 : memref<128x128xf32, #tpu.memory_space<vmem>>) dst(%dma_wait3A_2904 : memref<4096x128xf32, #tpu.memory_space<vmem_shared>>)
    %dma_wait3A_2905 = arith.constant 0 : i32
    %dma_wait3A_2906 = arith.constant 0 : i32
    %dma_wait3A_2907 = tpu.memref_slice %arg6[%dma_wait3A_2905, %dma_wait3A_2906] : memref<4096x128xf32, #tpu.memory_space<vmem_shared>> -> memref<4096x128xf32, #tpu.memory_space<vmem_shared>>
    tpu.wait_indirect_dma semaphore(%arg24 : memref<!tpu.dma_semaphore, #tpu.memory_space<semaphore_mem>>) src(%arg7 : memref<128x128xf32, #tpu.memory_space<vmem>>) dst(%dma_wait3A_2907 : memref<4096x128xf32, #tpu.memory_space<vmem_shared>>)
    %add3A_2908 = arith.addf %scan3A_2891#0, %scan3A_2891#1 : vector<16xf32>
    %add3A_2909 = arith.addf %add3A_2908, %scan3A_2891#2 : vector<16xf32>
    %add3A_2910 = arith.addf %add3A_2909, %scan3A_2891#3 : vector<16xf32>
    %add3A_2911 = arith.addf %add3A_2910, %scan3A_2891#4 : vector<16xf32>
    %add3A_2912 = arith.addf %add3A_2911, %scan3A_2891#5 : vector<16xf32>
    %add3A_2913 = arith.addf %add3A_2912, %scan3A_2891#6 : vector<16xf32>
    %add3A_2914 = arith.addf %add3A_2913, %scan3A_2891#7 : vector<16xf32>
    %swap3A_2915 = arith.constant 0 : index
    %swap3A_2916 = tpu.vector_load %arg18[%swap3A_2915] {strides = array<i32>} : memref<16xf32, #tpu.memory_space<vmem>>, vector<16xf32>,
    tpu.vector_store %arg18[%swap3A_2915], %add3A_2914 {strides = array<i32>} : memref<16xf32, #tpu.memory_space<vmem>>, vector<16xf32>,
    %mul3A_2917 = arith.constant 16 : i32
    %mul3A_2918 = arith.muli %add3A, %mul3A_2917 : i32
    "tpu.region"() ({
      %run_scoped3A = tpu.sem_alloc : memref<!tpu.dma_semaphore, #tpu.memory_space<semaphore_mem>>
      %dma_start3A_2927 = tpu.memref_slice %arg5[%mul3A_2918] : memref<512xf32, #tpu.memory_space<hbm>> -> memref<16xf32, #tpu.memory_space<hbm>>
      %dma_start3A_2928 = tpu.memref_slice %arg5[%mul3A_2918] : memref<512xf32, #tpu.memory_space<hbm>> -> memref<16xf32, #tpu.memory_space<hbm>>
      tpu.enqueue_dma source(%arg18 : memref<16xf32, #tpu.memory_space<vmem>>) target(%dma_start3A_2928 : memref<16xf32, #tpu.memory_space<hbm>>) target_semaphore(%run_scoped3A : memref<!tpu.dma_semaphore, #tpu.memory_space<semaphore_mem>>)
      %dma_wait3A_2929 = tpu.memref_slice %arg5[%mul3A_2918] : memref<512xf32, #tpu.memory_space<hbm>> -> memref<16xf32, #tpu.memory_space<hbm>>
      %dma_wait3A_2930 = tpu.memref_slice %arg5[%mul3A_2918] : memref<512xf32, #tpu.memory_space<hbm>> -> memref<16xf32, #tpu.memory_space<hbm>>
      tpu.wait_dma2 semaphore(%run_scoped3A : memref<!tpu.dma_semaphore, #tpu.memory_space<semaphore_mem>>) src(%arg18 : memref<16xf32, #tpu.memory_space<vmem>>) dst(%dma_wait3A_2930 : memref<16xf32, #tpu.memory_space<hbm>>)
      tpu.yield
    }) : () -> ()
    %barrier3A_2919 = arith.constant 0 : index
    tpu.barrier barrier_id(%barrier3A_2919)
    %mul3A_2920 = arith.constant 256 : i32
    %mul3A_2921 = arith.muli %arg1, %mul3A_2920 : i32
    %mul3A_2922 = arith.constant 4096 : i32
    %mul3A_2923 = arith.muli %arg0, %mul3A_2922 : i32
    %mul3A_2924 = arith.constant 256 : i32
    %mul3A_2925 = arith.muli %arg1, %mul3A_2924 : i32
    %add3A_2926 = arith.addi %mul3A_2923, %mul3A_2925 : i32
    "tpu.region"() ({
      %run_scoped3A = tpu.sem_alloc : memref<!tpu.dma_semaphore, #tpu.memory_space<semaphore_mem>>
      %dma_start3A_2927 = arith.constant 0 : i32
      %dma_start3A_2928 = tpu.memref_slice %arg4[%add3A_2926, %dma_start3A_2927] : memref<8192x128xf32, #tpu.memory_space<hbm>> -> memref<256x128xf32, #tpu.memory_space<hbm>>
      %dma_start3A_2929 = arith.constant 0 : i32
      %dma_start3A_2930 = tpu.memref_slice %arg6[%mul3A_2921, %dma_start3A_2929] : memref<4096x128xf32, #tpu.memory_space<vmem_shared>> -> memref<256x128xf32, #tpu.memory_space<vmem_shared>>
      tpu.enqueue_dma source(%dma_start3A_2930 : memref<256x128xf32, #tpu.memory_space<vmem_shared>>) target(%dma_start3A_2928 : memref<256x128xf32, #tpu.memory_space<hbm>>) target_semaphore(%run_scoped3A : memref<!tpu.dma_semaphore, #tpu.memory_space<semaphore_mem>>)
      %dma_wait3A_2931 = arith.constant 0 : i32
      %dma_wait3A_2932 = tpu.memref_slice %arg4[%add3A_2926, %dma_wait3A_2931] : memref<8192x128xf32, #tpu.memory_space<hbm>> -> memref<256x128xf32, #tpu.memory_space<hbm>>
      %dma_wait3A_2933 = arith.constant 0 : i32
      %dma_wait3A_2934 = tpu.memref_slice %arg6[%mul3A_2921, %dma_wait3A_2933] : memref<4096x128xf32, #tpu.memory_space<vmem_shared>> -> memref<256x128xf32, #tpu.memory_space<vmem_shared>>
      tpu.wait_dma2 semaphore(%run_scoped3A : memref<!tpu.dma_semaphore, #tpu.memory_space<semaphore_mem>>) src(%dma_wait3A_2934 : memref<256x128xf32, #tpu.memory_space<vmem_shared>>) dst(%dma_wait3A_2932 : memref<256x128xf32, #tpu.memory_space<hbm>>)
      tpu.yield
    }) : () -> ()
    return
  }
}

module attributes {stable_mosaic.version = 14 : i64} {
  func.func @_hist_body(%arg0: memref<16x1x1024xi32, #tpu.memory_space<vmem>>, %arg1: memref<1024x1xf32, #tpu.memory_space<vmem>>) attributes {dimension_semantics = [], scalar_prefetch = 0 : i64, scratch_operands = 0 : i64, tpu.core_type = #tpu.core_type<tc>} {
    %iota3A = tpu.iota {dimensions = array<i32: 0>} : vector<1024x1xi32>
    %broadcast_in_dim3A = arith.constant 0.000000e+00 : f32
    %broadcast_in_dim3A_0 = vector.broadcast %broadcast_in_dim3A : f32 to vector<1024x1xf32>
    %scan3A = arith.constant 0 : i32
    %scan3A_1 = arith.constant 16 : i32
    %scan3A_2 = arith.addi %scan3A, %scan3A_1 : i32
    %scan3A_3 = arith.constant 1 : i32
    %scan3A_4 = scf.for %scan3A_8 = %scan3A to %scan3A_2 step %scan3A_3 iter_args(%scan3A_9 = %broadcast_in_dim3A_0) -> (vector<1024x1xf32>)  : i32 {
      %get3A = arith.index_cast %scan3A_8 : i32 to index
      %get3A_10 = arith.constant 0 : index
      %get3A_11 = arith.constant 0 : index
      %get3A_12 = vector.load %arg0[%get3A, %get3A_10, %get3A_11] : memref<16x1x1024xi32, #tpu.memory_space<vmem>>, vector<1x1x1024xi32>
      %squeeze3A = vector.shape_cast %get3A_12 : vector<1x1x1024xi32> to vector<1x1024xi32>
      %eq3A = vector.broadcast %iota3A : vector<1024x1xi32> to vector<1024x1024xi32>
      %eq3A_13 = vector.broadcast %squeeze3A : vector<1x1024xi32> to vector<1024x1024xi32>
      %eq3A_14 = arith.cmpi eq, %eq3A, %eq3A_13 : vector<1024x1024xi32>
      %convert_element_type3A = arith.extui %eq3A_14 : vector<1024x1024xi1> to vector<1024x1024xi32>
      %convert_element_type3A_15 = arith.sitofp %convert_element_type3A : vector<1024x1024xi32> to vector<1024x1024xf32>
      %reduce_sum3A = arith.constant dense<0.000000e+00> : vector<1024xf32>
      %reduce_sum3A_16 = vector.multi_reduction <add>, %convert_element_type3A_15, %reduce_sum3A [1] : vector<1024x1024xf32> to vector<1024xf32>
      %broadcast_in_dim3A_17 = vector.shape_cast %reduce_sum3A_16 : vector<1024xf32> to vector<1024x1xf32>
      %add3A = arith.addf %scan3A_9, %broadcast_in_dim3A_17 : vector<1024x1xf32>
      scf.yield %add3A : vector<1024x1xf32>
    }
    %scan3A_5 = arith.constant 16 : i32
    %swap3A = arith.constant 0 : index
    %swap3A_6 = arith.constant 0 : index
    %swap3A_7 = vector.load %arg1[%swap3A, %swap3A_6] : memref<1024x1xf32, #tpu.memory_space<vmem>>, vector<1024x1xf32>
    tpu.vector_store %arg1[%swap3A, %swap3A_6], %scan3A_4 {strides = array<i32>} : memref<1024x1xf32, #tpu.memory_space<vmem>>, vector<1024x1xf32>,
    return
  }
}

module attributes {stable_mosaic.version = 14 : i64} {
  func.func @_combine_body(%arg0: memref<8192x128xf32, #tpu.memory_space<vmem>>, %arg1: memref<1024x1xf32, #tpu.memory_space<vmem>>, %arg2: memref<4x128xf32, #tpu.memory_space<vmem>>, %arg3: memref<1x1xf32, #tpu.memory_space<vmem>>) attributes {dimension_semantics = [], scalar_prefetch = 0 : i64, scratch_operands = 0 : i64, tpu.core_type = #tpu.core_type<tc>} {
    %get3A = arith.constant 0 : index
    %get3A_0 = arith.constant 0 : index
    %get3A_1 = vector.load %arg0[%get3A, %get3A_0] : memref<8192x128xf32, #tpu.memory_space<vmem>>, vector<4096x128xf32>
    %get3A_2 = arith.constant 4096 : index
    %get3A_3 = arith.constant 0 : index
    %get3A_4 = vector.load %arg0[%get3A_2, %get3A_3] : memref<8192x128xf32, #tpu.memory_space<vmem>>, vector<4096x128xf32>
    %add3A = arith.addf %get3A_1, %get3A_4 : vector<4096x128xf32>
    %mul3A = arith.mulf %add3A, %add3A : vector<4096x128xf32>
    %reshape3A = vector.shape_cast %mul3A : vector<4096x128xf32> to vector<1024x512xf32>
    %reduce_sum3A = arith.constant dense<0.000000e+00> : vector<1024xf32>
    %reduce_sum3A_5 = vector.multi_reduction <add>, %reshape3A, %reduce_sum3A [1] : vector<1024x512xf32> to vector<1024xf32>
    %broadcast_in_dim3A = vector.shape_cast %reduce_sum3A_5 : vector<1024xf32> to vector<1024x1xf32>
    %get3A_6 = arith.constant 0 : index
    %get3A_7 = arith.constant 0 : index
    %get3A_8 = vector.load %arg1[%get3A_6, %get3A_7] : memref<1024x1xf32, #tpu.memory_space<vmem>>, vector<1024x1xf32>
    %get3A_9 = arith.constant 0 : index
    %get3A_10 = arith.constant 0 : index
    %get3A_11 = vector.load %arg2[%get3A_9, %get3A_10] : memref<4x128xf32, #tpu.memory_space<vmem>>, vector<4x128xf32>
    %reduce_sum3A_12 = vector.shape_cast %get3A_11 : vector<4x128xf32> to vector<1x4x128xf32>
    %reduce_sum3A_13 = arith.constant dense<0.000000e+00> : vector<1xf32>
    %reduce_sum3A_14 = vector.multi_reduction <add>, %reduce_sum3A_12, %reduce_sum3A_13 [1, 2] : vector<1x4x128xf32> to vector<1xf32>
    %reduce_sum3A_15 = vector.shape_cast %reduce_sum3A_14 : vector<1xf32> to vector<1x1x1xf32>
    %reduce_sum3A_16 = vector.extract %reduce_sum3A_15[0, 0, 0] : f32 from vector<1x1x1xf32>
    %max3A = arith.constant 1.000000e+00 : f32
    %max3A_17 = vector.broadcast %max3A : f32 to vector<1024x1xf32>
    %max3A_18 = arith.maximumf %get3A_8, %max3A_17 : vector<1024x1xf32>
    %div3A = arith.divf %broadcast_in_dim3A, %max3A_18 : vector<1024x1xf32>
    %reduce_sum3A_19 = vector.shape_cast %div3A : vector<1024x1xf32> to vector<1x1024x1xf32>
    %reduce_sum3A_20 = arith.constant dense<0.000000e+00> : vector<1xf32>
    %reduce_sum3A_21 = vector.multi_reduction <add>, %reduce_sum3A_19, %reduce_sum3A_20 [1, 2] : vector<1x1024x1xf32> to vector<1xf32>
    %reduce_sum3A_22 = vector.shape_cast %reduce_sum3A_21 : vector<1xf32> to vector<1x1x1xf32>
    %reduce_sum3A_23 = vector.extract %reduce_sum3A_22[0, 0, 0] : f32 from vector<1x1x1xf32>
    %sub3A = arith.subf %reduce_sum3A_16, %reduce_sum3A_23 : f32
    %div3A_24 = arith.constant 1.638400e+04 : f32
    %div3A_25 = arith.divf %sub3A, %div3A_24 : f32
    %reshape3A_26 = vector.broadcast %div3A_25 : f32 to vector<1x1xf32>
    %swap3A = arith.constant 0 : index
    %swap3A_27 = arith.constant 0 : index
    %swap3A_28 = vector.load %arg3[%swap3A, %swap3A_27] : memref<1x1xf32, #tpu.memory_space<vmem>>, vector<1x1xf32>
    tpu.vector_store %arg3[%swap3A, %swap3A_27], %reshape3A_26 {strides = array<i32>} : memref<1x1xf32, #tpu.memory_space<vmem>>, vector<1x1xf32>,
    return
  }
}

</mosaic_0001>

<sc_bundles>
// kernel: kernel.5.cloned.1.call-start
scs
__scs_entry_jumppad:
0x0: {  	(pc) =	sbr.rel $0x88, $3  }
0x1: {  	(tag) =	ssettag $0x0;
	lr =	simm.s32 $0x1  }
0x2: {  	[smem:$0x3F9F] =	sst lr;
	_ =	strace $0xD0000000  }
0x3: {  	_ = 	snop  }
0x4: {  	_ = 	snop  }
0x5: {  	_ = 	snop  }
0x6: {  	_ = 	snop  }
0x7: {  	_ = 	snop  }
__scs_overlays_trampoline_lowered:
0x8: {  	[smem:$0x3FAE] =	sst s0  }
0x9: {  	[smem:$0x3FAF] =	sst s1  }
0xa: {  	[smem:$0x3FB0] =	sst s2  }
0xb: {  	[smem:$0x3FB1] =	sst s3  }
0xc: {  	[smem:$0x3FB2] =	sst s4  }
0xd: {  	[smem:$0x3FB3] =	sst s5  }
0xe: {  	[smem:$0x3FB4] =	sst s6  }
0xf: {  	[smem:$0x3FB5] =	sst s7  }
0x10: {  	[smem:$0x3FB6] =	sst s8  }
0x11: {  	[smem:$0x3FB7] =	sst s9;
	s0 =	simm.s32 @!p0 $0x0  }
0x12: {  	s1 =	sld [smem:$0x3F9D];
	s0 =	simm.s32 @p0 $0x1  }
0x13: {  	[smem:$0x3FB8] =	sst s0;
	s0 =	simm.s32 @!p1 $0x0  }
0x14: {  	s2 =	sld [smem:$0x3F9C];
	s0 =	simm.s32 @p1 $0x1  }
0x15: {  	[smem:$0x3FB9] =	sst s0;
	s0 =	simm.s32 @!p2 $0x0  }
0x16: {  	s3 =	sld [smem:$0x3FDB];
	s0 =	simm.s32 @p2 $0x1  }
0x17: {  	s4 =	simm.s32 $0x1BF5;
	[smem:$0x3FBB] =	sst s0  }
0x18: {  	s0 =	sld [smem:$0x3F9E];
	_ =	swait.ge [sflag:s4], $0x0  }
0x19: {  	s7 =	sld [smem:$0x3F9F]  }
0x1a: {  	s8 =	sadd.s32 $0xFFFFE003, lr  }
0x1b: {  	s9 =	sadd.s32 $0xFFFFFEF7, lr;
	s5 =	simm.s32 $0xFFFFFFFF;
	p2 =	slt.u32 s8, $0xFFFFF086  }
0x1c: {  	p1 =	slt.u32 s9, $0xF7A;
	s5 =	simm.s32 @!p2 $0x0  }
0x1d: {  	s5 =	simm.s32 @p1 $0x1;
	p0 =	seq.s32 s7, s2  }
0x1e: {  	s7 =	smul.u32 @!p0 $0xF7A, s2;
	p2 =	seq.s32 @!p0 s5, $0x0  }
0x1f: {  	s9 =	smul.u32 $0xF7A, s1;
	s8 =	simm.s32 @!p0 $0x1BF5;
	p2 =	por !p2, p0  }
0x20: {  	[sflag:s8] =	ssyncset.s32 @!p0 $0xFFFFF086;
	s6 =	sadd.s32 @!p0 s3, s7;
	s7 =	simm.s32 @!p0 $0x108  }
0x21: {  	s3 =	sadd.s32 s3, s9;
	s6 =	sadd.s32 @!p0 $0x88, s6;
	s7 =	simm.s32 @p2 $0x1082  }
0x22: {  	[simem:s7], [sflag:s8] =	dma.local @!p0 [hbm:s6], $0xF7A  }
0x23: {  	s9 =	sor.u32 $0xD0000000, s2;
	s6 =	simm.s32 $0x108;
	_ =	swait.ge @!p0 [sflag:s8], $0x0  }
0x24: {  	s3 =	sadd.s32 $0x88, s3;
	s6 =	simm.s32 @!p1 $0x1082;
	[sflag:s4] =	ssyncset.s32 $0xFFFFF086  }
0x25: {  	[simem:s6], [sflag:s4] =	dma.local [hbm:s3], $0xF7A  }
0x26: {  	[smem:$0x3F9F] =	sst s1;
	(tag) =	ssettag s2;
	_ =	strace s9  }
0x27: {  	s1 =	sld [smem:$0x3FAF]  }
0x28: {  	s2 =	sld [smem:$0x3FB0]  }
0x29: {  	s4 =	sld [smem:$0x3FB2]  }
0x2a: {  	p0 =	seq.s32 s5, $0x0;
	s5 =	sld [smem:$0x3FB3]  }
0x2b: {  	s6 =	sld [smem:$0x3FB4]  }
0x2c: {  	s7 =	sld [smem:$0x3FB5]  }
0x2d: {  	s3 =	simm.s32 $0x108;
	s8 =	sld [smem:$0x3FB6]  }
0x2e: {  	s3 =	simm.s32 @!p0 $0x1082;
	s9 =	sld [smem:$0x3FB7]  }
0x2f: {  	lr =	sadd.s32 s0, s3;
	s0 =	sld [smem:$0x3FAE]  }
0x30: {  	s3 =	sld [smem:$0x3FB1]  }
0x31: {  	[smem:$0x3FBA] =	sst s10  }
0x32: {  	s10 =	sld [smem:$0x3FB8];
	_ =	sdelay $0x3  }
0x33: {  	p0 =	seq.s32 s10, $0x1;
	s10 =	sld [smem:$0x3FBA];
	_ =	sdelay $0x3  }
0x34: {  	[smem:$0x3FBA] =	sst s10  }
0x35: {  	s10 =	sld [smem:$0x3FB9];
	_ =	sdelay $0x3  }
0x36: {  	p1 =	seq.s32 s10, $0x1;
	s10 =	sld [smem:$0x3FBA];
	_ =	sdelay $0x3  }
0x37: {  	[smem:$0x3FBA] =	sst s10  }
0x38: {  	s10 =	sld [smem:$0x3FBB]  }
0x39: {  	_ = 	snop;
	(pc) =	sbr.ind lr, $3  }
0x3a: {  	_ = 	snop  }
0x3b: {  	_ = 	snop  }
0x3c: {  	p2 =	seq.s32 s10, $0x1;
	s10 =	sld [smem:$0x3FBA]  }
0x3d: {  	_ =	shalt  }
0x3e: {  	_ =	shalt  }
0x3f: {  	_ =	shalt  }
0x40: {  	_ =	shalt  }
0x41: {  	_ =	shalt  }
0x42: {  	_ =	shalt  }
0x43: {  	_ =	shalt  }
0x44: {  	_ =	shalt  }
0x45: {  	_ =	shalt  }
0x46: {  	_ =	shalt  }
0x47: {  	_ =	shalt  }
0x48: {  	_ =	shalt  }
0x49: {  	_ =	shalt  }
0x4a: {  	_ =	shalt  }
0x4b: {  	_ =	shalt  }
0x4c: {  	_ =	shalt  }
0x4d: {  	_ =	shalt  }
0x4e: {  	_ =	shalt  }
0x4f: {  	_ =	shalt  }
0x50: {  	_ =	shalt  }
0x51: {  	_ =	shalt  }
0x52: {  	_ =	shalt  }
0x53: {  	_ =	shalt  }
0x54: {  	_ =	shalt  }
0x55: {  	_ =	shalt  }
0x56: {  	_ =	shalt  }
0x57: {  	_ =	shalt  }
0x58: {  	_ =	shalt  }
0x59: {  	_ =	shalt  }
0x5a: {  	_ =	shalt  }
0x5b: {  	_ =	shalt  }
0x5c: {  	_ =	shalt  }
0x5d: {  	_ =	shalt  }
0x5e: {  	_ =	shalt  }
0x5f: {  	_ =	shalt  }
0x60: {  	_ =	shalt  }
0x61: {  	_ =	shalt  }
0x62: {  	_ =	shalt  }
0x63: {  	_ =	shalt  }
0x64: {  	_ =	shalt  }
0x65: {  	_ =	shalt  }
0x66: {  	_ =	shalt  }
0x67: {  	_ =	shalt  }
0x68: {  	_ =	shalt  }
0x69: {  	_ =	shalt  }
0x6a: {  	_ =	shalt  }
0x6b: {  	_ =	shalt  }
0x6c: {  	_ =	shalt  }
0x6d: {  	_ =	shalt  }
0x6e: {  	_ =	shalt  }
0x6f: {  	_ =	shalt  }
0x70: {  	_ =	shalt  }
0x71: {  	_ =	shalt  }
0x72: {  	_ =	shalt  }
0x73: {  	_ =	shalt  }
0x74: {  	_ =	shalt  }
0x75: {  	_ =	shalt  }
0x76: {  	_ =	shalt  }
0x77: {  	_ =	shalt  }
0x78: {  	_ =	shalt  }
0x79: {  	_ =	shalt  }
0x7a: {  	_ =	shalt  }
0x7b: {  	_ =	shalt  }
0x7c: {  	_ =	shalt  }
0x7d: {  	_ =	shalt  }
0x7e: {  	_ =	shalt  }
0x7f: {  	_ =	shalt  }
0x80: {  	_ =	shalt  }
0x81: {  	_ =	shalt  }
0x82: {  	_ =	shalt  }
0x83: {  	_ =	shalt  }
0x84: {  	_ =	shalt  }
0x85: {  	_ =	shalt  }
0x86: {  	_ =	shalt  }
0x87: {  	_ =	shalt  }
.Lfunc_end0:
.L_simem_size_0:
called_computation_lowered:
.L_overlay_start_0:
0x88: {  	s2 =	sld [smem:$0x3FD9]  }
0x89: {  	s3 =	sld [smem:$0x3FFE];
	_ =	sdelay $0x1  }
0x8a: {  	s1 =	srdreg.scid  }
0x8b: {  	s0 =	sand.u32 $0x1, s1  }
0x8c: {  	s17 =	sshll.u32 s0, $0xA;
	s2 =	sadd.s32 s3, s2  }
0x8d: {  	s2 =	sadd.s32 s2, s17  }
0x8e: {  	[smem:$0x3FC6] =	sst s2  }
0x8f: {  	_ = 	snop  }
0x90: {  	s2 =	sld [smem:$0x3FC9]  }
0x91: {  	s18 =	sld [smem:$0x3FC8];
	(tm) =	ssettm $0x1  }
0x92: {  	s4 =	sld [smem:$0x3FFB];
	_ =	sdelay $0x3  }
0x93: {  	_ =	strace s4  }
0x94: {  	s4 =	sld [smem:$0x3FFC];
	_ =	sdelay $0x3  }
0x95: {  	_ =	strace s4  }
0x96: {  	s4 =	sld [smem:$0x3FFD];
	_ =	sdelay $0x3  }
0x97: {  	_ =	strace s4  }
0x98: {  	_ =	strace $0x8FFFFFFF  }
0x99: {  	s19 =	sld [smem:$0x3FDB];
	_ =	sdelay $0x1  }
0x9a: {  	s5 =	simm.s32 $_scs_section_size  }
0x9b: {  	s6 =	simm.s32 $_size__tile_overlayer_lowered;
	s7 =	simm.s32 $_tile_overlayer_lowered  }
0x9c: {  	s22 =	simm.s32 $0x1BFF;
	s21 =	sshll.u32 s7, $0x1;
	s4 =	sadd.s32 s5, s19  }
0x9d: {  	s8 =	simm.s32 $0x0;
	s20 =	sshll.u32 s6, $0x1;
	s6 =	sadd.s32 s21, s4  }
0x9e: {  	[timem:s8], [sflag:s22] =	dma.local [hbm:s6], s20  }
0x9f: {  	_ =	swait.ge [sflag:s22], s20  }
0xa0: {  	s5 =	ssub.s32 $0x0, s20;
	[sflag:s22] =	ssyncset.done $0x0  }
0xa1: {  	[sflag:s22] =	ssyncadd.s32 s5;
	_ =	sdelay $0x1  }
0xa2: {  	s23 =	simm.s32 $0x1B8B  }
0xa3: {  	_ =	swait.ge [sflag:s23], $0x1  }
0xa4: {  	[sflag:s23] =	ssyncset.done $0x0  }
0xa5: {  	s25 =	simm.s32 $0x1B8E;
	s24 =	sld [smem:$0x3FFE];
	[sflag:s23] =	ssyncadd.s32 $0xFFFFFFFF  }
0xa6: {  	s26 =	simm.s32 $execute0_lowered;
	[smem:$0x3FD2] =	sst s25  }
0xa7: {  	s6 =	sshll.u32 s26, $0x1;
	_ =	strace $0x80000046;
	[dreg:$0x1] =	wrdreg $0xFFFFFFFF  }
0xa8: {  	s28 =	simm.s32 $_size_execute0_lowered;
	s4 =	sadd.s32 s4, s6;
	[dreg:$0x0] =	wrdreg $0x0  }
0xa9: {  	s6 =	sshll.u32 s28, $0x1;
	[dreg:$0x2] =	wrdreg s4  }
0xaa: {  	[dreg:$0x3] =	wrdreg s6  }
0xab: {  	[dreg:$0x4] =	wrdreg $0xC0  }
0xac: {  	_ =	task [dreg:s8], $0x5FFFF  }
0xad: {  	[dreg:$0x1] =	wrdreg $0xFFFFFFFF  }
0xae: {  	[dreg:$0x0] =	wrdreg $0x60  }
0xaf: {  	[dreg:$0x2] =	wrdreg s2  }
0xb0: {  	[dreg:$0x3] =	wrdreg s18  }
0xb1: {  	[dreg:$0x4] =	wrdreg s24  }
0xb2: {  	[dreg:$0x5] =	wrdreg $0x0  }
0xb3: {  	[dreg:$0x6] =	wrdreg $0x9  }
0xb4: {  	_ =	task.clear_ibuf [dreg:s8], $0x7FFFF;
	_ =	strace $0x90000046  }
0xb5: {  	s29 =	simm.s32 $0x9;
	_ =	strace $0x80000048  }
0xb6: {  	_ =	swait.ge [sflag:s29], $0x1  }
0xb7: {  	[sflag:s29] =	ssyncadd.s32 $0xFFFFFFFF  }
0xb8: {  	_ =	strace $0x90000048  }
0xb9: {  	_ =	sfence  }
0xba: {  	s30 =	sld [smem:$0x0];
	_ =	sdelay $0x2  }
0xbb: {  	s31 =	sshll.u32 s1, $0xD;
	s1 =	sshrl.u32 s1, $0x2  }
0xbc: {  	s3 =	sand.u32 $0x4000, s31;
	s1 =	sadd.s32 s1, s30  }
0xbd: {  	s0 =	sor.u32 s3, s0;
	s1 =	sshll.u32 s1, $0x11  }
0xbe: {  	s0 =	sor.u32 s1, s0  }
0xbf: {  	s0 =	sadd.s32 $0x8F2B, s0  }
0xc0: {  	[sflag:s0] =	ssyncadd.remote.s32 $0x1  }
0xc1: {  	_ =	sfence.sel $0xFFFF  }
0xc2: {  	[dreg:$0x0] =	wrdreg $0xFFFFFFFF;
	(pc) =	sbr.abs _section_cstart, $3  }
0xc3: {  	[dreg:$0x1] =	wrdreg $0xFFFFFFFF  }
0xc4: {  	_ =	task.clear_ibuf [dreg:s8], $0x2FFFF;
	_ =	strace $0x9FFFFFFF  }
0xc5: {  	(tm) =	ssettm $0x7FFFFFFF  }
tec
execute0_lowered:
.L_overlay_start_1:
0x0: {  	(tag) =	ssettag $0x1  }
0x1: {  	s0 =	rddreg [dreg:$0x0]  }
0x2: {  	s2 =	rddreg [dreg:$0x1]  }
0x3: {  	s3 =	rddreg [dreg:$0x2]  }
0x4: {  	s1 =	rddreg [dreg:$0x3];
	s4 =	srdreg.scid;
	s6 =	simm.s32 $0x0  }
0x5: {  	s9 =	stileid.u32;
	s5 =	sand.u32 $0x1, s4;
	[smem:$0x7FF] =	sst s6  }
0x6: {  	s24 =	sshll.u32 s9, $0xC;
	s4 =	sshll.u32 s5, $0x4;
	_ =	strace $0x80000047  }
0x7: {  	s8 =	sadd.s32 s24, s3;
	s25 =	ssub.s32 $0x2, s5;
	s7 =	sor.u32 s9, s4  }
0x8: {  	s26 =	sshrl.u32 s25, $0x1;
	s9 =	sshll.u32 s9, $0xF;
	s4 =	sshll.u32 s7, $0x1  }
0x9: {  	s10 =	ssub.s32 s25, s26;
	s28 =	sshll.u32 s7, $0xF;
	s7 =	sshll.u32 s7, $0x6  }
0xa: {  	s3 =	sadd.s32 s4, s3;
	s4 =	sadd.s32 s9, s1;
	s7 =	sadd.s32 s2, s7  }
0xb: {  	s6 =	sadd.s32 s0, s28;
	s28 =	smax.u32 s10, $0x1;
	[dreg:$0x6] =	wrdreg s7  }
0xc: {  	s9 =	sadd.s32 $0x4000, s4;
	[dreg:$0x18] =	wrdreg s28  }
0xd: {  	s11 =	sadd.s32 $0x100, s6;
	[dreg:$0x5] =	wrdreg s9  }
0xe: {  	s12 =	sadd.s32 $0x180, s6;
	[dreg:$0x8] =	wrdreg s11  }
0xf: {  	s13 =	sadd.s32 $0x800, s6;
	[dreg:$0x9] =	wrdreg s12  }
0x10: {  	s14 =	sadd.s32 $0x880, s6;
	[dreg:$0xa] =	wrdreg s13  }
0x11: {  	s15 =	sadd.s32 $0x900, s6;
	[dreg:$0xb] =	wrdreg s14  }
0x12: {  	s16 =	sadd.s32 $0x980, s6;
	[dreg:$0xc] =	wrdreg s15  }
0x13: {  	s17 =	sadd.s32 $0x1000, s6;
	[dreg:$0xd] =	wrdreg s16  }
0x14: {  	s18 =	sadd.s32 $0x1080, s6;
	[dreg:$0xe] =	wrdreg s17  }
0x15: {  	s19 =	sadd.s32 $0x1100, s6;
	[dreg:$0xf] =	wrdreg s18  }
0x16: {  	s20 =	sadd.s32 $0x1180, s6;
	[dreg:$0x10] =	wrdreg s19  }
0x17: {  	s21 =	sadd.s32 $0x1800, s6;
	[dreg:$0x11] =	wrdreg s20  }
0x18: {  	s22 =	sadd.s32 $0x1880, s6;
	[dreg:$0x12] =	wrdreg s21  }
0x19: {  	s24 =	sadd.s32 $0x1900, s6;
	[dreg:$0x13] =	wrdreg s22  }
0x1a: {  	s23 =	sshll.u32 s5, $0x10;
	s25 =	sadd.s32 $0x1980, s6;
	[dreg:$0x14] =	wrdreg s24  }
0x1b: {  	s0 =	sadd.s32 s23, s8;
	s26 =	sadd.s32 $0x20E00, s3;
	[dreg:$0x15] =	wrdreg s25  }
0x1c: {  	s0 =	sadd.s32 $0xE00, s0;
	[dreg:$0x16] =	wrdreg s26  }
0x1d: {  	s2 =	sadd.s32 $0x2000, s6;
	[dreg:$0x17] =	wrdreg s0  }
0x1e: {  	s3 =	sadd.s32 $0x2080, s6;
	[dreg:$0x19] =	wrdreg s2  }
0x1f: {  	s5 =	sadd.s32 $0x2100, s6;
	[dreg:$0x1a] =	wrdreg s3  }
0x20: {  	s7 =	sadd.s32 $0x2180, s6;
	[dreg:$0x1b] =	wrdreg s5  }
0x21: {  	s8 =	sadd.s32 $0x2800, s6;
	[dreg:$0x1c] =	wrdreg s7  }
0x22: {  	s10 =	sadd.s32 $0x2900, s6;
	[dreg:$0x1d] =	wrdreg s8  }
0x23: {  	s23 =	sadd.s32 $0x4180, s6;
	[dreg:$0x1f] =	wrdreg s10  }
0x24: {  	s28 =	sadd.s32 $0x4980, s6;
	[smem:$0x7E1] =	sst s23  }
0x25: {  	s9 =	sadd.s32 $0x80, s6;
	[smem:$0x7E5] =	sst s28  }
0x26: {  	s11 =	sadd.s32 $0x2980, s6;
	[dreg:$0x7] =	wrdreg s9  }
0x27: {  	s12 =	sadd.s32 $0x3000, s6;
	[smem:$0x7D5] =	sst s11  }
0x28: {  	s13 =	sadd.s32 $0x3080, s6;
	[smem:$0x7D6] =	sst s12  }
0x29: {  	s14 =	sadd.s32 $0x3100, s6;
	[smem:$0x7D7] =	sst s13  }
0x2a: {  	s15 =	sadd.s32 $0x3180, s6;
	[smem:$0x7D8] =	sst s14  }
0x2b: {  	s16 =	sadd.s32 $0x3800, s6;
	[smem:$0x7D9] =	sst s15  }
0x2c: {  	s17 =	sadd.s32 $0x3880, s6;
	[smem:$0x7DA] =	sst s16  }
0x2d: {  	s18 =	sadd.s32 $0x3900, s6;
	[smem:$0x7DB] =	sst s17  }
0x2e: {  	s19 =	sadd.s32 $0x3980, s6;
	[smem:$0x7DC] =	sst s18  }
0x2f: {  	s20 =	sadd.s32 $0x4000, s6;
	[smem:$0x7DD] =	sst s19  }
0x30: {  	s21 =	sadd.s32 $0x4080, s6;
	[smem:$0x7DE] =	sst s20  }
0x31: {  	s22 =	sadd.s32 $0x4100, s6;
	[smem:$0x7DF] =	sst s21  }
0x32: {  	s24 =	sadd.s32 $0x4800, s6;
	[smem:$0x7E0] =	sst s22  }
0x33: {  	s25 =	sadd.s32 $0x4880, s6;
	[smem:$0x7E2] =	sst s24  }
0x34: {  	s26 =	sadd.s32 $0x4900, s6;
	[smem:$0x7E3] =	sst s25  }
0x35: {  	s2 =	sadd.s32 $0x5000, s6;
	[smem:$0x7E4] =	sst s26  }
0x36: {  	s3 =	sadd.s32 $0x5080, s6;
	[smem:$0x7E6] =	sst s2  }
0x37: {  	s5 =	sadd.s32 $0x5100, s6;
	[smem:$0x7E7] =	sst s3  }
0x38: {  	s7 =	sadd.s32 $0x5180, s6;
	[smem:$0x7E8] =	sst s5  }
0x39: {  	s8 =	sadd.s32 $0x5800, s6;
	[smem:$0x7E9] =	sst s7  }
0x3a: {  	s10 =	sadd.s32 $0x5900, s6;
	[smem:$0x7EA] =	sst s8  }
0x3b: {  	s23 =	sadd.s32 $0x7180, s6;
	[smem:$0x7EC] =	sst s10  }
0x3c: {  	s28 =	sadd.s32 $0x7980, s6;
	[smem:$0x7F9] =	sst s23  }
0x3d: {  	s9 =	sadd.s32 $0x2880, s6;
	[smem:$0x7FD] =	sst s28  }
0x3e: {  	s11 =	sadd.s32 $0x5980, s6;
	[dreg:$0x1e] =	wrdreg s9  }
0x3f: {  	s12 =	sadd.s32 $0x6000, s6;
	[smem:$0x7ED] =	sst s11  }
0x40: {  	s13 =	sadd.s32 $0x6080, s6;
	[smem:$0x7EE] =	sst s12  }
0x41: {  	s14 =	sadd.s32 $0x6100, s6;
	[smem:$0x7EF] =	sst s13  }
0x42: {  	s15 =	sadd.s32 $0x6180, s6;
	[smem:$0x7F0] =	sst s14  }
0x43: {  	s30 =	simm.s32 $0x10000;
	s16 =	sadd.s32 $0x6800, s6;
	[smem:$0x7F1] =	sst s15  }
0x44: {  	s29 =	simm.s32 $0x6;
	s17 =	sadd.s32 $0x6880, s6;
	[smem:$0x7F2] =	sst s16  }
0x45: {  	s31 =	simm.s32 $0x4;
	s18 =	sadd.s32 $0x6900, s6;
	[smem:$0x7F3] =	sst s17  }
0x46: {  	s19 =	sadd.s32 $0x6980, s6;
	s20 =	sadd.s32 $0x7000, s6;
	[smem:$0x7F4] =	sst s18  }
0x47: {  	s21 =	sadd.s32 $0x7080, s6;
	s22 =	sadd.s32 $0x7100, s6;
	[smem:$0x7F5] =	sst s19  }
0x48: {  	s24 =	sadd.s32 $0x7800, s6;
	s25 =	sadd.s32 $0x7880, s6;
	[smem:$0x7F6] =	sst s20  }
0x49: {  	s26 =	sadd.s32 $0x7900, s6;
	s23 =	simm.s32 $0xA000;
	[smem:$0x7F7] =	sst s21  }
0x4a: {  	s2 =	simm.s32 $0x1;
	s5 =	simm.s32 $0x80;
	[smem:$0x7F8] =	sst s22  }
0x4b: {  	s7 =	simm.s32 $0x1C000;
	s8 =	simm.s32 $0x14000;
	[smem:$0x7FA] =	sst s24  }
0x4c: {  	s3 =	simm.s32 $0x7;
	s10 =	simm.s32 $0x1C200;
	[smem:$0x7FB] =	sst s25  }
0x4d: {  	s9 =	sadd.s32 $0x5880, s6;
	[smem:$0x7FC] =	sst s26;
	s18 =	simm.s32 $0x8000  }
0x4e: {  	s19 =	simm.s32 $0xB;
	s20 =	simm.s32 $0x400;
	s21 =	simm.s32 $0x1000  }
0x4f: {  	s22 =	simm.s32 $0x9000;
	s24 =	simm.s32 $0xB000;
	s25 =	simm.s32 $0xC000  }
0x50: {  	s12 =	simm.s32 $0x2;
	s14 =	simm.s32 $0x18000;
	s26 =	simm.s32 $0x3  }
0x51: {  	s11 =	simm.s32 $0x8;
	s13 =	simm.s32 $0x9;
	s15 =	simm.s32 $0xA  }
0x52: {  	v0 =	vimm.f32 $0.0e+00;
	s16 =	simm.s32 $0x0;
	[smem:$0x7EB] =	sst s9;
	s9 =	simm.s32 $0x5  }
.LBB2_1:
0x53: {  	s17 =	simm.s32 $0x0;
	s28 =	simm.s32 $0x200  }
.LBB2_2:
0x54: {  	p0 =	sne.s32 s28, $0xFE00;
	[tilespmem:s17+$0x8070] =	vst v0  }
0x55: {  	[tilespmem:s17+$0x8000] =	vst v0  }
0x56: {  	[tilespmem:s17+$0x8010] =	vst v0  }
.Ltmp0:
0x57: {  	[tilespmem:s17+$0x8020] =	vst v0;
	(pc) =	sbr.rel @p0 .LBB2_2-.Ltmp0, $4  }
0x58: {  	[tilespmem:s17+$0x8030] =	vst v0  }
0x59: {  	[tilespmem:s17+$0x8040] =	vst v0  }
0x5a: {  	[tilespmem:s17+$0x8050] =	vst v0  }
0x5b: {  	[tilespmem:s17+$0x8060] =	vst v0;
	s17 =	sshra.s32 s28, $0x2;
	s28 =	sadd.s32 $0x200, s28  }
0x5c: {  	[tilespmem:s17+$0x8070] =	vst v0  }
0x5d: {  	[tilespmem:s17+$0x8000] =	vst v0  }
0x5e: {  	[tilespmem:s17+$0x8010] =	vst v0  }
0x5f: {  	[tilespmem:s17+$0x8020] =	vst v0  }
0x60: {  	[tilespmem:s17+$0x8030] =	vst v0  }
0x61: {  	[tilespmem:s17+$0x8040] =	vst v0  }
0x62: {  	[tilespmem:s17+$0x8050] =	vst v0  }
0x63: {  	[tilespmem:s17+$0x8060] =	vst v0  }
0x64: {  	[spmem:s4] =	stream.linear.scatter [tilespmem:s18], [sflag:$0xB], $0x4000, $0x38;
	[tilespmem:$0x1C500] =	vst v63  }
0x65: {  	_ =	swait.ge [sflag:s19], $0x4000  }
0x66: {  	[sflag:s19] =	ssyncset.done $0x0  }
0x67: {  	s0 =	rddreg [dreg:$0x5];
	[sflag:s19] =	ssyncadd.s32 $0xFFFFC000  }
0x68: {  	[spmem:s0] =	stream.linear.scatter [tilespmem:s18], [sflag:$0xB], $0x4000, $0x38;
	[tilespmem:$0x1C500] =	vst v63  }
0x69: {  	_ =	swait.ge [sflag:s19], $0x4000  }
0x6a: {  	s17 =	simm.s32 $0x0;
	[sflag:s19] =	ssyncset.done $0x0  }
0x6b: {  	s28 =	simm.s32 $0x1C280;
	s0 =	rddreg [dreg:$0x6];
	[sflag:s19] =	ssyncadd.s32 $0xFFFFC000  }
0x6c: {  	[tilespmem:s28], [sflag:$0xB] =	stream.linear.gather [hbm4b:s0+s17], $0x200, $0x38;
	[tilespmem:$0x1C500] =	vst v63  }
0x6d: {  	_ =	swait.ge [sflag:s19], $0x200  }
0x6e: {  	[sflag:s19] =	ssyncset.done $0x0  }
0x6f: {  	[sflag:s19] =	ssyncadd.s32 $0xFFFFFE00  }
0x70: {  	[tilespmem:s18], [sflag:$0x1] =	stream.strided.gather [hbm4b:s6+s20], $0x1000, s21, s20, $0x38;
	[tilespmem:$0x1C500] =	vst v63  }
0x71: {  	s17 =	rddreg [dreg:$0x7]  }
0x72: {  	[tilespmem:s22], [sflag:$0x1] =	stream.strided.gather [hbm4b:s17+s20], $0x1000, s21, s20, $0x38;
	[tilespmem:$0x1C500] =	vst v63  }
0x73: {  	s17 =	rddreg [dreg:$0x8]  }
0x74: {  	[tilespmem:s23], [sflag:$0x1] =	stream.strided.gather [hbm4b:s17+s20], $0x1000, s21, s20, $0x38;
	[tilespmem:$0x1C500] =	vst v63  }
0x75: {  	s17 =	rddreg [dreg:$0x9]  }
0x76: {  	[tilespmem:s24], [sflag:$0x1] =	stream.strided.gather [hbm4b:s17+s20], $0x1000, s21, s20, $0x38;
	[tilespmem:$0x1C500] =	vst v63  }
0x77: {  	s17 =	rddreg [dreg:$0xa]  }
0x78: {  	[tilespmem:s25], [sflag:$0x2] =	stream.strided.gather [hbm4b:s17+s20], $0x1000, s21, s20, $0x38;
	[tilespmem:$0x1C500] =	vst v63  }
0x79: {  	s0 =	rddreg [dreg:$0xb];
	s17 =	simm.s32 $0xD000  }
0x7a: {  	[tilespmem:s17], [sflag:$0x2] =	stream.strided.gather [hbm4b:s0+s20], $0x1000, s21, s20, $0x38;
	[tilespmem:$0x1C500] =	vst v63  }
0x7b: {  	s0 =	rddreg [dreg:$0xc];
	s17 =	simm.s32 $0xE000  }
0x7c: {  	[tilespmem:s17], [sflag:$0x2] =	stream.strided.gather [hbm4b:s0+s20], $0x1000, s21, s20, $0x38;
	[tilespmem:$0x1C500] =	vst v63  }
0x7d: {  	s0 =	rddreg [dreg:$0xd];
	s17 =	simm.s32 $0xF000  }
0x7e: {  	[tilespmem:s17], [sflag:$0x2] =	stream.strided.gather [hbm4b:s0+s20], $0x1000, s21, s20, $0x38;
	[tilespmem:$0x1C500] =	vst v63  }
0x7f: {  	s17 =	rddreg [dreg:$0xe]  }
0x80: {  	[tilespmem:s30], [sflag:$0x3] =	stream.strided.gather [hbm4b:s17+s20], $0x1000, s21, s20, $0x38;
	[tilespmem:$0x1C500] =	vst v63  }
0x81: {  	s0 =	rddreg [dreg:$0xf];
	s17 =	simm.s32 $0x11000  }
0x82: {  	[tilespmem:s17], [sflag:$0x3] =	stream.strided.gather [hbm4b:s0+s20], $0x1000, s21, s20, $0x38;
	[tilespmem:$0x1C500] =	vst v63  }
0x83: {  	s0 =	rddreg [dreg:$0x10];
	s17 =	simm.s32 $0x12000  }
0x84: {  	[tilespmem:s17], [sflag:$0x3] =	stream.strided.gather [hbm4b:s0+s20], $0x1000, s21, s20, $0x38;
	[tilespmem:$0x1C500] =	vst v63  }
0x85: {  	s0 =	rddreg [dreg:$0x11];
	s17 =	simm.s32 $0x13000  }
0x86: {  	[tilespmem:s17], [sflag:$0x3] =	stream.strided.gather [hbm4b:s0+s20], $0x1000, s21, s20, $0x38;
	[tilespmem:$0x1C500] =	vst v63  }
0x87: {  	[bflag:$0x0] =	sbarrier.arrive $0xFFFF  }
0x88: {  	_ =	swait.ge [sflag:s2], $0x1000  }
0x89: {  	[sflag:s2] =	ssyncset.done $0x0  }
0x8a: {  	[sflag:s2] =	ssyncadd.s32 $0xFFFFF000  }
0x8b: {  	_ =	swait.ge [sflag:s2], $0x1000  }
0x8c: {  	[sflag:s2] =	ssyncset.done $0x0  }
0x8d: {  	[sflag:s2] =	ssyncadd.s32 $0xFFFFF000  }
0x8e: {  	_ =	swait.ge [sflag:s2], $0x1000  }
0x8f: {  	[sflag:s2] =	ssyncset.done $0x0  }
0x90: {  	[sflag:s2] =	ssyncadd.s32 $0xFFFFF000  }
0x91: {  	_ =	swait.ge [sflag:s2], $0x1000  }
0x92: {  	[sflag:s2] =	ssyncset.done $0x0  }
0x93: {  	[sflag:s2] =	ssyncadd.s32 $0xFFFFF000  }
0x94: {  	v1 =	vld [tilespmem:$0x1C280]  }
0x95: {  	v2 =	vld [tilespmem:$0x1C290]  }
0x96: {  	v3 =	vld [tilespmem:$0x1C280]  }
0x97: {  	v4 =	vld [tilespmem:$0x1C290]  }
0x98: {  	v5 =	vld [tilespmem:$0x1C280]  }
0x99: {  	v6 =	vld [tilespmem:$0x1C290]  }
0x9a: {  	v7 =	vld [tilespmem:$0x1C280];
	v1 =	vshll.u32 v1, $0x2  }
0x9b: {  	[tilespmem:$0x1C000] =	vst v1;
	v1 =	vshll.u32 v2, $0x2;
	v2 =	vshll.u32 v3, $0x2;
	v3 =	vld [tilespmem:$0x1C290]  }
0x9c: {  	[tilespmem:$0x1C010] =	vst v1;
	v1 =	vor.u32 $0x1, v2;
	v2 =	vshll.u32 v4, $0x2  }
0x9d: {  	[tilespmem:$0x1C020] =	vst v1;
	v1 =	vor.u32 $0x1, v2;
	v2 =	vshll.u32 v5, $0x2  }
0x9e: {  	[tilespmem:$0x1C030] =	vst v1;
	v1 =	vor.u32 $0x2, v2;
	v2 =	vshll.u32 v6, $0x2  }
0x9f: {  	[tilespmem:$0x1C040] =	vst v1;
	v1 =	vor.u32 $0x2, v2;
	v2 =	vshll.u32 v7, $0x2  }
0xa0: {  	[tilespmem:$0x1C050] =	vst v1;
	v1 =	vor.u32 $0x3, v2;
	v2 =	vshll.u32 v3, $0x2  }
0xa1: {  	[tilespmem:$0x1C060] =	vst v1;
	v1 =	vor.u32 $0x3, v2  }
0xa2: {  	s28 =	simm.s32 $0x0;
	[tilespmem:$0x1C070] =	vst v1  }
0xa3: {  	[spmem:s1] =	stream.indirect.scatter.add.f32 [tilespmem:s18], [sflag:$0x6], $0x80, s7, s5, $0xb8;
	[tilespmem:$0x1C500] =	vst v63  }
0xa4: {  	v1 =	vld [tilespmem:s28+$0x8070]  }
0xa5: {  	v2 =	vld [tilespmem:s28+$0x8000]  }
0xa6: {  	v3 =	vld [tilespmem:s28+$0x8010];
	_ =	sdelay $0x1  }
0xa7: {  	v12 =	vld [tilespmem:s28+$0x8020]  }
0xa8: {  	v8 =	vimm.f32 $0.0e+00;
	v4 =	vimm.f32 $0.0e+00;
	v10 =	vld [tilespmem:s28+$0x8030]  }
0xa9: {  	v5 =	vimm.f32 $0.0e+00;
	v6 =	vimm.f32 $0.0e+00;
	v9 =	vld [tilespmem:s28+$0x8040];
	v1 =	vmul.f32 v1, v1  }
0xaa: {  	v7 =	vimm.f32 $0.0e+00;
	v11 =	vld [tilespmem:s28+$0x8050];
	v15 =	vmul.f32 v2, v2;
	v14 =	vmul.f32 v3, v3  }
0xab: {  	s17 =	simm.s32 $0x80;
	v13 =	vld [tilespmem:s28+$0x8060];
	s28 =	simm.s32 $0x400;
	v2 =	vimm.f32 $0.0e+00;
	v3 =	vimm.f32 $0.0e+00;
	v1 =	vadd.f32 v1, v4  }
.LBB2_4:
0xac: {  	p0 =	sne.s32 s28, $0xFE00;
	v16 =	vld [tilespmem:s17+$0x8070];
	v4 =	vadd.f32 v15, v4;
	v12 =	vmul.f32 v12, v12  }
0xad: {  	v15 =	vld [tilespmem:s17+$0x8000];
	v7 =	vadd.f32 v14, v7;
	v10 =	vmul.f32 v10, v10  }
0xae: {  	v14 =	vld [tilespmem:s17+$0x8010];
	v8 =	vadd.f32 v12, v8;
	v9 =	vmul.f32 v9, v9  }
.Ltmp1:
0xaf: {  	v12 =	vld [tilespmem:s17+$0x8020];
	v5 =	vadd.f32 v10, v5;
	v11 =	vmul.f32 v11, v11;
	(pc) =	sbr.rel @p0 .LBB2_4-.Ltmp1, $4  }
0xb0: {  	v10 =	vld [tilespmem:s17+$0x8030];
	v6 =	vadd.f32 v9, v6;
	v13 =	vmul.f32 v13, v13  }
0xb1: {  	v9 =	vld [tilespmem:s17+$0x8040];
	v16 =	vmul.f32 v16, v16;
	v2 =	vadd.f32 v11, v2  }
0xb2: {  	v15 =	vmul.f32 v15, v15;
	v11 =	vld [tilespmem:s17+$0x8050];
	v3 =	vadd.f32 v13, v3  }
0xb3: {  	v14 =	vmul.f32 v14, v14;
	v13 =	vld [tilespmem:s17+$0x8060];
	s17 =	sshra.s32 s28, $0x2;
	s28 =	sadd.s32 $0x200, s28;
	v1 =	vadd.f32 v16, v1  }
0xb4: {  	v16 =	vld [tilespmem:s17+$0x8070]  }
0xb5: {  	v17 =	vld [tilespmem:s17+$0x8000]  }
0xb6: {  	v18 =	vld [tilespmem:s17+$0x8010]  }
0xb7: {  	v19 =	vld [tilespmem:s17+$0x8020]  }
0xb8: {  	v20 =	vld [tilespmem:s17+$0x8030]  }
0xb9: {  	v21 =	vld [tilespmem:s17+$0x8040]  }
0xba: {  	v22 =	vld [tilespmem:s17+$0x8050];
	s0 =	rddreg [dreg:$0x12]  }
0xbb: {  	v23 =	vld [tilespmem:s17+$0x8060];
	[tilespmem:s8], [sflag:$0x4] =	stream.strided.gather [hbm4b:s0+s20], $0x1000, s21, s20, $0x38  }
0xbc: {  	s17 =	simm.s32 $0x15000;
	s0 =	rddreg [dreg:$0x13]  }
0xbd: {  	[tilespmem:s17], [sflag:$0x4] =	stream.strided.gather [hbm4b:s0+s20], $0x1000, s21, s20, $0x38;
	[tilespmem:$0x1C500] =	vst v63  }
0xbe: {  	s0 =	rddreg [dreg:$0x14];
	s17 =	simm.s32 $0x16000  }
0xbf: {  	[tilespmem:s17], [sflag:$0x4] =	stream.strided.gather [hbm4b:s0+s20], $0x1000, s21, s20, $0x38;
	[tilespmem:$0x1C500] =	vst v63  }
0xc0: {  	s0 =	rddreg [dreg:$0x15];
	s17 =	simm.s32 $0x17000  }
0xc1: {  	[tilespmem:s17], [sflag:$0x4] =	stream.strided.gather [hbm4b:s0+s20], $0x1000, s21, s20, $0x38;
	[tilespmem:$0x1C500] =	vst v63  }
0xc2: {  	_ =	swait.ge [sflag:s12], $0x1000  }
0xc3: {  	[sflag:s12] =	ssyncset.done $0x0  }
0xc4: {  	[sflag:s12] =	ssyncadd.s32 $0xFFFFF000  }
0xc5: {  	_ =	swait.ge [sflag:s12], $0x1000  }
0xc6: {  	[sflag:s12] =	ssyncset.done $0x0  }
0xc7: {  	[sflag:s12] =	ssyncadd.s32 $0xFFFFF000  }
0xc8: {  	_ =	swait.ge [sflag:s12], $0x1000  }
0xc9: {  	[sflag:s12] =	ssyncset.done $0x0  }
0xca: {  	[sflag:s12] =	ssyncadd.s32 $0xFFFFF000  }
0xcb: {  	_ =	swait.ge [sflag:s12], $0x1000  }
0xcc: {  	[sflag:s12] =	ssyncset.done $0x0  }
0xcd: {  	[sflag:s12] =	ssyncadd.s32 $0xFFFFF000  }
0xce: {  	v24 =	vld [tilespmem:$0x1C2A0]  }
0xcf: {  	v25 =	vld [tilespmem:$0x1C2B0]  }
0xd0: {  	v26 =	vld [tilespmem:$0x1C2A0]  }
0xd1: {  	v27 =	vld [tilespmem:$0x1C2B0]  }
0xd2: {  	v28 =	vld [tilespmem:$0x1C2A0]  }
0xd3: {  	v29 =	vld [tilespmem:$0x1C2B0]  }
0xd4: {  	v30 =	vld [tilespmem:$0x1C2A0];
	v24 =	vshll.u32 v24, $0x2  }
0xd5: {  	v50 =	vld [tilespmem:$0x1C2B0];
	v48 =	vshll.u32 v25, $0x2;
	v49 =	vshll.u32 v26, $0x2;
	[tilespmem:$0x1C080] =	vst v24  }
0xd6: {  	v52 =	vshll.u32 v27, $0x2;
	[tilespmem:$0x1C090] =	vst v48;
	v51 =	vor.u32 $0x1, v49  }
0xd7: {  	v54 =	vshll.u32 v28, $0x2;
	v53 =	vor.u32 $0x1, v52;
	[tilespmem:$0x1C0A0] =	vst v51  }
0xd8: {  	v56 =	vshll.u32 v29, $0x2;
	v55 =	vor.u32 $0x2, v54;
	[tilespmem:$0x1C0B0] =	vst v53  }
0xd9: {  	v58 =	vshll.u32 v30, $0x2;
	v57 =	vor.u32 $0x2, v56;
	[tilespmem:$0x1C0C0] =	vst v55  }
0xda: {  	v12 =	vmul.f32 v12, v12;
	v60 =	vshll.u32 v50, $0x2;
	v59 =	vor.u32 $0x3, v58;
	[tilespmem:$0x1C0D0] =	vst v57  }
0xdb: {  	v4 =	vadd.f32 v15, v4;
	v10 =	vmul.f32 v10, v10;
	v61 =	vor.u32 $0x3, v60;
	[tilespmem:$0x1C0E0] =	vst v59  }
0xdc: {  	v7 =	vadd.f32 v14, v7;
	v8 =	vadd.f32 v12, v8;
	v9 =	vmul.f32 v9, v9;
	s17 =	simm.s32 $0x1C080;
	s0 =	simm.s32 $0x0;
	[tilespmem:$0x1C0F0] =	vst v61  }
0xdd: {  	v5 =	vadd.f32 v10, v5;
	v10 =	vmul.f32 v11, v11;
	v11 =	vmul.f32 v13, v13;
	[spmem:s1] =	stream.indirect.scatter.add.f32 [tilespmem:s25], [sflag:$0x7], $0x80, s17, s5, $0xb8;
	[tilespmem:$0x1C500] =	vst v63  }
0xde: {  	v12 =	vadd.f32 v9, v6;
	v6 =	vmul.f32 v16, v16;
	v9 =	vmul.f32 v17, v17;
	v13 =	vld [tilespmem:s0+$0xC070]  }
0xdf: {  	v14 =	vadd.f32 v10, v2;
	v2 =	vmul.f32 v18, v18;
	v15 =	vadd.f32 v11, v3;
	v16 =	vld [tilespmem:s0+$0xC000]  }
0xe0: {  	v3 =	vmul.f32 v19, v19;
	v11 =	vmul.f32 v21, v21;
	v17 =	vadd.f32 v6, v1;
	v62 =	vld [tilespmem:s0+$0xC010]  }
0xe1: {  	v1 =	vadd.f32 v9, v4;
	v2 =	vadd.f32 v2, v7;
	v4 =	vmul.f32 v20, v20;
	v9 =	vld [tilespmem:s0+$0xC020]  }
0xe2: {  	v6 =	vadd.f32 v3, v8;
	v3 =	vmul.f32 v22, v22;
	v8 =	vmul.f32 v23, v23;
	v10 =	vld [tilespmem:s0+$0xC030]  }
0xe3: {  	v7 =	vadd.f32 v4, v5;
	v5 =	vadd.f32 v11, v12;
	v11 =	vld [tilespmem:s0+$0xC040];
	v63 =	vmul.f32 v13, v13  }
0xe4: {  	v3 =	vadd.f32 v3, v14;
	v12 =	vld [tilespmem:s0+$0xC050];
	v14 =	vmul.f32 v16, v16  }
0xe5: {  	s28 =	simm.s32 $0x400;
	v4 =	vadd.f32 v8, v15;
	s17 =	simm.s32 $0x80;
	v15 =	vmul.f32 v62, v62;
	v13 =	vld [tilespmem:s0+$0xC060];
	v8 =	vadd.f32 v63, v17  }
.LBB2_6:
0xe6: {  	p0 =	sne.s32 s28, $0xFE00;
	v16 =	vld [tilespmem:s17+$0xC070];
	v1 =	vadd.f32 v14, v1;
	v9 =	vmul.f32 v9, v9  }
0xe7: {  	v14 =	vld [tilespmem:s17+$0xC000];
	v2 =	vadd.f32 v15, v2;
	v10 =	vmul.f32 v10, v10  }
0xe8: {  	v15 =	vld [tilespmem:s17+$0xC010];
	v6 =	vadd.f32 v9, v6;
	v11 =	vmul.f32 v11, v11  }
.Ltmp2:
0xe9: {  	v9 =	vld [tilespmem:s17+$0xC020];
	v7 =	vadd.f32 v10, v7;
	v12 =	vmul.f32 v12, v12;
	(pc) =	sbr.rel @p0 .LBB2_6-.Ltmp2, $4  }
0xea: {  	v10 =	vld [tilespmem:s17+$0xC030];
	v5 =	vadd.f32 v11, v5;
	v13 =	vmul.f32 v13, v13  }
0xeb: {  	v11 =	vld [tilespmem:s17+$0xC040];
	v16 =	vmul.f32 v16, v16;
	v3 =	vadd.f32 v12, v3  }
0xec: {  	v14 =	vmul.f32 v14, v14;
	v12 =	vld [tilespmem:s17+$0xC050];
	v4 =	vadd.f32 v13, v4  }
0xed: {  	v15 =	vmul.f32 v15, v15;
	v13 =	vld [tilespmem:s17+$0xC060];
	s17 =	sshra.s32 s28, $0x2;
	s28 =	sadd.s32 $0x200, s28;
	v8 =	vadd.f32 v16, v8  }
0xee: {  	v16 =	vld [tilespmem:s17+$0xC070]  }
0xef: {  	v17 =	vld [tilespmem:s17+$0xC000]  }
0xf0: {  	v18 =	vld [tilespmem:s17+$0xC010]  }
0xf1: {  	v19 =	vld [tilespmem:s17+$0xC020]  }
0xf2: {  	v20 =	vld [tilespmem:s17+$0xC030]  }
0xf3: {  	v21 =	vld [tilespmem:s17+$0xC040]  }
0xf4: {  	v22 =	vld [tilespmem:s17+$0xC050];
	s0 =	rddreg [dreg:$0x19]  }
0xf5: {  	v23 =	vld [tilespmem:s17+$0xC060];
	[tilespmem:s14], [sflag:$0x5] =	stream.strided.gather [hbm4b:s0+s20], $0x1000, s21, s20, $0x38  }
0xf6: {  	s17 =	simm.s32 $0x19000;
	s0 =	rddreg [dreg:$0x1a]  }
0xf7: {  	[tilespmem:s17], [sflag:$0x5] =	stream.strided.gather [hbm4b:s0+s20], $0x1000, s21, s20, $0x38;
	[tilespmem:$0x1C500] =	vst v63  }
0xf8: {  	s0 =	rddreg [dreg:$0x1b];
	s17 =	simm.s32 $0x1A000  }
0xf9: {  	[tilespmem:s17], [sflag:$0x5] =	stream.strided.gather [hbm4b:s0+s20], $0x1000, s21, s20, $0x38;
	[tilespmem:$0x1C500] =	vst v63  }
0xfa: {  	s0 =	rddreg [dreg:$0x1c];
	s17 =	simm.s32 $0x1B000  }
0xfb: {  	[tilespmem:s17], [sflag:$0x5] =	stream.strided.gather [hbm4b:s0+s20], $0x1000, s21, s20, $0x38;
	[tilespmem:$0x1C500] =	vst v63  }
0xfc: {  	_ =	swait.ge [sflag:s26], $0x1000  }
0xfd: {  	[sflag:s26] =	ssyncset.done $0x0  }
0xfe: {  	[sflag:s26] =	ssyncadd.s32 $0xFFFFF000  }
0xff: {  	_ =	swait.ge [sflag:s26], $0x1000  }
0x100: {  	[sflag:s26] =	ssyncset.done $0x0  }
0x101: {  	[sflag:s26] =	ssyncadd.s32 $0xFFFFF000  }
0x102: {  	_ =	swait.ge [sflag:s26], $0x1000  }
0x103: {  	[sflag:s26] =	ssyncset.done $0x0  }
0x104: {  	[sflag:s26] =	ssyncadd.s32 $0xFFFFF000  }
0x105: {  	_ =	swait.ge [sflag:s26], $0x1000  }
0x106: {  	[sflag:s26] =	ssyncset.done $0x0  }
0x107: {  	[sflag:s26] =	ssyncadd.s32 $0xFFFFF000  }
0x108: {  	v24 =	vld [tilespmem:$0x1C2C0]  }
0x109: {  	v25 =	vld [tilespmem:$0x1C2D0]  }
0x10a: {  	v26 =	vld [tilespmem:$0x1C2C0]  }
0x10b: {  	v27 =	vld [tilespmem:$0x1C2D0]  }
0x10c: {  	v28 =	vld [tilespmem:$0x1C2C0]  }
0x10d: {  	v29 =	vld [tilespmem:$0x1C2D0]  }
0x10e: {  	v30 =	vld [tilespmem:$0x1C2C0];
	v24 =	vshll.u32 v24, $0x2  }
0x10f: {  	v51 =	vld [tilespmem:$0x1C2D0];
	v49 =	vshll.u32 v25, $0x2;
	v50 =	vshll.u32 v26, $0x2;
	[tilespmem:$0x1C100] =	vst v24  }
0x110: {  	v53 =	vshll.u32 v27, $0x2;
	[tilespmem:$0x1C110] =	vst v49;
	v52 =	vor.u32 $0x1, v50  }
0x111: {  	v55 =	vshll.u32 v28, $0x2;
	v54 =	vor.u32 $0x1, v53;
	[tilespmem:$0x1C120] =	vst v52  }
0x112: {  	v57 =	vshll.u32 v29, $0x2;
	v56 =	vor.u32 $0x2, v55;
	[tilespmem:$0x1C130] =	vst v54  }
0x113: {  	v59 =	vshll.u32 v30, $0x2;
	v58 =	vor.u32 $0x2, v57;
	[tilespmem:$0x1C140] =	vst v56  }
0x114: {  	v9 =	vmul.f32 v9, v9;
	v61 =	vshll.u32 v51, $0x2;
	v60 =	vor.u32 $0x3, v59;
	[tilespmem:$0x1C150] =	vst v58  }
0x115: {  	v10 =	vmul.f32 v10, v10;
	v62 =	vor.u32 $0x3, v61;
	[tilespmem:$0x1C160] =	vst v60  }
0x116: {  	v1 =	vadd.f32 v14, v1;
	v6 =	vadd.f32 v9, v6;
	v9 =	vmul.f32 v11, v11;
	s17 =	simm.s32 $0x1C100;
	s0 =	simm.s32 $0x0;
	[tilespmem:$0x1C170] =	vst v62  }
0x117: {  	v7 =	vadd.f32 v10, v7;
	v10 =	vmul.f32 v12, v12;
	v11 =	vmul.f32 v13, v13;
	[spmem:s1] =	stream.indirect.scatter.add.f32 [tilespmem:s30], [sflag:$0x8], $0x80, s17, s5, $0xb8;
	[tilespmem:$0x1C500] =	vst v63  }
0x118: {  	v5 =	vadd.f32 v9, v5;
	v9 =	vmul.f32 v16, v16;
	v12 =	vmul.f32 v17, v17;
	v13 =	vld [tilespmem:s0+$0x10070]  }
0x119: {  	v3 =	vadd.f32 v10, v3;
	v10 =	vmul.f32 v18, v18;
	v16 =	vmul.f32 v21, v21;
	v14 =	vld [tilespmem:s0+$0x10000]  }
0x11a: {  	v2 =	vadd.f32 v15, v2;
	v17 =	vmul.f32 v22, v22;
	v63 =	vmul.f32 v23, v23;
	v15 =	vld [tilespmem:s0+$0x10010]  }
0x11b: {  	v4 =	vadd.f32 v11, v4;
	v11 =	vmul.f32 v19, v19;
	v8 =	vadd.f32 v9, v8;
	v9 =	vld [tilespmem:s0+$0x10020]  }
0x11c: {  	v1 =	vadd.f32 v12, v1;
	v2 =	vadd.f32 v10, v2;
	v12 =	vmul.f32 v20, v20;
	v10 =	vld [tilespmem:s0+$0x10030]  }
0x11d: {  	v5 =	vadd.f32 v16, v5;
	v6 =	vadd.f32 v11, v6;
	v11 =	vld [tilespmem:s0+$0x10040];
	v16 =	vmul.f32 v13, v13  }
0x11e: {  	v3 =	vadd.f32 v17, v3;
	v7 =	vadd.f32 v12, v7;
	v12 =	vld [tilespmem:s0+$0x10050];
	v14 =	vmul.f32 v14, v14  }
0x11f: {  	s28 =	simm.s32 $0x400;
	v4 =	vadd.f32 v63, v4;
	s17 =	simm.s32 $0x80;
	v15 =	vmul.f32 v15, v15;
	v13 =	vld [tilespmem:s0+$0x10060];
	v8 =	vadd.f32 v16, v8  }
.LBB2_8:
0x120: {  	p0 =	sne.s32 s28, $0xFE00;
	v16 =	vld [tilespmem:s17+$0x10070];
	v1 =	vadd.f32 v14, v1;
	v9 =	vmul.f32 v9, v9  }
0x121: {  	v14 =	vld [tilespmem:s17+$0x10000];
	v2 =	vadd.f32 v15, v2;
	v10 =	vmul.f32 v10, v10  }
0x122: {  	v15 =	vld [tilespmem:s17+$0x10010];
	v6 =	vadd.f32 v9, v6;
	v11 =	vmul.f32 v11, v11  }
.Ltmp3:
0x123: {  	v9 =	vld [tilespmem:s17+$0x10020];
	v7 =	vadd.f32 v10, v7;
	v12 =	vmul.f32 v12, v12;
	(pc) =	sbr.rel @p0 .LBB2_8-.Ltmp3, $4  }
0x124: {  	v10 =	vld [tilespmem:s17+$0x10030];
	v5 =	vadd.f32 v11, v5;
	v13 =	vmul.f32 v13, v13  }
0x125: {  	v11 =	vld [tilespmem:s17+$0x10040];
	v16 =	vmul.f32 v16, v16;
	v3 =	vadd.f32 v12, v3  }
0x126: {  	v14 =	vmul.f32 v14, v14;
	v12 =	vld [tilespmem:s17+$0x10050];
	v4 =	vadd.f32 v13, v4  }
0x127: {  	v15 =	vmul.f32 v15, v15;
	v13 =	vld [tilespmem:s17+$0x10060];
	s17 =	sshra.s32 s28, $0x2;
	s28 =	sadd.s32 $0x200, s28;
	v8 =	vadd.f32 v16, v8  }
0x128: {  	v16 =	vld [tilespmem:s17+$0x10070]  }
0x129: {  	v17 =	vld [tilespmem:s17+$0x10000]  }
0x12a: {  	v18 =	vld [tilespmem:s17+$0x10010]  }
0x12b: {  	v19 =	vld [tilespmem:s17+$0x10020]  }
0x12c: {  	v20 =	vld [tilespmem:s17+$0x10030]  }
0x12d: {  	v21 =	vld [tilespmem:s17+$0x10040]  }
0x12e: {  	v22 =	vld [tilespmem:s17+$0x10050]  }
0x12f: {  	v23 =	vld [tilespmem:s17+$0x10060];
	_ =	swait.ge [sflag:s29], $0x4000  }
0x130: {  	[sflag:s29] =	ssyncset.done $0x0  }
0x131: {  	s0 =	rddreg [dreg:$0x1d];
	[sflag:s29] =	ssyncadd.s32 $0xFFFFC000  }
0x132: {  	[tilespmem:s18], [sflag:$0x1] =	stream.strided.gather [hbm4b:s0+s20], $0x1000, s21, s20, $0x38;
	[tilespmem:$0x1C500] =	vst v63  }
0x133: {  	s17 =	rddreg [dreg:$0x1e]  }
0x134: {  	[tilespmem:s22], [sflag:$0x1] =	stream.strided.gather [hbm4b:s17+s20], $0x1000, s21, s20, $0x38;
	[tilespmem:$0x1C500] =	vst v63  }
0x135: {  	s17 =	rddreg [dreg:$0x1f]  }
0x136: {  	[tilespmem:s23], [sflag:$0x1] =	stream.strided.gather [hbm4b:s17+s20], $0x1000, s21, s20, $0x38;
	[tilespmem:$0x1C500] =	vst v63  }
0x137: {  	s17 =	sld [smem:$0x7D5];
	_ =	sdelay $0x2  }
0x138: {  	[tilespmem:s24], [sflag:$0x1] =	stream.strided.gather [hbm4b:s17+s20], $0x1000, s21, s20, $0x38;
	[tilespmem:$0x1C500] =	vst v63  }
0x139: {  	_ =	swait.ge [sflag:s31], $0x1000  }
0x13a: {  	[sflag:s31] =	ssyncset.done $0x0  }
0x13b: {  	[sflag:s31] =	ssyncadd.s32 $0xFFFFF000  }
0x13c: {  	_ =	swait.ge [sflag:s31], $0x1000  }
0x13d: {  	[sflag:s31] =	ssyncset.done $0x0  }
0x13e: {  	[sflag:s31] =	ssyncadd.s32 $0xFFFFF000  }
0x13f: {  	_ =	swait.ge [sflag:s31], $0x1000  }
0x140: {  	[sflag:s31] =	ssyncset.done $0x0  }
0x141: {  	[sflag:s31] =	ssyncadd.s32 $0xFFFFF000  }
0x142: {  	_ =	swait.ge [sflag:s31], $0x1000  }
0x143: {  	[sflag:s31] =	ssyncset.done $0x0  }
0x144: {  	[sflag:s31] =	ssyncadd.s32 $0xFFFFF000  }
0x145: {  	v24 =	vld [tilespmem:$0x1C2E0]  }
0x146: {  	v25 =	vld [tilespmem:$0x1C2F0]  }
0x147: {  	v26 =	vld [tilespmem:$0x1C2E0]  }
0x148: {  	v27 =	vld [tilespmem:$0x1C2F0]  }
0x149: {  	v28 =	vld [tilespmem:$0x1C2E0]  }
0x14a: {  	v29 =	vld [tilespmem:$0x1C2F0]  }
0x14b: {  	v30 =	vld [tilespmem:$0x1C2E0];
	v24 =	vshll.u32 v24, $0x2  }
0x14c: {  	v51 =	vld [tilespmem:$0x1C2F0];
	v49 =	vshll.u32 v25, $0x2;
	v50 =	vshll.u32 v26, $0x2;
	[tilespmem:$0x1C180] =	vst v24  }
0x14d: {  	v53 =	vshll.u32 v27, $0x2;
	[tilespmem:$0x1C190] =	vst v49;
	v52 =	vor.u32 $0x1, v50  }
0x14e: {  	v55 =	vshll.u32 v28, $0x2;
	v54 =	vor.u32 $0x1, v53;
	[tilespmem:$0x1C1A0] =	vst v52  }
0x14f: {  	v57 =	vshll.u32 v29, $0x2;
	v56 =	vor.u32 $0x2, v55;
	[tilespmem:$0x1C1B0] =	vst v54  }
0x150: {  	v59 =	vshll.u32 v30, $0x2;
	v58 =	vor.u32 $0x2, v57;
	[tilespmem:$0x1C1C0] =	vst v56  }
0x151: {  	v9 =	vmul.f32 v9, v9;
	v61 =	vshll.u32 v51, $0x2;
	v60 =	vor.u32 $0x3, v59;
	[tilespmem:$0x1C1D0] =	vst v58  }
0x152: {  	v10 =	vmul.f32 v10, v10;
	v62 =	vor.u32 $0x3, v61;
	[tilespmem:$0x1C1E0] =	vst v60  }
0x153: {  	v1 =	vadd.f32 v14, v1;
	v6 =	vadd.f32 v9, v6;
	v9 =	vmul.f32 v11, v11;
	s0 =	simm.s32 $0x0;
	s17 =	simm.s32 $0x1C180;
	[tilespmem:$0x1C1F0] =	vst v62  }
0x154: {  	v7 =	vadd.f32 v10, v7;
	v10 =	vmul.f32 v12, v12;
	v11 =	vmul.f32 v13, v13;
	[spmem:s1] =	stream.indirect.scatter.add.f32 [tilespmem:s8], [sflag:$0x9], $0x80, s17, s5, $0xb8;
	[tilespmem:$0x1C500] =	vst v63  }
0x155: {  	v5 =	vadd.f32 v9, v5;
	v9 =	vmul.f32 v16, v16;
	v12 =	vmul.f32 v17, v17;
	v13 =	vld [tilespmem:s0+$0x14070]  }
0x156: {  	v3 =	vadd.f32 v10, v3;
	v10 =	vmul.f32 v18, v18;
	v16 =	vmul.f32 v21, v21;
	v14 =	vld [tilespmem:s0+$0x14000]  }
0x157: {  	v2 =	vadd.f32 v15, v2;
	v17 =	vmul.f32 v22, v22;
	v63 =	vmul.f32 v23, v23;
	v15 =	vld [tilespmem:s0+$0x14010]  }
0x158: {  	v4 =	vadd.f32 v11, v4;
	v11 =	vmul.f32 v19, v19;
	v8 =	vadd.f32 v9, v8;
	v9 =	vld [tilespmem:s0+$0x14020]  }
0x159: {  	v1 =	vadd.f32 v12, v1;
	v2 =	vadd.f32 v10, v2;
	v12 =	vmul.f32 v20, v20;
	v10 =	vld [tilespmem:s0+$0x14030]  }
0x15a: {  	v5 =	vadd.f32 v16, v5;
	v6 =	vadd.f32 v11, v6;
	v11 =	vld [tilespmem:s0+$0x14040];
	v16 =	vmul.f32 v13, v13  }
0x15b: {  	v3 =	vadd.f32 v17, v3;
	v7 =	vadd.f32 v12, v7;
	v12 =	vld [tilespmem:s0+$0x14050];
	v14 =	vmul.f32 v14, v14  }
0x15c: {  	s28 =	simm.s32 $0x400;
	v4 =	vadd.f32 v63, v4;
	s17 =	simm.s32 $0x80;
	v15 =	vmul.f32 v15, v15;
	v13 =	vld [tilespmem:s0+$0x14060];
	v8 =	vadd.f32 v16, v8  }
.LBB2_10:
0x15d: {  	p0 =	sne.s32 s28, $0xFE00;
	v16 =	vld [tilespmem:s17+$0x14070];
	v1 =	vadd.f32 v14, v1;
	v9 =	vmul.f32 v9, v9  }
0x15e: {  	v14 =	vld [tilespmem:s17+$0x14000];
	v2 =	vadd.f32 v15, v2;
	v10 =	vmul.f32 v10, v10  }
0x15f: {  	v15 =	vld [tilespmem:s17+$0x14010];
	v6 =	vadd.f32 v9, v6;
	v11 =	vmul.f32 v11, v11  }
.Ltmp4:
0x160: {  	v9 =	vld [tilespmem:s17+$0x14020];
	v7 =	vadd.f32 v10, v7;
	v12 =	vmul.f32 v12, v12;
	(pc) =	sbr.rel @p0 .LBB2_10-.Ltmp4, $4  }
0x161: {  	v10 =	vld [tilespmem:s17+$0x14030];
	v5 =	vadd.f32 v11, v5;
	v13 =	vmul.f32 v13, v13  }
0x162: {  	v11 =	vld [tilespmem:s17+$0x14040];
	v16 =	vmul.f32 v16, v16;
	v3 =	vadd.f32 v12, v3  }
0x163: {  	v14 =	vmul.f32 v14, v14;
	v12 =	vld [tilespmem:s17+$0x14050];
	v4 =	vadd.f32 v13, v4  }
0x164: {  	v15 =	vmul.f32 v15, v15;
	v13 =	vld [tilespmem:s17+$0x14060];
	s17 =	sshra.s32 s28, $0x2;
	s28 =	sadd.s32 $0x200, s28;
	v8 =	vadd.f32 v16, v8  }
0x165: {  	v16 =	vld [tilespmem:s17+$0x14070]  }
0x166: {  	v17 =	vld [tilespmem:s17+$0x14000]  }
0x167: {  	v18 =	vld [tilespmem:s17+$0x14010]  }
0x168: {  	v19 =	vld [tilespmem:s17+$0x14020]  }
0x169: {  	v20 =	vld [tilespmem:s17+$0x14030]  }
0x16a: {  	v21 =	vld [tilespmem:s17+$0x14040]  }
0x16b: {  	v22 =	vld [tilespmem:s17+$0x14050]  }
0x16c: {  	v23 =	vld [tilespmem:s17+$0x14060];
	_ =	swait.ge [sflag:s3], $0x4000  }
0x16d: {  	s0 =	sld [smem:$0x7D6]  }
0x16e: {  	[sflag:s3] =	ssyncset.done $0x0  }
0x16f: {  	[sflag:s3] =	ssyncadd.s32 $0xFFFFC000  }
0x170: {  	[tilespmem:s25], [sflag:$0x2] =	stream.strided.gather [hbm4b:s0+s20], $0x1000, s21, s20, $0x38;
	[tilespmem:$0x1C500] =	vst v63  }
0x171: {  	s0 =	sld [smem:$0x7D7];
	_ =	sdelay $0x1  }
0x172: {  	s17 =	simm.s32 $0xD000  }
0x173: {  	[tilespmem:s17], [sflag:$0x2] =	stream.strided.gather [hbm4b:s0+s20], $0x1000, s21, s20, $0x38;
	[tilespmem:$0x1C500] =	vst v63  }
0x174: {  	s0 =	sld [smem:$0x7D8];
	_ =	sdelay $0x1  }
0x175: {  	s17 =	simm.s32 $0xE000  }
0x176: {  	[tilespmem:s17], [sflag:$0x2] =	stream.strided.gather [hbm4b:s0+s20], $0x1000, s21, s20, $0x38;
	[tilespmem:$0x1C500] =	vst v63  }
0x177: {  	s0 =	sld [smem:$0x7D9];
	_ =	sdelay $0x1  }
0x178: {  	s17 =	simm.s32 $0xF000  }
0x179: {  	[tilespmem:s17], [sflag:$0x2] =	stream.strided.gather [hbm4b:s0+s20], $0x1000, s21, s20, $0x38;
	[tilespmem:$0x1C500] =	vst v63  }
0x17a: {  	_ =	swait.ge [sflag:s9], $0x1000  }
0x17b: {  	[sflag:s9] =	ssyncset.done $0x0  }
0x17c: {  	[sflag:s9] =	ssyncadd.s32 $0xFFFFF000  }
0x17d: {  	_ =	swait.ge [sflag:s9], $0x1000  }
0x17e: {  	[sflag:s9] =	ssyncset.done $0x0  }
0x17f: {  	[sflag:s9] =	ssyncadd.s32 $0xFFFFF000  }
0x180: {  	_ =	swait.ge [sflag:s9], $0x1000  }
0x181: {  	[sflag:s9] =	ssyncset.done $0x0  }
0x182: {  	[sflag:s9] =	ssyncadd.s32 $0xFFFFF000  }
0x183: {  	_ =	swait.ge [sflag:s9], $0x1000  }
0x184: {  	[sflag:s9] =	ssyncset.done $0x0  }
0x185: {  	[sflag:s9] =	ssyncadd.s32 $0xFFFFF000  }
0x186: {  	v24 =	vld [tilespmem:$0x1C300]  }
0x187: {  	v25 =	vld [tilespmem:$0x1C310]  }
0x188: {  	v26 =	vld [tilespmem:$0x1C300]  }
0x189: {  	v27 =	vld [tilespmem:$0x1C310]  }
0x18a: {  	v28 =	vld [tilespmem:$0x1C300]  }
0x18b: {  	v29 =	vld [tilespmem:$0x1C310]  }
0x18c: {  	v30 =	vld [tilespmem:$0x1C300];
	v24 =	vshll.u32 v24, $0x2  }
0x18d: {  	v51 =	vld [tilespmem:$0x1C310];
	v49 =	vshll.u32 v25, $0x2;
	v50 =	vshll.u32 v26, $0x2;
	[tilespmem:$0x1C200] =	vst v24  }
0x18e: {  	v53 =	vshll.u32 v27, $0x2;
	[tilespmem:$0x1C210] =	vst v49;
	v52 =	vor.u32 $0x1, v50  }
0x18f: {  	v55 =	vshll.u32 v28, $0x2;
	v54 =	vor.u32 $0x1, v53;
	[tilespmem:$0x1C220] =	vst v52  }
0x190: {  	v57 =	vshll.u32 v29, $0x2;
	v56 =	vor.u32 $0x2, v55;
	[tilespmem:$0x1C230] =	vst v54  }
0x191: {  	v59 =	vshll.u32 v30, $0x2;
	v58 =	vor.u32 $0x2, v57;
	[tilespmem:$0x1C240] =	vst v56  }
0x192: {  	v9 =	vmul.f32 v9, v9;
	v61 =	vshll.u32 v51, $0x2;
	v60 =	vor.u32 $0x3, v59;
	[tilespmem:$0x1C250] =	vst v58  }
0x193: {  	v10 =	vmul.f32 v10, v10;
	v62 =	vor.u32 $0x3, v61;
	[tilespmem:$0x1C260] =	vst v60  }
0x194: {  	v1 =	vadd.f32 v14, v1;
	v6 =	vadd.f32 v9, v6;
	v9 =	vmul.f32 v11, v11;
	s0 =	simm.s32 $0x0;
	[tilespmem:$0x1C270] =	vst v62  }
0x195: {  	v7 =	vadd.f32 v10, v7;
	v10 =	vmul.f32 v12, v12;
	v11 =	vmul.f32 v13, v13;
	[spmem:s1] =	stream.indirect.scatter.add.f32 [tilespmem:s14], [sflag:$0xA], $0x80, s10, s5, $0xb8;
	[tilespmem:$0x1C500] =	vst v63  }
0x196: {  	v5 =	vadd.f32 v9, v5;
	v9 =	vmul.f32 v16, v16;
	v12 =	vmul.f32 v17, v17;
	v13 =	vld [tilespmem:s0+$0x18070]  }
0x197: {  	v3 =	vadd.f32 v10, v3;
	v10 =	vmul.f32 v18, v18;
	v16 =	vmul.f32 v21, v21;
	v14 =	vld [tilespmem:s0+$0x18000]  }
0x198: {  	v2 =	vadd.f32 v15, v2;
	v17 =	vmul.f32 v22, v22;
	v63 =	vmul.f32 v23, v23;
	v15 =	vld [tilespmem:s0+$0x18010]  }
0x199: {  	v4 =	vadd.f32 v11, v4;
	v11 =	vmul.f32 v19, v19;
	v8 =	vadd.f32 v9, v8;
	v9 =	vld [tilespmem:s0+$0x18020]  }
0x19a: {  	v1 =	vadd.f32 v12, v1;
	v2 =	vadd.f32 v10, v2;
	v12 =	vmul.f32 v20, v20;
	v10 =	vld [tilespmem:s0+$0x18030]  }
0x19b: {  	v5 =	vadd.f32 v16, v5;
	v6 =	vadd.f32 v11, v6;
	v11 =	vld [tilespmem:s0+$0x18040];
	v16 =	vmul.f32 v13, v13  }
0x19c: {  	v3 =	vadd.f32 v17, v3;
	v7 =	vadd.f32 v12, v7;
	v12 =	vld [tilespmem:s0+$0x18050];
	v14 =	vmul.f32 v14, v14  }
0x19d: {  	s28 =	simm.s32 $0x400;
	v4 =	vadd.f32 v63, v4;
	s17 =	simm.s32 $0x80;
	v15 =	vmul.f32 v15, v15;
	v13 =	vld [tilespmem:s0+$0x18060];
	v8 =	vadd.f32 v16, v8  }
.LBB2_12:
0x19e: {  	p0 =	sne.s32 s28, $0xFE00;
	v16 =	vld [tilespmem:s17+$0x18070];
	v1 =	vadd.f32 v14, v1;
	v9 =	vmul.f32 v9, v9  }
0x19f: {  	v14 =	vld [tilespmem:s17+$0x18000];
	v2 =	vadd.f32 v15, v2;
	v10 =	vmul.f32 v10, v10  }
0x1a0: {  	v15 =	vld [tilespmem:s17+$0x18010];
	v6 =	vadd.f32 v9, v6;
	v11 =	vmul.f32 v11, v11  }
.Ltmp5:
0x1a1: {  	v9 =	vld [tilespmem:s17+$0x18020];
	v7 =	vadd.f32 v10, v7;
	v12 =	vmul.f32 v12, v12;
	(pc) =	sbr.rel @p0 .LBB2_12-.Ltmp5, $4  }
0x1a2: {  	v10 =	vld [tilespmem:s17+$0x18030];
	v5 =	vadd.f32 v11, v5;
	v13 =	vmul.f32 v13, v13  }
0x1a3: {  	v11 =	vld [tilespmem:s17+$0x18040];
	v16 =	vmul.f32 v16, v16;
	v3 =	vadd.f32 v12, v3  }
0x1a4: {  	v14 =	vmul.f32 v14, v14;
	v12 =	vld [tilespmem:s17+$0x18050];
	v4 =	vadd.f32 v13, v4  }
0x1a5: {  	v15 =	vmul.f32 v15, v15;
	v13 =	vld [tilespmem:s17+$0x18060];
	s17 =	sshra.s32 s28, $0x2;
	s28 =	sadd.s32 $0x200, s28;
	v8 =	vadd.f32 v16, v8  }
0x1a6: {  	v16 =	vld [tilespmem:s17+$0x18070]  }
0x1a7: {  	v17 =	vld [tilespmem:s17+$0x18000]  }
0x1a8: {  	v18 =	vld [tilespmem:s17+$0x18010]  }
0x1a9: {  	v19 =	vld [tilespmem:s17+$0x18020]  }
0x1aa: {  	v20 =	vld [tilespmem:s17+$0x18030]  }
0x1ab: {  	v21 =	vld [tilespmem:s17+$0x18040]  }
0x1ac: {  	v22 =	vld [tilespmem:s17+$0x18050]  }
0x1ad: {  	v23 =	vld [tilespmem:s17+$0x18060];
	_ =	swait.ge [sflag:s11], $0x4000  }
0x1ae: {  	s0 =	sld [smem:$0x7DA]  }
0x1af: {  	[sflag:s11] =	ssyncset.done $0x0  }
0x1b0: {  	[sflag:s11] =	ssyncadd.s32 $0xFFFFC000  }
0x1b1: {  	[tilespmem:s30], [sflag:$0x3] =	stream.strided.gather [hbm4b:s0+s20], $0x1000, s21, s20, $0x38;
	[tilespmem:$0x1C500] =	vst v63  }
0x1b2: {  	s0 =	sld [smem:$0x7DB];
	_ =	sdelay $0x1  }
0x1b3: {  	s17 =	simm.s32 $0x11000  }
0x1b4: {  	[tilespmem:s17], [sflag:$0x3] =	stream.strided.gather [hbm4b:s0+s20], $0x1000, s21, s20, $0x38;
	[tilespmem:$0x1C500] =	vst v63  }
0x1b5: {  	s0 =	sld [smem:$0x7DC];
	_ =	sdelay $0x1  }
0x1b6: {  	s17 =	simm.s32 $0x12000  }
0x1b7: {  	[tilespmem:s17], [sflag:$0x3] =	stream.strided.gather [hbm4b:s0+s20], $0x1000, s21, s20, $0x38;
	[tilespmem:$0x1C500] =	vst v63  }
0x1b8: {  	s0 =	sld [smem:$0x7DD];
	_ =	sdelay $0x1  }
0x1b9: {  	s17 =	simm.s32 $0x13000  }
0x1ba: {  	[tilespmem:s17], [sflag:$0x3] =	stream.strided.gather [hbm4b:s0+s20], $0x1000, s21, s20, $0x38;
	[tilespmem:$0x1C500] =	vst v63  }
0x1bb: {  	_ =	swait.ge [sflag:s2], $0x1000  }
0x1bc: {  	[sflag:s2] =	ssyncset.done $0x0  }
0x1bd: {  	[sflag:s2] =	ssyncadd.s32 $0xFFFFF000  }
0x1be: {  	_ =	swait.ge [sflag:s2], $0x1000  }
0x1bf: {  	[sflag:s2] =	ssyncset.done $0x0  }
0x1c0: {  	[sflag:s2] =	ssyncadd.s32 $0xFFFFF000  }
0x1c1: {  	_ =	swait.ge [sflag:s2], $0x1000  }
0x1c2: {  	[sflag:s2] =	ssyncset.done $0x0  }
0x1c3: {  	[sflag:s2] =	ssyncadd.s32 $0xFFFFF000  }
0x1c4: {  	_ =	swait.ge [sflag:s2], $0x1000  }
0x1c5: {  	[sflag:s2] =	ssyncset.done $0x0  }
0x1c6: {  	[sflag:s2] =	ssyncadd.s32 $0xFFFFF000  }
0x1c7: {  	v24 =	vld [tilespmem:$0x1C320]  }
0x1c8: {  	v25 =	vld [tilespmem:$0x1C330]  }
0x1c9: {  	v26 =	vld [tilespmem:$0x1C320]  }
0x1ca: {  	v27 =	vld [tilespmem:$0x1C330]  }
0x1cb: {  	v28 =	vld [tilespmem:$0x1C320]  }
0x1cc: {  	v29 =	vld [tilespmem:$0x1C330]  }
0x1cd: {  	v30 =	vld [tilespmem:$0x1C320];
	v24 =	vshll.u32 v24, $0x2  }
0x1ce: {  	v51 =	vld [tilespmem:$0x1C330];
	v49 =	vshll.u32 v25, $0x2;
	v50 =	vshll.u32 v26, $0x2;
	[tilespmem:$0x1C000] =	vst v24  }
0x1cf: {  	v53 =	vshll.u32 v27, $0x2;
	[tilespmem:$0x1C010] =	vst v49;
	v52 =	vor.u32 $0x1, v50  }
0x1d0: {  	v55 =	vshll.u32 v28, $0x2;
	v54 =	vor.u32 $0x1, v53;
	[tilespmem:$0x1C020] =	vst v52  }
0x1d1: {  	v57 =	vshll.u32 v29, $0x2;
	v56 =	vor.u32 $0x2, v55;
	[tilespmem:$0x1C030] =	vst v54  }
0x1d2: {  	v59 =	vshll.u32 v30, $0x2;
	v58 =	vor.u32 $0x2, v57;
	[tilespmem:$0x1C040] =	vst v56  }
0x1d3: {  	v9 =	vmul.f32 v9, v9;
	v61 =	vshll.u32 v51, $0x2;
	v60 =	vor.u32 $0x3, v59;
	[tilespmem:$0x1C050] =	vst v58  }
0x1d4: {  	v10 =	vmul.f32 v10, v10;
	v62 =	vor.u32 $0x3, v61;
	[tilespmem:$0x1C060] =	vst v60  }
0x1d5: {  	v1 =	vadd.f32 v14, v1;
	v6 =	vadd.f32 v9, v6;
	v9 =	vmul.f32 v11, v11;
	s0 =	simm.s32 $0x0;
	[tilespmem:$0x1C070] =	vst v62  }
0x1d6: {  	v7 =	vadd.f32 v10, v7;
	v10 =	vmul.f32 v12, v12;
	v11 =	vmul.f32 v13, v13;
	[spmem:s1] =	stream.indirect.scatter.add.f32 [tilespmem:s18], [sflag:$0x6], $0x80, s7, s5, $0xb8;
	[tilespmem:$0x1C500] =	vst v63  }
0x1d7: {  	v5 =	vadd.f32 v9, v5;
	v9 =	vmul.f32 v16, v16;
	v12 =	vmul.f32 v17, v17;
	v13 =	vld [tilespmem:s0+$0x8070]  }
0x1d8: {  	v3 =	vadd.f32 v10, v3;
	v10 =	vmul.f32 v18, v18;
	v16 =	vmul.f32 v21, v21;
	v14 =	vld [tilespmem:s0+$0x8000]  }
0x1d9: {  	v2 =	vadd.f32 v15, v2;
	v17 =	vmul.f32 v22, v22;
	v63 =	vmul.f32 v23, v23;
	v15 =	vld [tilespmem:s0+$0x8010]  }
0x1da: {  	v4 =	vadd.f32 v11, v4;
	v11 =	vmul.f32 v19, v19;
	v8 =	vadd.f32 v9, v8;
	v9 =	vld [tilespmem:s0+$0x8020]  }
0x1db: {  	v1 =	vadd.f32 v12, v1;
	v2 =	vadd.f32 v10, v2;
	v12 =	vmul.f32 v20, v20;
	v10 =	vld [tilespmem:s0+$0x8030]  }
0x1dc: {  	v5 =	vadd.f32 v16, v5;
	v6 =	vadd.f32 v11, v6;
	v11 =	vld [tilespmem:s0+$0x8040];
	v16 =	vmul.f32 v13, v13  }
0x1dd: {  	v3 =	vadd.f32 v17, v3;
	v7 =	vadd.f32 v12, v7;
	v12 =	vld [tilespmem:s0+$0x8050];
	v14 =	vmul.f32 v14, v14  }
0x1de: {  	s28 =	simm.s32 $0x400;
	v4 =	vadd.f32 v63, v4;
	s17 =	simm.s32 $0x80;
	v15 =	vmul.f32 v15, v15;
	v13 =	vld [tilespmem:s0+$0x8060];
	v8 =	vadd.f32 v16, v8  }
.LBB2_14:
0x1df: {  	p0 =	sne.s32 s28, $0xFE00;
	v16 =	vld [tilespmem:s17+$0x8070];
	v1 =	vadd.f32 v14, v1;
	v9 =	vmul.f32 v9, v9  }
0x1e0: {  	v14 =	vld [tilespmem:s17+$0x8000];
	v2 =	vadd.f32 v15, v2;
	v10 =	vmul.f32 v10, v10  }
0x1e1: {  	v15 =	vld [tilespmem:s17+$0x8010];
	v6 =	vadd.f32 v9, v6;
	v11 =	vmul.f32 v11, v11  }
.Ltmp6:
0x1e2: {  	v9 =	vld [tilespmem:s17+$0x8020];
	v7 =	vadd.f32 v10, v7;
	v12 =	vmul.f32 v12, v12;
	(pc) =	sbr.rel @p0 .LBB2_14-.Ltmp6, $4  }
0x1e3: {  	v10 =	vld [tilespmem:s17+$0x8030];
	v5 =	vadd.f32 v11, v5;
	v13 =	vmul.f32 v13, v13  }
0x1e4: {  	v11 =	vld [tilespmem:s17+$0x8040];
	v16 =	vmul.f32 v16, v16;
	v3 =	vadd.f32 v12, v3  }
0x1e5: {  	v14 =	vmul.f32 v14, v14;
	v12 =	vld [tilespmem:s17+$0x8050];
	v4 =	vadd.f32 v13, v4  }
0x1e6: {  	v15 =	vmul.f32 v15, v15;
	v13 =	vld [tilespmem:s17+$0x8060];
	s17 =	sshra.s32 s28, $0x2;
	s28 =	sadd.s32 $0x200, s28;
	v8 =	vadd.f32 v16, v8  }
0x1e7: {  	v16 =	vld [tilespmem:s17+$0x8070]  }
0x1e8: {  	v17 =	vld [tilespmem:s17+$0x8000]  }
0x1e9: {  	v18 =	vld [tilespmem:s17+$0x8010]  }
0x1ea: {  	v19 =	vld [tilespmem:s17+$0x8020]  }
0x1eb: {  	v20 =	vld [tilespmem:s17+$0x8030]  }
0x1ec: {  	v21 =	vld [tilespmem:s17+$0x8040]  }
0x1ed: {  	v22 =	vld [tilespmem:s17+$0x8050]  }
0x1ee: {  	v23 =	vld [tilespmem:s17+$0x8060];
	_ =	swait.ge [sflag:s13], $0x4000  }
0x1ef: {  	s0 =	sld [smem:$0x7DE]  }
0x1f0: {  	[sflag:s13] =	ssyncset.done $0x0  }
0x1f1: {  	[sflag:s13] =	ssyncadd.s32 $0xFFFFC000  }
0x1f2: {  	[tilespmem:s8], [sflag:$0x4] =	stream.strided.gather [hbm4b:s0+s20], $0x1000, s21, s20, $0x38;
	[tilespmem:$0x1C500] =	vst v63  }
0x1f3: {  	s0 =	sld [smem:$0x7DF];
	_ =	sdelay $0x1  }
0x1f4: {  	s17 =	simm.s32 $0x15000  }
0x1f5: {  	[tilespmem:s17], [sflag:$0x4] =	stream.strided.gather [hbm4b:s0+s20], $0x1000, s21, s20, $0x38;
	[tilespmem:$0x1C500] =	vst v63  }
0x1f6: {  	s0 =	sld [smem:$0x7E0];
	_ =	sdelay $0x1  }
0x1f7: {  	s17 =	simm.s32 $0x16000  }
0x1f8: {  	[tilespmem:s17], [sflag:$0x4] =	stream.strided.gather [hbm4b:s0+s20], $0x1000, s21, s20, $0x38;
	[tilespmem:$0x1C500] =	vst v63  }
0x1f9: {  	s0 =	sld [smem:$0x7E1];
	_ =	sdelay $0x1  }
0x1fa: {  	s17 =	simm.s32 $0x17000  }
0x1fb: {  	[tilespmem:s17], [sflag:$0x4] =	stream.strided.gather [hbm4b:s0+s20], $0x1000, s21, s20, $0x38;
	[tilespmem:$0x1C500] =	vst v63  }
0x1fc: {  	_ =	swait.ge [sflag:s12], $0x1000  }
0x1fd: {  	[sflag:s12] =	ssyncset.done $0x0  }
0x1fe: {  	[sflag:s12] =	ssyncadd.s32 $0xFFFFF000  }
0x1ff: {  	_ =	swait.ge [sflag:s12], $0x1000  }
0x200: {  	[sflag:s12] =	ssyncset.done $0x0  }
0x201: {  	[sflag:s12] =	ssyncadd.s32 $0xFFFFF000  }
0x202: {  	_ =	swait.ge [sflag:s12], $0x1000  }
0x203: {  	[sflag:s12] =	ssyncset.done $0x0  }
0x204: {  	[sflag:s12] =	ssyncadd.s32 $0xFFFFF000  }
0x205: {  	_ =	swait.ge [sflag:s12], $0x1000  }
0x206: {  	[sflag:s12] =	ssyncset.done $0x0  }
0x207: {  	[sflag:s12] =	ssyncadd.s32 $0xFFFFF000  }
0x208: {  	v24 =	vld [tilespmem:$0x1C340]  }
0x209: {  	v25 =	vld [tilespmem:$0x1C350]  }
0x20a: {  	v26 =	vld [tilespmem:$0x1C340]  }
0x20b: {  	v27 =	vld [tilespmem:$0x1C350]  }
0x20c: {  	v28 =	vld [tilespmem:$0x1C340]  }
0x20d: {  	v29 =	vld [tilespmem:$0x1C350]  }
0x20e: {  	v30 =	vld [tilespmem:$0x1C340];
	v24 =	vshll.u32 v24, $0x2  }
0x20f: {  	v51 =	vld [tilespmem:$0x1C350];
	v49 =	vshll.u32 v25, $0x2;
	v50 =	vshll.u32 v26, $0x2;
	[tilespmem:$0x1C080] =	vst v24  }
0x210: {  	v53 =	vshll.u32 v27, $0x2;
	[tilespmem:$0x1C090] =	vst v49;
	v52 =	vor.u32 $0x1, v50  }
0x211: {  	v55 =	vshll.u32 v28, $0x2;
	v54 =	vor.u32 $0x1, v53;
	[tilespmem:$0x1C0A0] =	vst v52  }
0x212: {  	v57 =	vshll.u32 v29, $0x2;
	v56 =	vor.u32 $0x2, v55;
	[tilespmem:$0x1C0B0] =	vst v54  }
0x213: {  	v59 =	vshll.u32 v30, $0x2;
	v58 =	vor.u32 $0x2, v57;
	[tilespmem:$0x1C0C0] =	vst v56  }
0x214: {  	v9 =	vmul.f32 v9, v9;
	v61 =	vshll.u32 v51, $0x2;
	v60 =	vor.u32 $0x3, v59;
	[tilespmem:$0x1C0D0] =	vst v58  }
0x215: {  	v10 =	vmul.f32 v10, v10;
	v62 =	vor.u32 $0x3, v61;
	[tilespmem:$0x1C0E0] =	vst v60  }
0x216: {  	v1 =	vadd.f32 v14, v1;
	v6 =	vadd.f32 v9, v6;
	v9 =	vmul.f32 v11, v11;
	s17 =	simm.s32 $0x1C080;
	s0 =	simm.s32 $0x0;
	[tilespmem:$0x1C0F0] =	vst v62  }
0x217: {  	v7 =	vadd.f32 v10, v7;
	v10 =	vmul.f32 v12, v12;
	v11 =	vmul.f32 v13, v13;
	[spmem:s1] =	stream.indirect.scatter.add.f32 [tilespmem:s25], [sflag:$0x7], $0x80, s17, s5, $0xb8;
	[tilespmem:$0x1C500] =	vst v63  }
0x218: {  	v5 =	vadd.f32 v9, v5;
	v9 =	vmul.f32 v16, v16;
	v12 =	vmul.f32 v17, v17;
	v13 =	vld [tilespmem:s0+$0xC070]  }
0x219: {  	v3 =	vadd.f32 v10, v3;
	v10 =	vmul.f32 v18, v18;
	v16 =	vmul.f32 v21, v21;
	v14 =	vld [tilespmem:s0+$0xC000]  }
0x21a: {  	v2 =	vadd.f32 v15, v2;
	v17 =	vmul.f32 v22, v22;
	v63 =	vmul.f32 v23, v23;
	v15 =	vld [tilespmem:s0+$0xC010]  }
0x21b: {  	v4 =	vadd.f32 v11, v4;
	v11 =	vmul.f32 v19, v19;
	v8 =	vadd.f32 v9, v8;
	v9 =	vld [tilespmem:s0+$0xC020]  }
0x21c: {  	v1 =	vadd.f32 v12, v1;
	v2 =	vadd.f32 v10, v2;
	v12 =	vmul.f32 v20, v20;
	v10 =	vld [tilespmem:s0+$0xC030]  }
0x21d: {  	v5 =	vadd.f32 v16, v5;
	v6 =	vadd.f32 v11, v6;
	v11 =	vld [tilespmem:s0+$0xC040];
	v16 =	vmul.f32 v13, v13  }
0x21e: {  	v3 =	vadd.f32 v17, v3;
	v7 =	vadd.f32 v12, v7;
	v12 =	vld [tilespmem:s0+$0xC050];
	v14 =	vmul.f32 v14, v14  }
0x21f: {  	s28 =	simm.s32 $0x400;
	v4 =	vadd.f32 v63, v4;
	s17 =	simm.s32 $0x80;
	v15 =	vmul.f32 v15, v15;
	v13 =	vld [tilespmem:s0+$0xC060];
	v8 =	vadd.f32 v16, v8  }
.LBB2_16:
0x220: {  	p0 =	sne.s32 s28, $0xFE00;
	v16 =	vld [tilespmem:s17+$0xC070];
	v1 =	vadd.f32 v14, v1;
	v9 =	vmul.f32 v9, v9  }
0x221: {  	v14 =	vld [tilespmem:s17+$0xC000];
	v2 =	vadd.f32 v15, v2;
	v10 =	vmul.f32 v10, v10  }
0x222: {  	v15 =	vld [tilespmem:s17+$0xC010];
	v6 =	vadd.f32 v9, v6;
	v11 =	vmul.f32 v11, v11  }
.Ltmp7:
0x223: {  	v9 =	vld [tilespmem:s17+$0xC020];
	v7 =	vadd.f32 v10, v7;
	v12 =	vmul.f32 v12, v12;
	(pc) =	sbr.rel @p0 .LBB2_16-.Ltmp7, $4  }
0x224: {  	v10 =	vld [tilespmem:s17+$0xC030];
	v5 =	vadd.f32 v11, v5;
	v13 =	vmul.f32 v13, v13  }
0x225: {  	v11 =	vld [tilespmem:s17+$0xC040];
	v16 =	vmul.f32 v16, v16;
	v3 =	vadd.f32 v12, v3  }
0x226: {  	v14 =	vmul.f32 v14, v14;
	v12 =	vld [tilespmem:s17+$0xC050];
	v4 =	vadd.f32 v13, v4  }
0x227: {  	v15 =	vmul.f32 v15, v15;
	v13 =	vld [tilespmem:s17+$0xC060];
	s17 =	sshra.s32 s28, $0x2;
	s28 =	sadd.s32 $0x200, s28;
	v8 =	vadd.f32 v16, v8  }
0x228: {  	v16 =	vld [tilespmem:s17+$0xC070]  }
0x229: {  	v17 =	vld [tilespmem:s17+$0xC000]  }
0x22a: {  	v18 =	vld [tilespmem:s17+$0xC010]  }
0x22b: {  	v19 =	vld [tilespmem:s17+$0xC020]  }
0x22c: {  	v20 =	vld [tilespmem:s17+$0xC030]  }
0x22d: {  	v21 =	vld [tilespmem:s17+$0xC040]  }
0x22e: {  	v22 =	vld [tilespmem:s17+$0xC050]  }
0x22f: {  	v23 =	vld [tilespmem:s17+$0xC060];
	_ =	swait.ge [sflag:s15], $0x4000  }
0x230: {  	s0 =	sld [smem:$0x7E2]  }
0x231: {  	[sflag:s15] =	ssyncset.done $0x0  }
0x232: {  	[sflag:s15] =	ssyncadd.s32 $0xFFFFC000  }
0x233: {  	[tilespmem:s14], [sflag:$0x5] =	stream.strided.gather [hbm4b:s0+s20], $0x1000, s21, s20, $0x38;
	[tilespmem:$0x1C500] =	vst v63  }
0x234: {  	s0 =	sld [smem:$0x7E3];
	_ =	sdelay $0x1  }
0x235: {  	s17 =	simm.s32 $0x19000  }
0x236: {  	[tilespmem:s17], [sflag:$0x5] =	stream.strided.gather [hbm4b:s0+s20], $0x1000, s21, s20, $0x38;
	[tilespmem:$0x1C500] =	vst v63  }
0x237: {  	s0 =	sld [smem:$0x7E4];
	_ =	sdelay $0x1  }
0x238: {  	s17 =	simm.s32 $0x1A000  }
0x239: {  	[tilespmem:s17], [sflag:$0x5] =	stream.strided.gather [hbm4b:s0+s20], $0x1000, s21, s20, $0x38;
	[tilespmem:$0x1C500] =	vst v63  }
0x23a: {  	s0 =	sld [smem:$0x7E5];
	_ =	sdelay $0x1  }
0x23b: {  	s17 =	simm.s32 $0x1B000  }
0x23c: {  	[tilespmem:s17], [sflag:$0x5] =	stream.strided.gather [hbm4b:s0+s20], $0x1000, s21, s20, $0x38;
	[tilespmem:$0x1C500] =	vst v63  }
0x23d: {  	_ =	swait.ge [sflag:s26], $0x1000  }
0x23e: {  	[sflag:s26] =	ssyncset.done $0x0  }
0x23f: {  	[sflag:s26] =	ssyncadd.s32 $0xFFFFF000  }
0x240: {  	_ =	swait.ge [sflag:s26], $0x1000  }
0x241: {  	[sflag:s26] =	ssyncset.done $0x0  }
0x242: {  	[sflag:s26] =	ssyncadd.s32 $0xFFFFF000  }
0x243: {  	_ =	swait.ge [sflag:s26], $0x1000  }
0x244: {  	[sflag:s26] =	ssyncset.done $0x0  }
0x245: {  	[sflag:s26] =	ssyncadd.s32 $0xFFFFF000  }
0x246: {  	_ =	swait.ge [sflag:s26], $0x1000  }
0x247: {  	[sflag:s26] =	ssyncset.done $0x0  }
0x248: {  	[sflag:s26] =	ssyncadd.s32 $0xFFFFF000  }
0x249: {  	v24 =	vld [tilespmem:$0x1C360]  }
0x24a: {  	v25 =	vld [tilespmem:$0x1C370]  }
0x24b: {  	v26 =	vld [tilespmem:$0x1C360]  }
0x24c: {  	v27 =	vld [tilespmem:$0x1C370]  }
0x24d: {  	v28 =	vld [tilespmem:$0x1C360]  }
0x24e: {  	v29 =	vld [tilespmem:$0x1C370]  }
0x24f: {  	v30 =	vld [tilespmem:$0x1C360];
	v24 =	vshll.u32 v24, $0x2  }
0x250: {  	v51 =	vld [tilespmem:$0x1C370];
	v49 =	vshll.u32 v25, $0x2;
	v50 =	vshll.u32 v26, $0x2;
	[tilespmem:$0x1C100] =	vst v24  }
0x251: {  	v53 =	vshll.u32 v27, $0x2;
	[tilespmem:$0x1C110] =	vst v49;
	v52 =	vor.u32 $0x1, v50  }
0x252: {  	v55 =	vshll.u32 v28, $0x2;
	v54 =	vor.u32 $0x1, v53;
	[tilespmem:$0x1C120] =	vst v52  }
0x253: {  	v57 =	vshll.u32 v29, $0x2;
	v56 =	vor.u32 $0x2, v55;
	[tilespmem:$0x1C130] =	vst v54  }
0x254: {  	v59 =	vshll.u32 v30, $0x2;
	v58 =	vor.u32 $0x2, v57;
	[tilespmem:$0x1C140] =	vst v56  }
0x255: {  	v9 =	vmul.f32 v9, v9;
	v61 =	vshll.u32 v51, $0x2;
	v60 =	vor.u32 $0x3, v59;
	[tilespmem:$0x1C150] =	vst v58  }
0x256: {  	v10 =	vmul.f32 v10, v10;
	v62 =	vor.u32 $0x3, v61;
	[tilespmem:$0x1C160] =	vst v60  }
0x257: {  	v1 =	vadd.f32 v14, v1;
	v6 =	vadd.f32 v9, v6;
	v9 =	vmul.f32 v11, v11;
	s17 =	simm.s32 $0x1C100;
	s0 =	simm.s32 $0x0;
	[tilespmem:$0x1C170] =	vst v62  }
0x258: {  	v7 =	vadd.f32 v10, v7;
	v10 =	vmul.f32 v12, v12;
	v11 =	vmul.f32 v13, v13;
	[spmem:s1] =	stream.indirect.scatter.add.f32 [tilespmem:s30], [sflag:$0x8], $0x80, s17, s5, $0xb8;
	[tilespmem:$0x1C500] =	vst v63  }
0x259: {  	v5 =	vadd.f32 v9, v5;
	v9 =	vmul.f32 v16, v16;
	v12 =	vmul.f32 v17, v17;
	v13 =	vld [tilespmem:s0+$0x10070]  }
0x25a: {  	v3 =	vadd.f32 v10, v3;
	v10 =	vmul.f32 v18, v18;
	v16 =	vmul.f32 v21, v21;
	v14 =	vld [tilespmem:s0+$0x10000]  }
0x25b: {  	v2 =	vadd.f32 v15, v2;
	v17 =	vmul.f32 v22, v22;
	v63 =	vmul.f32 v23, v23;
	v15 =	vld [tilespmem:s0+$0x10010]  }
0x25c: {  	v4 =	vadd.f32 v11, v4;
	v11 =	vmul.f32 v19, v19;
	v8 =	vadd.f32 v9, v8;
	v9 =	vld [tilespmem:s0+$0x10020]  }
0x25d: {  	v1 =	vadd.f32 v12, v1;
	v2 =	vadd.f32 v10, v2;
	v12 =	vmul.f32 v20, v20;
	v10 =	vld [tilespmem:s0+$0x10030]  }
0x25e: {  	v5 =	vadd.f32 v16, v5;
	v6 =	vadd.f32 v11, v6;
	v11 =	vld [tilespmem:s0+$0x10040];
	v16 =	vmul.f32 v13, v13  }
0x25f: {  	v3 =	vadd.f32 v17, v3;
	v7 =	vadd.f32 v12, v7;
	v12 =	vld [tilespmem:s0+$0x10050];
	v14 =	vmul.f32 v14, v14  }
0x260: {  	s28 =	simm.s32 $0x400;
	v4 =	vadd.f32 v63, v4;
	s17 =	simm.s32 $0x80;
	v15 =	vmul.f32 v15, v15;
	v13 =	vld [tilespmem:s0+$0x10060];
	v8 =	vadd.f32 v16, v8  }
.LBB2_18:
0x261: {  	p0 =	sne.s32 s28, $0xFE00;
	v16 =	vld [tilespmem:s17+$0x10070];
	v1 =	vadd.f32 v14, v1;
	v9 =	vmul.f32 v9, v9  }
0x262: {  	v14 =	vld [tilespmem:s17+$0x10000];
	v2 =	vadd.f32 v15, v2;
	v10 =	vmul.f32 v10, v10  }
0x263: {  	v15 =	vld [tilespmem:s17+$0x10010];
	v6 =	vadd.f32 v9, v6;
	v11 =	vmul.f32 v11, v11  }
.Ltmp8:
0x264: {  	v9 =	vld [tilespmem:s17+$0x10020];
	v7 =	vadd.f32 v10, v7;
	v12 =	vmul.f32 v12, v12;
	(pc) =	sbr.rel @p0 .LBB2_18-.Ltmp8, $4  }
0x265: {  	v10 =	vld [tilespmem:s17+$0x10030];
	v5 =	vadd.f32 v11, v5;
	v13 =	vmul.f32 v13, v13  }
0x266: {  	v11 =	vld [tilespmem:s17+$0x10040];
	v16 =	vmul.f32 v16, v16;
	v3 =	vadd.f32 v12, v3  }
0x267: {  	v14 =	vmul.f32 v14, v14;
	v12 =	vld [tilespmem:s17+$0x10050];
	v4 =	vadd.f32 v13, v4  }
0x268: {  	v15 =	vmul.f32 v15, v15;
	v13 =	vld [tilespmem:s17+$0x10060];
	s17 =	sshra.s32 s28, $0x2;
	s28 =	sadd.s32 $0x200, s28;
	v8 =	vadd.f32 v16, v8  }
0x269: {  	v16 =	vld [tilespmem:s17+$0x10070]  }
0x26a: {  	v17 =	vld [tilespmem:s17+$0x10000]  }
0x26b: {  	v18 =	vld [tilespmem:s17+$0x10010]  }
0x26c: {  	v19 =	vld [tilespmem:s17+$0x10020]  }
0x26d: {  	v20 =	vld [tilespmem:s17+$0x10030]  }
0x26e: {  	v21 =	vld [tilespmem:s17+$0x10040]  }
0x26f: {  	v22 =	vld [tilespmem:s17+$0x10050]  }
0x270: {  	v23 =	vld [tilespmem:s17+$0x10060];
	_ =	swait.ge [sflag:s29], $0x4000  }
0x271: {  	s0 =	sld [smem:$0x7E6]  }
0x272: {  	[sflag:s29] =	ssyncset.done $0x0  }
0x273: {  	s17 =	sld [smem:$0x7E7];
	[sflag:s29] =	ssyncadd.s32 $0xFFFFC000  }
0x274: {  	[tilespmem:s18], [sflag:$0x1] =	stream.strided.gather [hbm4b:s0+s20], $0x1000, s21, s20, $0x38;
	[tilespmem:$0x1C500] =	vst v63  }
0x275: {  	_ = 	snop  }
0x276: {  	[tilespmem:s22], [sflag:$0x1] =	stream.strided.gather [hbm4b:s17+s20], $0x1000, s21, s20, $0x38;
	[tilespmem:$0x1C500] =	vst v63  }
0x277: {  	s17 =	sld [smem:$0x7E8];
	_ =	sdelay $0x2  }
0x278: {  	[tilespmem:s23], [sflag:$0x1] =	stream.strided.gather [hbm4b:s17+s20], $0x1000, s21, s20, $0x38;
	[tilespmem:$0x1C500] =	vst v63  }
0x279: {  	s17 =	sld [smem:$0x7E9];
	_ =	sdelay $0x2  }
0x27a: {  	[tilespmem:s24], [sflag:$0x1] =	stream.strided.gather [hbm4b:s17+s20], $0x1000, s21, s20, $0x38;
	[tilespmem:$0x1C500] =	vst v63  }
0x27b: {  	_ =	swait.ge [sflag:s31], $0x1000  }
0x27c: {  	[sflag:s31] =	ssyncset.done $0x0  }
0x27d: {  	[sflag:s31] =	ssyncadd.s32 $0xFFFFF000  }
0x27e: {  	_ =	swait.ge [sflag:s31], $0x1000  }
0x27f: {  	[sflag:s31] =	ssyncset.done $0x0  }
0x280: {  	[sflag:s31] =	ssyncadd.s32 $0xFFFFF000  }
0x281: {  	_ =	swait.ge [sflag:s31], $0x1000  }
0x282: {  	[sflag:s31] =	ssyncset.done $0x0  }
0x283: {  	[sflag:s31] =	ssyncadd.s32 $0xFFFFF000  }
0x284: {  	_ =	swait.ge [sflag:s31], $0x1000  }
0x285: {  	[sflag:s31] =	ssyncset.done $0x0  }
0x286: {  	[sflag:s31] =	ssyncadd.s32 $0xFFFFF000  }
0x287: {  	v24 =	vld [tilespmem:$0x1C380]  }
0x288: {  	v25 =	vld [tilespmem:$0x1C390]  }
0x289: {  	v26 =	vld [tilespmem:$0x1C380]  }
0x28a: {  	v27 =	vld [tilespmem:$0x1C390]  }
0x28b: {  	v28 =	vld [tilespmem:$0x1C380]  }
0x28c: {  	v29 =	vld [tilespmem:$0x1C390]  }
0x28d: {  	v30 =	vld [tilespmem:$0x1C380];
	v24 =	vshll.u32 v24, $0x2  }
0x28e: {  	v51 =	vld [tilespmem:$0x1C390];
	v49 =	vshll.u32 v25, $0x2;
	v50 =	vshll.u32 v26, $0x2;
	[tilespmem:$0x1C180] =	vst v24  }
0x28f: {  	v53 =	vshll.u32 v27, $0x2;
	[tilespmem:$0x1C190] =	vst v49;
	v52 =	vor.u32 $0x1, v50  }
0x290: {  	v55 =	vshll.u32 v28, $0x2;
	v54 =	vor.u32 $0x1, v53;
	[tilespmem:$0x1C1A0] =	vst v52  }
0x291: {  	v57 =	vshll.u32 v29, $0x2;
	v56 =	vor.u32 $0x2, v55;
	[tilespmem:$0x1C1B0] =	vst v54  }
0x292: {  	v59 =	vshll.u32 v30, $0x2;
	v58 =	vor.u32 $0x2, v57;
	[tilespmem:$0x1C1C0] =	vst v56  }
0x293: {  	v9 =	vmul.f32 v9, v9;
	v61 =	vshll.u32 v51, $0x2;
	v60 =	vor.u32 $0x3, v59;
	[tilespmem:$0x1C1D0] =	vst v58  }
0x294: {  	v10 =	vmul.f32 v10, v10;
	v62 =	vor.u32 $0x3, v61;
	[tilespmem:$0x1C1E0] =	vst v60  }
0x295: {  	v1 =	vadd.f32 v14, v1;
	v6 =	vadd.f32 v9, v6;
	v9 =	vmul.f32 v11, v11;
	s0 =	simm.s32 $0x0;
	s17 =	simm.s32 $0x1C180;
	[tilespmem:$0x1C1F0] =	vst v62  }
0x296: {  	v7 =	vadd.f32 v10, v7;
	v10 =	vmul.f32 v12, v12;
	v11 =	vmul.f32 v13, v13;
	[spmem:s1] =	stream.indirect.scatter.add.f32 [tilespmem:s8], [sflag:$0x9], $0x80, s17, s5, $0xb8;
	[tilespmem:$0x1C500] =	vst v63  }
0x297: {  	v5 =	vadd.f32 v9, v5;
	v9 =	vmul.f32 v16, v16;
	v12 =	vmul.f32 v17, v17;
	v13 =	vld [tilespmem:s0+$0x14070]  }
0x298: {  	v3 =	vadd.f32 v10, v3;
	v10 =	vmul.f32 v18, v18;
	v16 =	vmul.f32 v21, v21;
	v14 =	vld [tilespmem:s0+$0x14000]  }
0x299: {  	v2 =	vadd.f32 v15, v2;
	v17 =	vmul.f32 v22, v22;
	v63 =	vmul.f32 v23, v23;
	v15 =	vld [tilespmem:s0+$0x14010]  }
0x29a: {  	v4 =	vadd.f32 v11, v4;
	v11 =	vmul.f32 v19, v19;
	v8 =	vadd.f32 v9, v8;
	v9 =	vld [tilespmem:s0+$0x14020]  }
0x29b: {  	v1 =	vadd.f32 v12, v1;
	v2 =	vadd.f32 v10, v2;
	v12 =	vmul.f32 v20, v20;
	v10 =	vld [tilespmem:s0+$0x14030]  }
0x29c: {  	v5 =	vadd.f32 v16, v5;
	v6 =	vadd.f32 v11, v6;
	v11 =	vld [tilespmem:s0+$0x14040];
	v16 =	vmul.f32 v13, v13  }
0x29d: {  	v3 =	vadd.f32 v17, v3;
	v7 =	vadd.f32 v12, v7;
	v12 =	vld [tilespmem:s0+$0x14050];
	v14 =	vmul.f32 v14, v14  }
0x29e: {  	s28 =	simm.s32 $0x400;
	v4 =	vadd.f32 v63, v4;
	s17 =	simm.s32 $0x80;
	v15 =	vmul.f32 v15, v15;
	v13 =	vld [tilespmem:s0+$0x14060];
	v8 =	vadd.f32 v16, v8  }
.LBB2_20:
0x29f: {  	p0 =	sne.s32 s28, $0xFE00;
	v16 =	vld [tilespmem:s17+$0x14070];
	v1 =	vadd.f32 v14, v1;
	v9 =	vmul.f32 v9, v9  }
0x2a0: {  	v14 =	vld [tilespmem:s17+$0x14000];
	v2 =	vadd.f32 v15, v2;
	v10 =	vmul.f32 v10, v10  }
0x2a1: {  	v15 =	vld [tilespmem:s17+$0x14010];
	v6 =	vadd.f32 v9, v6;
	v11 =	vmul.f32 v11, v11  }
.Ltmp9:
0x2a2: {  	v9 =	vld [tilespmem:s17+$0x14020];
	v7 =	vadd.f32 v10, v7;
	v12 =	vmul.f32 v12, v12;
	(pc) =	sbr.rel @p0 .LBB2_20-.Ltmp9, $4  }
0x2a3: {  	v10 =	vld [tilespmem:s17+$0x14030];
	v5 =	vadd.f32 v11, v5;
	v13 =	vmul.f32 v13, v13  }
0x2a4: {  	v11 =	vld [tilespmem:s17+$0x14040];
	v16 =	vmul.f32 v16, v16;
	v3 =	vadd.f32 v12, v3  }
0x2a5: {  	v14 =	vmul.f32 v14, v14;
	v12 =	vld [tilespmem:s17+$0x14050];
	v4 =	vadd.f32 v13, v4  }
0x2a6: {  	v15 =	vmul.f32 v15, v15;
	v13 =	vld [tilespmem:s17+$0x14060];
	s17 =	sshra.s32 s28, $0x2;
	s28 =	sadd.s32 $0x200, s28;
	v8 =	vadd.f32 v16, v8  }
0x2a7: {  	v16 =	vld [tilespmem:s17+$0x14070]  }
0x2a8: {  	v17 =	vld [tilespmem:s17+$0x14000]  }
0x2a9: {  	v18 =	vld [tilespmem:s17+$0x14010]  }
0x2aa: {  	v19 =	vld [tilespmem:s17+$0x14020]  }
0x2ab: {  	v20 =	vld [tilespmem:s17+$0x14030]  }
0x2ac: {  	v21 =	vld [tilespmem:s17+$0x14040]  }
0x2ad: {  	v22 =	vld [tilespmem:s17+$0x14050]  }
0x2ae: {  	v23 =	vld [tilespmem:s17+$0x14060];
	_ =	swait.ge [sflag:s3], $0x4000  }
0x2af: {  	s0 =	sld [smem:$0x7EA]  }
0x2b0: {  	[sflag:s3] =	ssyncset.done $0x0  }
0x2b1: {  	[sflag:s3] =	ssyncadd.s32 $0xFFFFC000  }
0x2b2: {  	[tilespmem:s25], [sflag:$0x2] =	stream.strided.gather [hbm4b:s0+s20], $0x1000, s21, s20, $0x38;
	[tilespmem:$0x1C500] =	vst v63  }
0x2b3: {  	s0 =	sld [smem:$0x7EB];
	_ =	sdelay $0x1  }
0x2b4: {  	s17 =	simm.s32 $0xD000  }
0x2b5: {  	[tilespmem:s17], [sflag:$0x2] =	stream.strided.gather [hbm4b:s0+s20], $0x1000, s21, s20, $0x38;
	[tilespmem:$0x1C500] =	vst v63  }
0x2b6: {  	s0 =	sld [smem:$0x7EC];
	_ =	sdelay $0x1  }
0x2b7: {  	s17 =	simm.s32 $0xE000  }
0x2b8: {  	[tilespmem:s17], [sflag:$0x2] =	stream.strided.gather [hbm4b:s0+s20], $0x1000, s21, s20, $0x38;
	[tilespmem:$0x1C500] =	vst v63  }
0x2b9: {  	s0 =	sld [smem:$0x7ED];
	_ =	sdelay $0x1  }
0x2ba: {  	s17 =	simm.s32 $0xF000  }
0x2bb: {  	[tilespmem:s17], [sflag:$0x2] =	stream.strided.gather [hbm4b:s0+s20], $0x1000, s21, s20, $0x38;
	[tilespmem:$0x1C500] =	vst v63  }
0x2bc: {  	_ =	swait.ge [sflag:s9], $0x1000  }
0x2bd: {  	[sflag:s9] =	ssyncset.done $0x0  }
0x2be: {  	[sflag:s9] =	ssyncadd.s32 $0xFFFFF000  }
0x2bf: {  	_ =	swait.ge [sflag:s9], $0x1000  }
0x2c0: {  	[sflag:s9] =	ssyncset.done $0x0  }
0x2c1: {  	[sflag:s9] =	ssyncadd.s32 $0xFFFFF000  }
0x2c2: {  	_ =	swait.ge [sflag:s9], $0x1000  }
0x2c3: {  	[sflag:s9] =	ssyncset.done $0x0  }
0x2c4: {  	[sflag:s9] =	ssyncadd.s32 $0xFFFFF000  }
0x2c5: {  	_ =	swait.ge [sflag:s9], $0x1000  }
0x2c6: {  	[sflag:s9] =	ssyncset.done $0x0  }
0x2c7: {  	[sflag:s9] =	ssyncadd.s32 $0xFFFFF000  }
0x2c8: {  	v24 =	vld [tilespmem:$0x1C3A0]  }
0x2c9: {  	v25 =	vld [tilespmem:$0x1C3B0]  }
0x2ca: {  	v26 =	vld [tilespmem:$0x1C3A0]  }
0x2cb: {  	v27 =	vld [tilespmem:$0x1C3B0]  }
0x2cc: {  	v28 =	vld [tilespmem:$0x1C3A0]  }
0x2cd: {  	v29 =	vld [tilespmem:$0x1C3B0]  }
0x2ce: {  	v30 =	vld [tilespmem:$0x1C3A0];
	v24 =	vshll.u32 v24, $0x2  }
0x2cf: {  	v51 =	vld [tilespmem:$0x1C3B0];
	v49 =	vshll.u32 v25, $0x2;
	v50 =	vshll.u32 v26, $0x2;
	[tilespmem:$0x1C200] =	vst v24  }
0x2d0: {  	v53 =	vshll.u32 v27, $0x2;
	[tilespmem:$0x1C210] =	vst v49;
	v52 =	vor.u32 $0x1, v50  }
0x2d1: {  	v55 =	vshll.u32 v28, $0x2;
	v54 =	vor.u32 $0x1, v53;
	[tilespmem:$0x1C220] =	vst v52  }
0x2d2: {  	v57 =	vshll.u32 v29, $0x2;
	v56 =	vor.u32 $0x2, v55;
	[tilespmem:$0x1C230] =	vst v54  }
0x2d3: {  	v59 =	vshll.u32 v30, $0x2;
	v58 =	vor.u32 $0x2, v57;
	[tilespmem:$0x1C240] =	vst v56  }
0x2d4: {  	v9 =	vmul.f32 v9, v9;
	v61 =	vshll.u32 v51, $0x2;
	v60 =	vor.u32 $0x3, v59;
	[tilespmem:$0x1C250] =	vst v58  }
0x2d5: {  	v10 =	vmul.f32 v10, v10;
	v62 =	vor.u32 $0x3, v61;
	[tilespmem:$0x1C260] =	vst v60  }
0x2d6: {  	v1 =	vadd.f32 v14, v1;
	v6 =	vadd.f32 v9, v6;
	v9 =	vmul.f32 v11, v11;
	s0 =	simm.s32 $0x0;
	[tilespmem:$0x1C270] =	vst v62  }
0x2d7: {  	v7 =	vadd.f32 v10, v7;
	v10 =	vmul.f32 v12, v12;
	v11 =	vmul.f32 v13, v13;
	[spmem:s1] =	stream.indirect.scatter.add.f32 [tilespmem:s14], [sflag:$0xA], $0x80, s10, s5, $0xb8;
	[tilespmem:$0x1C500] =	vst v63  }
0x2d8: {  	v5 =	vadd.f32 v9, v5;
	v9 =	vmul.f32 v16, v16;
	v12 =	vmul.f32 v17, v17;
	v13 =	vld [tilespmem:s0+$0x18070]  }
0x2d9: {  	v3 =	vadd.f32 v10, v3;
	v10 =	vmul.f32 v18, v18;
	v16 =	vmul.f32 v21, v21;
	v14 =	vld [tilespmem:s0+$0x18000]  }
0x2da: {  	v2 =	vadd.f32 v15, v2;
	v17 =	vmul.f32 v22, v22;
	v63 =	vmul.f32 v23, v23;
	v15 =	vld [tilespmem:s0+$0x18010]  }
0x2db: {  	v4 =	vadd.f32 v11, v4;
	v11 =	vmul.f32 v19, v19;
	v8 =	vadd.f32 v9, v8;
	v9 =	vld [tilespmem:s0+$0x18020]  }
0x2dc: {  	v1 =	vadd.f32 v12, v1;
	v2 =	vadd.f32 v10, v2;
	v12 =	vmul.f32 v20, v20;
	v10 =	vld [tilespmem:s0+$0x18030]  }
0x2dd: {  	v5 =	vadd.f32 v16, v5;
	v6 =	vadd.f32 v11, v6;
	v11 =	vld [tilespmem:s0+$0x18040];
	v16 =	vmul.f32 v13, v13  }
0x2de: {  	v3 =	vadd.f32 v17, v3;
	v7 =	vadd.f32 v12, v7;
	v12 =	vld [tilespmem:s0+$0x18050];
	v14 =	vmul.f32 v14, v14  }
0x2df: {  	s28 =	simm.s32 $0x400;
	v4 =	vadd.f32 v63, v4;
	s17 =	simm.s32 $0x80;
	v15 =	vmul.f32 v15, v15;
	v13 =	vld [tilespmem:s0+$0x18060];
	v8 =	vadd.f32 v16, v8  }
.LBB2_22:
0x2e0: {  	p0 =	sne.s32 s28, $0xFE00;
	v16 =	vld [tilespmem:s17+$0x18070];
	v1 =	vadd.f32 v14, v1;
	v9 =	vmul.f32 v9, v9  }
0x2e1: {  	v14 =	vld [tilespmem:s17+$0x18000];
	v2 =	vadd.f32 v15, v2;
	v10 =	vmul.f32 v10, v10  }
0x2e2: {  	v15 =	vld [tilespmem:s17+$0x18010];
	v6 =	vadd.f32 v9, v6;
	v11 =	vmul.f32 v11, v11  }
.Ltmp10:
0x2e3: {  	v9 =	vld [tilespmem:s17+$0x18020];
	v7 =	vadd.f32 v10, v7;
	v12 =	vmul.f32 v12, v12;
	(pc) =	sbr.rel @p0 .LBB2_22-.Ltmp10, $4  }
0x2e4: {  	v10 =	vld [tilespmem:s17+$0x18030];
	v5 =	vadd.f32 v11, v5;
	v13 =	vmul.f32 v13, v13  }
0x2e5: {  	v11 =	vld [tilespmem:s17+$0x18040];
	v16 =	vmul.f32 v16, v16;
	v3 =	vadd.f32 v12, v3  }
0x2e6: {  	v14 =	vmul.f32 v14, v14;
	v12 =	vld [tilespmem:s17+$0x18050];
	v4 =	vadd.f32 v13, v4  }
0x2e7: {  	v15 =	vmul.f32 v15, v15;
	v13 =	vld [tilespmem:s17+$0x18060];
	s17 =	sshra.s32 s28, $0x2;
	s28 =	sadd.s32 $0x200, s28;
	v8 =	vadd.f32 v16, v8  }
0x2e8: {  	v16 =	vld [tilespmem:s17+$0x18070]  }
0x2e9: {  	v17 =	vld [tilespmem:s17+$0x18000]  }
0x2ea: {  	v18 =	vld [tilespmem:s17+$0x18010]  }
0x2eb: {  	v19 =	vld [tilespmem:s17+$0x18020]  }
0x2ec: {  	v20 =	vld [tilespmem:s17+$0x18030]  }
0x2ed: {  	v21 =	vld [tilespmem:s17+$0x18040]  }
0x2ee: {  	v22 =	vld [tilespmem:s17+$0x18050]  }
0x2ef: {  	v23 =	vld [tilespmem:s17+$0x18060];
	_ =	swait.ge [sflag:s11], $0x4000  }
0x2f0: {  	s0 =	sld [smem:$0x7EE]  }
0x2f1: {  	[sflag:s11] =	ssyncset.done $0x0  }
0x2f2: {  	[sflag:s11] =	ssyncadd.s32 $0xFFFFC000  }
0x2f3: {  	[tilespmem:s30], [sflag:$0x3] =	stream.strided.gather [hbm4b:s0+s20], $0x1000, s21, s20, $0x38;
	[tilespmem:$0x1C500] =	vst v63  }
0x2f4: {  	s0 =	sld [smem:$0x7EF];
	_ =	sdelay $0x1  }
0x2f5: {  	s17 =	simm.s32 $0x11000  }
0x2f6: {  	[tilespmem:s17], [sflag:$0x3] =	stream.strided.gather [hbm4b:s0+s20], $0x1000, s21, s20, $0x38;
	[tilespmem:$0x1C500] =	vst v63  }
0x2f7: {  	s0 =	sld [smem:$0x7F0];
	_ =	sdelay $0x1  }
0x2f8: {  	s17 =	simm.s32 $0x12000  }
0x2f9: {  	[tilespmem:s17], [sflag:$0x3] =	stream.strided.gather [hbm4b:s0+s20], $0x1000, s21, s20, $0x38;
	[tilespmem:$0x1C500] =	vst v63  }
0x2fa: {  	s0 =	sld [smem:$0x7F1];
	_ =	sdelay $0x1  }
0x2fb: {  	s17 =	simm.s32 $0x13000  }
0x2fc: {  	[tilespmem:s17], [sflag:$0x3] =	stream.strided.gather [hbm4b:s0+s20], $0x1000, s21, s20, $0x38;
	[tilespmem:$0x1C500] =	vst v63  }
0x2fd: {  	_ =	swait.ge [sflag:s2], $0x1000  }
0x2fe: {  	[sflag:s2] =	ssyncset.done $0x0  }
0x2ff: {  	[sflag:s2] =	ssyncadd.s32 $0xFFFFF000  }
0x300: {  	_ =	swait.ge [sflag:s2], $0x1000  }
0x301: {  	[sflag:s2] =	ssyncset.done $0x0  }
0x302: {  	[sflag:s2] =	ssyncadd.s32 $0xFFFFF000  }
0x303: {  	_ =	swait.ge [sflag:s2], $0x1000  }
0x304: {  	[sflag:s2] =	ssyncset.done $0x0  }
0x305: {  	[sflag:s2] =	ssyncadd.s32 $0xFFFFF000  }
0x306: {  	_ =	swait.ge [sflag:s2], $0x1000  }
0x307: {  	[sflag:s2] =	ssyncset.done $0x0  }
0x308: {  	[sflag:s2] =	ssyncadd.s32 $0xFFFFF000  }
0x309: {  	v24 =	vld [tilespmem:$0x1C3C0]  }
0x30a: {  	v25 =	vld [tilespmem:$0x1C3D0]  }
0x30b: {  	v26 =	vld [tilespmem:$0x1C3C0]  }
0x30c: {  	v27 =	vld [tilespmem:$0x1C3D0]  }
0x30d: {  	v28 =	vld [tilespmem:$0x1C3C0]  }
0x30e: {  	v29 =	vld [tilespmem:$0x1C3D0]  }
0x30f: {  	v30 =	vld [tilespmem:$0x1C3C0];
	v24 =	vshll.u32 v24, $0x2  }
0x310: {  	v51 =	vld [tilespmem:$0x1C3D0];
	v49 =	vshll.u32 v25, $0x2;
	v50 =	vshll.u32 v26, $0x2;
	[tilespmem:$0x1C000] =	vst v24  }
0x311: {  	v53 =	vshll.u32 v27, $0x2;
	[tilespmem:$0x1C010] =	vst v49;
	v52 =	vor.u32 $0x1, v50  }
0x312: {  	v55 =	vshll.u32 v28, $0x2;
	v54 =	vor.u32 $0x1, v53;
	[tilespmem:$0x1C020] =	vst v52  }
0x313: {  	v57 =	vshll.u32 v29, $0x2;
	v56 =	vor.u32 $0x2, v55;
	[tilespmem:$0x1C030] =	vst v54  }
0x314: {  	v59 =	vshll.u32 v30, $0x2;
	v58 =	vor.u32 $0x2, v57;
	[tilespmem:$0x1C040] =	vst v56  }
0x315: {  	v9 =	vmul.f32 v9, v9;
	v61 =	vshll.u32 v51, $0x2;
	v60 =	vor.u32 $0x3, v59;
	[tilespmem:$0x1C050] =	vst v58  }
0x316: {  	v10 =	vmul.f32 v10, v10;
	v62 =	vor.u32 $0x3, v61;
	[tilespmem:$0x1C060] =	vst v60  }
0x317: {  	v1 =	vadd.f32 v14, v1;
	v6 =	vadd.f32 v9, v6;
	v9 =	vmul.f32 v11, v11;
	s0 =	simm.s32 $0x0;
	[tilespmem:$0x1C070] =	vst v62  }
0x318: {  	v7 =	vadd.f32 v10, v7;
	v10 =	vmul.f32 v12, v12;
	v11 =	vmul.f32 v13, v13;
	[spmem:s1] =	stream.indirect.scatter.add.f32 [tilespmem:s18], [sflag:$0x6], $0x80, s7, s5, $0xb8;
	[tilespmem:$0x1C500] =	vst v63  }
0x319: {  	v5 =	vadd.f32 v9, v5;
	v9 =	vmul.f32 v16, v16;
	v12 =	vmul.f32 v17, v17;
	v13 =	vld [tilespmem:s0+$0x8070]  }
0x31a: {  	v3 =	vadd.f32 v10, v3;
	v10 =	vmul.f32 v18, v18;
	v16 =	vmul.f32 v21, v21;
	v14 =	vld [tilespmem:s0+$0x8000]  }
0x31b: {  	v2 =	vadd.f32 v15, v2;
	v17 =	vmul.f32 v22, v22;
	v63 =	vmul.f32 v23, v23;
	v15 =	vld [tilespmem:s0+$0x8010]  }
0x31c: {  	v4 =	vadd.f32 v11, v4;
	v11 =	vmul.f32 v19, v19;
	v8 =	vadd.f32 v9, v8;
	v9 =	vld [tilespmem:s0+$0x8020]  }
0x31d: {  	v1 =	vadd.f32 v12, v1;
	v2 =	vadd.f32 v10, v2;
	v12 =	vmul.f32 v20, v20;
	v10 =	vld [tilespmem:s0+$0x8030]  }
0x31e: {  	v5 =	vadd.f32 v16, v5;
	v6 =	vadd.f32 v11, v6;
	v11 =	vld [tilespmem:s0+$0x8040];
	v16 =	vmul.f32 v13, v13  }
0x31f: {  	v3 =	vadd.f32 v17, v3;
	v7 =	vadd.f32 v12, v7;
	v12 =	vld [tilespmem:s0+$0x8050];
	v14 =	vmul.f32 v14, v14  }
0x320: {  	s28 =	simm.s32 $0x400;
	v4 =	vadd.f32 v63, v4;
	s17 =	simm.s32 $0x80;
	v15 =	vmul.f32 v15, v15;
	v13 =	vld [tilespmem:s0+$0x8060];
	v8 =	vadd.f32 v16, v8  }
.LBB2_24:
0x321: {  	p0 =	sne.s32 s28, $0xFE00;
	v16 =	vld [tilespmem:s17+$0x8070];
	v1 =	vadd.f32 v14, v1;
	v9 =	vmul.f32 v9, v9  }
0x322: {  	v14 =	vld [tilespmem:s17+$0x8000];
	v2 =	vadd.f32 v15, v2;
	v10 =	vmul.f32 v10, v10  }
0x323: {  	v15 =	vld [tilespmem:s17+$0x8010];
	v6 =	vadd.f32 v9, v6;
	v11 =	vmul.f32 v11, v11  }
.Ltmp11:
0x324: {  	v9 =	vld [tilespmem:s17+$0x8020];
	v7 =	vadd.f32 v10, v7;
	v12 =	vmul.f32 v12, v12;
	(pc) =	sbr.rel @p0 .LBB2_24-.Ltmp11, $4  }
0x325: {  	v10 =	vld [tilespmem:s17+$0x8030];
	v5 =	vadd.f32 v11, v5;
	v13 =	vmul.f32 v13, v13  }
0x326: {  	v11 =	vld [tilespmem:s17+$0x8040];
	v16 =	vmul.f32 v16, v16;
	v3 =	vadd.f32 v12, v3  }
0x327: {  	v14 =	vmul.f32 v14, v14;
	v12 =	vld [tilespmem:s17+$0x8050];
	v4 =	vadd.f32 v13, v4  }
0x328: {  	v15 =	vmul.f32 v15, v15;
	v13 =	vld [tilespmem:s17+$0x8060];
	s17 =	sshra.s32 s28, $0x2;
	s28 =	sadd.s32 $0x200, s28;
	v8 =	vadd.f32 v16, v8  }
0x329: {  	v16 =	vld [tilespmem:s17+$0x8070]  }
0x32a: {  	v17 =	vld [tilespmem:s17+$0x8000]  }
0x32b: {  	v18 =	vld [tilespmem:s17+$0x8010]  }
0x32c: {  	v19 =	vld [tilespmem:s17+$0x8020]  }
0x32d: {  	v20 =	vld [tilespmem:s17+$0x8030]  }
0x32e: {  	v21 =	vld [tilespmem:s17+$0x8040]  }
0x32f: {  	v22 =	vld [tilespmem:s17+$0x8050]  }
0x330: {  	v23 =	vld [tilespmem:s17+$0x8060];
	_ =	swait.ge [sflag:s13], $0x4000  }
0x331: {  	s0 =	sld [smem:$0x7F2]  }
0x332: {  	[sflag:s13] =	ssyncset.done $0x0  }
0x333: {  	[sflag:s13] =	ssyncadd.s32 $0xFFFFC000  }
0x334: {  	[tilespmem:s8], [sflag:$0x4] =	stream.strided.gather [hbm4b:s0+s20], $0x1000, s21, s20, $0x38;
	[tilespmem:$0x1C500] =	vst v63  }
0x335: {  	s0 =	sld [smem:$0x7F3];
	_ =	sdelay $0x1  }
0x336: {  	s17 =	simm.s32 $0x15000  }
0x337: {  	[tilespmem:s17], [sflag:$0x4] =	stream.strided.gather [hbm4b:s0+s20], $0x1000, s21, s20, $0x38;
	[tilespmem:$0x1C500] =	vst v63  }
0x338: {  	s0 =	sld [smem:$0x7F4];
	_ =	sdelay $0x1  }
0x339: {  	s17 =	simm.s32 $0x16000  }
0x33a: {  	[tilespmem:s17], [sflag:$0x4] =	stream.strided.gather [hbm4b:s0+s20], $0x1000, s21, s20, $0x38;
	[tilespmem:$0x1C500] =	vst v63  }
0x33b: {  	s0 =	sld [smem:$0x7F5];
	_ =	sdelay $0x1  }
0x33c: {  	s17 =	simm.s32 $0x17000  }
0x33d: {  	[tilespmem:s17], [sflag:$0x4] =	stream.strided.gather [hbm4b:s0+s20], $0x1000, s21, s20, $0x38;
	[tilespmem:$0x1C500] =	vst v63  }
0x33e: {  	_ =	swait.ge [sflag:s12], $0x1000  }
0x33f: {  	[sflag:s12] =	ssyncset.done $0x0  }
0x340: {  	[sflag:s12] =	ssyncadd.s32 $0xFFFFF000  }
0x341: {  	_ =	swait.ge [sflag:s12], $0x1000  }
0x342: {  	[sflag:s12] =	ssyncset.done $0x0  }
0x343: {  	[sflag:s12] =	ssyncadd.s32 $0xFFFFF000  }
0x344: {  	_ =	swait.ge [sflag:s12], $0x1000  }
0x345: {  	[sflag:s12] =	ssyncset.done $0x0  }
0x346: {  	[sflag:s12] =	ssyncadd.s32 $0xFFFFF000  }
0x347: {  	_ =	swait.ge [sflag:s12], $0x1000  }
0x348: {  	[sflag:s12] =	ssyncset.done $0x0  }
0x349: {  	[sflag:s12] =	ssyncadd.s32 $0xFFFFF000  }
0x34a: {  	v24 =	vld [tilespmem:$0x1C3E0]  }
0x34b: {  	v25 =	vld [tilespmem:$0x1C3F0]  }
0x34c: {  	v26 =	vld [tilespmem:$0x1C3E0]  }
0x34d: {  	v27 =	vld [tilespmem:$0x1C3F0]  }
0x34e: {  	v28 =	vld [tilespmem:$0x1C3E0]  }
0x34f: {  	v29 =	vld [tilespmem:$0x1C3F0]  }
0x350: {  	v30 =	vld [tilespmem:$0x1C3E0];
	v24 =	vshll.u32 v24, $0x2  }
0x351: {  	v51 =	vld [tilespmem:$0x1C3F0];
	v49 =	vshll.u32 v25, $0x2;
	v50 =	vshll.u32 v26, $0x2;
	[tilespmem:$0x1C080] =	vst v24  }
0x352: {  	v53 =	vshll.u32 v27, $0x2;
	[tilespmem:$0x1C090] =	vst v49;
	v52 =	vor.u32 $0x1, v50  }
0x353: {  	v55 =	vshll.u32 v28, $0x2;
	v54 =	vor.u32 $0x1, v53;
	[tilespmem:$0x1C0A0] =	vst v52  }
0x354: {  	v57 =	vshll.u32 v29, $0x2;
	v56 =	vor.u32 $0x2, v55;
	[tilespmem:$0x1C0B0] =	vst v54  }
0x355: {  	v59 =	vshll.u32 v30, $0x2;
	v58 =	vor.u32 $0x2, v57;
	[tilespmem:$0x1C0C0] =	vst v56  }
0x356: {  	v9 =	vmul.f32 v9, v9;
	v61 =	vshll.u32 v51, $0x2;
	v60 =	vor.u32 $0x3, v59;
	[tilespmem:$0x1C0D0] =	vst v58  }
0x357: {  	v10 =	vmul.f32 v10, v10;
	v62 =	vor.u32 $0x3, v61;
	[tilespmem:$0x1C0E0] =	vst v60  }
0x358: {  	v1 =	vadd.f32 v14, v1;
	v6 =	vadd.f32 v9, v6;
	v9 =	vmul.f32 v11, v11;
	s17 =	simm.s32 $0x1C080;
	s0 =	simm.s32 $0x0;
	[tilespmem:$0x1C0F0] =	vst v62  }
0x359: {  	v7 =	vadd.f32 v10, v7;
	v10 =	vmul.f32 v12, v12;
	v11 =	vmul.f32 v13, v13;
	[spmem:s1] =	stream.indirect.scatter.add.f32 [tilespmem:s25], [sflag:$0x7], $0x80, s17, s5, $0xb8;
	[tilespmem:$0x1C500] =	vst v63  }
0x35a: {  	v5 =	vadd.f32 v9, v5;
	v9 =	vmul.f32 v16, v16;
	v12 =	vmul.f32 v17, v17;
	v13 =	vld [tilespmem:s0+$0xC070]  }
0x35b: {  	v3 =	vadd.f32 v10, v3;
	v10 =	vmul.f32 v18, v18;
	v16 =	vmul.f32 v21, v21;
	v14 =	vld [tilespmem:s0+$0xC000]  }
0x35c: {  	v2 =	vadd.f32 v15, v2;
	v17 =	vmul.f32 v22, v22;
	v63 =	vmul.f32 v23, v23;
	v15 =	vld [tilespmem:s0+$0xC010]  }
0x35d: {  	v4 =	vadd.f32 v11, v4;
	v11 =	vmul.f32 v19, v19;
	v8 =	vadd.f32 v9, v8;
	v9 =	vld [tilespmem:s0+$0xC020]  }
0x35e: {  	v1 =	vadd.f32 v12, v1;
	v2 =	vadd.f32 v10, v2;
	v12 =	vmul.f32 v20, v20;
	v10 =	vld [tilespmem:s0+$0xC030]  }
0x35f: {  	v5 =	vadd.f32 v16, v5;
	v6 =	vadd.f32 v11, v6;
	v11 =	vld [tilespmem:s0+$0xC040];
	v16 =	vmul.f32 v13, v13  }
0x360: {  	v3 =	vadd.f32 v17, v3;
	v7 =	vadd.f32 v12, v7;
	v12 =	vld [tilespmem:s0+$0xC050];
	v14 =	vmul.f32 v14, v14  }
0x361: {  	s28 =	simm.s32 $0x400;
	v4 =	vadd.f32 v63, v4;
	s17 =	simm.s32 $0x80;
	v15 =	vmul.f32 v15, v15;
	v13 =	vld [tilespmem:s0+$0xC060];
	v8 =	vadd.f32 v16, v8  }
.LBB2_26:
0x362: {  	p0 =	sne.s32 s28, $0xFE00;
	v16 =	vld [tilespmem:s17+$0xC070];
	v1 =	vadd.f32 v14, v1;
	v9 =	vmul.f32 v9, v9  }
0x363: {  	v14 =	vld [tilespmem:s17+$0xC000];
	v2 =	vadd.f32 v15, v2;
	v10 =	vmul.f32 v10, v10  }
0x364: {  	v15 =	vld [tilespmem:s17+$0xC010];
	v6 =	vadd.f32 v9, v6;
	v11 =	vmul.f32 v11, v11  }
.Ltmp12:
0x365: {  	v9 =	vld [tilespmem:s17+$0xC020];
	v7 =	vadd.f32 v10, v7;
	v12 =	vmul.f32 v12, v12;
	(pc) =	sbr.rel @p0 .LBB2_26-.Ltmp12, $4  }
0x366: {  	v10 =	vld [tilespmem:s17+$0xC030];
	v5 =	vadd.f32 v11, v5;
	v13 =	vmul.f32 v13, v13  }
0x367: {  	v11 =	vld [tilespmem:s17+$0xC040];
	v16 =	vmul.f32 v16, v16;
	v3 =	vadd.f32 v12, v3  }
0x368: {  	v14 =	vmul.f32 v14, v14;
	v12 =	vld [tilespmem:s17+$0xC050];
	v4 =	vadd.f32 v13, v4  }
0x369: {  	v15 =	vmul.f32 v15, v15;
	v13 =	vld [tilespmem:s17+$0xC060];
	s17 =	sshra.s32 s28, $0x2;
	s28 =	sadd.s32 $0x200, s28;
	v8 =	vadd.f32 v16, v8  }
0x36a: {  	v16 =	vld [tilespmem:s17+$0xC070]  }
0x36b: {  	v17 =	vld [tilespmem:s17+$0xC000]  }
0x36c: {  	v18 =	vld [tilespmem:s17+$0xC010]  }
0x36d: {  	v19 =	vld [tilespmem:s17+$0xC020]  }
0x36e: {  	v20 =	vld [tilespmem:s17+$0xC030]  }
0x36f: {  	v21 =	vld [tilespmem:s17+$0xC040]  }
0x370: {  	v22 =	vld [tilespmem:s17+$0xC050]  }
0x371: {  	v23 =	vld [tilespmem:s17+$0xC060];
	_ =	swait.ge [sflag:s15], $0x4000  }
0x372: {  	s0 =	sld [smem:$0x7F6]  }
0x373: {  	[sflag:s15] =	ssyncset.done $0x0  }
0x374: {  	[sflag:s15] =	ssyncadd.s32 $0xFFFFC000  }
0x375: {  	[tilespmem:s14], [sflag:$0x5] =	stream.strided.gather [hbm4b:s0+s20], $0x1000, s21, s20, $0x38;
	[tilespmem:$0x1C500] =	vst v63  }
0x376: {  	s0 =	sld [smem:$0x7F7];
	_ =	sdelay $0x1  }
0x377: {  	s17 =	simm.s32 $0x19000  }
0x378: {  	[tilespmem:s17], [sflag:$0x5] =	stream.strided.gather [hbm4b:s0+s20], $0x1000, s21, s20, $0x38;
	[tilespmem:$0x1C500] =	vst v63  }
0x379: {  	s0 =	sld [smem:$0x7F8];
	_ =	sdelay $0x1  }
0x37a: {  	s17 =	simm.s32 $0x1A000  }
0x37b: {  	[tilespmem:s17], [sflag:$0x5] =	stream.strided.gather [hbm4b:s0+s20], $0x1000, s21, s20, $0x38;
	[tilespmem:$0x1C500] =	vst v63  }
0x37c: {  	s0 =	sld [smem:$0x7F9];
	_ =	sdelay $0x1  }
0x37d: {  	s17 =	simm.s32 $0x1B000  }
0x37e: {  	[tilespmem:s17], [sflag:$0x5] =	stream.strided.gather [hbm4b:s0+s20], $0x1000, s21, s20, $0x38;
	[tilespmem:$0x1C500] =	vst v63  }
0x37f: {  	_ =	swait.ge [sflag:s26], $0x1000  }
0x380: {  	[sflag:s26] =	ssyncset.done $0x0  }
0x381: {  	[sflag:s26] =	ssyncadd.s32 $0xFFFFF000  }
0x382: {  	_ =	swait.ge [sflag:s26], $0x1000  }
0x383: {  	[sflag:s26] =	ssyncset.done $0x0  }
0x384: {  	[sflag:s26] =	ssyncadd.s32 $0xFFFFF000  }
0x385: {  	_ =	swait.ge [sflag:s26], $0x1000  }
0x386: {  	[sflag:s26] =	ssyncset.done $0x0  }
0x387: {  	[sflag:s26] =	ssyncadd.s32 $0xFFFFF000  }
0x388: {  	_ =	swait.ge [sflag:s26], $0x1000  }
0x389: {  	[sflag:s26] =	ssyncset.done $0x0  }
0x38a: {  	[sflag:s26] =	ssyncadd.s32 $0xFFFFF000  }
0x38b: {  	v24 =	vld [tilespmem:$0x1C400]  }
0x38c: {  	v25 =	vld [tilespmem:$0x1C410]  }
0x38d: {  	v26 =	vld [tilespmem:$0x1C400]  }
0x38e: {  	v27 =	vld [tilespmem:$0x1C410]  }
0x38f: {  	v28 =	vld [tilespmem:$0x1C400]  }
0x390: {  	v29 =	vld [tilespmem:$0x1C410]  }
0x391: {  	v30 =	vld [tilespmem:$0x1C400];
	v24 =	vshll.u32 v24, $0x2  }
0x392: {  	v51 =	vld [tilespmem:$0x1C410];
	v49 =	vshll.u32 v25, $0x2;
	v50 =	vshll.u32 v26, $0x2;
	[tilespmem:$0x1C100] =	vst v24  }
0x393: {  	v53 =	vshll.u32 v27, $0x2;
	[tilespmem:$0x1C110] =	vst v49;
	v52 =	vor.u32 $0x1, v50  }
0x394: {  	v55 =	vshll.u32 v28, $0x2;
	v54 =	vor.u32 $0x1, v53;
	[tilespmem:$0x1C120] =	vst v52  }
0x395: {  	v57 =	vshll.u32 v29, $0x2;
	v56 =	vor.u32 $0x2, v55;
	[tilespmem:$0x1C130] =	vst v54  }
0x396: {  	v59 =	vshll.u32 v30, $0x2;
	v58 =	vor.u32 $0x2, v57;
	[tilespmem:$0x1C140] =	vst v56  }
0x397: {  	v9 =	vmul.f32 v9, v9;
	v61 =	vshll.u32 v51, $0x2;
	v60 =	vor.u32 $0x3, v59;
	[tilespmem:$0x1C150] =	vst v58  }
0x398: {  	v10 =	vmul.f32 v10, v10;
	v62 =	vor.u32 $0x3, v61;
	[tilespmem:$0x1C160] =	vst v60  }
0x399: {  	v1 =	vadd.f32 v14, v1;
	v6 =	vadd.f32 v9, v6;
	v9 =	vmul.f32 v11, v11;
	s17 =	simm.s32 $0x1C100;
	s0 =	simm.s32 $0x0;
	[tilespmem:$0x1C170] =	vst v62  }
0x39a: {  	v7 =	vadd.f32 v10, v7;
	v10 =	vmul.f32 v12, v12;
	v11 =	vmul.f32 v13, v13;
	[spmem:s1] =	stream.indirect.scatter.add.f32 [tilespmem:s30], [sflag:$0x8], $0x80, s17, s5, $0xb8;
	[tilespmem:$0x1C500] =	vst v63  }
0x39b: {  	v5 =	vadd.f32 v9, v5;
	v9 =	vmul.f32 v16, v16;
	v12 =	vmul.f32 v17, v17;
	v13 =	vld [tilespmem:s0+$0x10070]  }
0x39c: {  	v3 =	vadd.f32 v10, v3;
	v10 =	vmul.f32 v18, v18;
	v16 =	vmul.f32 v21, v21;
	v14 =	vld [tilespmem:s0+$0x10000]  }
0x39d: {  	v2 =	vadd.f32 v15, v2;
	v17 =	vmul.f32 v22, v22;
	v63 =	vmul.f32 v23, v23;
	v15 =	vld [tilespmem:s0+$0x10010]  }
0x39e: {  	v4 =	vadd.f32 v11, v4;
	v11 =	vmul.f32 v19, v19;
	v8 =	vadd.f32 v9, v8;
	v9 =	vld [tilespmem:s0+$0x10020]  }
0x39f: {  	v1 =	vadd.f32 v12, v1;
	v2 =	vadd.f32 v10, v2;
	v12 =	vmul.f32 v20, v20;
	v10 =	vld [tilespmem:s0+$0x10030]  }
0x3a0: {  	v5 =	vadd.f32 v16, v5;
	v6 =	vadd.f32 v11, v6;
	v11 =	vld [tilespmem:s0+$0x10040];
	v16 =	vmul.f32 v13, v13  }
0x3a1: {  	v3 =	vadd.f32 v17, v3;
	v7 =	vadd.f32 v12, v7;
	v12 =	vld [tilespmem:s0+$0x10050];
	v14 =	vmul.f32 v14, v14  }
0x3a2: {  	s28 =	simm.s32 $0x400;
	v4 =	vadd.f32 v63, v4;
	s17 =	simm.s32 $0x80;
	v15 =	vmul.f32 v15, v15;
	v13 =	vld [tilespmem:s0+$0x10060];
	v8 =	vadd.f32 v16, v8  }
.LBB2_28:
0x3a3: {  	p0 =	sne.s32 s28, $0xFE00;
	v16 =	vld [tilespmem:s17+$0x10070];
	v1 =	vadd.f32 v14, v1;
	v9 =	vmul.f32 v9, v9  }
0x3a4: {  	v14 =	vld [tilespmem:s17+$0x10000];
	v2 =	vadd.f32 v15, v2;
	v10 =	vmul.f32 v10, v10  }
0x3a5: {  	v15 =	vld [tilespmem:s17+$0x10010];
	v6 =	vadd.f32 v9, v6;
	v11 =	vmul.f32 v11, v11  }
.Ltmp13:
0x3a6: {  	v9 =	vld [tilespmem:s17+$0x10020];
	v7 =	vadd.f32 v10, v7;
	v12 =	vmul.f32 v12, v12;
	(pc) =	sbr.rel @p0 .LBB2_28-.Ltmp13, $4  }
0x3a7: {  	v10 =	vld [tilespmem:s17+$0x10030];
	v5 =	vadd.f32 v11, v5;
	v13 =	vmul.f32 v13, v13  }
0x3a8: {  	v11 =	vld [tilespmem:s17+$0x10040];
	v16 =	vmul.f32 v16, v16;
	v3 =	vadd.f32 v12, v3  }
0x3a9: {  	v14 =	vmul.f32 v14, v14;
	v12 =	vld [tilespmem:s17+$0x10050];
	v4 =	vadd.f32 v13, v4  }
0x3aa: {  	v15 =	vmul.f32 v15, v15;
	v13 =	vld [tilespmem:s17+$0x10060];
	s17 =	sshra.s32 s28, $0x2;
	s28 =	sadd.s32 $0x200, s28;
	v8 =	vadd.f32 v16, v8  }
0x3ab: {  	v16 =	vld [tilespmem:s17+$0x10070]  }
0x3ac: {  	v17 =	vld [tilespmem:s17+$0x10000]  }
0x3ad: {  	v18 =	vld [tilespmem:s17+$0x10010]  }
0x3ae: {  	v19 =	vld [tilespmem:s17+$0x10020]  }
0x3af: {  	v20 =	vld [tilespmem:s17+$0x10030]  }
0x3b0: {  	v21 =	vld [tilespmem:s17+$0x10040]  }
0x3b1: {  	v22 =	vld [tilespmem:s17+$0x10050]  }
0x3b2: {  	v23 =	vld [tilespmem:s17+$0x10060];
	_ =	swait.ge [sflag:s29], $0x4000  }
0x3b3: {  	s0 =	sld [smem:$0x7FA]  }
0x3b4: {  	[sflag:s29] =	ssyncset.done $0x0  }
0x3b5: {  	s17 =	sld [smem:$0x7FB];
	[sflag:s29] =	ssyncadd.s32 $0xFFFFC000  }
0x3b6: {  	[tilespmem:s18], [sflag:$0x1] =	stream.strided.gather [hbm4b:s0+s20], $0x1000, s21, s20, $0x38;
	[tilespmem:$0x1C500] =	vst v63  }
0x3b7: {  	_ = 	snop  }
0x3b8: {  	[tilespmem:s22], [sflag:$0x1] =	stream.strided.gather [hbm4b:s17+s20], $0x1000, s21, s20, $0x38;
	[tilespmem:$0x1C500] =	vst v63  }
0x3b9: {  	s17 =	sld [smem:$0x7FC];
	_ =	sdelay $0x2  }
0x3ba: {  	[tilespmem:s23], [sflag:$0x1] =	stream.strided.gather [hbm4b:s17+s20], $0x1000, s21, s20, $0x38;
	[tilespmem:$0x1C500] =	vst v63  }
0x3bb: {  	s17 =	sld [smem:$0x7FD];
	_ =	sdelay $0x2  }
0x3bc: {  	[tilespmem:s24], [sflag:$0x1] =	stream.strided.gather [hbm4b:s17+s20], $0x1000, s21, s20, $0x38;
	[tilespmem:$0x1C500] =	vst v63  }
0x3bd: {  	_ =	swait.ge [sflag:s31], $0x1000  }
0x3be: {  	[sflag:s31] =	ssyncset.done $0x0  }
0x3bf: {  	[sflag:s31] =	ssyncadd.s32 $0xFFFFF000  }
0x3c0: {  	_ =	swait.ge [sflag:s31], $0x1000  }
0x3c1: {  	[sflag:s31] =	ssyncset.done $0x0  }
0x3c2: {  	[sflag:s31] =	ssyncadd.s32 $0xFFFFF000  }
0x3c3: {  	_ =	swait.ge [sflag:s31], $0x1000  }
0x3c4: {  	[sflag:s31] =	ssyncset.done $0x0  }
0x3c5: {  	[sflag:s31] =	ssyncadd.s32 $0xFFFFF000  }
0x3c6: {  	_ =	swait.ge [sflag:s31], $0x1000  }
0x3c7: {  	[sflag:s31] =	ssyncset.done $0x0  }
0x3c8: {  	[sflag:s31] =	ssyncadd.s32 $0xFFFFF000  }
0x3c9: {  	v24 =	vld [tilespmem:$0x1C420]  }
0x3ca: {  	v25 =	vld [tilespmem:$0x1C430]  }
0x3cb: {  	v26 =	vld [tilespmem:$0x1C420]  }
0x3cc: {  	v27 =	vld [tilespmem:$0x1C430]  }
0x3cd: {  	v28 =	vld [tilespmem:$0x1C420]  }
0x3ce: {  	v29 =	vld [tilespmem:$0x1C430]  }
0x3cf: {  	v30 =	vld [tilespmem:$0x1C420];
	v24 =	vshll.u32 v24, $0x2  }
0x3d0: {  	v51 =	vld [tilespmem:$0x1C430];
	v49 =	vshll.u32 v25, $0x2;
	v50 =	vshll.u32 v26, $0x2;
	[tilespmem:$0x1C180] =	vst v24  }
0x3d1: {  	v53 =	vshll.u32 v27, $0x2;
	[tilespmem:$0x1C190] =	vst v49;
	v52 =	vor.u32 $0x1, v50  }
0x3d2: {  	v55 =	vshll.u32 v28, $0x2;
	v54 =	vor.u32 $0x1, v53;
	[tilespmem:$0x1C1A0] =	vst v52  }
0x3d3: {  	v57 =	vshll.u32 v29, $0x2;
	v56 =	vor.u32 $0x2, v55;
	[tilespmem:$0x1C1B0] =	vst v54  }
0x3d4: {  	v59 =	vshll.u32 v30, $0x2;
	v58 =	vor.u32 $0x2, v57;
	[tilespmem:$0x1C1C0] =	vst v56  }
0x3d5: {  	v9 =	vmul.f32 v9, v9;
	v61 =	vshll.u32 v51, $0x2;
	v60 =	vor.u32 $0x3, v59;
	[tilespmem:$0x1C1D0] =	vst v58  }
0x3d6: {  	v10 =	vmul.f32 v10, v10;
	v62 =	vor.u32 $0x3, v61;
	[tilespmem:$0x1C1E0] =	vst v60  }
0x3d7: {  	v1 =	vadd.f32 v14, v1;
	v6 =	vadd.f32 v9, v6;
	v9 =	vmul.f32 v11, v11;
	s0 =	simm.s32 $0x0;
	s17 =	simm.s32 $0x1C180;
	[tilespmem:$0x1C1F0] =	vst v62  }
0x3d8: {  	v7 =	vadd.f32 v10, v7;
	v10 =	vmul.f32 v12, v12;
	v11 =	vmul.f32 v13, v13;
	[spmem:s1] =	stream.indirect.scatter.add.f32 [tilespmem:s8], [sflag:$0x9], $0x80, s17, s5, $0xb8;
	[tilespmem:$0x1C500] =	vst v63  }
0x3d9: {  	v5 =	vadd.f32 v9, v5;
	v9 =	vmul.f32 v16, v16;
	v12 =	vmul.f32 v17, v17;
	v13 =	vld [tilespmem:s0+$0x14070]  }
0x3da: {  	v3 =	vadd.f32 v10, v3;
	v10 =	vmul.f32 v18, v18;
	v16 =	vmul.f32 v21, v21;
	v14 =	vld [tilespmem:s0+$0x14000]  }
0x3db: {  	v2 =	vadd.f32 v15, v2;
	v17 =	vmul.f32 v22, v22;
	v63 =	vmul.f32 v23, v23;
	v15 =	vld [tilespmem:s0+$0x14010]  }
0x3dc: {  	v4 =	vadd.f32 v11, v4;
	v11 =	vmul.f32 v19, v19;
	v8 =	vadd.f32 v9, v8;
	v9 =	vld [tilespmem:s0+$0x14020]  }
0x3dd: {  	v1 =	vadd.f32 v12, v1;
	v2 =	vadd.f32 v10, v2;
	v12 =	vmul.f32 v20, v20;
	v10 =	vld [tilespmem:s0+$0x14030]  }
0x3de: {  	v5 =	vadd.f32 v16, v5;
	v6 =	vadd.f32 v11, v6;
	v11 =	vld [tilespmem:s0+$0x14040];
	v16 =	vmul.f32 v13, v13  }
0x3df: {  	v3 =	vadd.f32 v17, v3;
	v7 =	vadd.f32 v12, v7;
	v12 =	vld [tilespmem:s0+$0x14050];
	v14 =	vmul.f32 v14, v14  }
0x3e0: {  	s28 =	simm.s32 $0x400;
	v4 =	vadd.f32 v63, v4;
	s17 =	simm.s32 $0x80;
	v15 =	vmul.f32 v15, v15;
	v13 =	vld [tilespmem:s0+$0x14060];
	v8 =	vadd.f32 v16, v8  }
.LBB2_30:
0x3e1: {  	p0 =	sne.s32 s28, $0xFE00;
	v16 =	vld [tilespmem:s17+$0x14070];
	v1 =	vadd.f32 v14, v1;
	v9 =	vmul.f32 v9, v9  }
0x3e2: {  	v14 =	vld [tilespmem:s17+$0x14000];
	v2 =	vadd.f32 v15, v2;
	v10 =	vmul.f32 v10, v10  }
0x3e3: {  	v15 =	vld [tilespmem:s17+$0x14010];
	v6 =	vadd.f32 v9, v6;
	v11 =	vmul.f32 v11, v11  }
.Ltmp14:
0x3e4: {  	v9 =	vld [tilespmem:s17+$0x14020];
	v7 =	vadd.f32 v10, v7;
	v12 =	vmul.f32 v12, v12;
	(pc) =	sbr.rel @p0 .LBB2_30-.Ltmp14, $4  }
0x3e5: {  	v10 =	vld [tilespmem:s17+$0x14030];
	v5 =	vadd.f32 v11, v5;
	v13 =	vmul.f32 v13, v13  }
0x3e6: {  	v11 =	vld [tilespmem:s17+$0x14040];
	v16 =	vmul.f32 v16, v16;
	v3 =	vadd.f32 v12, v3  }
0x3e7: {  	v14 =	vmul.f32 v14, v14;
	v12 =	vld [tilespmem:s17+$0x14050];
	v4 =	vadd.f32 v13, v4  }
0x3e8: {  	v15 =	vmul.f32 v15, v15;
	v13 =	vld [tilespmem:s17+$0x14060];
	s17 =	sshra.s32 s28, $0x2;
	s28 =	sadd.s32 $0x200, s28;
	v8 =	vadd.f32 v16, v8  }
0x3e9: {  	v16 =	vld [tilespmem:s17+$0x14070]  }
0x3ea: {  	v17 =	vld [tilespmem:s17+$0x14000]  }
0x3eb: {  	v18 =	vld [tilespmem:s17+$0x14010]  }
0x3ec: {  	v19 =	vld [tilespmem:s17+$0x14020]  }
0x3ed: {  	v20 =	vld [tilespmem:s17+$0x14030]  }
0x3ee: {  	v21 =	vld [tilespmem:s17+$0x14040]  }
0x3ef: {  	v22 =	vld [tilespmem:s17+$0x14050]  }
0x3f0: {  	v23 =	vld [tilespmem:s17+$0x14060];
	_ =	swait.ge [sflag:s9], $0x1000  }
0x3f1: {  	[sflag:s9] =	ssyncset.done $0x0  }
0x3f2: {  	[sflag:s9] =	ssyncadd.s32 $0xFFFFF000  }
0x3f3: {  	_ =	swait.ge [sflag:s9], $0x1000  }
0x3f4: {  	[sflag:s9] =	ssyncset.done $0x0  }
0x3f5: {  	[sflag:s9] =	ssyncadd.s32 $0xFFFFF000  }
0x3f6: {  	_ =	swait.ge [sflag:s9], $0x1000  }
0x3f7: {  	[sflag:s9] =	ssyncset.done $0x0  }
0x3f8: {  	[sflag:s9] =	ssyncadd.s32 $0xFFFFF000  }
0x3f9: {  	_ =	swait.ge [sflag:s9], $0x1000  }
0x3fa: {  	[sflag:s9] =	ssyncset.done $0x0  }
0x3fb: {  	[sflag:s9] =	ssyncadd.s32 $0xFFFFF000  }
0x3fc: {  	v24 =	vld [tilespmem:$0x1C440]  }
0x3fd: {  	v25 =	vld [tilespmem:$0x1C450]  }
0x3fe: {  	v26 =	vld [tilespmem:$0x1C440]  }
0x3ff: {  	v27 =	vld [tilespmem:$0x1C450]  }
0x400: {  	v28 =	vld [tilespmem:$0x1C440]  }
0x401: {  	v29 =	vld [tilespmem:$0x1C450]  }
0x402: {  	v30 =	vld [tilespmem:$0x1C440];
	v24 =	vshll.u32 v24, $0x2  }
0x403: {  	v51 =	vld [tilespmem:$0x1C450];
	v49 =	vshll.u32 v25, $0x2;
	v50 =	vshll.u32 v26, $0x2;
	[tilespmem:$0x1C200] =	vst v24  }
0x404: {  	v53 =	vshll.u32 v27, $0x2;
	[tilespmem:$0x1C210] =	vst v49;
	v52 =	vor.u32 $0x1, v50  }
0x405: {  	v55 =	vshll.u32 v28, $0x2;
	v54 =	vor.u32 $0x1, v53;
	[tilespmem:$0x1C220] =	vst v52  }
0x406: {  	v57 =	vshll.u32 v29, $0x2;
	v56 =	vor.u32 $0x2, v55;
	[tilespmem:$0x1C230] =	vst v54  }
0x407: {  	v59 =	vshll.u32 v30, $0x2;
	v58 =	vor.u32 $0x2, v57;
	[tilespmem:$0x1C240] =	vst v56  }
0x408: {  	v9 =	vmul.f32 v9, v9;
	v61 =	vshll.u32 v51, $0x2;
	v60 =	vor.u32 $0x3, v59;
	[tilespmem:$0x1C250] =	vst v58  }
0x409: {  	v10 =	vmul.f32 v10, v10;
	v62 =	vor.u32 $0x3, v61;
	[tilespmem:$0x1C260] =	vst v60  }
0x40a: {  	v1 =	vadd.f32 v14, v1;
	s0 =	simm.s32 $0x0;
	v6 =	vadd.f32 v9, v6;
	v9 =	vmul.f32 v11, v11;
	[tilespmem:$0x1C270] =	vst v62  }
0x40b: {  	v7 =	vadd.f32 v10, v7;
	v10 =	vmul.f32 v12, v12;
	v11 =	vmul.f32 v13, v13;
	[spmem:s1] =	stream.indirect.scatter.add.f32 [tilespmem:s14], [sflag:$0xA], $0x80, s10, s5, $0xb8;
	[tilespmem:$0x1C500] =	vst v63  }
0x40c: {  	v5 =	vadd.f32 v9, v5;
	v9 =	vmul.f32 v16, v16;
	v12 =	vmul.f32 v17, v17;
	v13 =	vld [tilespmem:s0+$0x18070]  }
0x40d: {  	v3 =	vadd.f32 v10, v3;
	v10 =	vmul.f32 v18, v18;
	v16 =	vmul.f32 v21, v21;
	v14 =	vld [tilespmem:s0+$0x18000]  }
0x40e: {  	v2 =	vadd.f32 v15, v2;
	v17 =	vmul.f32 v22, v22;
	v63 =	vmul.f32 v23, v23;
	v15 =	vld [tilespmem:s0+$0x18010]  }
0x40f: {  	v4 =	vadd.f32 v11, v4;
	v11 =	vmul.f32 v19, v19;
	v8 =	vadd.f32 v9, v8;
	v9 =	vld [tilespmem:s0+$0x18020]  }
0x410: {  	v1 =	vadd.f32 v12, v1;
	v2 =	vadd.f32 v10, v2;
	v12 =	vmul.f32 v20, v20;
	v10 =	vld [tilespmem:s0+$0x18030]  }
0x411: {  	v5 =	vadd.f32 v16, v5;
	v6 =	vadd.f32 v11, v6;
	v11 =	vld [tilespmem:s0+$0x18040];
	v16 =	vmul.f32 v13, v13  }
0x412: {  	v3 =	vadd.f32 v17, v3;
	v7 =	vadd.f32 v12, v7;
	v12 =	vld [tilespmem:s0+$0x18050];
	v14 =	vmul.f32 v14, v14  }
0x413: {  	s17 =	simm.s32 $0x80;
	s28 =	simm.s32 $0x400;
	v4 =	vadd.f32 v63, v4;
	v15 =	vmul.f32 v15, v15;
	v13 =	vld [tilespmem:s0+$0x18060];
	v8 =	vadd.f32 v16, v8  }
.LBB2_32:
0x414: {  	p0 =	sne.s32 s28, $0xFE00;
	v16 =	vld [tilespmem:s17+$0x18070];
	v1 =	vadd.f32 v14, v1;
	v9 =	vmul.f32 v9, v9  }
0x415: {  	v14 =	vld [tilespmem:s17+$0x18000];
	v2 =	vadd.f32 v15, v2;
	v10 =	vmul.f32 v10, v10  }
0x416: {  	v15 =	vld [tilespmem:s17+$0x18010];
	v6 =	vadd.f32 v9, v6;
	v11 =	vmul.f32 v11, v11  }
.Ltmp15:
0x417: {  	v9 =	vld [tilespmem:s17+$0x18020];
	v7 =	vadd.f32 v10, v7;
	v12 =	vmul.f32 v12, v12;
	(pc) =	sbr.rel @p0 .LBB2_32-.Ltmp15, $4  }
0x418: {  	v10 =	vld [tilespmem:s17+$0x18030];
	v5 =	vadd.f32 v11, v5;
	v13 =	vmul.f32 v13, v13  }
0x419: {  	v11 =	vld [tilespmem:s17+$0x18040];
	v16 =	vmul.f32 v16, v16;
	v3 =	vadd.f32 v12, v3  }
0x41a: {  	v14 =	vmul.f32 v14, v14;
	v12 =	vld [tilespmem:s17+$0x18050];
	v4 =	vadd.f32 v13, v4  }
0x41b: {  	v15 =	vmul.f32 v15, v15;
	v13 =	vld [tilespmem:s17+$0x18060];
	s17 =	sshra.s32 s28, $0x2;
	s28 =	sadd.s32 $0x200, s28;
	v8 =	vadd.f32 v16, v8  }
0x41c: {  	v16 =	vld [tilespmem:s17+$0x18070]  }
0x41d: {  	v17 =	vld [tilespmem:s17+$0x18000]  }
0x41e: {  	v18 =	vld [tilespmem:s17+$0x18010]  }
0x41f: {  	v19 =	vld [tilespmem:s17+$0x18020]  }
0x420: {  	v20 =	vld [tilespmem:s17+$0x18030]  }
0x421: {  	v21 =	vld [tilespmem:s17+$0x18040]  }
0x422: {  	v22 =	vld [tilespmem:s17+$0x18050]  }
0x423: {  	v23 =	vld [tilespmem:s17+$0x18060];
	_ =	swait.ge [sflag:s2], $0x1000  }
0x424: {  	[sflag:s2] =	ssyncset.done $0x0  }
0x425: {  	[sflag:s2] =	ssyncadd.s32 $0xFFFFF000  }
0x426: {  	_ =	swait.ge [sflag:s2], $0x1000  }
0x427: {  	[sflag:s2] =	ssyncset.done $0x0  }
0x428: {  	[sflag:s2] =	ssyncadd.s32 $0xFFFFF000  }
0x429: {  	_ =	swait.ge [sflag:s2], $0x1000  }
0x42a: {  	[sflag:s2] =	ssyncset.done $0x0  }
0x42b: {  	[sflag:s2] =	ssyncadd.s32 $0xFFFFF000  }
0x42c: {  	_ =	swait.ge [sflag:s2], $0x1000  }
0x42d: {  	[sflag:s2] =	ssyncset.done $0x0  }
0x42e: {  	[sflag:s2] =	ssyncadd.s32 $0xFFFFF000  }
0x42f: {  	v24 =	vld [tilespmem:$0x1C460]  }
0x430: {  	v25 =	vld [tilespmem:$0x1C470]  }
0x431: {  	v26 =	vld [tilespmem:$0x1C460]  }
0x432: {  	v27 =	vld [tilespmem:$0x1C470]  }
0x433: {  	v28 =	vld [tilespmem:$0x1C460]  }
0x434: {  	v29 =	vld [tilespmem:$0x1C470]  }
0x435: {  	v30 =	vld [tilespmem:$0x1C460];
	v24 =	vshll.u32 v24, $0x2  }
0x436: {  	v49 =	vld [tilespmem:$0x1C470];
	v47 =	vshll.u32 v25, $0x2;
	v48 =	vshll.u32 v26, $0x2;
	[tilespmem:$0x1C000] =	vst v24  }
0x437: {  	v51 =	vshll.u32 v27, $0x2;
	[tilespmem:$0x1C010] =	vst v47;
	v50 =	vor.u32 $0x1, v48  }
0x438: {  	v53 =	vshll.u32 v28, $0x2;
	v52 =	vor.u32 $0x1, v51;
	[tilespmem:$0x1C020] =	vst v50  }
0x439: {  	v55 =	vshll.u32 v29, $0x2;
	v54 =	vor.u32 $0x2, v53;
	[tilespmem:$0x1C030] =	vst v52  }
0x43a: {  	v57 =	vshll.u32 v30, $0x2;
	v56 =	vor.u32 $0x2, v55;
	[tilespmem:$0x1C040] =	vst v54  }
0x43b: {  	v9 =	vmul.f32 v9, v9;
	v59 =	vshll.u32 v49, $0x2;
	v58 =	vor.u32 $0x3, v57;
	[tilespmem:$0x1C050] =	vst v56  }
0x43c: {  	v10 =	vmul.f32 v10, v10;
	v60 =	vor.u32 $0x3, v59;
	[tilespmem:$0x1C060] =	vst v58  }
0x43d: {  	v1 =	vadd.f32 v14, v1;
	s0 =	simm.s32 $0x0;
	v6 =	vadd.f32 v9, v6;
	v9 =	vmul.f32 v11, v11;
	[tilespmem:$0x1C070] =	vst v60  }
0x43e: {  	v2 =	vadd.f32 v15, v2;
	v10 =	vadd.f32 v10, v7;
	v11 =	vmul.f32 v13, v13;
	[spmem:s1] =	stream.indirect.scatter.add.f32 [tilespmem:s18], [sflag:$0x6], $0x80, s7, s5, $0xb8;
	[tilespmem:$0x1C500] =	vst v63  }
0x43f: {  	v7 =	vmul.f32 v12, v12;
	v9 =	vadd.f32 v9, v5;
	v12 =	vmul.f32 v17, v17;
	v14 =	vld [tilespmem:s0+$0x8070]  }
0x440: {  	v5 =	vmul.f32 v16, v16;
	v15 =	vadd.f32 v11, v4;
	v4 =	vmul.f32 v18, v18;
	v16 =	vld [tilespmem:s0+$0x8000]  }
0x441: {  	v3 =	vadd.f32 v7, v3;
	v7 =	vadd.f32 v12, v1;
	v1 =	vmul.f32 v19, v19;
	v61 =	vld [tilespmem:s0+$0x8010]  }
0x442: {  	v17 =	vadd.f32 v5, v8;
	v8 =	vadd.f32 v4, v2;
	v2 =	vmul.f32 v20, v20;
	v13 =	vld [tilespmem:s0+$0x8020]  }
0x443: {  	v62 =	vmul.f32 v23, v23;
	v4 =	vmul.f32 v21, v21;
	v6 =	vadd.f32 v1, v6;
	v12 =	vld [tilespmem:s0+$0x8030]  }
0x444: {  	v1 =	vmul.f32 v22, v22;
	v5 =	vadd.f32 v2, v10;
	v11 =	vld [tilespmem:s0+$0x8040];
	v63 =	vmul.f32 v14, v14  }
0x445: {  	v4 =	vadd.f32 v4, v9;
	v2 =	vadd.f32 v62, v15;
	v10 =	vld [tilespmem:s0+$0x8050];
	v14 =	vmul.f32 v16, v16  }
0x446: {  	s17 =	simm.s32 $0x80;
	s28 =	simm.s32 $0x400;
	v3 =	vadd.f32 v1, v3;
	v9 =	vld [tilespmem:s0+$0x8060];
	v15 =	vmul.f32 v61, v61;
	v1 =	vadd.f32 v63, v17  }
.LBB2_34:
0x447: {  	p0 =	sne.s32 s28, $0xFE00;
	v16 =	vld [tilespmem:s17+$0x8070];
	v7 =	vadd.f32 v14, v7;
	v13 =	vmul.f32 v13, v13  }
0x448: {  	v14 =	vld [tilespmem:s17+$0x8000];
	v8 =	vadd.f32 v15, v8;
	v12 =	vmul.f32 v12, v12  }
0x449: {  	v15 =	vld [tilespmem:s17+$0x8010];
	v6 =	vadd.f32 v13, v6;
	v11 =	vmul.f32 v11, v11  }
.Ltmp16:
0x44a: {  	v13 =	vld [tilespmem:s17+$0x8020];
	v5 =	vadd.f32 v12, v5;
	v10 =	vmul.f32 v10, v10;
	(pc) =	sbr.rel @p0 .LBB2_34-.Ltmp16, $4  }
0x44b: {  	v12 =	vld [tilespmem:s17+$0x8030];
	v4 =	vadd.f32 v11, v4;
	v9 =	vmul.f32 v9, v9  }
0x44c: {  	v11 =	vld [tilespmem:s17+$0x8040];
	v16 =	vmul.f32 v16, v16;
	v3 =	vadd.f32 v10, v3  }
0x44d: {  	v14 =	vmul.f32 v14, v14;
	v10 =	vld [tilespmem:s17+$0x8050];
	v2 =	vadd.f32 v9, v2  }
0x44e: {  	v15 =	vmul.f32 v15, v15;
	v9 =	vld [tilespmem:s17+$0x8060];
	s17 =	sshra.s32 s28, $0x2;
	s28 =	sadd.s32 $0x200, s28;
	v1 =	vadd.f32 v16, v1  }
0x44f: {  	v16 =	vld [tilespmem:s17+$0x8000]  }
0x450: {  	v17 =	vld [tilespmem:s17+$0x8010];
	_ =	sdelay $0x1  }
0x451: {  	v18 =	vld [tilespmem:s17+$0x8020];
	_ =	sdelay $0x1  }
0x452: {  	v7 =	vadd.f32 v14, v7;
	v13 =	vmul.f32 v13, v13;
	v52 =	vld [tilespmem:s17+$0x8030]  }
0x453: {  	v19 =	vld [tilespmem:s17+$0x8070];
	v8 =	vadd.f32 v15, v8;
	v16 =	vmul.f32 v16, v16;
	v17 =	vmul.f32 v17, v17  }
0x454: {  	v53 =	vld [tilespmem:s17+$0x8040];
	v12 =	vmul.f32 v12, v12;
	v6 =	vadd.f32 v13, v6  }
0x455: {  	v54 =	vld [tilespmem:s17+$0x8050];
	v56 =	vmul.f32 v18, v18;
	v7 =	vadd.f32 v16, v7;
	v8 =	vadd.f32 v17, v8  }
0x456: {  	v55 =	vld [tilespmem:s17+$0x8060];
	_ =	swait.ge [sflag:s3], $0x4000;
	v11 =	vmul.f32 v11, v11;
	v5 =	vadd.f32 v12, v5  }
0x457: {  	[sflag:s3] =	ssyncset.done $0x0;
	v57 =	vmul.f32 v52, v52;
	v6 =	vadd.f32 v56, v6;
	v7 =	vadd.f32 v8, v7  }
0x458: {  	[sflag:s3] =	ssyncadd.s32 $0xFFFFC000;
	v58 =	vmul.f32 v10, v10;
	v4 =	vadd.f32 v11, v4  }
0x459: {  	_ =	swait.ge [sflag:s11], $0x4000;
	v59 =	vmul.f32 v53, v53;
	v5 =	vadd.f32 v57, v5;
	v6 =	vadd.f32 v6, v7  }
0x45a: {  	v60 =	vmul.f32 v9, v9;
	[sflag:s11] =	ssyncset.done $0x0;
	v3 =	vadd.f32 v58, v3  }
0x45b: {  	v61 =	vmul.f32 v54, v54;
	[sflag:s11] =	ssyncadd.s32 $0xFFFFC000;
	v4 =	vadd.f32 v59, v4;
	v5 =	vadd.f32 v5, v6  }
0x45c: {  	v2 =	vadd.f32 v60, v2;
	_ =	swait.ge [sflag:s13], $0x4000  }
0x45d: {  	v62 =	vmul.f32 v55, v55;
	v3 =	vadd.f32 v61, v3;
	[sflag:s13] =	ssyncset.done $0x0;
	v4 =	vadd.f32 v4, v5  }
0x45e: {  	[sflag:s13] =	ssyncadd.s32 $0xFFFFC000  }
0x45f: {  	v63 =	vmul.f32 v19, v19;
	v2 =	vadd.f32 v62, v2;
	_ =	swait.ge [sflag:s15], $0x4000;
	v3 =	vadd.f32 v3, v4  }
0x460: {  	[sflag:s15] =	ssyncset.done $0x0  }
0x461: {  	v1 =	vadd.f32 v63, v1;
	[sflag:s15] =	ssyncadd.s32 $0xFFFFC000;
	v2 =	vadd.f32 v2, v3  }
0x462: {  	_ =	swait.ge [sflag:s29], $0x4000  }
0x463: {  	[sflag:s29] =	ssyncset.done $0x0;
	v1 =	vadd.f32 v1, v2  }
0x464: {  	[sflag:s29] =	ssyncadd.s32 $0xFFFFC000  }
0x465: {  	s0 =	simm.s32 $0x0;
	s28 =	simm.s32 $0x1C480;
	s17 =	rddreg [dreg:$0x16];
	[tilespmem:$0x1C480] =	vst v1  }
0x466: {  	[hbm4b:s17+s0] =	stream.linear.scatter [tilespmem:s28], [sflag:$0xB], $0x10, $0x38;
	[tilespmem:$0x1C500] =	vst v63  }
0x467: {  	_ =	swait.ge [sflag:s19], $0x10  }
0x468: {  	[sflag:s19] =	ssyncset.done $0x0  }
0x469: {  	s17 =	stileid.u32;
	[sflag:s19] =	ssyncadd.s32 $0xFFFFFFF0  }
0x46a: {  	s0 =	sshll.u32 s17, $0x6;
	[bflag:$0x0] =	sbarrier.arrive $0xFFFF  }
0x46b: {  	s17 =	sshrl.u32 s4, $0x3;
	s0 =	sor.u32 $0x1C0B, s0;
	s28 =	rddreg [dreg:$0x17]  }
0x46c: {  	[hbm:s28], [sflag:s0] =	dma.local [spmem:s17], $0x1000  }
0x46d: {  	_ =	swait.ge [sflag:s19], $0x1000  }
0x46e: {  	s16 =	sadd.s32 $0x1, s16;
	s28 =	rddreg [dreg:$0x18]  }
0x46f: {  	p0 =	sne.s32 s16, s28  }
.Ltmp17:
0x470: {  	_ = 	snop;
	(pc) =	sbr.rel @p0 .LBB2_1-.Ltmp17, $3  }
0x471: {  	_ =	sdelay $0x1  }
0x472: {  	[sflag:s19] =	ssyncset.done $0x0  }
0x473: {  	[sflag:s19] =	ssyncadd.s32 $0xFFFFF000  }
0x474: {  	_ =	sfence.sel $0x180000  }
0x475: {  	[bflag:$0x0] =	sbarrier.arrive $0xFFFF  }
0x476: {  	_ =	strace $0x90000047  }
0x477: {  	s0 =	stileid.u32;
	[bflag:$0x2] =	sbarrier.arrive $0xFFFF  }
0x478: {  	p0 =	sne.s32 s0, $0x0;
	s0 =	rddreg [dreg:$0x4]  }
0x479: {  	s0 =	sadd.s32 @!p0 $0x100000, s0  }
0x47a: {  	[sflag:s0] =	ssyncadd.tile.s32 @!p0 $0x1;
	_ =	shalt  }
.Lfunc_end2:
_tile_overlayer_lowered:
.L_overlay_start_2:
0x47b: {  	(tag) =	ssettag $0x2  }
0x47c: {  	s0 =	rddreg [dreg:$0x0];
	s2 =	stileid.u32  }
0x47d: {  	s1 =	rddreg [dreg:$0x1];
	p0 =	sne.s32 s2, $0x0  }
0x47e: {  	s3 =	rddreg [dreg:$0x2];
	[bflag:$0x3] =	sbarrier.arrive $0xFFFF;
	s2 =	simm.s32 @!p0 $0x1C0B  }
0x47f: {  	[timem:s3], [sflag:s2] =	dma.local @!p0 [hbm:s0], s1  }
0x480: {  	s0 =	simm.s32 @!p0 $0xB  }
0x481: {  	_ =	swait.ge @!p0 [sflag:s0], s1  }
0x482: {  	s1 =	ssub.s32 @!p0 $0x0, s1;
	[sflag:s0] =	ssyncset.done @!p0 $0x0  }
0x483: {  	[sflag:s0] =	ssyncadd.s32 @!p0 s1  }
0x484: {  	[bflag:$0x3] =	sbarrier.arrive $0xFFFF  }
0x485: {  	_ =	shalt  }

</sc_bundles>
